<compile_context>
chip_gen: v7x
topology: tpu7x:2x2x1
jax: 0.10.2.dev20260603
libtpu: 0.0.44.dev20260713+nightly
codegen_flags: <defaults>
</compile_context>

<pallas_src>
import functools

import jax
import jax.numpy as jnp
from jax import lax
from jax.experimental import pallas as pl
from jax.experimental.pallas import tpu as pltpu
from jax.experimental.pallas import tpu_sc as plsc

N = 10000
E = 320000
D = 128
K = 10
CLUSTER_TEMP = 30.0

NC = 2
NS = 16
EB = 128
BLOCKS_PER_TILE = 160
TE = BLOCKS_PER_TILE * EB
PE = NS * TE
NPAD = 10240
RA = NPAD // NS
CHUNK = 8
NCHUNK = BLOCKS_PER_TILE // CHUNK


_BN1 = 1000


def _mm_body(x_ref, w_ref, out_ref):
    out_ref[...] = jnp.dot(x_ref[...], w_ref[...],
                           preferred_element_type=jnp.float32)


def _matmul(x, w):
    return pl.pallas_call(
        _mm_body,
        grid=(N // _BN1,),
        in_specs=[
            pl.BlockSpec((_BN1, D), lambda i: (i, 0)),
            pl.BlockSpec((D, D), lambda i: (0, 0)),
        ],
        out_specs=pl.BlockSpec((_BN1, D), lambda i: (i, 0)),
        out_shape=jax.ShapeDtypeStruct((N, D), jnp.float32),
    )(x, w)




def _sc_agg_body(h, srcp, dstp, perm,
                 out_agg, out_deg,
                 acc, degacc,
                 src_v, dst_v, psrc_v, rows,
                 zbuf, zdeg, ones_v,
                 gsem_a, gsem_b, ssem_a, psem, dsem, isem_a, isem_b):
    c = lax.axis_index("c")
    s = lax.axis_index("s")

    def _zb(i, _):
        for q in range(D // 16):
            zbuf[i, pl.ds(q * 16, 16)] = jnp.zeros((16,), jnp.float32)
        return 0

    lax.fori_loop(0, 32, _zb, 0)

    def _zd(i, _):
        zdeg[pl.ds(i * 16, 16)] = jnp.zeros((16,), jnp.float32)
        return 0

    lax.fori_loop(0, RA // 16, _zd, 0)
    for q in range(EB // 16):
        ones_v[pl.ds(q * 16, 16)] = jnp.ones((16,), jnp.float32)

    for kk in range(RA // 32):
        pltpu.sync_copy(zbuf, acc.at[pl.ds(s * RA + kk * 32, 32)])
    pltpu.sync_copy(zdeg, degacc.at[pl.ds(s * RA, RA)])

    plsc.subcore_barrier()

    def _row_loop(idx2, dst2, with_deg, inject=None):
        gsems = (gsem_a, gsem_b)
        gd = [None, None]
        sd = None
        dd = None
        deferred = []
        gd[0] = pltpu.async_copy(h.at[idx2.at[0]], rows.at[0], gsems[0])
        for j in range(1, CHUNK + 1):
            b, pb = j % 2, (j - 1) % 2
            if j < CHUNK:
                if sd is not None:
                    sd.wait()
                    sd = None
                gd[b] = pltpu.async_copy(h.at[idx2.at[j]], rows.at[b], gsems[b])
            if inject is not None:
                deferred.extend(inject(j))
            gd[pb].wait()
            if sd is not None:
                sd.wait()
            sd = pltpu.async_copy(rows.at[pb], acc.at[dst2.at[j - 1]],
                                  ssem_a, add=True)
            if with_deg:
                if dd is not None:
                    dd.wait()
                dd = pltpu.async_copy(ones_v, degacc.at[dst2.at[j - 1]],
                                      dsem, add=True)
        sd.wait()
        if with_deg:
            dd.wait()
        for d in deferred:
            d.wait()

    pltpu.sync_copy(srcp.at[s, pl.ds(0, CHUNK)], src_v.at[0])
    pltpu.sync_copy(dstp.at[s, pl.ds(0, CHUNK)], dst_v.at[0])

    @pl.when(c == 1)
    def _():
        cps = [pltpu.async_copy(perm.at[src_v.at[0, j]], psrc_v.at[0, j], psem)
               for j in range(CHUNK)]
        for cp in cps:
            cp.wait()

    def _chunk(k, _):
        kb = k % 2
        nb = 1 - kb
        kn = (k + 1) % NCHUNK
        i1 = pltpu.async_copy(srcp.at[s, pl.ds(kn * CHUNK, CHUNK)],
                              src_v.at[nb], isem_a)
        i2 = pltpu.async_copy(dstp.at[s, pl.ds(kn * CHUNK, CHUNK)],
                              dst_v.at[nb], isem_b)

        @pl.when(c == 0)
        def _():
            _row_loop(src_v.at[kb], dst_v.at[kb], True)
            i1.wait()
            i2.wait()

        @pl.when(c == 1)
        def _():
            def _inject(j):
                if j == 1:
                    i1.wait()
                    return [pltpu.async_copy(perm.at[src_v.at[nb, jj]],
                                             psrc_v.at[nb, jj], psem)
                            for jj in range(CHUNK)]
                return []

            _row_loop(psrc_v.at[kb], dst_v.at[kb], False, _inject)
            i2.wait()

        return 0

    lax.fori_loop(0, NCHUNK, _chunk, 0)

    plsc.subcore_barrier()

    pltpu.sync_copy(acc.at[pl.ds(s * RA, RA)], out_agg.at[c, pl.ds(s * RA, RA)])

    @pl.when(c == 0)
    def _():
        pltpu.sync_copy(degacc.at[pl.ds(s * RA, RA)], out_deg.at[pl.ds(s * RA, RA)])


_sc_agg = functools.partial(
    pl.kernel,
    out_type=(
        jax.ShapeDtypeStruct((NC, NPAD, D), jnp.float32),
        jax.ShapeDtypeStruct((NPAD,), jnp.float32),
    ),
    mesh=plsc.VectorSubcoreMesh(
        core_axis_name="c", subcore_axis_name="s", num_cores=NC, num_subcores=NS
    ),
    scratch_types=[
        pltpu.VMEM_SHARED((NPAD, D), jnp.float32),
        pltpu.VMEM_SHARED((NPAD,), jnp.float32),
        pltpu.VMEM((2, CHUNK, EB), jnp.int32),
        pltpu.VMEM((2, CHUNK, EB), jnp.int32),
        pltpu.VMEM((2, CHUNK, EB), jnp.int32),
        pltpu.VMEM((2, EB, D), jnp.float32),
        pltpu.VMEM((32, D), jnp.float32),
        pltpu.VMEM((RA,), jnp.float32),
        pltpu.VMEM((EB,), jnp.float32),
        pltpu.SemaphoreType.DMA,
        pltpu.SemaphoreType.DMA,
        pltpu.SemaphoreType.DMA,
        pltpu.SemaphoreType.DMA,
        pltpu.SemaphoreType.DMA,
        pltpu.SemaphoreType.DMA,
        pltpu.SemaphoreType.DMA,
    ],
)(_sc_agg_body)



_BN2 = 1000


def _norm_rows(m):
    nrm = jnp.sqrt(jnp.sum(m * m, axis=1, keepdims=True))
    return m / (nrm + 1e-8)


def _softmax_rows(logits):
    m = jnp.max(logits, axis=1, keepdims=True)
    e = jnp.exp(logits - m)
    return e / jnp.sum(e, axis=1, keepdims=True)


def _post_body(aggp_ref, aggn_ref, deg_ref, w_ref, init_ref,
               posz_ref, negz_ref, sum_ref, mu_ref, dist_ref, r_ref,
               sumv, mu0, cm, cr):
    ph = pl.program_id(0)
    i = pl.program_id(1)
    inv = 1.0 / jnp.maximum(deg_ref[...], 1.0)
    w = w_ref[0, 0]

    ap = aggp_ref[0] * inv
    pz = jnp.where(ap > 0, ap, w * ap)
    posz_ref[...] = pz
    an = aggn_ref[0] * inv
    negz_ref[...] = jnp.where(an > 0, an, w * an)

    @pl.when(jnp.logical_and(ph == 0, i == 0))
    def _():
        sumv[...] = jnp.zeros_like(sumv)
        mu0[...] = jnp.zeros_like(mu0)
        cm[...] = jnp.zeros_like(cm)
        cr[...] = jnp.zeros_like(cr)

    @pl.when(ph == 0)
    def _():
        sumv[...] += jnp.sum(pz, axis=0, keepdims=True)
        rows = i * _BN2 + lax.broadcasted_iota(jnp.int32, (_BN2, 1), 0)
        mask = (rows == init_ref[...]).astype(jnp.float32)
        mu0[...] += lax.dot_general(
            mask, pz, (((0,), (0,)), ((), ())),
            preferred_element_type=jnp.float32)

    @pl.when(ph == 1)
    def _():
        dn = _norm_rows(pz)
        mu0n = _norm_rows(mu0[...])
        dist0 = lax.dot_general(dn, mu0n, (((1,), (1,)), ((), ())),
                                preferred_element_type=jnp.float32)
        r0 = _softmax_rows(CLUSTER_TEMP * dist0)
        cr[...] += jnp.sum(r0, axis=0, keepdims=True)
        cm[...] += lax.dot_general(r0, pz, (((0,), (0,)), ((), ())),
                                   preferred_element_type=jnp.float32)

    @pl.when(ph == 2)
    def _():
        eye = (lax.broadcasted_iota(jnp.int32, (K, K), 0)
               == lax.broadcasted_iota(jnp.int32, (K, K), 1)).astype(jnp.float32)
        crcol = jnp.sum(eye * cr[...], axis=1, keepdims=True)
        mu = cm[...] / (crcol + 1e-8)
        mu_ref[...] = mu
        mun = _norm_rows(mu)
        dn = _norm_rows(pz)
        dist = lax.dot_general(dn, mun, (((1,), (1,)), ((), ())),
                               preferred_element_type=jnp.float32)
        dist_ref[...] = dist
        r_ref[...] = _softmax_rows(CLUSTER_TEMP * dist)
        t = sumv[...] * (1.0 / N)
        sum_ref[...] = 1.0 / (1.0 + jnp.exp(-t))


def _postprocess(agg2, deg, prelu_w, init_idx):
    nb = N // _BN2
    return pl.pallas_call(
        _post_body,
        grid=(3, nb),
        in_specs=[
            pl.BlockSpec((1, _BN2, D), lambda ph, i: (0, i, 0)),
            pl.BlockSpec((1, _BN2, D), lambda ph, i: (1, i, 0)),
            pl.BlockSpec((_BN2, 1), lambda ph, i: (i, 0)),
            pl.BlockSpec((1, 1), lambda ph, i: (0, 0)),
            pl.BlockSpec((1, K), lambda ph, i: (0, 0)),
        ],
        out_specs=[
            pl.BlockSpec((_BN2, D), lambda ph, i: (i, 0)),
            pl.BlockSpec((_BN2, D), lambda ph, i: (i, 0)),
            pl.BlockSpec((1, D), lambda ph, i: (0, 0)),
            pl.BlockSpec((K, D), lambda ph, i: (0, 0)),
            pl.BlockSpec((_BN2, K), lambda ph, i: (i, 0)),
            pl.BlockSpec((_BN2, K), lambda ph, i: (i, 0)),
        ],
        out_shape=[
            jax.ShapeDtypeStruct((N, D), jnp.float32),
            jax.ShapeDtypeStruct((N, D), jnp.float32),
            jax.ShapeDtypeStruct((1, D), jnp.float32),
            jax.ShapeDtypeStruct((K, D), jnp.float32),
            jax.ShapeDtypeStruct((N, K), jnp.float32),
            jax.ShapeDtypeStruct((N, K), jnp.float32),
        ],
        scratch_shapes=[
            pltpu.VMEM((1, D), jnp.float32),
            pltpu.VMEM((K, D), jnp.float32),
            pltpu.VMEM((K, D), jnp.float32),
            pltpu.VMEM((1, K), jnp.float32),
        ],
    )(agg2, agg2, deg, prelu_w.reshape(1, 1), init_idx.reshape(1, K))







def kernel(x, edge_index, init_idx, perm, W_enc, prelu_w, weight):
    h = _matmul(x, W_enc)

    src = edge_index[0]
    dst = edge_index[1]
    pad = PE - E
    srcp = jnp.concatenate([src, jnp.zeros((pad,), jnp.int32)]).reshape(
        NS, BLOCKS_PER_TILE, EB)
    dstp = jnp.concatenate([dst, jnp.full((pad,), N, jnp.int32)]).reshape(
        NS, BLOCKS_PER_TILE, EB)

    agg2, deg2 = _sc_agg(h, srcp, dstp, perm)

    deg = deg2[:N].reshape(N, 1)
    pos_z, neg_z, summ, mu, dist, r = _postprocess(agg2, deg, prelu_w, init_idx)
    return (pos_z, neg_z, summ.reshape(D), mu, r, dist)

# --- scband reference (transcript-rebuilt; emitter-appended) ---
"""Pipeline reference for scband-deep-graph-infomax-20426864460258 (READ-ONLY COPY).

The authoritative reference and input builder live on the scoring server;
editing this copy changes nothing except your own understanding.
"""

import jax, jax.numpy as jnp
import numpy as np

N = 10000
E = 320000
D = 128
K = 10
CLUSTER_TEMP = 30.0

def setup_inputs(seed: int = 0) -> dict:
    key = jax.random.key(seed)
    ks = jax.random.split(key, 6)
    x = jax.random.normal(ks[0], (N, D), dtype=jnp.float32)
    edge_index = jax.random.randint(ks[1], (2, E), 0, N, dtype=jnp.int32)
    init_idx = jax.random.randint(ks[2], (K,), 0, N, dtype=jnp.int32)
    perm = jax.random.permutation(ks[3], N).astype(jnp.int32)
    W_enc = (jax.random.normal(ks[4], (D, D), dtype=jnp.float32) / np.sqrt(D)).astype(jnp.float32)
    prelu_w = jnp.full((1,), 0.25, dtype=jnp.float32)
    bound = 1.0 / np.sqrt(D)
    weight = jax.random.uniform(ks[5], (D, D), dtype=jnp.float32, minval=-bound, maxval=bound)
    return {"x": x, "edge_index": edge_index, "init_idx": init_idx, "perm": perm,
            "W_enc": W_enc, "prelu_w": prelu_w, "weight": weight}

def _encode(x, edge_index, W, prelu_w):
    # GCN-style mean-aggregation encoder + PReLU (standard DGI encoder)
    h = x @ W
    src = edge_index[0]
    dst = edge_index[1]
    deg = jnp.zeros((N,), dtype=h.dtype).at[dst].add(1.0)
    agg = jnp.zeros_like(h).at[dst].add(h[src])
    out = agg / jnp.maximum(deg, 1.0)[:, None]
    return jnp.where(out > 0, out, prelu_w * out)

def _summary(z):
    return jax.nn.sigmoid(jnp.mean(z, axis=0))

def _cluster(data, k, temp, num_iter, cluster_temp, init):
    # ClusterNet soft-kmeans with cosine similarity
    data_n = data / (jnp.linalg.norm(data, axis=1, keepdims=True) + 1e-8)
    mu = init
    for _ in range(num_iter):
        mu_n = mu / (jnp.linalg.norm(mu, axis=1, keepdims=True) + 1e-8)
        dist = data_n @ mu_n.T
        r = jax.nn.softmax(cluster_temp * dist, axis=1)
        cluster_r = jnp.sum(r, axis=0)
        cluster_mean = r.T @ data
        mu = cluster_mean / (cluster_r[:, None] + 1e-8)
    mu_n = mu / (jnp.linalg.norm(mu, axis=1, keepdims=True) + 1e-8)
    dist = data_n @ mu_n.T
    r = jax.nn.softmax(cluster_temp * dist, axis=1)
    return mu, r, dist

def reference(x, edge_index, init_idx, perm, W_enc, prelu_w, weight):
    pos_z = _encode(x, edge_index, W_enc, prelu_w)
    # corruption: row-permute features, keep graph structure
    x_cor = jnp.take(x, perm, axis=0)
    neg_z = _encode(x_cor, edge_index, W_enc, prelu_w)
    summary = _summary(pos_z)
    mu_init = jnp.take(pos_z, init_idx, axis=0)
    mu, r, dist = _cluster(pos_z, K, 1, 1, CLUSTER_TEMP, jax.lax.stop_gradient(mu_init))
    return (pos_z, neg_z, summary, mu, r, dist)

if __name__ == "__main__":
    import jax
    _d = setup_inputs()
    print(jax.jit(kernel)(*tuple(_d.values())))

</pallas_src>

<mosaic_0001>
#map = affine_map<(d0, d1) -> (0, 0)>
#map1 = affine_map<(d0, d1) -> (0, 0, 0)>
#map2 = affine_map<(d0, d1) -> (0)>
module attributes {stable_mosaic.version = 14 : i64} {
  func.func @_sc_agg_body(%arg0: i32, %arg1: i32, %arg2: memref<10000x128xf32, #tpu.memory_space<hbm>>, %arg3: memref<16x160x128xi32, #tpu.memory_space<hbm>>, %arg4: memref<16x160x128xi32, #tpu.memory_space<hbm>>, %arg5: memref<10000xi32, #tpu.memory_space<hbm>>, %arg6: memref<2x10240x128xf32, #tpu.memory_space<hbm>>, %arg7: memref<10240xf32, #tpu.memory_space<hbm>>, %arg8: memref<10240x128xf32, #tpu.memory_space<vmem_shared>>, %arg9: memref<10240xf32, #tpu.memory_space<vmem_shared>>, %arg10: memref<2x8x128xi32, #tpu.memory_space<vmem>>, %arg11: memref<2x8x128xi32, #tpu.memory_space<vmem>>, %arg12: memref<2x8x128xi32, #tpu.memory_space<vmem>>, %arg13: memref<2x128x128xf32, #tpu.memory_space<vmem>>, %arg14: memref<32x128xf32, #tpu.memory_space<vmem>>, %arg15: memref<640xf32, #tpu.memory_space<vmem>>, %arg16: memref<128xf32, #tpu.memory_space<vmem>>, %arg17: memref<!tpu.dma_semaphore, #tpu.memory_space<semaphore_mem>>, %arg18: memref<!tpu.dma_semaphore, #tpu.memory_space<semaphore_mem>>, %arg19: memref<!tpu.dma_semaphore, #tpu.memory_space<semaphore_mem>>, %arg20: memref<!tpu.dma_semaphore, #tpu.memory_space<semaphore_mem>>, %arg21: memref<!tpu.dma_semaphore, #tpu.memory_space<semaphore_mem>>, %arg22: memref<!tpu.dma_semaphore, #tpu.memory_space<semaphore_mem>>, %arg23: memref<!tpu.dma_semaphore, #tpu.memory_space<semaphore_mem>>) attributes {dimension_semantics = [#tpu.dimension_semantics<core_parallel>, #tpu.dimension_semantics<subcore_parallel>], iteration_bounds = array<i64: 2, 16>, scalar_prefetch = 0 : i64, scratch_operands = 16 : i64, tpu.core_type = #tpu.core_type<sc_vector_subcore>, window_params = [{transform_indices = #map}, {transform_indices = #map1}, {transform_indices = #map1}, {transform_indices = #map2}, {transform_indices = #map1}, {transform_indices = #map2}]} {
    %scan3A = arith.constant 0 : i32
    %scan3A_0 = arith.constant 0 : i32
    %scan3A_1 = arith.constant 32 : i32
    %scan3A_2 = arith.addi %scan3A_0, %scan3A_1 : i32
    %scan3A_3 = arith.constant 1 : i32
    %scan3A_4 = scf.for %scan3A_159 = %scan3A_0 to %scan3A_2 step %scan3A_3 iter_args(%scan3A_160 = %scan3A) -> (i32)  : i32 {
      %broadcast_in_dim3A_161 = arith.constant 0.000000e+00 : f32
      %broadcast_in_dim3A_162 = vector.broadcast %broadcast_in_dim3A_161 : f32 to vector<16xf32>
      %swap3A_163 = arith.index_cast %scan3A_159 : i32 to index
      %swap3A_164 = arith.constant 0 : index
      %swap3A_165 = tpu.vector_load %arg14[%swap3A_163, %swap3A_164] {strides = array<i32>} : memref<32x128xf32, #tpu.memory_space<vmem>>, vector<1x16xf32>,
      %swap3A_166 = vector.shape_cast %swap3A_165 : vector<1x16xf32> to vector<16xf32>
      %swap3A_167 = vector.shape_cast %broadcast_in_dim3A_162 : vector<16xf32> to vector<1x16xf32>
      tpu.vector_store %arg14[%swap3A_163, %swap3A_164], %swap3A_167 {strides = array<i32>} : memref<32x128xf32, #tpu.memory_space<vmem>>, vector<1x16xf32>,
      %broadcast_in_dim3A_168 = arith.constant 0.000000e+00 : f32
      %broadcast_in_dim3A_169 = vector.broadcast %broadcast_in_dim3A_168 : f32 to vector<16xf32>
      %swap3A_170 = arith.index_cast %scan3A_159 : i32 to index
      %swap3A_171 = arith.constant 16 : index
      %swap3A_172 = tpu.vector_load %arg14[%swap3A_170, %swap3A_171] {strides = array<i32>} : memref<32x128xf32, #tpu.memory_space<vmem>>, vector<1x16xf32>,
      %swap3A_173 = vector.shape_cast %swap3A_172 : vector<1x16xf32> to vector<16xf32>
      %swap3A_174 = vector.shape_cast %broadcast_in_dim3A_169 : vector<16xf32> to vector<1x16xf32>
      tpu.vector_store %arg14[%swap3A_170, %swap3A_171], %swap3A_174 {strides = array<i32>} : memref<32x128xf32, #tpu.memory_space<vmem>>, vector<1x16xf32>,
      %broadcast_in_dim3A_175 = arith.constant 0.000000e+00 : f32
      %broadcast_in_dim3A_176 = vector.broadcast %broadcast_in_dim3A_175 : f32 to vector<16xf32>
      %swap3A_177 = arith.index_cast %scan3A_159 : i32 to index
      %swap3A_178 = arith.constant 32 : index
      %swap3A_179 = tpu.vector_load %arg14[%swap3A_177, %swap3A_178] {strides = array<i32>} : memref<32x128xf32, #tpu.memory_space<vmem>>, vector<1x16xf32>,
      %swap3A_180 = vector.shape_cast %swap3A_179 : vector<1x16xf32> to vector<16xf32>
      %swap3A_181 = vector.shape_cast %broadcast_in_dim3A_176 : vector<16xf32> to vector<1x16xf32>
      tpu.vector_store %arg14[%swap3A_177, %swap3A_178], %swap3A_181 {strides = array<i32>} : memref<32x128xf32, #tpu.memory_space<vmem>>, vector<1x16xf32>,
      %broadcast_in_dim3A_182 = arith.constant 0.000000e+00 : f32
      %broadcast_in_dim3A_183 = vector.broadcast %broadcast_in_dim3A_182 : f32 to vector<16xf32>
      %swap3A_184 = arith.index_cast %scan3A_159 : i32 to index
      %swap3A_185 = arith.constant 48 : index
      %swap3A_186 = tpu.vector_load %arg14[%swap3A_184, %swap3A_185] {strides = array<i32>} : memref<32x128xf32, #tpu.memory_space<vmem>>, vector<1x16xf32>,
      %swap3A_187 = vector.shape_cast %swap3A_186 : vector<1x16xf32> to vector<16xf32>
      %swap3A_188 = vector.shape_cast %broadcast_in_dim3A_183 : vector<16xf32> to vector<1x16xf32>
      tpu.vector_store %arg14[%swap3A_184, %swap3A_185], %swap3A_188 {strides = array<i32>} : memref<32x128xf32, #tpu.memory_space<vmem>>, vector<1x16xf32>,
      %broadcast_in_dim3A_189 = arith.constant 0.000000e+00 : f32
      %broadcast_in_dim3A_190 = vector.broadcast %broadcast_in_dim3A_189 : f32 to vector<16xf32>
      %swap3A_191 = arith.index_cast %scan3A_159 : i32 to index
      %swap3A_192 = arith.constant 64 : index
      %swap3A_193 = tpu.vector_load %arg14[%swap3A_191, %swap3A_192] {strides = array<i32>} : memref<32x128xf32, #tpu.memory_space<vmem>>, vector<1x16xf32>,
      %swap3A_194 = vector.shape_cast %swap3A_193 : vector<1x16xf32> to vector<16xf32>
      %swap3A_195 = vector.shape_cast %broadcast_in_dim3A_190 : vector<16xf32> to vector<1x16xf32>
      tpu.vector_store %arg14[%swap3A_191, %swap3A_192], %swap3A_195 {strides = array<i32>} : memref<32x128xf32, #tpu.memory_space<vmem>>, vector<1x16xf32>,
      %broadcast_in_dim3A_196 = arith.constant 0.000000e+00 : f32
      %broadcast_in_dim3A_197 = vector.broadcast %broadcast_in_dim3A_196 : f32 to vector<16xf32>
      %swap3A_198 = arith.index_cast %scan3A_159 : i32 to index
      %swap3A_199 = arith.constant 80 : index
      %swap3A_200 = tpu.vector_load %arg14[%swap3A_198, %swap3A_199] {strides = array<i32>} : memref<32x128xf32, #tpu.memory_space<vmem>>, vector<1x16xf32>,
      %swap3A_201 = vector.shape_cast %swap3A_200 : vector<1x16xf32> to vector<16xf32>
      %swap3A_202 = vector.shape_cast %broadcast_in_dim3A_197 : vector<16xf32> to vector<1x16xf32>
      tpu.vector_store %arg14[%swap3A_198, %swap3A_199], %swap3A_202 {strides = array<i32>} : memref<32x128xf32, #tpu.memory_space<vmem>>, vector<1x16xf32>,
      %broadcast_in_dim3A_203 = arith.constant 0.000000e+00 : f32
      %broadcast_in_dim3A_204 = vector.broadcast %broadcast_in_dim3A_203 : f32 to vector<16xf32>
      %swap3A_205 = arith.index_cast %scan3A_159 : i32 to index
      %swap3A_206 = arith.constant 96 : index
      %swap3A_207 = tpu.vector_load %arg14[%swap3A_205, %swap3A_206] {strides = array<i32>} : memref<32x128xf32, #tpu.memory_space<vmem>>, vector<1x16xf32>,
      %swap3A_208 = vector.shape_cast %swap3A_207 : vector<1x16xf32> to vector<16xf32>
      %swap3A_209 = vector.shape_cast %broadcast_in_dim3A_204 : vector<16xf32> to vector<1x16xf32>
      tpu.vector_store %arg14[%swap3A_205, %swap3A_206], %swap3A_209 {strides = array<i32>} : memref<32x128xf32, #tpu.memory_space<vmem>>, vector<1x16xf32>,
      %broadcast_in_dim3A_210 = arith.constant 0.000000e+00 : f32
      %broadcast_in_dim3A_211 = vector.broadcast %broadcast_in_dim3A_210 : f32 to vector<16xf32>
      %swap3A_212 = arith.index_cast %scan3A_159 : i32 to index
      %swap3A_213 = arith.constant 112 : index
      %swap3A_214 = tpu.vector_load %arg14[%swap3A_212, %swap3A_213] {strides = array<i32>} : memref<32x128xf32, #tpu.memory_space<vmem>>, vector<1x16xf32>,
      %swap3A_215 = vector.shape_cast %swap3A_214 : vector<1x16xf32> to vector<16xf32>
      %swap3A_216 = vector.shape_cast %broadcast_in_dim3A_211 : vector<16xf32> to vector<1x16xf32>
      tpu.vector_store %arg14[%swap3A_212, %swap3A_213], %swap3A_216 {strides = array<i32>} : memref<32x128xf32, #tpu.memory_space<vmem>>, vector<1x16xf32>,
      %scan3A_217 = arith.constant 0 : i32
      scf.yield %scan3A_217 : i32
    }
    %scan3A_5 = arith.constant 32 : i32
    %scan3A_6 = arith.constant 0 : i32
    %scan3A_7 = arith.constant 0 : i32
    %scan3A_8 = arith.constant 40 : i32
    %scan3A_9 = arith.addi %scan3A_7, %scan3A_8 : i32
    %scan3A_10 = arith.constant 1 : i32
    %scan3A_11 = scf.for %scan3A_159 = %scan3A_7 to %scan3A_9 step %scan3A_10 iter_args(%scan3A_160 = %scan3A_6) -> (i32)  : i32 {
      %broadcast_in_dim3A_161 = arith.constant 0.000000e+00 : f32
      %broadcast_in_dim3A_162 = vector.broadcast %broadcast_in_dim3A_161 : f32 to vector<16xf32>
      %mul3A_163 = arith.constant 16 : i32
      %mul3A_164 = arith.muli %scan3A_159, %mul3A_163 : i32
      %swap3A_165 = arith.index_cast %mul3A_164 : i32 to index
      %swap3A_166 = tpu.vector_load %arg15[%swap3A_165] {strides = array<i32>} : memref<640xf32, #tpu.memory_space<vmem>>, vector<16xf32>,
      %swap3A_167 = vector.shape_cast %swap3A_166 : vector<16xf32> to vector<16xf32>
      %swap3A_168 = vector.shape_cast %broadcast_in_dim3A_162 : vector<16xf32> to vector<16xf32>
      tpu.vector_store %arg15[%swap3A_165], %swap3A_168 {strides = array<i32>} : memref<640xf32, #tpu.memory_space<vmem>>, vector<16xf32>,
      %scan3A_169 = arith.constant 0 : i32
      scf.yield %scan3A_169 : i32
    }
    %scan3A_12 = arith.constant 40 : i32
    %broadcast_in_dim3A = arith.constant 1.000000e+00 : f32
    %broadcast_in_dim3A_13 = vector.broadcast %broadcast_in_dim3A : f32 to vector<16xf32>
    %swap3A = arith.constant 0 : index
    %swap3A_14 = tpu.vector_load %arg16[%swap3A] {strides = array<i32>} : memref<128xf32, #tpu.memory_space<vmem>>, vector<16xf32>,
    %swap3A_15 = vector.shape_cast %swap3A_14 : vector<16xf32> to vector<16xf32>
    %swap3A_16 = vector.shape_cast %broadcast_in_dim3A_13 : vector<16xf32> to vector<16xf32>
    tpu.vector_store %arg16[%swap3A], %swap3A_16 {strides = array<i32>} : memref<128xf32, #tpu.memory_space<vmem>>, vector<16xf32>,
    %broadcast_in_dim3A_17 = arith.constant 1.000000e+00 : f32
    %broadcast_in_dim3A_18 = vector.broadcast %broadcast_in_dim3A_17 : f32 to vector<16xf32>
    %swap3A_19 = arith.constant 16 : index
    %swap3A_20 = tpu.vector_load %arg16[%swap3A_19] {strides = array<i32>} : memref<128xf32, #tpu.memory_space<vmem>>, vector<16xf32>,
    %swap3A_21 = vector.shape_cast %swap3A_20 : vector<16xf32> to vector<16xf32>
    %swap3A_22 = vector.shape_cast %broadcast_in_dim3A_18 : vector<16xf32> to vector<16xf32>
    tpu.vector_store %arg16[%swap3A_19], %swap3A_22 {strides = array<i32>} : memref<128xf32, #tpu.memory_space<vmem>>, vector<16xf32>,
    %broadcast_in_dim3A_23 = arith.constant 1.000000e+00 : f32
    %broadcast_in_dim3A_24 = vector.broadcast %broadcast_in_dim3A_23 : f32 to vector<16xf32>
    %swap3A_25 = arith.constant 32 : index
    %swap3A_26 = tpu.vector_load %arg16[%swap3A_25] {strides = array<i32>} : memref<128xf32, #tpu.memory_space<vmem>>, vector<16xf32>,
    %swap3A_27 = vector.shape_cast %swap3A_26 : vector<16xf32> to vector<16xf32>
    %swap3A_28 = vector.shape_cast %broadcast_in_dim3A_24 : vector<16xf32> to vector<16xf32>
    tpu.vector_store %arg16[%swap3A_25], %swap3A_28 {strides = array<i32>} : memref<128xf32, #tpu.memory_space<vmem>>, vector<16xf32>,
    %broadcast_in_dim3A_29 = arith.constant 1.000000e+00 : f32
    %broadcast_in_dim3A_30 = vector.broadcast %broadcast_in_dim3A_29 : f32 to vector<16xf32>
    %swap3A_31 = arith.constant 48 : index
    %swap3A_32 = tpu.vector_load %arg16[%swap3A_31] {strides = array<i32>} : memref<128xf32, #tpu.memory_space<vmem>>, vector<16xf32>,
    %swap3A_33 = vector.shape_cast %swap3A_32 : vector<16xf32> to vector<16xf32>
    %swap3A_34 = vector.shape_cast %broadcast_in_dim3A_30 : vector<16xf32> to vector<16xf32>
    tpu.vector_store %arg16[%swap3A_31], %swap3A_34 {strides = array<i32>} : memref<128xf32, #tpu.memory_space<vmem>>, vector<16xf32>,
    %broadcast_in_dim3A_35 = arith.constant 1.000000e+00 : f32
    %broadcast_in_dim3A_36 = vector.broadcast %broadcast_in_dim3A_35 : f32 to vector<16xf32>
    %swap3A_37 = arith.constant 64 : index
    %swap3A_38 = tpu.vector_load %arg16[%swap3A_37] {strides = array<i32>} : memref<128xf32, #tpu.memory_space<vmem>>, vector<16xf32>,
    %swap3A_39 = vector.shape_cast %swap3A_38 : vector<16xf32> to vector<16xf32>
    %swap3A_40 = vector.shape_cast %broadcast_in_dim3A_36 : vector<16xf32> to vector<16xf32>
    tpu.vector_store %arg16[%swap3A_37], %swap3A_40 {strides = array<i32>} : memref<128xf32, #tpu.memory_space<vmem>>, vector<16xf32>,
    %broadcast_in_dim3A_41 = arith.constant 1.000000e+00 : f32
    %broadcast_in_dim3A_42 = vector.broadcast %broadcast_in_dim3A_41 : f32 to vector<16xf32>
    %swap3A_43 = arith.constant 80 : index
    %swap3A_44 = tpu.vector_load %arg16[%swap3A_43] {strides = array<i32>} : memref<128xf32, #tpu.memory_space<vmem>>, vector<16xf32>,
    %swap3A_45 = vector.shape_cast %swap3A_44 : vector<16xf32> to vector<16xf32>
    %swap3A_46 = vector.shape_cast %broadcast_in_dim3A_42 : vector<16xf32> to vector<16xf32>
    tpu.vector_store %arg16[%swap3A_43], %swap3A_46 {strides = array<i32>} : memref<128xf32, #tpu.memory_space<vmem>>, vector<16xf32>,
    %broadcast_in_dim3A_47 = arith.constant 1.000000e+00 : f32
    %broadcast_in_dim3A_48 = vector.broadcast %broadcast_in_dim3A_47 : f32 to vector<16xf32>
    %swap3A_49 = arith.constant 96 : index
    %swap3A_50 = tpu.vector_load %arg16[%swap3A_49] {strides = array<i32>} : memref<128xf32, #tpu.memory_space<vmem>>, vector<16xf32>,
    %swap3A_51 = vector.shape_cast %swap3A_50 : vector<16xf32> to vector<16xf32>
    %swap3A_52 = vector.shape_cast %broadcast_in_dim3A_48 : vector<16xf32> to vector<16xf32>
    tpu.vector_store %arg16[%swap3A_49], %swap3A_52 {strides = array<i32>} : memref<128xf32, #tpu.memory_space<vmem>>, vector<16xf32>,
    %broadcast_in_dim3A_53 = arith.constant 1.000000e+00 : f32
    %broadcast_in_dim3A_54 = vector.broadcast %broadcast_in_dim3A_53 : f32 to vector<16xf32>
    %swap3A_55 = arith.constant 112 : index
    %swap3A_56 = tpu.vector_load %arg16[%swap3A_55] {strides = array<i32>} : memref<128xf32, #tpu.memory_space<vmem>>, vector<16xf32>,
    %swap3A_57 = vector.shape_cast %swap3A_56 : vector<16xf32> to vector<16xf32>
    %swap3A_58 = vector.shape_cast %broadcast_in_dim3A_54 : vector<16xf32> to vector<16xf32>
    tpu.vector_store %arg16[%swap3A_55], %swap3A_58 {strides = array<i32>} : memref<128xf32, #tpu.memory_space<vmem>>, vector<16xf32>,
    %mul3A = arith.constant 640 : i32
    %mul3A_59 = arith.muli %arg1, %mul3A : i32
    %add3A = arith.constant 0 : i32
    %add3A_60 = arith.addi %mul3A_59, %add3A : i32
    "tpu.region"() ({
      %run_scoped3A_159 = tpu.sem_alloc : memref<!tpu.dma_semaphore, #tpu.memory_space<semaphore_mem>>
      %dma_start3A = arith.constant 0 : i32
      %dma_start3A_160 = tpu.memref_slice %arg8[%add3A_60, %dma_start3A] : memref<10240x128xf32, #tpu.memory_space<vmem_shared>> -> memref<32x128xf32, #tpu.memory_space<vmem_shared>>
      %dma_start3A_161 = arith.constant 0 : i32
      %dma_start3A_162 = tpu.memref_slice %arg8[%add3A_60, %dma_start3A_161] : memref<10240x128xf32, #tpu.memory_space<vmem_shared>> -> memref<32x128xf32, #tpu.memory_space<vmem_shared>>
      tpu.enqueue_dma source(%arg14 : memref<32x128xf32, #tpu.memory_space<vmem>>) target(%dma_start3A_162 : memref<32x128xf32, #tpu.memory_space<vmem_shared>>) target_semaphore(%run_scoped3A_159 : memref<!tpu.dma_semaphore, #tpu.memory_space<semaphore_mem>>)
      %dma_wait3A = arith.constant 0 : i32
      %dma_wait3A_163 = tpu.memref_slice %arg8[%add3A_60, %dma_wait3A] : memref<10240x128xf32, #tpu.memory_space<vmem_shared>> -> memref<32x128xf32, #tpu.memory_space<vmem_shared>>
      %dma_wait3A_164 = arith.constant 0 : i32
      %dma_wait3A_165 = tpu.memref_slice %arg8[%add3A_60, %dma_wait3A_164] : memref<10240x128xf32, #tpu.memory_space<vmem_shared>> -> memref<32x128xf32, #tpu.memory_space<vmem_shared>>
      tpu.wait_dma2 semaphore(%run_scoped3A_159 : memref<!tpu.dma_semaphore, #tpu.memory_space<semaphore_mem>>) src(%arg14 : memref<32x128xf32, #tpu.memory_space<vmem>>) dst(%dma_wait3A_165 : memref<32x128xf32, #tpu.memory_space<vmem_shared>>)
      tpu.yield
    }) : () -> ()
    %mul3A_61 = arith.constant 640 : i32
    %mul3A_62 = arith.muli %arg1, %mul3A_61 : i32
    %add3A_63 = arith.constant 32 : i32
    %add3A_64 = arith.addi %mul3A_62, %add3A_63 : i32
    "tpu.region"() ({
      %run_scoped3A_159 = tpu.sem_alloc : memref<!tpu.dma_semaphore, #tpu.memory_space<semaphore_mem>>
      %dma_start3A = arith.constant 0 : i32
      %dma_start3A_160 = tpu.memref_slice %arg8[%add3A_64, %dma_start3A] : memref<10240x128xf32, #tpu.memory_space<vmem_shared>> -> memref<32x128xf32, #tpu.memory_space<vmem_shared>>
      %dma_start3A_161 = arith.constant 0 : i32
      %dma_start3A_162 = tpu.memref_slice %arg8[%add3A_64, %dma_start3A_161] : memref<10240x128xf32, #tpu.memory_space<vmem_shared>> -> memref<32x128xf32, #tpu.memory_space<vmem_shared>>
      tpu.enqueue_dma source(%arg14 : memref<32x128xf32, #tpu.memory_space<vmem>>) target(%dma_start3A_162 : memref<32x128xf32, #tpu.memory_space<vmem_shared>>) target_semaphore(%run_scoped3A_159 : memref<!tpu.dma_semaphore, #tpu.memory_space<semaphore_mem>>)
      %dma_wait3A = arith.constant 0 : i32
      %dma_wait3A_163 = tpu.memref_slice %arg8[%add3A_64, %dma_wait3A] : memref<10240x128xf32, #tpu.memory_space<vmem_shared>> -> memref<32x128xf32, #tpu.memory_space<vmem_shared>>
      %dma_wait3A_164 = arith.constant 0 : i32
      %dma_wait3A_165 = tpu.memref_slice %arg8[%add3A_64, %dma_wait3A_164] : memref<10240x128xf32, #tpu.memory_space<vmem_shared>> -> memref<32x128xf32, #tpu.memory_space<vmem_shared>>
      tpu.wait_dma2 semaphore(%run_scoped3A_159 : memref<!tpu.dma_semaphore, #tpu.memory_space<semaphore_mem>>) src(%arg14 : memref<32x128xf32, #tpu.memory_space<vmem>>) dst(%dma_wait3A_165 : memref<32x128xf32, #tpu.memory_space<vmem_shared>>)
      tpu.yield
    }) : () -> ()
    %mul3A_65 = arith.constant 640 : i32
    %mul3A_66 = arith.muli %arg1, %mul3A_65 : i32
    %add3A_67 = arith.constant 64 : i32
    %add3A_68 = arith.addi %mul3A_66, %add3A_67 : i32
    "tpu.region"() ({
      %run_scoped3A_159 = tpu.sem_alloc : memref<!tpu.dma_semaphore, #tpu.memory_space<semaphore_mem>>
      %dma_start3A = arith.constant 0 : i32
      %dma_start3A_160 = tpu.memref_slice %arg8[%add3A_68, %dma_start3A] : memref<10240x128xf32, #tpu.memory_space<vmem_shared>> -> memref<32x128xf32, #tpu.memory_space<vmem_shared>>
      %dma_start3A_161 = arith.constant 0 : i32
      %dma_start3A_162 = tpu.memref_slice %arg8[%add3A_68, %dma_start3A_161] : memref<10240x128xf32, #tpu.memory_space<vmem_shared>> -> memref<32x128xf32, #tpu.memory_space<vmem_shared>>
      tpu.enqueue_dma source(%arg14 : memref<32x128xf32, #tpu.memory_space<vmem>>) target(%dma_start3A_162 : memref<32x128xf32, #tpu.memory_space<vmem_shared>>) target_semaphore(%run_scoped3A_159 : memref<!tpu.dma_semaphore, #tpu.memory_space<semaphore_mem>>)
      %dma_wait3A = arith.constant 0 : i32
      %dma_wait3A_163 = tpu.memref_slice %arg8[%add3A_68, %dma_wait3A] : memref<10240x128xf32, #tpu.memory_space<vmem_shared>> -> memref<32x128xf32, #tpu.memory_space<vmem_shared>>
      %dma_wait3A_164 = arith.constant 0 : i32
      %dma_wait3A_165 = tpu.memref_slice %arg8[%add3A_68, %dma_wait3A_164] : memref<10240x128xf32, #tpu.memory_space<vmem_shared>> -> memref<32x128xf32, #tpu.memory_space<vmem_shared>>
      tpu.wait_dma2 semaphore(%run_scoped3A_159 : memref<!tpu.dma_semaphore, #tpu.memory_space<semaphore_mem>>) src(%arg14 : memref<32x128xf32, #tpu.memory_space<vmem>>) dst(%dma_wait3A_165 : memref<32x128xf32, #tpu.memory_space<vmem_shared>>)
      tpu.yield
    }) : () -> ()
    %mul3A_69 = arith.constant 640 : i32
    %mul3A_70 = arith.muli %arg1, %mul3A_69 : i32
    %add3A_71 = arith.constant 96 : i32
    %add3A_72 = arith.addi %mul3A_70, %add3A_71 : i32
    "tpu.region"() ({
      %run_scoped3A_159 = tpu.sem_alloc : memref<!tpu.dma_semaphore, #tpu.memory_space<semaphore_mem>>
      %dma_start3A = arith.constant 0 : i32
      %dma_start3A_160 = tpu.memref_slice %arg8[%add3A_72, %dma_start3A] : memref<10240x128xf32, #tpu.memory_space<vmem_shared>> -> memref<32x128xf32, #tpu.memory_space<vmem_shared>>
      %dma_start3A_161 = arith.constant 0 : i32
      %dma_start3A_162 = tpu.memref_slice %arg8[%add3A_72, %dma_start3A_161] : memref<10240x128xf32, #tpu.memory_space<vmem_shared>> -> memref<32x128xf32, #tpu.memory_space<vmem_shared>>
      tpu.enqueue_dma source(%arg14 : memref<32x128xf32, #tpu.memory_space<vmem>>) target(%dma_start3A_162 : memref<32x128xf32, #tpu.memory_space<vmem_shared>>) target_semaphore(%run_scoped3A_159 : memref<!tpu.dma_semaphore, #tpu.memory_space<semaphore_mem>>)
      %dma_wait3A = arith.constant 0 : i32
      %dma_wait3A_163 = tpu.memref_slice %arg8[%add3A_72, %dma_wait3A] : memref<10240x128xf32, #tpu.memory_space<vmem_shared>> -> memref<32x128xf32, #tpu.memory_space<vmem_shared>>
      %dma_wait3A_164 = arith.constant 0 : i32
      %dma_wait3A_165 = tpu.memref_slice %arg8[%add3A_72, %dma_wait3A_164] : memref<10240x128xf32, #tpu.memory_space<vmem_shared>> -> memref<32x128xf32, #tpu.memory_space<vmem_shared>>
      tpu.wait_dma2 semaphore(%run_scoped3A_159 : memref<!tpu.dma_semaphore, #tpu.memory_space<semaphore_mem>>) src(%arg14 : memref<32x128xf32, #tpu.memory_space<vmem>>) dst(%dma_wait3A_165 : memref<32x128xf32, #tpu.memory_space<vmem_shared>>)
      tpu.yield
    }) : () -> ()
    %mul3A_73 = arith.constant 640 : i32
    %mul3A_74 = arith.muli %arg1, %mul3A_73 : i32
    %add3A_75 = arith.constant 128 : i32
    %add3A_76 = arith.addi %mul3A_74, %add3A_75 : i32
    "tpu.region"() ({
      %run_scoped3A_159 = tpu.sem_alloc : memref<!tpu.dma_semaphore, #tpu.memory_space<semaphore_mem>>
      %dma_start3A = arith.constant 0 : i32
      %dma_start3A_160 = tpu.memref_slice %arg8[%add3A_76, %dma_start3A] : memref<10240x128xf32, #tpu.memory_space<vmem_shared>> -> memref<32x128xf32, #tpu.memory_space<vmem_shared>>
      %dma_start3A_161 = arith.constant 0 : i32
      %dma_start3A_162 = tpu.memref_slice %arg8[%add3A_76, %dma_start3A_161] : memref<10240x128xf32, #tpu.memory_space<vmem_shared>> -> memref<32x128xf32, #tpu.memory_space<vmem_shared>>
      tpu.enqueue_dma source(%arg14 : memref<32x128xf32, #tpu.memory_space<vmem>>) target(%dma_start3A_162 : memref<32x128xf32, #tpu.memory_space<vmem_shared>>) target_semaphore(%run_scoped3A_159 : memref<!tpu.dma_semaphore, #tpu.memory_space<semaphore_mem>>)
      %dma_wait3A = arith.constant 0 : i32
      %dma_wait3A_163 = tpu.memref_slice %arg8[%add3A_76, %dma_wait3A] : memref<10240x128xf32, #tpu.memory_space<vmem_shared>> -> memref<32x128xf32, #tpu.memory_space<vmem_shared>>
      %dma_wait3A_164 = arith.constant 0 : i32
      %dma_wait3A_165 = tpu.memref_slice %arg8[%add3A_76, %dma_wait3A_164] : memref<10240x128xf32, #tpu.memory_space<vmem_shared>> -> memref<32x128xf32, #tpu.memory_space<vmem_shared>>
      tpu.wait_dma2 semaphore(%run_scoped3A_159 : memref<!tpu.dma_semaphore, #tpu.memory_space<semaphore_mem>>) src(%arg14 : memref<32x128xf32, #tpu.memory_space<vmem>>) dst(%dma_wait3A_165 : memref<32x128xf32, #tpu.memory_space<vmem_shared>>)
      tpu.yield
    }) : () -> ()
    %mul3A_77 = arith.constant 640 : i32
    %mul3A_78 = arith.muli %arg1, %mul3A_77 : i32
    %add3A_79 = arith.constant 160 : i32
    %add3A_80 = arith.addi %mul3A_78, %add3A_79 : i32
    "tpu.region"() ({
      %run_scoped3A_159 = tpu.sem_alloc : memref<!tpu.dma_semaphore, #tpu.memory_space<semaphore_mem>>
      %dma_start3A = arith.constant 0 : i32
      %dma_start3A_160 = tpu.memref_slice %arg8[%add3A_80, %dma_start3A] : memref<10240x128xf32, #tpu.memory_space<vmem_shared>> -> memref<32x128xf32, #tpu.memory_space<vmem_shared>>
      %dma_start3A_161 = arith.constant 0 : i32
      %dma_start3A_162 = tpu.memref_slice %arg8[%add3A_80, %dma_start3A_161] : memref<10240x128xf32, #tpu.memory_space<vmem_shared>> -> memref<32x128xf32, #tpu.memory_space<vmem_shared>>
      tpu.enqueue_dma source(%arg14 : memref<32x128xf32, #tpu.memory_space<vmem>>) target(%dma_start3A_162 : memref<32x128xf32, #tpu.memory_space<vmem_shared>>) target_semaphore(%run_scoped3A_159 : memref<!tpu.dma_semaphore, #tpu.memory_space<semaphore_mem>>)
      %dma_wait3A = arith.constant 0 : i32
      %dma_wait3A_163 = tpu.memref_slice %arg8[%add3A_80, %dma_wait3A] : memref<10240x128xf32, #tpu.memory_space<vmem_shared>> -> memref<32x128xf32, #tpu.memory_space<vmem_shared>>
      %dma_wait3A_164 = arith.constant 0 : i32
      %dma_wait3A_165 = tpu.memref_slice %arg8[%add3A_80, %dma_wait3A_164] : memref<10240x128xf32, #tpu.memory_space<vmem_shared>> -> memref<32x128xf32, #tpu.memory_space<vmem_shared>>
      tpu.wait_dma2 semaphore(%run_scoped3A_159 : memref<!tpu.dma_semaphore, #tpu.memory_space<semaphore_mem>>) src(%arg14 : memref<32x128xf32, #tpu.memory_space<vmem>>) dst(%dma_wait3A_165 : memref<32x128xf32, #tpu.memory_space<vmem_shared>>)
      tpu.yield
    }) : () -> ()
    %mul3A_81 = arith.constant 640 : i32
    %mul3A_82 = arith.muli %arg1, %mul3A_81 : i32
    %add3A_83 = arith.constant 192 : i32
    %add3A_84 = arith.addi %mul3A_82, %add3A_83 : i32
    "tpu.region"() ({
      %run_scoped3A_159 = tpu.sem_alloc : memref<!tpu.dma_semaphore, #tpu.memory_space<semaphore_mem>>
      %dma_start3A = arith.constant 0 : i32
      %dma_start3A_160 = tpu.memref_slice %arg8[%add3A_84, %dma_start3A] : memref<10240x128xf32, #tpu.memory_space<vmem_shared>> -> memref<32x128xf32, #tpu.memory_space<vmem_shared>>
      %dma_start3A_161 = arith.constant 0 : i32
      %dma_start3A_162 = tpu.memref_slice %arg8[%add3A_84, %dma_start3A_161] : memref<10240x128xf32, #tpu.memory_space<vmem_shared>> -> memref<32x128xf32, #tpu.memory_space<vmem_shared>>
      tpu.enqueue_dma source(%arg14 : memref<32x128xf32, #tpu.memory_space<vmem>>) target(%dma_start3A_162 : memref<32x128xf32, #tpu.memory_space<vmem_shared>>) target_semaphore(%run_scoped3A_159 : memref<!tpu.dma_semaphore, #tpu.memory_space<semaphore_mem>>)
      %dma_wait3A = arith.constant 0 : i32
      %dma_wait3A_163 = tpu.memref_slice %arg8[%add3A_84, %dma_wait3A] : memref<10240x128xf32, #tpu.memory_space<vmem_shared>> -> memref<32x128xf32, #tpu.memory_space<vmem_shared>>
      %dma_wait3A_164 = arith.constant 0 : i32
      %dma_wait3A_165 = tpu.memref_slice %arg8[%add3A_84, %dma_wait3A_164] : memref<10240x128xf32, #tpu.memory_space<vmem_shared>> -> memref<32x128xf32, #tpu.memory_space<vmem_shared>>
      tpu.wait_dma2 semaphore(%run_scoped3A_159 : memref<!tpu.dma_semaphore, #tpu.memory_space<semaphore_mem>>) src(%arg14 : memref<32x128xf32, #tpu.memory_space<vmem>>) dst(%dma_wait3A_165 : memref<32x128xf32, #tpu.memory_space<vmem_shared>>)
      tpu.yield
    }) : () -> ()
    %mul3A_85 = arith.constant 640 : i32
    %mul3A_86 = arith.muli %arg1, %mul3A_85 : i32
    %add3A_87 = arith.constant 224 : i32
    %add3A_88 = arith.addi %mul3A_86, %add3A_87 : i32
    "tpu.region"() ({
      %run_scoped3A_159 = tpu.sem_alloc : memref<!tpu.dma_semaphore, #tpu.memory_space<semaphore_mem>>
      %dma_start3A = arith.constant 0 : i32
      %dma_start3A_160 = tpu.memref_slice %arg8[%add3A_88, %dma_start3A] : memref<10240x128xf32, #tpu.memory_space<vmem_shared>> -> memref<32x128xf32, #tpu.memory_space<vmem_shared>>
      %dma_start3A_161 = arith.constant 0 : i32
      %dma_start3A_162 = tpu.memref_slice %arg8[%add3A_88, %dma_start3A_161] : memref<10240x128xf32, #tpu.memory_space<vmem_shared>> -> memref<32x128xf32, #tpu.memory_space<vmem_shared>>
      tpu.enqueue_dma source(%arg14 : memref<32x128xf32, #tpu.memory_space<vmem>>) target(%dma_start3A_162 : memref<32x128xf32, #tpu.memory_space<vmem_shared>>) target_semaphore(%run_scoped3A_159 : memref<!tpu.dma_semaphore, #tpu.memory_space<semaphore_mem>>)
      %dma_wait3A = arith.constant 0 : i32
      %dma_wait3A_163 = tpu.memref_slice %arg8[%add3A_88, %dma_wait3A] : memref<10240x128xf32, #tpu.memory_space<vmem_shared>> -> memref<32x128xf32, #tpu.memory_space<vmem_shared>>
      %dma_wait3A_164 = arith.constant 0 : i32
      %dma_wait3A_165 = tpu.memref_slice %arg8[%add3A_88, %dma_wait3A_164] : memref<10240x128xf32, #tpu.memory_space<vmem_shared>> -> memref<32x128xf32, #tpu.memory_space<vmem_shared>>
      tpu.wait_dma2 semaphore(%run_scoped3A_159 : memref<!tpu.dma_semaphore, #tpu.memory_space<semaphore_mem>>) src(%arg14 : memref<32x128xf32, #tpu.memory_space<vmem>>) dst(%dma_wait3A_165 : memref<32x128xf32, #tpu.memory_space<vmem_shared>>)
      tpu.yield
    }) : () -> ()
    %mul3A_89 = arith.constant 640 : i32
    %mul3A_90 = arith.muli %arg1, %mul3A_89 : i32
    %add3A_91 = arith.constant 256 : i32
    %add3A_92 = arith.addi %mul3A_90, %add3A_91 : i32
    "tpu.region"() ({
      %run_scoped3A_159 = tpu.sem_alloc : memref<!tpu.dma_semaphore, #tpu.memory_space<semaphore_mem>>
      %dma_start3A = arith.constant 0 : i32
      %dma_start3A_160 = tpu.memref_slice %arg8[%add3A_92, %dma_start3A] : memref<10240x128xf32, #tpu.memory_space<vmem_shared>> -> memref<32x128xf32, #tpu.memory_space<vmem_shared>>
      %dma_start3A_161 = arith.constant 0 : i32
      %dma_start3A_162 = tpu.memref_slice %arg8[%add3A_92, %dma_start3A_161] : memref<10240x128xf32, #tpu.memory_space<vmem_shared>> -> memref<32x128xf32, #tpu.memory_space<vmem_shared>>
      tpu.enqueue_dma source(%arg14 : memref<32x128xf32, #tpu.memory_space<vmem>>) target(%dma_start3A_162 : memref<32x128xf32, #tpu.memory_space<vmem_shared>>) target_semaphore(%run_scoped3A_159 : memref<!tpu.dma_semaphore, #tpu.memory_space<semaphore_mem>>)
      %dma_wait3A = arith.constant 0 : i32
      %dma_wait3A_163 = tpu.memref_slice %arg8[%add3A_92, %dma_wait3A] : memref<10240x128xf32, #tpu.memory_space<vmem_shared>> -> memref<32x128xf32, #tpu.memory_space<vmem_shared>>
      %dma_wait3A_164 = arith.constant 0 : i32
      %dma_wait3A_165 = tpu.memref_slice %arg8[%add3A_92, %dma_wait3A_164] : memref<10240x128xf32, #tpu.memory_space<vmem_shared>> -> memref<32x128xf32, #tpu.memory_space<vmem_shared>>
      tpu.wait_dma2 semaphore(%run_scoped3A_159 : memref<!tpu.dma_semaphore, #tpu.memory_space<semaphore_mem>>) src(%arg14 : memref<32x128xf32, #tpu.memory_space<vmem>>) dst(%dma_wait3A_165 : memref<32x128xf32, #tpu.memory_space<vmem_shared>>)
      tpu.yield
    }) : () -> ()
    %mul3A_93 = arith.constant 640 : i32
    %mul3A_94 = arith.muli %arg1, %mul3A_93 : i32
    %add3A_95 = arith.constant 288 : i32
    %add3A_96 = arith.addi %mul3A_94, %add3A_95 : i32
    "tpu.region"() ({
      %run_scoped3A_159 = tpu.sem_alloc : memref<!tpu.dma_semaphore, #tpu.memory_space<semaphore_mem>>
      %dma_start3A = arith.constant 0 : i32
      %dma_start3A_160 = tpu.memref_slice %arg8[%add3A_96, %dma_start3A] : memref<10240x128xf32, #tpu.memory_space<vmem_shared>> -> memref<32x128xf32, #tpu.memory_space<vmem_shared>>
      %dma_start3A_161 = arith.constant 0 : i32
      %dma_start3A_162 = tpu.memref_slice %arg8[%add3A_96, %dma_start3A_161] : memref<10240x128xf32, #tpu.memory_space<vmem_shared>> -> memref<32x128xf32, #tpu.memory_space<vmem_shared>>
      tpu.enqueue_dma source(%arg14 : memref<32x128xf32, #tpu.memory_space<vmem>>) target(%dma_start3A_162 : memref<32x128xf32, #tpu.memory_space<vmem_shared>>) target_semaphore(%run_scoped3A_159 : memref<!tpu.dma_semaphore, #tpu.memory_space<semaphore_mem>>)
      %dma_wait3A = arith.constant 0 : i32
      %dma_wait3A_163 = tpu.memref_slice %arg8[%add3A_96, %dma_wait3A] : memref<10240x128xf32, #tpu.memory_space<vmem_shared>> -> memref<32x128xf32, #tpu.memory_space<vmem_shared>>
      %dma_wait3A_164 = arith.constant 0 : i32
      %dma_wait3A_165 = tpu.memref_slice %arg8[%add3A_96, %dma_wait3A_164] : memref<10240x128xf32, #tpu.memory_space<vmem_shared>> -> memref<32x128xf32, #tpu.memory_space<vmem_shared>>
      tpu.wait_dma2 semaphore(%run_scoped3A_159 : memref<!tpu.dma_semaphore, #tpu.memory_space<semaphore_mem>>) src(%arg14 : memref<32x128xf32, #tpu.memory_space<vmem>>) dst(%dma_wait3A_165 : memref<32x128xf32, #tpu.memory_space<vmem_shared>>)
      tpu.yield
    }) : () -> ()
    %mul3A_97 = arith.constant 640 : i32
    %mul3A_98 = arith.muli %arg1, %mul3A_97 : i32
    %add3A_99 = arith.constant 320 : i32
    %add3A_100 = arith.addi %mul3A_98, %add3A_99 : i32
    "tpu.region"() ({
      %run_scoped3A_159 = tpu.sem_alloc : memref<!tpu.dma_semaphore, #tpu.memory_space<semaphore_mem>>
      %dma_start3A = arith.constant 0 : i32
      %dma_start3A_160 = tpu.memref_slice %arg8[%add3A_100, %dma_start3A] : memref<10240x128xf32, #tpu.memory_space<vmem_shared>> -> memref<32x128xf32, #tpu.memory_space<vmem_shared>>
      %dma_start3A_161 = arith.constant 0 : i32
      %dma_start3A_162 = tpu.memref_slice %arg8[%add3A_100, %dma_start3A_161] : memref<10240x128xf32, #tpu.memory_space<vmem_shared>> -> memref<32x128xf32, #tpu.memory_space<vmem_shared>>
      tpu.enqueue_dma source(%arg14 : memref<32x128xf32, #tpu.memory_space<vmem>>) target(%dma_start3A_162 : memref<32x128xf32, #tpu.memory_space<vmem_shared>>) target_semaphore(%run_scoped3A_159 : memref<!tpu.dma_semaphore, #tpu.memory_space<semaphore_mem>>)
      %dma_wait3A = arith.constant 0 : i32
      %dma_wait3A_163 = tpu.memref_slice %arg8[%add3A_100, %dma_wait3A] : memref<10240x128xf32, #tpu.memory_space<vmem_shared>> -> memref<32x128xf32, #tpu.memory_space<vmem_shared>>
      %dma_wait3A_164 = arith.constant 0 : i32
      %dma_wait3A_165 = tpu.memref_slice %arg8[%add3A_100, %dma_wait3A_164] : memref<10240x128xf32, #tpu.memory_space<vmem_shared>> -> memref<32x128xf32, #tpu.memory_space<vmem_shared>>
      tpu.wait_dma2 semaphore(%run_scoped3A_159 : memref<!tpu.dma_semaphore, #tpu.memory_space<semaphore_mem>>) src(%arg14 : memref<32x128xf32, #tpu.memory_space<vmem>>) dst(%dma_wait3A_165 : memref<32x128xf32, #tpu.memory_space<vmem_shared>>)
      tpu.yield
    }) : () -> ()
    %mul3A_101 = arith.constant 640 : i32
    %mul3A_102 = arith.muli %arg1, %mul3A_101 : i32
    %add3A_103 = arith.constant 352 : i32
    %add3A_104 = arith.addi %mul3A_102, %add3A_103 : i32
    "tpu.region"() ({
      %run_scoped3A_159 = tpu.sem_alloc : memref<!tpu.dma_semaphore, #tpu.memory_space<semaphore_mem>>
      %dma_start3A = arith.constant 0 : i32
      %dma_start3A_160 = tpu.memref_slice %arg8[%add3A_104, %dma_start3A] : memref<10240x128xf32, #tpu.memory_space<vmem_shared>> -> memref<32x128xf32, #tpu.memory_space<vmem_shared>>
      %dma_start3A_161 = arith.constant 0 : i32
      %dma_start3A_162 = tpu.memref_slice %arg8[%add3A_104, %dma_start3A_161] : memref<10240x128xf32, #tpu.memory_space<vmem_shared>> -> memref<32x128xf32, #tpu.memory_space<vmem_shared>>
      tpu.enqueue_dma source(%arg14 : memref<32x128xf32, #tpu.memory_space<vmem>>) target(%dma_start3A_162 : memref<32x128xf32, #tpu.memory_space<vmem_shared>>) target_semaphore(%run_scoped3A_159 : memref<!tpu.dma_semaphore, #tpu.memory_space<semaphore_mem>>)
      %dma_wait3A = arith.constant 0 : i32
      %dma_wait3A_163 = tpu.memref_slice %arg8[%add3A_104, %dma_wait3A] : memref<10240x128xf32, #tpu.memory_space<vmem_shared>> -> memref<32x128xf32, #tpu.memory_space<vmem_shared>>
      %dma_wait3A_164 = arith.constant 0 : i32
      %dma_wait3A_165 = tpu.memref_slice %arg8[%add3A_104, %dma_wait3A_164] : memref<10240x128xf32, #tpu.memory_space<vmem_shared>> -> memref<32x128xf32, #tpu.memory_space<vmem_shared>>
      tpu.wait_dma2 semaphore(%run_scoped3A_159 : memref<!tpu.dma_semaphore, #tpu.memory_space<semaphore_mem>>) src(%arg14 : memref<32x128xf32, #tpu.memory_space<vmem>>) dst(%dma_wait3A_165 : memref<32x128xf32, #tpu.memory_space<vmem_shared>>)
      tpu.yield
    }) : () -> ()
    %mul3A_105 = arith.constant 640 : i32
    %mul3A_106 = arith.muli %arg1, %mul3A_105 : i32
    %add3A_107 = arith.constant 384 : i32
    %add3A_108 = arith.addi %mul3A_106, %add3A_107 : i32
    "tpu.region"() ({
      %run_scoped3A_159 = tpu.sem_alloc : memref<!tpu.dma_semaphore, #tpu.memory_space<semaphore_mem>>
      %dma_start3A = arith.constant 0 : i32
      %dma_start3A_160 = tpu.memref_slice %arg8[%add3A_108, %dma_start3A] : memref<10240x128xf32, #tpu.memory_space<vmem_shared>> -> memref<32x128xf32, #tpu.memory_space<vmem_shared>>
      %dma_start3A_161 = arith.constant 0 : i32
      %dma_start3A_162 = tpu.memref_slice %arg8[%add3A_108, %dma_start3A_161] : memref<10240x128xf32, #tpu.memory_space<vmem_shared>> -> memref<32x128xf32, #tpu.memory_space<vmem_shared>>
      tpu.enqueue_dma source(%arg14 : memref<32x128xf32, #tpu.memory_space<vmem>>) target(%dma_start3A_162 : memref<32x128xf32, #tpu.memory_space<vmem_shared>>) target_semaphore(%run_scoped3A_159 : memref<!tpu.dma_semaphore, #tpu.memory_space<semaphore_mem>>)
      %dma_wait3A = arith.constant 0 : i32
      %dma_wait3A_163 = tpu.memref_slice %arg8[%add3A_108, %dma_wait3A] : memref<10240x128xf32, #tpu.memory_space<vmem_shared>> -> memref<32x128xf32, #tpu.memory_space<vmem_shared>>
      %dma_wait3A_164 = arith.constant 0 : i32
      %dma_wait3A_165 = tpu.memref_slice %arg8[%add3A_108, %dma_wait3A_164] : memref<10240x128xf32, #tpu.memory_space<vmem_shared>> -> memref<32x128xf32, #tpu.memory_space<vmem_shared>>
      tpu.wait_dma2 semaphore(%run_scoped3A_159 : memref<!tpu.dma_semaphore, #tpu.memory_space<semaphore_mem>>) src(%arg14 : memref<32x128xf32, #tpu.memory_space<vmem>>) dst(%dma_wait3A_165 : memref<32x128xf32, #tpu.memory_space<vmem_shared>>)
      tpu.yield
    }) : () -> ()
    %mul3A_109 = arith.constant 640 : i32
    %mul3A_110 = arith.muli %arg1, %mul3A_109 : i32
    %add3A_111 = arith.constant 416 : i32
    %add3A_112 = arith.addi %mul3A_110, %add3A_111 : i32
    "tpu.region"() ({
      %run_scoped3A_159 = tpu.sem_alloc : memref<!tpu.dma_semaphore, #tpu.memory_space<semaphore_mem>>
      %dma_start3A = arith.constant 0 : i32
      %dma_start3A_160 = tpu.memref_slice %arg8[%add3A_112, %dma_start3A] : memref<10240x128xf32, #tpu.memory_space<vmem_shared>> -> memref<32x128xf32, #tpu.memory_space<vmem_shared>>
      %dma_start3A_161 = arith.constant 0 : i32
      %dma_start3A_162 = tpu.memref_slice %arg8[%add3A_112, %dma_start3A_161] : memref<10240x128xf32, #tpu.memory_space<vmem_shared>> -> memref<32x128xf32, #tpu.memory_space<vmem_shared>>
      tpu.enqueue_dma source(%arg14 : memref<32x128xf32, #tpu.memory_space<vmem>>) target(%dma_start3A_162 : memref<32x128xf32, #tpu.memory_space<vmem_shared>>) target_semaphore(%run_scoped3A_159 : memref<!tpu.dma_semaphore, #tpu.memory_space<semaphore_mem>>)
      %dma_wait3A = arith.constant 0 : i32
      %dma_wait3A_163 = tpu.memref_slice %arg8[%add3A_112, %dma_wait3A] : memref<10240x128xf32, #tpu.memory_space<vmem_shared>> -> memref<32x128xf32, #tpu.memory_space<vmem_shared>>
      %dma_wait3A_164 = arith.constant 0 : i32
      %dma_wait3A_165 = tpu.memref_slice %arg8[%add3A_112, %dma_wait3A_164] : memref<10240x128xf32, #tpu.memory_space<vmem_shared>> -> memref<32x128xf32, #tpu.memory_space<vmem_shared>>
      tpu.wait_dma2 semaphore(%run_scoped3A_159 : memref<!tpu.dma_semaphore, #tpu.memory_space<semaphore_mem>>) src(%arg14 : memref<32x128xf32, #tpu.memory_space<vmem>>) dst(%dma_wait3A_165 : memref<32x128xf32, #tpu.memory_space<vmem_shared>>)
      tpu.yield
    }) : () -> ()
    %mul3A_113 = arith.constant 640 : i32
    %mul3A_114 = arith.muli %arg1, %mul3A_113 : i32
    %add3A_115 = arith.constant 448 : i32
    %add3A_116 = arith.addi %mul3A_114, %add3A_115 : i32
    "tpu.region"() ({
      %run_scoped3A_159 = tpu.sem_alloc : memref<!tpu.dma_semaphore, #tpu.memory_space<semaphore_mem>>
      %dma_start3A = arith.constant 0 : i32
      %dma_start3A_160 = tpu.memref_slice %arg8[%add3A_116, %dma_start3A] : memref<10240x128xf32, #tpu.memory_space<vmem_shared>> -> memref<32x128xf32, #tpu.memory_space<vmem_shared>>
      %dma_start3A_161 = arith.constant 0 : i32
      %dma_start3A_162 = tpu.memref_slice %arg8[%add3A_116, %dma_start3A_161] : memref<10240x128xf32, #tpu.memory_space<vmem_shared>> -> memref<32x128xf32, #tpu.memory_space<vmem_shared>>
      tpu.enqueue_dma source(%arg14 : memref<32x128xf32, #tpu.memory_space<vmem>>) target(%dma_start3A_162 : memref<32x128xf32, #tpu.memory_space<vmem_shared>>) target_semaphore(%run_scoped3A_159 : memref<!tpu.dma_semaphore, #tpu.memory_space<semaphore_mem>>)
      %dma_wait3A = arith.constant 0 : i32
      %dma_wait3A_163 = tpu.memref_slice %arg8[%add3A_116, %dma_wait3A] : memref<10240x128xf32, #tpu.memory_space<vmem_shared>> -> memref<32x128xf32, #tpu.memory_space<vmem_shared>>
      %dma_wait3A_164 = arith.constant 0 : i32
      %dma_wait3A_165 = tpu.memref_slice %arg8[%add3A_116, %dma_wait3A_164] : memref<10240x128xf32, #tpu.memory_space<vmem_shared>> -> memref<32x128xf32, #tpu.memory_space<vmem_shared>>
      tpu.wait_dma2 semaphore(%run_scoped3A_159 : memref<!tpu.dma_semaphore, #tpu.memory_space<semaphore_mem>>) src(%arg14 : memref<32x128xf32, #tpu.memory_space<vmem>>) dst(%dma_wait3A_165 : memref<32x128xf32, #tpu.memory_space<vmem_shared>>)
      tpu.yield
    }) : () -> ()
    %mul3A_117 = arith.constant 640 : i32
    %mul3A_118 = arith.muli %arg1, %mul3A_117 : i32
    %add3A_119 = arith.constant 480 : i32
    %add3A_120 = arith.addi %mul3A_118, %add3A_119 : i32
    "tpu.region"() ({
      %run_scoped3A_159 = tpu.sem_alloc : memref<!tpu.dma_semaphore, #tpu.memory_space<semaphore_mem>>
      %dma_start3A = arith.constant 0 : i32
      %dma_start3A_160 = tpu.memref_slice %arg8[%add3A_120, %dma_start3A] : memref<10240x128xf32, #tpu.memory_space<vmem_shared>> -> memref<32x128xf32, #tpu.memory_space<vmem_shared>>
      %dma_start3A_161 = arith.constant 0 : i32
      %dma_start3A_162 = tpu.memref_slice %arg8[%add3A_120, %dma_start3A_161] : memref<10240x128xf32, #tpu.memory_space<vmem_shared>> -> memref<32x128xf32, #tpu.memory_space<vmem_shared>>
      tpu.enqueue_dma source(%arg14 : memref<32x128xf32, #tpu.memory_space<vmem>>) target(%dma_start3A_162 : memref<32x128xf32, #tpu.memory_space<vmem_shared>>) target_semaphore(%run_scoped3A_159 : memref<!tpu.dma_semaphore, #tpu.memory_space<semaphore_mem>>)
      %dma_wait3A = arith.constant 0 : i32
      %dma_wait3A_163 = tpu.memref_slice %arg8[%add3A_120, %dma_wait3A] : memref<10240x128xf32, #tpu.memory_space<vmem_shared>> -> memref<32x128xf32, #tpu.memory_space<vmem_shared>>
      %dma_wait3A_164 = arith.constant 0 : i32
      %dma_wait3A_165 = tpu.memref_slice %arg8[%add3A_120, %dma_wait3A_164] : memref<10240x128xf32, #tpu.memory_space<vmem_shared>> -> memref<32x128xf32, #tpu.memory_space<vmem_shared>>
      tpu.wait_dma2 semaphore(%run_scoped3A_159 : memref<!tpu.dma_semaphore, #tpu.memory_space<semaphore_mem>>) src(%arg14 : memref<32x128xf32, #tpu.memory_space<vmem>>) dst(%dma_wait3A_165 : memref<32x128xf32, #tpu.memory_space<vmem_shared>>)
      tpu.yield
    }) : () -> ()
    %mul3A_121 = arith.constant 640 : i32
    %mul3A_122 = arith.muli %arg1, %mul3A_121 : i32
    %add3A_123 = arith.constant 512 : i32
    %add3A_124 = arith.addi %mul3A_122, %add3A_123 : i32
    "tpu.region"() ({
      %run_scoped3A_159 = tpu.sem_alloc : memref<!tpu.dma_semaphore, #tpu.memory_space<semaphore_mem>>
      %dma_start3A = arith.constant 0 : i32
      %dma_start3A_160 = tpu.memref_slice %arg8[%add3A_124, %dma_start3A] : memref<10240x128xf32, #tpu.memory_space<vmem_shared>> -> memref<32x128xf32, #tpu.memory_space<vmem_shared>>
      %dma_start3A_161 = arith.constant 0 : i32
      %dma_start3A_162 = tpu.memref_slice %arg8[%add3A_124, %dma_start3A_161] : memref<10240x128xf32, #tpu.memory_space<vmem_shared>> -> memref<32x128xf32, #tpu.memory_space<vmem_shared>>
      tpu.enqueue_dma source(%arg14 : memref<32x128xf32, #tpu.memory_space<vmem>>) target(%dma_start3A_162 : memref<32x128xf32, #tpu.memory_space<vmem_shared>>) target_semaphore(%run_scoped3A_159 : memref<!tpu.dma_semaphore, #tpu.memory_space<semaphore_mem>>)
      %dma_wait3A = arith.constant 0 : i32
      %dma_wait3A_163 = tpu.memref_slice %arg8[%add3A_124, %dma_wait3A] : memref<10240x128xf32, #tpu.memory_space<vmem_shared>> -> memref<32x128xf32, #tpu.memory_space<vmem_shared>>
      %dma_wait3A_164 = arith.constant 0 : i32
      %dma_wait3A_165 = tpu.memref_slice %arg8[%add3A_124, %dma_wait3A_164] : memref<10240x128xf32, #tpu.memory_space<vmem_shared>> -> memref<32x128xf32, #tpu.memory_space<vmem_shared>>
      tpu.wait_dma2 semaphore(%run_scoped3A_159 : memref<!tpu.dma_semaphore, #tpu.memory_space<semaphore_mem>>) src(%arg14 : memref<32x128xf32, #tpu.memory_space<vmem>>) dst(%dma_wait3A_165 : memref<32x128xf32, #tpu.memory_space<vmem_shared>>)
      tpu.yield
    }) : () -> ()
    %mul3A_125 = arith.constant 640 : i32
    %mul3A_126 = arith.muli %arg1, %mul3A_125 : i32
    %add3A_127 = arith.constant 544 : i32
    %add3A_128 = arith.addi %mul3A_126, %add3A_127 : i32
    "tpu.region"() ({
      %run_scoped3A_159 = tpu.sem_alloc : memref<!tpu.dma_semaphore, #tpu.memory_space<semaphore_mem>>
      %dma_start3A = arith.constant 0 : i32
      %dma_start3A_160 = tpu.memref_slice %arg8[%add3A_128, %dma_start3A] : memref<10240x128xf32, #tpu.memory_space<vmem_shared>> -> memref<32x128xf32, #tpu.memory_space<vmem_shared>>
      %dma_start3A_161 = arith.constant 0 : i32
      %dma_start3A_162 = tpu.memref_slice %arg8[%add3A_128, %dma_start3A_161] : memref<10240x128xf32, #tpu.memory_space<vmem_shared>> -> memref<32x128xf32, #tpu.memory_space<vmem_shared>>
      tpu.enqueue_dma source(%arg14 : memref<32x128xf32, #tpu.memory_space<vmem>>) target(%dma_start3A_162 : memref<32x128xf32, #tpu.memory_space<vmem_shared>>) target_semaphore(%run_scoped3A_159 : memref<!tpu.dma_semaphore, #tpu.memory_space<semaphore_mem>>)
      %dma_wait3A = arith.constant 0 : i32
      %dma_wait3A_163 = tpu.memref_slice %arg8[%add3A_128, %dma_wait3A] : memref<10240x128xf32, #tpu.memory_space<vmem_shared>> -> memref<32x128xf32, #tpu.memory_space<vmem_shared>>
      %dma_wait3A_164 = arith.constant 0 : i32
      %dma_wait3A_165 = tpu.memref_slice %arg8[%add3A_128, %dma_wait3A_164] : memref<10240x128xf32, #tpu.memory_space<vmem_shared>> -> memref<32x128xf32, #tpu.memory_space<vmem_shared>>
      tpu.wait_dma2 semaphore(%run_scoped3A_159 : memref<!tpu.dma_semaphore, #tpu.memory_space<semaphore_mem>>) src(%arg14 : memref<32x128xf32, #tpu.memory_space<vmem>>) dst(%dma_wait3A_165 : memref<32x128xf32, #tpu.memory_space<vmem_shared>>)
      tpu.yield
    }) : () -> ()
    %mul3A_129 = arith.constant 640 : i32
    %mul3A_130 = arith.muli %arg1, %mul3A_129 : i32
    %add3A_131 = arith.constant 576 : i32
    %add3A_132 = arith.addi %mul3A_130, %add3A_131 : i32
    "tpu.region"() ({
      %run_scoped3A_159 = tpu.sem_alloc : memref<!tpu.dma_semaphore, #tpu.memory_space<semaphore_mem>>
      %dma_start3A = arith.constant 0 : i32
      %dma_start3A_160 = tpu.memref_slice %arg8[%add3A_132, %dma_start3A] : memref<10240x128xf32, #tpu.memory_space<vmem_shared>> -> memref<32x128xf32, #tpu.memory_space<vmem_shared>>
      %dma_start3A_161 = arith.constant 0 : i32
      %dma_start3A_162 = tpu.memref_slice %arg8[%add3A_132, %dma_start3A_161] : memref<10240x128xf32, #tpu.memory_space<vmem_shared>> -> memref<32x128xf32, #tpu.memory_space<vmem_shared>>
      tpu.enqueue_dma source(%arg14 : memref<32x128xf32, #tpu.memory_space<vmem>>) target(%dma_start3A_162 : memref<32x128xf32, #tpu.memory_space<vmem_shared>>) target_semaphore(%run_scoped3A_159 : memref<!tpu.dma_semaphore, #tpu.memory_space<semaphore_mem>>)
      %dma_wait3A = arith.constant 0 : i32
      %dma_wait3A_163 = tpu.memref_slice %arg8[%add3A_132, %dma_wait3A] : memref<10240x128xf32, #tpu.memory_space<vmem_shared>> -> memref<32x128xf32, #tpu.memory_space<vmem_shared>>
      %dma_wait3A_164 = arith.constant 0 : i32
      %dma_wait3A_165 = tpu.memref_slice %arg8[%add3A_132, %dma_wait3A_164] : memref<10240x128xf32, #tpu.memory_space<vmem_shared>> -> memref<32x128xf32, #tpu.memory_space<vmem_shared>>
      tpu.wait_dma2 semaphore(%run_scoped3A_159 : memref<!tpu.dma_semaphore, #tpu.memory_space<semaphore_mem>>) src(%arg14 : memref<32x128xf32, #tpu.memory_space<vmem>>) dst(%dma_wait3A_165 : memref<32x128xf32, #tpu.memory_space<vmem_shared>>)
      tpu.yield
    }) : () -> ()
    %mul3A_133 = arith.constant 640 : i32
    %mul3A_134 = arith.muli %arg1, %mul3A_133 : i32
    %add3A_135 = arith.constant 608 : i32
    %add3A_136 = arith.addi %mul3A_134, %add3A_135 : i32
    "tpu.region"() ({
      %run_scoped3A_159 = tpu.sem_alloc : memref<!tpu.dma_semaphore, #tpu.memory_space<semaphore_mem>>
      %dma_start3A = arith.constant 0 : i32
      %dma_start3A_160 = tpu.memref_slice %arg8[%add3A_136, %dma_start3A] : memref<10240x128xf32, #tpu.memory_space<vmem_shared>> -> memref<32x128xf32, #tpu.memory_space<vmem_shared>>
      %dma_start3A_161 = arith.constant 0 : i32
      %dma_start3A_162 = tpu.memref_slice %arg8[%add3A_136, %dma_start3A_161] : memref<10240x128xf32, #tpu.memory_space<vmem_shared>> -> memref<32x128xf32, #tpu.memory_space<vmem_shared>>
      tpu.enqueue_dma source(%arg14 : memref<32x128xf32, #tpu.memory_space<vmem>>) target(%dma_start3A_162 : memref<32x128xf32, #tpu.memory_space<vmem_shared>>) target_semaphore(%run_scoped3A_159 : memref<!tpu.dma_semaphore, #tpu.memory_space<semaphore_mem>>)
      %dma_wait3A = arith.constant 0 : i32
      %dma_wait3A_163 = tpu.memref_slice %arg8[%add3A_136, %dma_wait3A] : memref<10240x128xf32, #tpu.memory_space<vmem_shared>> -> memref<32x128xf32, #tpu.memory_space<vmem_shared>>
      %dma_wait3A_164 = arith.constant 0 : i32
      %dma_wait3A_165 = tpu.memref_slice %arg8[%add3A_136, %dma_wait3A_164] : memref<10240x128xf32, #tpu.memory_space<vmem_shared>> -> memref<32x128xf32, #tpu.memory_space<vmem_shared>>
      tpu.wait_dma2 semaphore(%run_scoped3A_159 : memref<!tpu.dma_semaphore, #tpu.memory_space<semaphore_mem>>) src(%arg14 : memref<32x128xf32, #tpu.memory_space<vmem>>) dst(%dma_wait3A_165 : memref<32x128xf32, #tpu.memory_space<vmem_shared>>)
      tpu.yield
    }) : () -> ()
    %mul3A_137 = arith.constant 640 : i32
    %mul3A_138 = arith.muli %arg1, %mul3A_137 : i32
    "tpu.region"() ({
      %run_scoped3A_159 = tpu.sem_alloc : memref<!tpu.dma_semaphore, #tpu.memory_space<semaphore_mem>>
      %dma_start3A = tpu.memref_slice %arg9[%mul3A_138] : memref<10240xf32, #tpu.memory_space<vmem_shared>> -> memref<640xf32, #tpu.memory_space<vmem_shared>>
      %dma_start3A_160 = tpu.memref_slice %arg9[%mul3A_138] : memref<10240xf32, #tpu.memory_space<vmem_shared>> -> memref<640xf32, #tpu.memory_space<vmem_shared>>
      tpu.enqueue_dma source(%arg15 : memref<640xf32, #tpu.memory_space<vmem>>) target(%dma_start3A_160 : memref<640xf32, #tpu.memory_space<vmem_shared>>) target_semaphore(%run_scoped3A_159 : memref<!tpu.dma_semaphore, #tpu.memory_space<semaphore_mem>>)
      %dma_wait3A = tpu.memref_slice %arg9[%mul3A_138] : memref<10240xf32, #tpu.memory_space<vmem_shared>> -> memref<640xf32, #tpu.memory_space<vmem_shared>>
      %dma_wait3A_161 = tpu.memref_slice %arg9[%mul3A_138] : memref<10240xf32, #tpu.memory_space<vmem_shared>> -> memref<640xf32, #tpu.memory_space<vmem_shared>>
      tpu.wait_dma2 semaphore(%run_scoped3A_159 : memref<!tpu.dma_semaphore, #tpu.memory_space<semaphore_mem>>) src(%arg15 : memref<640xf32, #tpu.memory_space<vmem>>) dst(%dma_wait3A_161 : memref<640xf32, #tpu.memory_space<vmem_shared>>)
      tpu.yield
    }) : () -> ()
    %barrier3A = arith.constant 0 : index
    tpu.barrier barrier_id(%barrier3A)
    %run_scoped3A = arith.constant 0 : i32
    "tpu.region"() ({
      %run_scoped3A_159 = tpu.sem_alloc : memref<!tpu.dma_semaphore, #tpu.memory_space<semaphore_mem>>
      %dma_start3A = arith.constant 0 : i32
      %dma_start3A_160 = arith.constant 0 : i32
      %dma_start3A_161 = tpu.memref_slice %arg10[%run_scoped3A, %dma_start3A, %dma_start3A_160] : memref<2x8x128xi32, #tpu.memory_space<vmem>> -> memref<1x8x128xi32, #tpu.memory_space<vmem>>
      %dma_start3A_162 = tpu.memref_squeeze %dma_start3A_161 : memref<1x8x128xi32, #tpu.memory_space<vmem>> -> memref<8x128xi32, #tpu.memory_space<vmem>>
      %dma_start3A_163 = arith.constant 0 : i32
      %dma_start3A_164 = arith.constant 0 : i32
      %dma_start3A_165 = tpu.memref_slice %arg3[%arg1, %dma_start3A_163, %dma_start3A_164] : memref<16x160x128xi32, #tpu.memory_space<hbm>> -> memref<1x8x128xi32, #tpu.memory_space<hbm>>
      %dma_start3A_166 = tpu.memref_squeeze %dma_start3A_165 : memref<1x8x128xi32, #tpu.memory_space<hbm>> -> memref<8x128xi32, #tpu.memory_space<hbm>>
      %dma_start3A_167 = arith.constant 0 : i32
      %dma_start3A_168 = arith.constant 0 : i32
      %dma_start3A_169 = tpu.memref_slice %arg10[%run_scoped3A, %dma_start3A_167, %dma_start3A_168] : memref<2x8x128xi32, #tpu.memory_space<vmem>> -> memref<1x8x128xi32, #tpu.memory_space<vmem>>
      %dma_start3A_170 = tpu.memref_squeeze %dma_start3A_169 : memref<1x8x128xi32, #tpu.memory_space<vmem>> -> memref<8x128xi32, #tpu.memory_space<vmem>>
      %dma_start3A_171 = arith.constant 0 : i32
      %dma_start3A_172 = arith.constant 0 : i32
      %dma_start3A_173 = tpu.memref_slice %arg3[%arg1, %dma_start3A_171, %dma_start3A_172] : memref<16x160x128xi32, #tpu.memory_space<hbm>> -> memref<1x8x128xi32, #tpu.memory_space<hbm>>
      %dma_start3A_174 = tpu.memref_squeeze %dma_start3A_173 : memref<1x8x128xi32, #tpu.memory_space<hbm>> -> memref<8x128xi32, #tpu.memory_space<hbm>>
      tpu.enqueue_dma source(%dma_start3A_174 : memref<8x128xi32, #tpu.memory_space<hbm>>) target(%dma_start3A_170 : memref<8x128xi32, #tpu.memory_space<vmem>>) target_semaphore(%run_scoped3A_159 : memref<!tpu.dma_semaphore, #tpu.memory_space<semaphore_mem>>)
      %dma_wait3A = arith.constant 0 : i32
      %dma_wait3A_175 = arith.constant 0 : i32
      %dma_wait3A_176 = tpu.memref_slice %arg10[%run_scoped3A, %dma_wait3A, %dma_wait3A_175] : memref<2x8x128xi32, #tpu.memory_space<vmem>> -> memref<1x8x128xi32, #tpu.memory_space<vmem>>
      %dma_wait3A_177 = tpu.memref_squeeze %dma_wait3A_176 : memref<1x8x128xi32, #tpu.memory_space<vmem>> -> memref<8x128xi32, #tpu.memory_space<vmem>>
      %dma_wait3A_178 = arith.constant 0 : i32
      %dma_wait3A_179 = arith.constant 0 : i32
      %dma_wait3A_180 = tpu.memref_slice %arg3[%arg1, %dma_wait3A_178, %dma_wait3A_179] : memref<16x160x128xi32, #tpu.memory_space<hbm>> -> memref<1x8x128xi32, #tpu.memory_space<hbm>>
      %dma_wait3A_181 = tpu.memref_squeeze %dma_wait3A_180 : memref<1x8x128xi32, #tpu.memory_space<hbm>> -> memref<8x128xi32, #tpu.memory_space<hbm>>
      %dma_wait3A_182 = arith.constant 0 : i32
      %dma_wait3A_183 = arith.constant 0 : i32
      %dma_wait3A_184 = tpu.memref_slice %arg10[%run_scoped3A, %dma_wait3A_182, %dma_wait3A_183] : memref<2x8x128xi32, #tpu.memory_space<vmem>> -> memref<1x8x128xi32, #tpu.memory_space<vmem>>
      %dma_wait3A_185 = tpu.memref_squeeze %dma_wait3A_184 : memref<1x8x128xi32, #tpu.memory_space<vmem>> -> memref<8x128xi32, #tpu.memory_space<vmem>>
      %dma_wait3A_186 = arith.constant 0 : i32
      %dma_wait3A_187 = arith.constant 0 : i32
      %dma_wait3A_188 = tpu.memref_slice %arg3[%arg1, %dma_wait3A_186, %dma_wait3A_187] : memref<16x160x128xi32, #tpu.memory_space<hbm>> -> memref<1x8x128xi32, #tpu.memory_space<hbm>>
      %dma_wait3A_189 = tpu.memref_squeeze %dma_wait3A_188 : memref<1x8x128xi32, #tpu.memory_space<hbm>> -> memref<8x128xi32, #tpu.memory_space<hbm>>
      tpu.wait_dma2 semaphore(%run_scoped3A_159 : memref<!tpu.dma_semaphore, #tpu.memory_space<semaphore_mem>>) src(%dma_wait3A_189 : memref<8x128xi32, #tpu.memory_space<hbm>>) dst(%dma_wait3A_185 : memref<8x128xi32, #tpu.memory_space<vmem>>)
      tpu.yield
    }) : () -> ()
    %run_scoped3A_139 = arith.constant 0 : i32
    "tpu.region"() ({
      %run_scoped3A_159 = tpu.sem_alloc : memref<!tpu.dma_semaphore, #tpu.memory_space<semaphore_mem>>
      %dma_start3A = arith.constant 0 : i32
      %dma_start3A_160 = arith.constant 0 : i32
      %dma_start3A_161 = tpu.memref_slice %arg11[%run_scoped3A_139, %dma_start3A, %dma_start3A_160] : memref<2x8x128xi32, #tpu.memory_space<vmem>> -> memref<1x8x128xi32, #tpu.memory_space<vmem>>
      %dma_start3A_162 = tpu.memref_squeeze %dma_start3A_161 : memref<1x8x128xi32, #tpu.memory_space<vmem>> -> memref<8x128xi32, #tpu.memory_space<vmem>>
      %dma_start3A_163 = arith.constant 0 : i32
      %dma_start3A_164 = arith.constant 0 : i32
      %dma_start3A_165 = tpu.memref_slice %arg4[%arg1, %dma_start3A_163, %dma_start3A_164] : memref<16x160x128xi32, #tpu.memory_space<hbm>> -> memref<1x8x128xi32, #tpu.memory_space<hbm>>
      %dma_start3A_166 = tpu.memref_squeeze %dma_start3A_165 : memref<1x8x128xi32, #tpu.memory_space<hbm>> -> memref<8x128xi32, #tpu.memory_space<hbm>>
      %dma_start3A_167 = arith.constant 0 : i32
      %dma_start3A_168 = arith.constant 0 : i32
      %dma_start3A_169 = tpu.memref_slice %arg11[%run_scoped3A_139, %dma_start3A_167, %dma_start3A_168] : memref<2x8x128xi32, #tpu.memory_space<vmem>> -> memref<1x8x128xi32, #tpu.memory_space<vmem>>
      %dma_start3A_170 = tpu.memref_squeeze %dma_start3A_169 : memref<1x8x128xi32, #tpu.memory_space<vmem>> -> memref<8x128xi32, #tpu.memory_space<vmem>>
      %dma_start3A_171 = arith.constant 0 : i32
      %dma_start3A_172 = arith.constant 0 : i32
      %dma_start3A_173 = tpu.memref_slice %arg4[%arg1, %dma_start3A_171, %dma_start3A_172] : memref<16x160x128xi32, #tpu.memory_space<hbm>> -> memref<1x8x128xi32, #tpu.memory_space<hbm>>
      %dma_start3A_174 = tpu.memref_squeeze %dma_start3A_173 : memref<1x8x128xi32, #tpu.memory_space<hbm>> -> memref<8x128xi32, #tpu.memory_space<hbm>>
      tpu.enqueue_dma source(%dma_start3A_174 : memref<8x128xi32, #tpu.memory_space<hbm>>) target(%dma_start3A_170 : memref<8x128xi32, #tpu.memory_space<vmem>>) target_semaphore(%run_scoped3A_159 : memref<!tpu.dma_semaphore, #tpu.memory_space<semaphore_mem>>)
      %dma_wait3A = arith.constant 0 : i32
      %dma_wait3A_175 = arith.constant 0 : i32
      %dma_wait3A_176 = tpu.memref_slice %arg11[%run_scoped3A_139, %dma_wait3A, %dma_wait3A_175] : memref<2x8x128xi32, #tpu.memory_space<vmem>> -> memref<1x8x128xi32, #tpu.memory_space<vmem>>
      %dma_wait3A_177 = tpu.memref_squeeze %dma_wait3A_176 : memref<1x8x128xi32, #tpu.memory_space<vmem>> -> memref<8x128xi32, #tpu.memory_space<vmem>>
      %dma_wait3A_178 = arith.constant 0 : i32
      %dma_wait3A_179 = arith.constant 0 : i32
      %dma_wait3A_180 = tpu.memref_slice %arg4[%arg1, %dma_wait3A_178, %dma_wait3A_179] : memref<16x160x128xi32, #tpu.memory_space<hbm>> -> memref<1x8x128xi32, #tpu.memory_space<hbm>>
      %dma_wait3A_181 = tpu.memref_squeeze %dma_wait3A_180 : memref<1x8x128xi32, #tpu.memory_space<hbm>> -> memref<8x128xi32, #tpu.memory_space<hbm>>
      %dma_wait3A_182 = arith.constant 0 : i32
      %dma_wait3A_183 = arith.constant 0 : i32
      %dma_wait3A_184 = tpu.memref_slice %arg11[%run_scoped3A_139, %dma_wait3A_182, %dma_wait3A_183] : memref<2x8x128xi32, #tpu.memory_space<vmem>> -> memref<1x8x128xi32, #tpu.memory_space<vmem>>
      %dma_wait3A_185 = tpu.memref_squeeze %dma_wait3A_184 : memref<1x8x128xi32, #tpu.memory_space<vmem>> -> memref<8x128xi32, #tpu.memory_space<vmem>>
      %dma_wait3A_186 = arith.constant 0 : i32
      %dma_wait3A_187 = arith.constant 0 : i32
      %dma_wait3A_188 = tpu.memref_slice %arg4[%arg1, %dma_wait3A_186, %dma_wait3A_187] : memref<16x160x128xi32, #tpu.memory_space<hbm>> -> memref<1x8x128xi32, #tpu.memory_space<hbm>>
      %dma_wait3A_189 = tpu.memref_squeeze %dma_wait3A_188 : memref<1x8x128xi32, #tpu.memory_space<hbm>> -> memref<8x128xi32, #tpu.memory_space<hbm>>
      tpu.wait_dma2 semaphore(%run_scoped3A_159 : memref<!tpu.dma_semaphore, #tpu.memory_space<semaphore_mem>>) src(%dma_wait3A_189 : memref<8x128xi32, #tpu.memory_space<hbm>>) dst(%dma_wait3A_185 : memref<8x128xi32, #tpu.memory_space<vmem>>)
      tpu.yield
    }) : () -> ()
    %eq3A = arith.constant 1 : i32
    %eq3A_140 = arith.cmpi eq, %arg0, %eq3A : i32
    %convert_element_type3A = arith.extui %eq3A_140 : i1 to i32
    %cond3A = arith.constant 0 : i32
    %cond3A_141 = arith.cmpi ne, %convert_element_type3A, %cond3A : i32
    scf.if %cond3A_141 {
      %dma_start3A = arith.constant 0 : i32
      %dma_start3A_159 = arith.constant 0 : i32
      %dma_start3A_160 = arith.constant 0 : i32
      %dma_start3A_161 = arith.constant 0 : i32
      %dma_start3A_162 = arith.constant 0 : i32
      %dma_start3A_163 = tpu.memref_slice %arg12[%dma_start3A_160, %dma_start3A_161, %dma_start3A_162] : memref<2x8x128xi32, #tpu.memory_space<vmem>> -> memref<1x1x128xi32, #tpu.memory_space<vmem>>
      %dma_start3A_164 = tpu.memref_squeeze %dma_start3A_163 : memref<1x1x128xi32, #tpu.memory_space<vmem>> -> memref<128xi32, #tpu.memory_space<vmem>>
      %dma_start3A_165 = arith.constant 0 : i32
      %dma_start3A_166 = tpu.memref_slice %arg10[%dma_start3A, %dma_start3A_159, %dma_start3A_165] : memref<2x8x128xi32, #tpu.memory_space<vmem>> -> memref<1x1x128xi32, #tpu.memory_space<vmem>>
      %dma_start3A_167 = tpu.memref_squeeze %dma_start3A_166 : memref<1x1x128xi32, #tpu.memory_space<vmem>> -> memref<128xi32, #tpu.memory_space<vmem>>
      %dma_start3A_168 = arith.constant 0 : i32
      %dma_start3A_169 = tpu.memref_slice %arg5[%dma_start3A_168] : memref<10000xi32, #tpu.memory_space<hbm>> -> memref<10000xi32, #tpu.memory_space<hbm>>
      tpu.enqueue_indirect_dma source(%dma_start3A_169 : memref<10000xi32, #tpu.memory_space<hbm>>) target(%dma_start3A_164 : memref<128xi32, #tpu.memory_space<vmem>>) offsets(%dma_start3A_167 : memref<128xi32, #tpu.memory_space<vmem>>) semaphore(%arg20 : memref<!tpu.dma_semaphore, #tpu.memory_space<semaphore_mem>>)
      %dma_start3A_170 = arith.constant 0 : i32
      %dma_start3A_171 = arith.constant 1 : i32
      %dma_start3A_172 = arith.constant 0 : i32
      %dma_start3A_173 = arith.constant 1 : i32
      %dma_start3A_174 = arith.constant 0 : i32
      %dma_start3A_175 = tpu.memref_slice %arg12[%dma_start3A_172, %dma_start3A_173, %dma_start3A_174] : memref<2x8x128xi32, #tpu.memory_space<vmem>> -> memref<1x1x128xi32, #tpu.memory_space<vmem>>
      %dma_start3A_176 = tpu.memref_squeeze %dma_start3A_175 : memref<1x1x128xi32, #tpu.memory_space<vmem>> -> memref<128xi32, #tpu.memory_space<vmem>>
      %dma_start3A_177 = arith.constant 0 : i32
      %dma_start3A_178 = tpu.memref_slice %arg10[%dma_start3A_170, %dma_start3A_171, %dma_start3A_177] : memref<2x8x128xi32, #tpu.memory_space<vmem>> -> memref<1x1x128xi32, #tpu.memory_space<vmem>>
      %dma_start3A_179 = tpu.memref_squeeze %dma_start3A_178 : memref<1x1x128xi32, #tpu.memory_space<vmem>> -> memref<128xi32, #tpu.memory_space<vmem>>
      %dma_start3A_180 = arith.constant 0 : i32
      %dma_start3A_181 = tpu.memref_slice %arg5[%dma_start3A_180] : memref<10000xi32, #tpu.memory_space<hbm>> -> memref<10000xi32, #tpu.memory_space<hbm>>
      tpu.enqueue_indirect_dma source(%dma_start3A_181 : memref<10000xi32, #tpu.memory_space<hbm>>) target(%dma_start3A_176 : memref<128xi32, #tpu.memory_space<vmem>>) offsets(%dma_start3A_179 : memref<128xi32, #tpu.memory_space<vmem>>) semaphore(%arg20 : memref<!tpu.dma_semaphore, #tpu.memory_space<semaphore_mem>>)
      %dma_start3A_182 = arith.constant 0 : i32
      %dma_start3A_183 = arith.constant 2 : i32
      %dma_start3A_184 = arith.constant 0 : i32
      %dma_start3A_185 = arith.constant 2 : i32
      %dma_start3A_186 = arith.constant 0 : i32
      %dma_start3A_187 = tpu.memref_slice %arg12[%dma_start3A_184, %dma_start3A_185, %dma_start3A_186] : memref<2x8x128xi32, #tpu.memory_space<vmem>> -> memref<1x1x128xi32, #tpu.memory_space<vmem>>
      %dma_start3A_188 = tpu.memref_squeeze %dma_start3A_187 : memref<1x1x128xi32, #tpu.memory_space<vmem>> -> memref<128xi32, #tpu.memory_space<vmem>>
      %dma_start3A_189 = arith.constant 0 : i32
      %dma_start3A_190 = tpu.memref_slice %arg10[%dma_start3A_182, %dma_start3A_183, %dma_start3A_189] : memref<2x8x128xi32, #tpu.memory_space<vmem>> -> memref<1x1x128xi32, #tpu.memory_space<vmem>>
      %dma_start3A_191 = tpu.memref_squeeze %dma_start3A_190 : memref<1x1x128xi32, #tpu.memory_space<vmem>> -> memref<128xi32, #tpu.memory_space<vmem>>
      %dma_start3A_192 = arith.constant 0 : i32
      %dma_start3A_193 = tpu.memref_slice %arg5[%dma_start3A_192] : memref<10000xi32, #tpu.memory_space<hbm>> -> memref<10000xi32, #tpu.memory_space<hbm>>
      tpu.enqueue_indirect_dma source(%dma_start3A_193 : memref<10000xi32, #tpu.memory_space<hbm>>) target(%dma_start3A_188 : memref<128xi32, #tpu.memory_space<vmem>>) offsets(%dma_start3A_191 : memref<128xi32, #tpu.memory_space<vmem>>) semaphore(%arg20 : memref<!tpu.dma_semaphore, #tpu.memory_space<semaphore_mem>>)
      %dma_start3A_194 = arith.constant 0 : i32
      %dma_start3A_195 = arith.constant 3 : i32
      %dma_start3A_196 = arith.constant 0 : i32
      %dma_start3A_197 = arith.constant 3 : i32
      %dma_start3A_198 = arith.constant 0 : i32
      %dma_start3A_199 = tpu.memref_slice %arg12[%dma_start3A_196, %dma_start3A_197, %dma_start3A_198] : memref<2x8x128xi32, #tpu.memory_space<vmem>> -> memref<1x1x128xi32, #tpu.memory_space<vmem>>
      %dma_start3A_200 = tpu.memref_squeeze %dma_start3A_199 : memref<1x1x128xi32, #tpu.memory_space<vmem>> -> memref<128xi32, #tpu.memory_space<vmem>>
      %dma_start3A_201 = arith.constant 0 : i32
      %dma_start3A_202 = tpu.memref_slice %arg10[%dma_start3A_194, %dma_start3A_195, %dma_start3A_201] : memref<2x8x128xi32, #tpu.memory_space<vmem>> -> memref<1x1x128xi32, #tpu.memory_space<vmem>>
      %dma_start3A_203 = tpu.memref_squeeze %dma_start3A_202 : memref<1x1x128xi32, #tpu.memory_space<vmem>> -> memref<128xi32, #tpu.memory_space<vmem>>
      %dma_start3A_204 = arith.constant 0 : i32
      %dma_start3A_205 = tpu.memref_slice %arg5[%dma_start3A_204] : memref<10000xi32, #tpu.memory_space<hbm>> -> memref<10000xi32, #tpu.memory_space<hbm>>
      tpu.enqueue_indirect_dma source(%dma_start3A_205 : memref<10000xi32, #tpu.memory_space<hbm>>) target(%dma_start3A_200 : memref<128xi32, #tpu.memory_space<vmem>>) offsets(%dma_start3A_203 : memref<128xi32, #tpu.memory_space<vmem>>) semaphore(%arg20 : memref<!tpu.dma_semaphore, #tpu.memory_space<semaphore_mem>>)
      %dma_start3A_206 = arith.constant 0 : i32
      %dma_start3A_207 = arith.constant 4 : i32
      %dma_start3A_208 = arith.constant 0 : i32
      %dma_start3A_209 = arith.constant 4 : i32
      %dma_start3A_210 = arith.constant 0 : i32
      %dma_start3A_211 = tpu.memref_slice %arg12[%dma_start3A_208, %dma_start3A_209, %dma_start3A_210] : memref<2x8x128xi32, #tpu.memory_space<vmem>> -> memref<1x1x128xi32, #tpu.memory_space<vmem>>
      %dma_start3A_212 = tpu.memref_squeeze %dma_start3A_211 : memref<1x1x128xi32, #tpu.memory_space<vmem>> -> memref<128xi32, #tpu.memory_space<vmem>>
      %dma_start3A_213 = arith.constant 0 : i32
      %dma_start3A_214 = tpu.memref_slice %arg10[%dma_start3A_206, %dma_start3A_207, %dma_start3A_213] : memref<2x8x128xi32, #tpu.memory_space<vmem>> -> memref<1x1x128xi32, #tpu.memory_space<vmem>>
      %dma_start3A_215 = tpu.memref_squeeze %dma_start3A_214 : memref<1x1x128xi32, #tpu.memory_space<vmem>> -> memref<128xi32, #tpu.memory_space<vmem>>
      %dma_start3A_216 = arith.constant 0 : i32
      %dma_start3A_217 = tpu.memref_slice %arg5[%dma_start3A_216] : memref<10000xi32, #tpu.memory_space<hbm>> -> memref<10000xi32, #tpu.memory_space<hbm>>
      tpu.enqueue_indirect_dma source(%dma_start3A_217 : memref<10000xi32, #tpu.memory_space<hbm>>) target(%dma_start3A_212 : memref<128xi32, #tpu.memory_space<vmem>>) offsets(%dma_start3A_215 : memref<128xi32, #tpu.memory_space<vmem>>) semaphore(%arg20 : memref<!tpu.dma_semaphore, #tpu.memory_space<semaphore_mem>>)
      %dma_start3A_218 = arith.constant 0 : i32
      %dma_start3A_219 = arith.constant 5 : i32
      %dma_start3A_220 = arith.constant 0 : i32
      %dma_start3A_221 = arith.constant 5 : i32
      %dma_start3A_222 = arith.constant 0 : i32
      %dma_start3A_223 = tpu.memref_slice %arg12[%dma_start3A_220, %dma_start3A_221, %dma_start3A_222] : memref<2x8x128xi32, #tpu.memory_space<vmem>> -> memref<1x1x128xi32, #tpu.memory_space<vmem>>
      %dma_start3A_224 = tpu.memref_squeeze %dma_start3A_223 : memref<1x1x128xi32, #tpu.memory_space<vmem>> -> memref<128xi32, #tpu.memory_space<vmem>>
      %dma_start3A_225 = arith.constant 0 : i32
      %dma_start3A_226 = tpu.memref_slice %arg10[%dma_start3A_218, %dma_start3A_219, %dma_start3A_225] : memref<2x8x128xi32, #tpu.memory_space<vmem>> -> memref<1x1x128xi32, #tpu.memory_space<vmem>>
      %dma_start3A_227 = tpu.memref_squeeze %dma_start3A_226 : memref<1x1x128xi32, #tpu.memory_space<vmem>> -> memref<128xi32, #tpu.memory_space<vmem>>
      %dma_start3A_228 = arith.constant 0 : i32
      %dma_start3A_229 = tpu.memref_slice %arg5[%dma_start3A_228] : memref<10000xi32, #tpu.memory_space<hbm>> -> memref<10000xi32, #tpu.memory_space<hbm>>
      tpu.enqueue_indirect_dma source(%dma_start3A_229 : memref<10000xi32, #tpu.memory_space<hbm>>) target(%dma_start3A_224 : memref<128xi32, #tpu.memory_space<vmem>>) offsets(%dma_start3A_227 : memref<128xi32, #tpu.memory_space<vmem>>) semaphore(%arg20 : memref<!tpu.dma_semaphore, #tpu.memory_space<semaphore_mem>>)
      %dma_start3A_230 = arith.constant 0 : i32
      %dma_start3A_231 = arith.constant 6 : i32
      %dma_start3A_232 = arith.constant 0 : i32
      %dma_start3A_233 = arith.constant 6 : i32
      %dma_start3A_234 = arith.constant 0 : i32
      %dma_start3A_235 = tpu.memref_slice %arg12[%dma_start3A_232, %dma_start3A_233, %dma_start3A_234] : memref<2x8x128xi32, #tpu.memory_space<vmem>> -> memref<1x1x128xi32, #tpu.memory_space<vmem>>
      %dma_start3A_236 = tpu.memref_squeeze %dma_start3A_235 : memref<1x1x128xi32, #tpu.memory_space<vmem>> -> memref<128xi32, #tpu.memory_space<vmem>>
      %dma_start3A_237 = arith.constant 0 : i32
      %dma_start3A_238 = tpu.memref_slice %arg10[%dma_start3A_230, %dma_start3A_231, %dma_start3A_237] : memref<2x8x128xi32, #tpu.memory_space<vmem>> -> memref<1x1x128xi32, #tpu.memory_space<vmem>>
      %dma_start3A_239 = tpu.memref_squeeze %dma_start3A_238 : memref<1x1x128xi32, #tpu.memory_space<vmem>> -> memref<128xi32, #tpu.memory_space<vmem>>
      %dma_start3A_240 = arith.constant 0 : i32
      %dma_start3A_241 = tpu.memref_slice %arg5[%dma_start3A_240] : memref<10000xi32, #tpu.memory_space<hbm>> -> memref<10000xi32, #tpu.memory_space<hbm>>
      tpu.enqueue_indirect_dma source(%dma_start3A_241 : memref<10000xi32, #tpu.memory_space<hbm>>) target(%dma_start3A_236 : memref<128xi32, #tpu.memory_space<vmem>>) offsets(%dma_start3A_239 : memref<128xi32, #tpu.memory_space<vmem>>) semaphore(%arg20 : memref<!tpu.dma_semaphore, #tpu.memory_space<semaphore_mem>>)
      %dma_start3A_242 = arith.constant 0 : i32
      %dma_start3A_243 = arith.constant 7 : i32
      %dma_start3A_244 = arith.constant 0 : i32
      %dma_start3A_245 = arith.constant 7 : i32
      %dma_start3A_246 = arith.constant 0 : i32
      %dma_start3A_247 = tpu.memref_slice %arg12[%dma_start3A_244, %dma_start3A_245, %dma_start3A_246] : memref<2x8x128xi32, #tpu.memory_space<vmem>> -> memref<1x1x128xi32, #tpu.memory_space<vmem>>
      %dma_start3A_248 = tpu.memref_squeeze %dma_start3A_247 : memref<1x1x128xi32, #tpu.memory_space<vmem>> -> memref<128xi32, #tpu.memory_space<vmem>>
      %dma_start3A_249 = arith.constant 0 : i32
      %dma_start3A_250 = tpu.memref_slice %arg10[%dma_start3A_242, %dma_start3A_243, %dma_start3A_249] : memref<2x8x128xi32, #tpu.memory_space<vmem>> -> memref<1x1x128xi32, #tpu.memory_space<vmem>>
      %dma_start3A_251 = tpu.memref_squeeze %dma_start3A_250 : memref<1x1x128xi32, #tpu.memory_space<vmem>> -> memref<128xi32, #tpu.memory_space<vmem>>
      %dma_start3A_252 = arith.constant 0 : i32
      %dma_start3A_253 = tpu.memref_slice %arg5[%dma_start3A_252] : memref<10000xi32, #tpu.memory_space<hbm>> -> memref<10000xi32, #tpu.memory_space<hbm>>
      tpu.enqueue_indirect_dma source(%dma_start3A_253 : memref<10000xi32, #tpu.memory_space<hbm>>) target(%dma_start3A_248 : memref<128xi32, #tpu.memory_space<vmem>>) offsets(%dma_start3A_251 : memref<128xi32, #tpu.memory_space<vmem>>) semaphore(%arg20 : memref<!tpu.dma_semaphore, #tpu.memory_space<semaphore_mem>>)
      %dma_wait3A = arith.constant 0 : i32
      %dma_wait3A_254 = arith.constant 0 : i32
      %dma_wait3A_255 = arith.constant 0 : i32
      %dma_wait3A_256 = arith.constant 0 : i32
      %dma_wait3A_257 = arith.constant 0 : i32
      %dma_wait3A_258 = tpu.memref_slice %arg12[%dma_wait3A_255, %dma_wait3A_256, %dma_wait3A_257] : memref<2x8x128xi32, #tpu.memory_space<vmem>> -> memref<1x1x128xi32, #tpu.memory_space<vmem>>
      %dma_wait3A_259 = tpu.memref_squeeze %dma_wait3A_258 : memref<1x1x128xi32, #tpu.memory_space<vmem>> -> memref<128xi32, #tpu.memory_space<vmem>>
      %dma_wait3A_260 = arith.constant 0 : i32
      %dma_wait3A_261 = tpu.memref_slice %arg10[%dma_wait3A, %dma_wait3A_254, %dma_wait3A_260] : memref<2x8x128xi32, #tpu.memory_space<vmem>> -> memref<1x1x128xi32, #tpu.memory_space<vmem>>
      %dma_wait3A_262 = tpu.memref_squeeze %dma_wait3A_261 : memref<1x1x128xi32, #tpu.memory_space<vmem>> -> memref<128xi32, #tpu.memory_space<vmem>>
      %dma_wait3A_263 = arith.constant 0 : i32
      %dma_wait3A_264 = tpu.memref_slice %arg5[%dma_wait3A_263] : memref<10000xi32, #tpu.memory_space<hbm>> -> memref<10000xi32, #tpu.memory_space<hbm>>
      tpu.wait_indirect_dma semaphore(%arg20 : memref<!tpu.dma_semaphore, #tpu.memory_space<semaphore_mem>>) src(%dma_wait3A_264 : memref<10000xi32, #tpu.memory_space<hbm>>) dst(%dma_wait3A_259 : memref<128xi32, #tpu.memory_space<vmem>>)
      %dma_wait3A_265 = arith.constant 0 : i32
      %dma_wait3A_266 = arith.constant 1 : i32
      %dma_wait3A_267 = arith.constant 0 : i32
      %dma_wait3A_268 = arith.constant 1 : i32
      %dma_wait3A_269 = arith.constant 0 : i32
      %dma_wait3A_270 = tpu.memref_slice %arg12[%dma_wait3A_267, %dma_wait3A_268, %dma_wait3A_269] : memref<2x8x128xi32, #tpu.memory_space<vmem>> -> memref<1x1x128xi32, #tpu.memory_space<vmem>>
      %dma_wait3A_271 = tpu.memref_squeeze %dma_wait3A_270 : memref<1x1x128xi32, #tpu.memory_space<vmem>> -> memref<128xi32, #tpu.memory_space<vmem>>
      %dma_wait3A_272 = arith.constant 0 : i32
      %dma_wait3A_273 = tpu.memref_slice %arg10[%dma_wait3A_265, %dma_wait3A_266, %dma_wait3A_272] : memref<2x8x128xi32, #tpu.memory_space<vmem>> -> memref<1x1x128xi32, #tpu.memory_space<vmem>>
      %dma_wait3A_274 = tpu.memref_squeeze %dma_wait3A_273 : memref<1x1x128xi32, #tpu.memory_space<vmem>> -> memref<128xi32, #tpu.memory_space<vmem>>
      %dma_wait3A_275 = arith.constant 0 : i32
      %dma_wait3A_276 = tpu.memref_slice %arg5[%dma_wait3A_275] : memref<10000xi32, #tpu.memory_space<hbm>> -> memref<10000xi32, #tpu.memory_space<hbm>>
      tpu.wait_indirect_dma semaphore(%arg20 : memref<!tpu.dma_semaphore, #tpu.memory_space<semaphore_mem>>) src(%dma_wait3A_276 : memref<10000xi32, #tpu.memory_space<hbm>>) dst(%dma_wait3A_271 : memref<128xi32, #tpu.memory_space<vmem>>)
      %dma_wait3A_277 = arith.constant 0 : i32
      %dma_wait3A_278 = arith.constant 2 : i32
      %dma_wait3A_279 = arith.constant 0 : i32
      %dma_wait3A_280 = arith.constant 2 : i32
      %dma_wait3A_281 = arith.constant 0 : i32
      %dma_wait3A_282 = tpu.memref_slice %arg12[%dma_wait3A_279, %dma_wait3A_280, %dma_wait3A_281] : memref<2x8x128xi32, #tpu.memory_space<vmem>> -> memref<1x1x128xi32, #tpu.memory_space<vmem>>
      %dma_wait3A_283 = tpu.memref_squeeze %dma_wait3A_282 : memref<1x1x128xi32, #tpu.memory_space<vmem>> -> memref<128xi32, #tpu.memory_space<vmem>>
      %dma_wait3A_284 = arith.constant 0 : i32
      %dma_wait3A_285 = tpu.memref_slice %arg10[%dma_wait3A_277, %dma_wait3A_278, %dma_wait3A_284] : memref<2x8x128xi32, #tpu.memory_space<vmem>> -> memref<1x1x128xi32, #tpu.memory_space<vmem>>
      %dma_wait3A_286 = tpu.memref_squeeze %dma_wait3A_285 : memref<1x1x128xi32, #tpu.memory_space<vmem>> -> memref<128xi32, #tpu.memory_space<vmem>>
      %dma_wait3A_287 = arith.constant 0 : i32
      %dma_wait3A_288 = tpu.memref_slice %arg5[%dma_wait3A_287] : memref<10000xi32, #tpu.memory_space<hbm>> -> memref<10000xi32, #tpu.memory_space<hbm>>
      tpu.wait_indirect_dma semaphore(%arg20 : memref<!tpu.dma_semaphore, #tpu.memory_space<semaphore_mem>>) src(%dma_wait3A_288 : memref<10000xi32, #tpu.memory_space<hbm>>) dst(%dma_wait3A_283 : memref<128xi32, #tpu.memory_space<vmem>>)
      %dma_wait3A_289 = arith.constant 0 : i32
      %dma_wait3A_290 = arith.constant 3 : i32
      %dma_wait3A_291 = arith.constant 0 : i32
      %dma_wait3A_292 = arith.constant 3 : i32
      %dma_wait3A_293 = arith.constant 0 : i32
      %dma_wait3A_294 = tpu.memref_slice %arg12[%dma_wait3A_291, %dma_wait3A_292, %dma_wait3A_293] : memref<2x8x128xi32, #tpu.memory_space<vmem>> -> memref<1x1x128xi32, #tpu.memory_space<vmem>>
      %dma_wait3A_295 = tpu.memref_squeeze %dma_wait3A_294 : memref<1x1x128xi32, #tpu.memory_space<vmem>> -> memref<128xi32, #tpu.memory_space<vmem>>
      %dma_wait3A_296 = arith.constant 0 : i32
      %dma_wait3A_297 = tpu.memref_slice %arg10[%dma_wait3A_289, %dma_wait3A_290, %dma_wait3A_296] : memref<2x8x128xi32, #tpu.memory_space<vmem>> -> memref<1x1x128xi32, #tpu.memory_space<vmem>>
      %dma_wait3A_298 = tpu.memref_squeeze %dma_wait3A_297 : memref<1x1x128xi32, #tpu.memory_space<vmem>> -> memref<128xi32, #tpu.memory_space<vmem>>
      %dma_wait3A_299 = arith.constant 0 : i32
      %dma_wait3A_300 = tpu.memref_slice %arg5[%dma_wait3A_299] : memref<10000xi32, #tpu.memory_space<hbm>> -> memref<10000xi32, #tpu.memory_space<hbm>>
      tpu.wait_indirect_dma semaphore(%arg20 : memref<!tpu.dma_semaphore, #tpu.memory_space<semaphore_mem>>) src(%dma_wait3A_300 : memref<10000xi32, #tpu.memory_space<hbm>>) dst(%dma_wait3A_295 : memref<128xi32, #tpu.memory_space<vmem>>)
      %dma_wait3A_301 = arith.constant 0 : i32
      %dma_wait3A_302 = arith.constant 4 : i32
      %dma_wait3A_303 = arith.constant 0 : i32
      %dma_wait3A_304 = arith.constant 4 : i32
      %dma_wait3A_305 = arith.constant 0 : i32
      %dma_wait3A_306 = tpu.memref_slice %arg12[%dma_wait3A_303, %dma_wait3A_304, %dma_wait3A_305] : memref<2x8x128xi32, #tpu.memory_space<vmem>> -> memref<1x1x128xi32, #tpu.memory_space<vmem>>
      %dma_wait3A_307 = tpu.memref_squeeze %dma_wait3A_306 : memref<1x1x128xi32, #tpu.memory_space<vmem>> -> memref<128xi32, #tpu.memory_space<vmem>>
      %dma_wait3A_308 = arith.constant 0 : i32
      %dma_wait3A_309 = tpu.memref_slice %arg10[%dma_wait3A_301, %dma_wait3A_302, %dma_wait3A_308] : memref<2x8x128xi32, #tpu.memory_space<vmem>> -> memref<1x1x128xi32, #tpu.memory_space<vmem>>
      %dma_wait3A_310 = tpu.memref_squeeze %dma_wait3A_309 : memref<1x1x128xi32, #tpu.memory_space<vmem>> -> memref<128xi32, #tpu.memory_space<vmem>>
      %dma_wait3A_311 = arith.constant 0 : i32
      %dma_wait3A_312 = tpu.memref_slice %arg5[%dma_wait3A_311] : memref<10000xi32, #tpu.memory_space<hbm>> -> memref<10000xi32, #tpu.memory_space<hbm>>
      tpu.wait_indirect_dma semaphore(%arg20 : memref<!tpu.dma_semaphore, #tpu.memory_space<semaphore_mem>>) src(%dma_wait3A_312 : memref<10000xi32, #tpu.memory_space<hbm>>) dst(%dma_wait3A_307 : memref<128xi32, #tpu.memory_space<vmem>>)
      %dma_wait3A_313 = arith.constant 0 : i32
      %dma_wait3A_314 = arith.constant 5 : i32
      %dma_wait3A_315 = arith.constant 0 : i32
      %dma_wait3A_316 = arith.constant 5 : i32
      %dma_wait3A_317 = arith.constant 0 : i32
      %dma_wait3A_318 = tpu.memref_slice %arg12[%dma_wait3A_315, %dma_wait3A_316, %dma_wait3A_317] : memref<2x8x128xi32, #tpu.memory_space<vmem>> -> memref<1x1x128xi32, #tpu.memory_space<vmem>>
      %dma_wait3A_319 = tpu.memref_squeeze %dma_wait3A_318 : memref<1x1x128xi32, #tpu.memory_space<vmem>> -> memref<128xi32, #tpu.memory_space<vmem>>
      %dma_wait3A_320 = arith.constant 0 : i32
      %dma_wait3A_321 = tpu.memref_slice %arg10[%dma_wait3A_313, %dma_wait3A_314, %dma_wait3A_320] : memref<2x8x128xi32, #tpu.memory_space<vmem>> -> memref<1x1x128xi32, #tpu.memory_space<vmem>>
      %dma_wait3A_322 = tpu.memref_squeeze %dma_wait3A_321 : memref<1x1x128xi32, #tpu.memory_space<vmem>> -> memref<128xi32, #tpu.memory_space<vmem>>
      %dma_wait3A_323 = arith.constant 0 : i32
      %dma_wait3A_324 = tpu.memref_slice %arg5[%dma_wait3A_323] : memref<10000xi32, #tpu.memory_space<hbm>> -> memref<10000xi32, #tpu.memory_space<hbm>>
      tpu.wait_indirect_dma semaphore(%arg20 : memref<!tpu.dma_semaphore, #tpu.memory_space<semaphore_mem>>) src(%dma_wait3A_324 : memref<10000xi32, #tpu.memory_space<hbm>>) dst(%dma_wait3A_319 : memref<128xi32, #tpu.memory_space<vmem>>)
      %dma_wait3A_325 = arith.constant 0 : i32
      %dma_wait3A_326 = arith.constant 6 : i32
      %dma_wait3A_327 = arith.constant 0 : i32
      %dma_wait3A_328 = arith.constant 6 : i32
      %dma_wait3A_329 = arith.constant 0 : i32
      %dma_wait3A_330 = tpu.memref_slice %arg12[%dma_wait3A_327, %dma_wait3A_328, %dma_wait3A_329] : memref<2x8x128xi32, #tpu.memory_space<vmem>> -> memref<1x1x128xi32, #tpu.memory_space<vmem>>
      %dma_wait3A_331 = tpu.memref_squeeze %dma_wait3A_330 : memref<1x1x128xi32, #tpu.memory_space<vmem>> -> memref<128xi32, #tpu.memory_space<vmem>>
      %dma_wait3A_332 = arith.constant 0 : i32
      %dma_wait3A_333 = tpu.memref_slice %arg10[%dma_wait3A_325, %dma_wait3A_326, %dma_wait3A_332] : memref<2x8x128xi32, #tpu.memory_space<vmem>> -> memref<1x1x128xi32, #tpu.memory_space<vmem>>
      %dma_wait3A_334 = tpu.memref_squeeze %dma_wait3A_333 : memref<1x1x128xi32, #tpu.memory_space<vmem>> -> memref<128xi32, #tpu.memory_space<vmem>>
      %dma_wait3A_335 = arith.constant 0 : i32
      %dma_wait3A_336 = tpu.memref_slice %arg5[%dma_wait3A_335] : memref<10000xi32, #tpu.memory_space<hbm>> -> memref<10000xi32, #tpu.memory_space<hbm>>
      tpu.wait_indirect_dma semaphore(%arg20 : memref<!tpu.dma_semaphore, #tpu.memory_space<semaphore_mem>>) src(%dma_wait3A_336 : memref<10000xi32, #tpu.memory_space<hbm>>) dst(%dma_wait3A_331 : memref<128xi32, #tpu.memory_space<vmem>>)
      %dma_wait3A_337 = arith.constant 0 : i32
      %dma_wait3A_338 = arith.constant 7 : i32
      %dma_wait3A_339 = arith.constant 0 : i32
      %dma_wait3A_340 = arith.constant 7 : i32
      %dma_wait3A_341 = arith.constant 0 : i32
      %dma_wait3A_342 = tpu.memref_slice %arg12[%dma_wait3A_339, %dma_wait3A_340, %dma_wait3A_341] : memref<2x8x128xi32, #tpu.memory_space<vmem>> -> memref<1x1x128xi32, #tpu.memory_space<vmem>>
      %dma_wait3A_343 = tpu.memref_squeeze %dma_wait3A_342 : memref<1x1x128xi32, #tpu.memory_space<vmem>> -> memref<128xi32, #tpu.memory_space<vmem>>
      %dma_wait3A_344 = arith.constant 0 : i32
      %dma_wait3A_345 = tpu.memref_slice %arg10[%dma_wait3A_337, %dma_wait3A_338, %dma_wait3A_344] : memref<2x8x128xi32, #tpu.memory_space<vmem>> -> memref<1x1x128xi32, #tpu.memory_space<vmem>>
      %dma_wait3A_346 = tpu.memref_squeeze %dma_wait3A_345 : memref<1x1x128xi32, #tpu.memory_space<vmem>> -> memref<128xi32, #tpu.memory_space<vmem>>
      %dma_wait3A_347 = arith.constant 0 : i32
      %dma_wait3A_348 = tpu.memref_slice %arg5[%dma_wait3A_347] : memref<10000xi32, #tpu.memory_space<hbm>> -> memref<10000xi32, #tpu.memory_space<hbm>>
      tpu.wait_indirect_dma semaphore(%arg20 : memref<!tpu.dma_semaphore, #tpu.memory_space<semaphore_mem>>) src(%dma_wait3A_348 : memref<10000xi32, #tpu.memory_space<hbm>>) dst(%dma_wait3A_343 : memref<128xi32, #tpu.memory_space<vmem>>)
    } else {
    }
    %scan3A_142 = arith.constant 0 : i32
    %scan3A_143 = arith.constant 0 : i32
    %scan3A_144 = arith.constant 20 : i32
    %scan3A_145 = arith.addi %scan3A_143, %scan3A_144 : i32
    %scan3A_146 = arith.constant 1 : i32
    %scan3A_147 = scf.for %scan3A_159 = %scan3A_143 to %scan3A_145 step %scan3A_146 iter_args(%scan3A_160 = %scan3A_142) -> (i32)  : i32 {
      %jit3A = arith.constant 2 : i32
      %eq3A_161 = arith.constant 0 : i32
      %eq3A_162 = arith.cmpi eq, %jit3A, %eq3A_161 : i32
      %jit3A_163 = arith.constant 1 : i32
      %select_n3A = arith.select %eq3A_162, %jit3A_163, %jit3A : i32
      %rem3A = arith.remsi %scan3A_159, %select_n3A : i32
      %ne3A = arith.constant 0 : i32
      %ne3A_164 = arith.cmpi ne, %rem3A, %ne3A : i32
      %lt3A = arith.constant 0 : i32
      %lt3A_165 = arith.cmpi slt, %rem3A, %lt3A : i32
      %lt3A_166 = arith.constant 0 : i32
      %lt3A_167 = arith.cmpi slt, %select_n3A, %lt3A_166 : i32
      %ne3A_168 = arith.xori %lt3A_165, %lt3A_167 : i1
      %and3A = arith.andi %ne3A_168, %ne3A_164 : i1
      %add3A_169 = arith.addi %rem3A, %select_n3A : i32
      %select_n3A_170 = arith.select %and3A, %add3A_169, %rem3A : i32
      %sub3A = arith.constant 1 : i32
      %sub3A_171 = arith.subi %sub3A, %select_n3A_170 : i32
      %add3A_172 = arith.constant 1 : i32
      %add3A_173 = arith.addi %scan3A_159, %add3A_172 : i32
      %jit3A_174 = arith.constant 20 : i32
      %eq3A_175 = arith.constant 0 : i32
      %eq3A_176 = arith.cmpi eq, %jit3A_174, %eq3A_175 : i32
      %jit3A_177 = arith.constant 1 : i32
      %select_n3A_178 = arith.select %eq3A_176, %jit3A_177, %jit3A_174 : i32
      %rem3A_179 = arith.remsi %add3A_173, %select_n3A_178 : i32
      %ne3A_180 = arith.constant 0 : i32
      %ne3A_181 = arith.cmpi ne, %rem3A_179, %ne3A_180 : i32
      %lt3A_182 = arith.constant 0 : i32
      %lt3A_183 = arith.cmpi slt, %rem3A_179, %lt3A_182 : i32
      %lt3A_184 = arith.constant 0 : i32
      %lt3A_185 = arith.cmpi slt, %select_n3A_178, %lt3A_184 : i32
      %ne3A_186 = arith.xori %lt3A_183, %lt3A_185 : i1
      %and3A_187 = arith.andi %ne3A_186, %ne3A_181 : i1
      %add3A_188 = arith.addi %rem3A_179, %select_n3A_178 : i32
      %select_n3A_189 = arith.select %and3A_187, %add3A_188, %rem3A_179 : i32
      %mul3A_190 = arith.constant 8 : i32
      %mul3A_191 = arith.muli %select_n3A_189, %mul3A_190 : i32
      %dma_start3A = arith.constant 0 : i32
      %dma_start3A_192 = arith.constant 0 : i32
      %dma_start3A_193 = tpu.memref_slice %arg10[%sub3A_171, %dma_start3A, %dma_start3A_192] : memref<2x8x128xi32, #tpu.memory_space<vmem>> -> memref<1x8x128xi32, #tpu.memory_space<vmem>>
      %dma_start3A_194 = tpu.memref_squeeze %dma_start3A_193 : memref<1x8x128xi32, #tpu.memory_space<vmem>> -> memref<8x128xi32, #tpu.memory_space<vmem>>
      %dma_start3A_195 = arith.constant 0 : i32
      %dma_start3A_196 = tpu.memref_slice %arg3[%arg1, %mul3A_191, %dma_start3A_195] : memref<16x160x128xi32, #tpu.memory_space<hbm>> -> memref<1x8x128xi32, #tpu.memory_space<hbm>>
      %dma_start3A_197 = tpu.memref_squeeze %dma_start3A_196 : memref<1x8x128xi32, #tpu.memory_space<hbm>> -> memref<8x128xi32, #tpu.memory_space<hbm>>
      %dma_start3A_198 = arith.constant 0 : i32
      %dma_start3A_199 = arith.constant 0 : i32
      %dma_start3A_200 = tpu.memref_slice %arg10[%sub3A_171, %dma_start3A_198, %dma_start3A_199] : memref<2x8x128xi32, #tpu.memory_space<vmem>> -> memref<1x8x128xi32, #tpu.memory_space<vmem>>
      %dma_start3A_201 = tpu.memref_squeeze %dma_start3A_200 : memref<1x8x128xi32, #tpu.memory_space<vmem>> -> memref<8x128xi32, #tpu.memory_space<vmem>>
      %dma_start3A_202 = arith.constant 0 : i32
      %dma_start3A_203 = tpu.memref_slice %arg3[%arg1, %mul3A_191, %dma_start3A_202] : memref<16x160x128xi32, #tpu.memory_space<hbm>> -> memref<1x8x128xi32, #tpu.memory_space<hbm>>
      %dma_start3A_204 = tpu.memref_squeeze %dma_start3A_203 : memref<1x8x128xi32, #tpu.memory_space<hbm>> -> memref<8x128xi32, #tpu.memory_space<hbm>>
      tpu.enqueue_dma source(%dma_start3A_204 : memref<8x128xi32, #tpu.memory_space<hbm>>) target(%dma_start3A_201 : memref<8x128xi32, #tpu.memory_space<vmem>>) target_semaphore(%arg22 : memref<!tpu.dma_semaphore, #tpu.memory_space<semaphore_mem>>)
      %mul3A_205 = arith.constant 8 : i32
      %mul3A_206 = arith.muli %select_n3A_189, %mul3A_205 : i32
      %dma_start3A_207 = arith.constant 0 : i32
      %dma_start3A_208 = arith.constant 0 : i32
      %dma_start3A_209 = tpu.memref_slice %arg11[%sub3A_171, %dma_start3A_207, %dma_start3A_208] : memref<2x8x128xi32, #tpu.memory_space<vmem>> -> memref<1x8x128xi32, #tpu.memory_space<vmem>>
      %dma_start3A_210 = tpu.memref_squeeze %dma_start3A_209 : memref<1x8x128xi32, #tpu.memory_space<vmem>> -> memref<8x128xi32, #tpu.memory_space<vmem>>
      %dma_start3A_211 = arith.constant 0 : i32
      %dma_start3A_212 = tpu.memref_slice %arg4[%arg1, %mul3A_206, %dma_start3A_211] : memref<16x160x128xi32, #tpu.memory_space<hbm>> -> memref<1x8x128xi32, #tpu.memory_space<hbm>>
      %dma_start3A_213 = tpu.memref_squeeze %dma_start3A_212 : memref<1x8x128xi32, #tpu.memory_space<hbm>> -> memref<8x128xi32, #tpu.memory_space<hbm>>
      %dma_start3A_214 = arith.constant 0 : i32
      %dma_start3A_215 = arith.constant 0 : i32
      %dma_start3A_216 = tpu.memref_slice %arg11[%sub3A_171, %dma_start3A_214, %dma_start3A_215] : memref<2x8x128xi32, #tpu.memory_space<vmem>> -> memref<1x8x128xi32, #tpu.memory_space<vmem>>
      %dma_start3A_217 = tpu.memref_squeeze %dma_start3A_216 : memref<1x8x128xi32, #tpu.memory_space<vmem>> -> memref<8x128xi32, #tpu.memory_space<vmem>>
      %dma_start3A_218 = arith.constant 0 : i32
      %dma_start3A_219 = tpu.memref_slice %arg4[%arg1, %mul3A_206, %dma_start3A_218] : memref<16x160x128xi32, #tpu.memory_space<hbm>> -> memref<1x8x128xi32, #tpu.memory_space<hbm>>
      %dma_start3A_220 = tpu.memref_squeeze %dma_start3A_219 : memref<1x8x128xi32, #tpu.memory_space<hbm>> -> memref<8x128xi32, #tpu.memory_space<hbm>>
      tpu.enqueue_dma source(%dma_start3A_220 : memref<8x128xi32, #tpu.memory_space<hbm>>) target(%dma_start3A_217 : memref<8x128xi32, #tpu.memory_space<vmem>>) target_semaphore(%arg23 : memref<!tpu.dma_semaphore, #tpu.memory_space<semaphore_mem>>)
      %eq3A_221 = arith.constant 0 : i32
      %eq3A_222 = arith.cmpi eq, %arg0, %eq3A_221 : i32
      %convert_element_type3A_223 = arith.extui %eq3A_222 : i1 to i32
      %cond3A_224 = arith.constant 0 : i32
      %cond3A_225 = arith.cmpi ne, %convert_element_type3A_223, %cond3A_224 : i32
      scf.if %cond3A_225 {
        %dma_start3A_232 = arith.constant 0 : i32
        %dma_start3A_233 = arith.constant 0 : i32
        %dma_start3A_234 = arith.constant 0 : i32
        %dma_start3A_235 = arith.constant 0 : i32
        %dma_start3A_236 = tpu.memref_slice %arg13[%dma_start3A_233, %dma_start3A_234, %dma_start3A_235] : memref<2x128x128xf32, #tpu.memory_space<vmem>> -> memref<1x128x128xf32, #tpu.memory_space<vmem>>
        %dma_start3A_237 = tpu.memref_squeeze %dma_start3A_236 : memref<1x128x128xf32, #tpu.memory_space<vmem>> -> memref<128x128xf32, #tpu.memory_space<vmem>>
        %dma_start3A_238 = arith.constant 0 : i32
        %dma_start3A_239 = arith.constant 0 : i32
        %dma_start3A_240 = tpu.memref_slice %arg10[%select_n3A_170, %dma_start3A_238, %dma_start3A_239] : memref<2x8x128xi32, #tpu.memory_space<vmem>> -> memref<1x8x128xi32, #tpu.memory_space<vmem>>
        %dma_start3A_241 = tpu.memref_squeeze %dma_start3A_240 : memref<1x8x128xi32, #tpu.memory_space<vmem>> -> memref<8x128xi32, #tpu.memory_space<vmem>>
        %dma_start3A_242 = arith.constant 0 : i32
        %dma_start3A_243 = tpu.memref_slice %dma_start3A_241[%dma_start3A_232, %dma_start3A_242] : memref<8x128xi32, #tpu.memory_space<vmem>> -> memref<1x128xi32, #tpu.memory_space<vmem>>
        %dma_start3A_244 = tpu.memref_squeeze %dma_start3A_243 : memref<1x128xi32, #tpu.memory_space<vmem>> -> memref<128xi32, #tpu.memory_space<vmem>>
        %dma_start3A_245 = arith.constant 0 : i32
        %dma_start3A_246 = arith.constant 0 : i32
        %dma_start3A_247 = tpu.memref_slice %arg2[%dma_start3A_245, %dma_start3A_246] : memref<10000x128xf32, #tpu.memory_space<hbm>> -> memref<10000x128xf32, #tpu.memory_space<hbm>>
        tpu.enqueue_indirect_dma source(%dma_start3A_247 : memref<10000x128xf32, #tpu.memory_space<hbm>>) target(%dma_start3A_237 : memref<128x128xf32, #tpu.memory_space<vmem>>) offsets(%dma_start3A_244 : memref<128xi32, #tpu.memory_space<vmem>>) semaphore(%arg17 : memref<!tpu.dma_semaphore, #tpu.memory_space<semaphore_mem>>)
        %dma_start3A_248 = arith.constant 1 : i32
        %dma_start3A_249 = arith.constant 1 : i32
        %dma_start3A_250 = arith.constant 0 : i32
        %dma_start3A_251 = arith.constant 0 : i32
        %dma_start3A_252 = tpu.memref_slice %arg13[%dma_start3A_249, %dma_start3A_250, %dma_start3A_251] : memref<2x128x128xf32, #tpu.memory_space<vmem>> -> memref<1x128x128xf32, #tpu.memory_space<vmem>>
        %dma_start3A_253 = tpu.memref_squeeze %dma_start3A_252 : memref<1x128x128xf32, #tpu.memory_space<vmem>> -> memref<128x128xf32, #tpu.memory_space<vmem>>
        %dma_start3A_254 = arith.constant 0 : i32
        %dma_start3A_255 = arith.constant 0 : i32
        %dma_start3A_256 = tpu.memref_slice %arg10[%select_n3A_170, %dma_start3A_254, %dma_start3A_255] : memref<2x8x128xi32, #tpu.memory_space<vmem>> -> memref<1x8x128xi32, #tpu.memory_space<vmem>>
        %dma_start3A_257 = tpu.memref_squeeze %dma_start3A_256 : memref<1x8x128xi32, #tpu.memory_space<vmem>> -> memref<8x128xi32, #tpu.memory_space<vmem>>
        %dma_start3A_258 = arith.constant 0 : i32
        %dma_start3A_259 = tpu.memref_slice %dma_start3A_257[%dma_start3A_248, %dma_start3A_258] : memref<8x128xi32, #tpu.memory_space<vmem>> -> memref<1x128xi32, #tpu.memory_space<vmem>>
        %dma_start3A_260 = tpu.memref_squeeze %dma_start3A_259 : memref<1x128xi32, #tpu.memory_space<vmem>> -> memref<128xi32, #tpu.memory_space<vmem>>
        %dma_start3A_261 = arith.constant 0 : i32
        %dma_start3A_262 = arith.constant 0 : i32
        %dma_start3A_263 = tpu.memref_slice %arg2[%dma_start3A_261, %dma_start3A_262] : memref<10000x128xf32, #tpu.memory_space<hbm>> -> memref<10000x128xf32, #tpu.memory_space<hbm>>
        tpu.enqueue_indirect_dma source(%dma_start3A_263 : memref<10000x128xf32, #tpu.memory_space<hbm>>) target(%dma_start3A_253 : memref<128x128xf32, #tpu.memory_space<vmem>>) offsets(%dma_start3A_260 : memref<128xi32, #tpu.memory_space<vmem>>) semaphore(%arg18 : memref<!tpu.dma_semaphore, #tpu.memory_space<semaphore_mem>>)
        %dma_wait3A = arith.constant 0 : i32
        %dma_wait3A_264 = arith.constant 0 : i32
        %dma_wait3A_265 = arith.constant 0 : i32
        %dma_wait3A_266 = arith.constant 0 : i32
        %dma_wait3A_267 = tpu.memref_slice %arg13[%dma_wait3A_264, %dma_wait3A_265, %dma_wait3A_266] : memref<2x128x128xf32, #tpu.memory_space<vmem>> -> memref<1x128x128xf32, #tpu.memory_space<vmem>>
        %dma_wait3A_268 = tpu.memref_squeeze %dma_wait3A_267 : memref<1x128x128xf32, #tpu.memory_space<vmem>> -> memref<128x128xf32, #tpu.memory_space<vmem>>
        %dma_wait3A_269 = arith.constant 0 : i32
        %dma_wait3A_270 = arith.constant 0 : i32
        %dma_wait3A_271 = tpu.memref_slice %arg10[%select_n3A_170, %dma_wait3A_269, %dma_wait3A_270] : memref<2x8x128xi32, #tpu.memory_space<vmem>> -> memref<1x8x128xi32, #tpu.memory_space<vmem>>
        %dma_wait3A_272 = tpu.memref_squeeze %dma_wait3A_271 : memref<1x8x128xi32, #tpu.memory_space<vmem>> -> memref<8x128xi32, #tpu.memory_space<vmem>>
        %dma_wait3A_273 = arith.constant 0 : i32
        %dma_wait3A_274 = tpu.memref_slice %dma_wait3A_272[%dma_wait3A, %dma_wait3A_273] : memref<8x128xi32, #tpu.memory_space<vmem>> -> memref<1x128xi32, #tpu.memory_space<vmem>>
        %dma_wait3A_275 = tpu.memref_squeeze %dma_wait3A_274 : memref<1x128xi32, #tpu.memory_space<vmem>> -> memref<128xi32, #tpu.memory_space<vmem>>
        %dma_wait3A_276 = arith.constant 0 : i32
        %dma_wait3A_277 = arith.constant 0 : i32
        %dma_wait3A_278 = tpu.memref_slice %arg2[%dma_wait3A_276, %dma_wait3A_277] : memref<10000x128xf32, #tpu.memory_space<hbm>> -> memref<10000x128xf32, #tpu.memory_space<hbm>>
        tpu.wait_indirect_dma semaphore(%arg17 : memref<!tpu.dma_semaphore, #tpu.memory_space<semaphore_mem>>) src(%dma_wait3A_278 : memref<10000x128xf32, #tpu.memory_space<hbm>>) dst(%dma_wait3A_268 : memref<128x128xf32, #tpu.memory_space<vmem>>)
        %dma_start3A_279 = arith.constant 0 : i32
        %dma_start3A_280 = arith.constant 0 : i32
        %dma_start3A_281 = arith.constant 0 : i32
        %dma_start3A_282 = arith.constant 0 : i32
        %dma_start3A_283 = tpu.memref_slice %arg13[%dma_start3A_279, %dma_start3A_281, %dma_start3A_282] : memref<2x128x128xf32, #tpu.memory_space<vmem>> -> memref<1x128x128xf32, #tpu.memory_space<vmem>>
        %dma_start3A_284 = tpu.memref_squeeze %dma_start3A_283 : memref<1x128x128xf32, #tpu.memory_space<vmem>> -> memref<128x128xf32, #tpu.memory_space<vmem>>
        %dma_start3A_285 = arith.constant 0 : i32
        %dma_start3A_286 = arith.constant 0 : i32
        %dma_start3A_287 = tpu.memref_slice %arg11[%select_n3A_170, %dma_start3A_285, %dma_start3A_286] : memref<2x8x128xi32, #tpu.memory_space<vmem>> -> memref<1x8x128xi32, #tpu.memory_space<vmem>>
        %dma_start3A_288 = tpu.memref_squeeze %dma_start3A_287 : memref<1x8x128xi32, #tpu.memory_space<vmem>> -> memref<8x128xi32, #tpu.memory_space<vmem>>
        %dma_start3A_289 = arith.constant 0 : i32
        %dma_start3A_290 = tpu.memref_slice %dma_start3A_288[%dma_start3A_280, %dma_start3A_289] : memref<8x128xi32, #tpu.memory_space<vmem>> -> memref<1x128xi32, #tpu.memory_space<vmem>>
        %dma_start3A_291 = tpu.memref_squeeze %dma_start3A_290 : memref<1x128xi32, #tpu.memory_space<vmem>> -> memref<128xi32, #tpu.memory_space<vmem>>
        %dma_start3A_292 = arith.constant 0 : i32
        %dma_start3A_293 = arith.constant 0 : i32
        %dma_start3A_294 = tpu.memref_slice %arg8[%dma_start3A_292, %dma_start3A_293] : memref<10240x128xf32, #tpu.memory_space<vmem_shared>> -> memref<10240x128xf32, #tpu.memory_space<vmem_shared>>
        tpu.enqueue_indirect_dma source(%dma_start3A_284 : memref<128x128xf32, #tpu.memory_space<vmem>>) target(%dma_start3A_294 : memref<10240x128xf32, #tpu.memory_space<vmem_shared>>) offsets(%dma_start3A_291 : memref<128xi32, #tpu.memory_space<vmem>>) semaphore(%arg19 : memref<!tpu.dma_semaphore, #tpu.memory_space<semaphore_mem>>) {add = true}
        %dma_start3A_295 = arith.constant 0 : i32
        %dma_start3A_296 = arith.constant 0 : i32
        %dma_start3A_297 = arith.constant 0 : i32
        %dma_start3A_298 = tpu.memref_slice %arg11[%select_n3A_170, %dma_start3A_296, %dma_start3A_297] : memref<2x8x128xi32, #tpu.memory_space<vmem>> -> memref<1x8x128xi32, #tpu.memory_space<vmem>>
        %dma_start3A_299 = tpu.memref_squeeze %dma_start3A_298 : memref<1x8x128xi32, #tpu.memory_space<vmem>> -> memref<8x128xi32, #tpu.memory_space<vmem>>
        %dma_start3A_300 = arith.constant 0 : i32
        %dma_start3A_301 = tpu.memref_slice %dma_start3A_299[%dma_start3A_295, %dma_start3A_300] : memref<8x128xi32, #tpu.memory_space<vmem>> -> memref<1x128xi32, #tpu.memory_space<vmem>>
        %dma_start3A_302 = tpu.memref_squeeze %dma_start3A_301 : memref<1x128xi32, #tpu.memory_space<vmem>> -> memref<128xi32, #tpu.memory_space<vmem>>
        %dma_start3A_303 = arith.constant 0 : i32
        %dma_start3A_304 = tpu.memref_slice %arg9[%dma_start3A_303] : memref<10240xf32, #tpu.memory_space<vmem_shared>> -> memref<10240xf32, #tpu.memory_space<vmem_shared>>
        tpu.enqueue_indirect_dma source(%arg16 : memref<128xf32, #tpu.memory_space<vmem>>) target(%dma_start3A_304 : memref<10240xf32, #tpu.memory_space<vmem_shared>>) offsets(%dma_start3A_302 : memref<128xi32, #tpu.memory_space<vmem>>) semaphore(%arg21 : memref<!tpu.dma_semaphore, #tpu.memory_space<semaphore_mem>>) {add = true}
        %dma_wait3A_305 = arith.constant 0 : i32
        %dma_wait3A_306 = arith.constant 0 : i32
        %dma_wait3A_307 = arith.constant 0 : i32
        %dma_wait3A_308 = arith.constant 0 : i32
        %dma_wait3A_309 = tpu.memref_slice %arg13[%dma_wait3A_305, %dma_wait3A_307, %dma_wait3A_308] : memref<2x128x128xf32, #tpu.memory_space<vmem>> -> memref<1x128x128xf32, #tpu.memory_space<vmem>>
        %dma_wait3A_310 = tpu.memref_squeeze %dma_wait3A_309 : memref<1x128x128xf32, #tpu.memory_space<vmem>> -> memref<128x128xf32, #tpu.memory_space<vmem>>
        %dma_wait3A_311 = arith.constant 0 : i32
        %dma_wait3A_312 = arith.constant 0 : i32
        %dma_wait3A_313 = tpu.memref_slice %arg11[%select_n3A_170, %dma_wait3A_311, %dma_wait3A_312] : memref<2x8x128xi32, #tpu.memory_space<vmem>> -> memref<1x8x128xi32, #tpu.memory_space<vmem>>
        %dma_wait3A_314 = tpu.memref_squeeze %dma_wait3A_313 : memref<1x8x128xi32, #tpu.memory_space<vmem>> -> memref<8x128xi32, #tpu.memory_space<vmem>>
        %dma_wait3A_315 = arith.constant 0 : i32
        %dma_wait3A_316 = tpu.memref_slice %dma_wait3A_314[%dma_wait3A_306, %dma_wait3A_315] : memref<8x128xi32, #tpu.memory_space<vmem>> -> memref<1x128xi32, #tpu.memory_space<vmem>>
        %dma_wait3A_317 = tpu.memref_squeeze %dma_wait3A_316 : memref<1x128xi32, #tpu.memory_space<vmem>> -> memref<128xi32, #tpu.memory_space<vmem>>
        %dma_wait3A_318 = arith.constant 0 : i32
        %dma_wait3A_319 = arith.constant 0 : i32
        %dma_wait3A_320 = tpu.memref_slice %arg8[%dma_wait3A_318, %dma_wait3A_319] : memref<10240x128xf32, #tpu.memory_space<vmem_shared>> -> memref<10240x128xf32, #tpu.memory_space<vmem_shared>>
        tpu.wait_indirect_dma semaphore(%arg19 : memref<!tpu.dma_semaphore, #tpu.memory_space<semaphore_mem>>) src(%dma_wait3A_310 : memref<128x128xf32, #tpu.memory_space<vmem>>) dst(%dma_wait3A_320 : memref<10240x128xf32, #tpu.memory_space<vmem_shared>>)
        %dma_start3A_321 = arith.constant 2 : i32
        %dma_start3A_322 = arith.constant 0 : i32
        %dma_start3A_323 = arith.constant 0 : i32
        %dma_start3A_324 = arith.constant 0 : i32
        %dma_start3A_325 = tpu.memref_slice %arg13[%dma_start3A_322, %dma_start3A_323, %dma_start3A_324] : memref<2x128x128xf32, #tpu.memory_space<vmem>> -> memref<1x128x128xf32, #tpu.memory_space<vmem>>
        %dma_start3A_326 = tpu.memref_squeeze %dma_start3A_325 : memref<1x128x128xf32, #tpu.memory_space<vmem>> -> memref<128x128xf32, #tpu.memory_space<vmem>>
        %dma_start3A_327 = arith.constant 0 : i32
        %dma_start3A_328 = arith.constant 0 : i32
        %dma_start3A_329 = tpu.memref_slice %arg10[%select_n3A_170, %dma_start3A_327, %dma_start3A_328] : memref<2x8x128xi32, #tpu.memory_space<vmem>> -> memref<1x8x128xi32, #tpu.memory_space<vmem>>
        %dma_start3A_330 = tpu.memref_squeeze %dma_start3A_329 : memref<1x8x128xi32, #tpu.memory_space<vmem>> -> memref<8x128xi32, #tpu.memory_space<vmem>>
        %dma_start3A_331 = arith.constant 0 : i32
        %dma_start3A_332 = tpu.memref_slice %dma_start3A_330[%dma_start3A_321, %dma_start3A_331] : memref<8x128xi32, #tpu.memory_space<vmem>> -> memref<1x128xi32, #tpu.memory_space<vmem>>
        %dma_start3A_333 = tpu.memref_squeeze %dma_start3A_332 : memref<1x128xi32, #tpu.memory_space<vmem>> -> memref<128xi32, #tpu.memory_space<vmem>>
        %dma_start3A_334 = arith.constant 0 : i32
        %dma_start3A_335 = arith.constant 0 : i32
        %dma_start3A_336 = tpu.memref_slice %arg2[%dma_start3A_334, %dma_start3A_335] : memref<10000x128xf32, #tpu.memory_space<hbm>> -> memref<10000x128xf32, #tpu.memory_space<hbm>>
        tpu.enqueue_indirect_dma source(%dma_start3A_336 : memref<10000x128xf32, #tpu.memory_space<hbm>>) target(%dma_start3A_326 : memref<128x128xf32, #tpu.memory_space<vmem>>) offsets(%dma_start3A_333 : memref<128xi32, #tpu.memory_space<vmem>>) semaphore(%arg17 : memref<!tpu.dma_semaphore, #tpu.memory_space<semaphore_mem>>)
        %dma_wait3A_337 = arith.constant 1 : i32
        %dma_wait3A_338 = arith.constant 1 : i32
        %dma_wait3A_339 = arith.constant 0 : i32
        %dma_wait3A_340 = arith.constant 0 : i32
        %dma_wait3A_341 = tpu.memref_slice %arg13[%dma_wait3A_338, %dma_wait3A_339, %dma_wait3A_340] : memref<2x128x128xf32, #tpu.memory_space<vmem>> -> memref<1x128x128xf32, #tpu.memory_space<vmem>>
        %dma_wait3A_342 = tpu.memref_squeeze %dma_wait3A_341 : memref<1x128x128xf32, #tpu.memory_space<vmem>> -> memref<128x128xf32, #tpu.memory_space<vmem>>
        %dma_wait3A_343 = arith.constant 0 : i32
        %dma_wait3A_344 = arith.constant 0 : i32
        %dma_wait3A_345 = tpu.memref_slice %arg10[%select_n3A_170, %dma_wait3A_343, %dma_wait3A_344] : memref<2x8x128xi32, #tpu.memory_space<vmem>> -> memref<1x8x128xi32, #tpu.memory_space<vmem>>
        %dma_wait3A_346 = tpu.memref_squeeze %dma_wait3A_345 : memref<1x8x128xi32, #tpu.memory_space<vmem>> -> memref<8x128xi32, #tpu.memory_space<vmem>>
        %dma_wait3A_347 = arith.constant 0 : i32
        %dma_wait3A_348 = tpu.memref_slice %dma_wait3A_346[%dma_wait3A_337, %dma_wait3A_347] : memref<8x128xi32, #tpu.memory_space<vmem>> -> memref<1x128xi32, #tpu.memory_space<vmem>>
        %dma_wait3A_349 = tpu.memref_squeeze %dma_wait3A_348 : memref<1x128xi32, #tpu.memory_space<vmem>> -> memref<128xi32, #tpu.memory_space<vmem>>
        %dma_wait3A_350 = arith.constant 0 : i32
        %dma_wait3A_351 = arith.constant 0 : i32
        %dma_wait3A_352 = tpu.memref_slice %arg2[%dma_wait3A_350, %dma_wait3A_351] : memref<10000x128xf32, #tpu.memory_space<hbm>> -> memref<10000x128xf32, #tpu.memory_space<hbm>>
        tpu.wait_indirect_dma semaphore(%arg18 : memref<!tpu.dma_semaphore, #tpu.memory_space<semaphore_mem>>) src(%dma_wait3A_352 : memref<10000x128xf32, #tpu.memory_space<hbm>>) dst(%dma_wait3A_342 : memref<128x128xf32, #tpu.memory_space<vmem>>)
        %dma_start3A_353 = arith.constant 1 : i32
        %dma_start3A_354 = arith.constant 1 : i32
        %dma_start3A_355 = arith.constant 0 : i32
        %dma_start3A_356 = arith.constant 0 : i32
        %dma_start3A_357 = tpu.memref_slice %arg13[%dma_start3A_353, %dma_start3A_355, %dma_start3A_356] : memref<2x128x128xf32, #tpu.memory_space<vmem>> -> memref<1x128x128xf32, #tpu.memory_space<vmem>>
        %dma_start3A_358 = tpu.memref_squeeze %dma_start3A_357 : memref<1x128x128xf32, #tpu.memory_space<vmem>> -> memref<128x128xf32, #tpu.memory_space<vmem>>
        %dma_start3A_359 = arith.constant 0 : i32
        %dma_start3A_360 = arith.constant 0 : i32
        %dma_start3A_361 = tpu.memref_slice %arg11[%select_n3A_170, %dma_start3A_359, %dma_start3A_360] : memref<2x8x128xi32, #tpu.memory_space<vmem>> -> memref<1x8x128xi32, #tpu.memory_space<vmem>>
        %dma_start3A_362 = tpu.memref_squeeze %dma_start3A_361 : memref<1x8x128xi32, #tpu.memory_space<vmem>> -> memref<8x128xi32, #tpu.memory_space<vmem>>
        %dma_start3A_363 = arith.constant 0 : i32
        %dma_start3A_364 = tpu.memref_slice %dma_start3A_362[%dma_start3A_354, %dma_start3A_363] : memref<8x128xi32, #tpu.memory_space<vmem>> -> memref<1x128xi32, #tpu.memory_space<vmem>>
        %dma_start3A_365 = tpu.memref_squeeze %dma_start3A_364 : memref<1x128xi32, #tpu.memory_space<vmem>> -> memref<128xi32, #tpu.memory_space<vmem>>
        %dma_start3A_366 = arith.constant 0 : i32
        %dma_start3A_367 = arith.constant 0 : i32
        %dma_start3A_368 = tpu.memref_slice %arg8[%dma_start3A_366, %dma_start3A_367] : memref<10240x128xf32, #tpu.memory_space<vmem_shared>> -> memref<10240x128xf32, #tpu.memory_space<vmem_shared>>
        tpu.enqueue_indirect_dma source(%dma_start3A_358 : memref<128x128xf32, #tpu.memory_space<vmem>>) target(%dma_start3A_368 : memref<10240x128xf32, #tpu.memory_space<vmem_shared>>) offsets(%dma_start3A_365 : memref<128xi32, #tpu.memory_space<vmem>>) semaphore(%arg19 : memref<!tpu.dma_semaphore, #tpu.memory_space<semaphore_mem>>) {add = true}
        %dma_wait3A_369 = arith.constant 0 : i32
        %dma_wait3A_370 = arith.constant 0 : i32
        %dma_wait3A_371 = arith.constant 0 : i32
        %dma_wait3A_372 = tpu.memref_slice %arg11[%select_n3A_170, %dma_wait3A_370, %dma_wait3A_371] : memref<2x8x128xi32, #tpu.memory_space<vmem>> -> memref<1x8x128xi32, #tpu.memory_space<vmem>>
        %dma_wait3A_373 = tpu.memref_squeeze %dma_wait3A_372 : memref<1x8x128xi32, #tpu.memory_space<vmem>> -> memref<8x128xi32, #tpu.memory_space<vmem>>
        %dma_wait3A_374 = arith.constant 0 : i32
        %dma_wait3A_375 = tpu.memref_slice %dma_wait3A_373[%dma_wait3A_369, %dma_wait3A_374] : memref<8x128xi32, #tpu.memory_space<vmem>> -> memref<1x128xi32, #tpu.memory_space<vmem>>
        %dma_wait3A_376 = tpu.memref_squeeze %dma_wait3A_375 : memref<1x128xi32, #tpu.memory_space<vmem>> -> memref<128xi32, #tpu.memory_space<vmem>>
        %dma_wait3A_377 = arith.constant 0 : i32
        %dma_wait3A_378 = tpu.memref_slice %arg9[%dma_wait3A_377] : memref<10240xf32, #tpu.memory_space<vmem_shared>> -> memref<10240xf32, #tpu.memory_space<vmem_shared>>
        tpu.wait_indirect_dma semaphore(%arg21 : memref<!tpu.dma_semaphore, #tpu.memory_space<semaphore_mem>>) src(%arg16 : memref<128xf32, #tpu.memory_space<vmem>>) dst(%dma_wait3A_378 : memref<10240xf32, #tpu.memory_space<vmem_shared>>)
        %dma_start3A_379 = arith.constant 1 : i32
        %dma_start3A_380 = arith.constant 0 : i32
        %dma_start3A_381 = arith.constant 0 : i32
        %dma_start3A_382 = tpu.memref_slice %arg11[%select_n3A_170, %dma_start3A_380, %dma_start3A_381] : memref<2x8x128xi32, #tpu.memory_space<vmem>> -> memref<1x8x128xi32, #tpu.memory_space<vmem>>
        %dma_start3A_383 = tpu.memref_squeeze %dma_start3A_382 : memref<1x8x128xi32, #tpu.memory_space<vmem>> -> memref<8x128xi32, #tpu.memory_space<vmem>>
        %dma_start3A_384 = arith.constant 0 : i32
        %dma_start3A_385 = tpu.memref_slice %dma_start3A_383[%dma_start3A_379, %dma_start3A_384] : memref<8x128xi32, #tpu.memory_space<vmem>> -> memref<1x128xi32, #tpu.memory_space<vmem>>
        %dma_start3A_386 = tpu.memref_squeeze %dma_start3A_385 : memref<1x128xi32, #tpu.memory_space<vmem>> -> memref<128xi32, #tpu.memory_space<vmem>>
        %dma_start3A_387 = arith.constant 0 : i32
        %dma_start3A_388 = tpu.memref_slice %arg9[%dma_start3A_387] : memref<10240xf32, #tpu.memory_space<vmem_shared>> -> memref<10240xf32, #tpu.memory_space<vmem_shared>>
        tpu.enqueue_indirect_dma source(%arg16 : memref<128xf32, #tpu.memory_space<vmem>>) target(%dma_start3A_388 : memref<10240xf32, #tpu.memory_space<vmem_shared>>) offsets(%dma_start3A_386 : memref<128xi32, #tpu.memory_space<vmem>>) semaphore(%arg21 : memref<!tpu.dma_semaphore, #tpu.memory_space<semaphore_mem>>) {add = true}
        %dma_wait3A_389 = arith.constant 1 : i32
        %dma_wait3A_390 = arith.constant 1 : i32
        %dma_wait3A_391 = arith.constant 0 : i32
        %dma_wait3A_392 = arith.constant 0 : i32
        %dma_wait3A_393 = tpu.memref_slice %arg13[%dma_wait3A_389, %dma_wait3A_391, %dma_wait3A_392] : memref<2x128x128xf32, #tpu.memory_space<vmem>> -> memref<1x128x128xf32, #tpu.memory_space<vmem>>
        %dma_wait3A_394 = tpu.memref_squeeze %dma_wait3A_393 : memref<1x128x128xf32, #tpu.memory_space<vmem>> -> memref<128x128xf32, #tpu.memory_space<vmem>>
        %dma_wait3A_395 = arith.constant 0 : i32
        %dma_wait3A_396 = arith.constant 0 : i32
        %dma_wait3A_397 = tpu.memref_slice %arg11[%select_n3A_170, %dma_wait3A_395, %dma_wait3A_396] : memref<2x8x128xi32, #tpu.memory_space<vmem>> -> memref<1x8x128xi32, #tpu.memory_space<vmem>>
        %dma_wait3A_398 = tpu.memref_squeeze %dma_wait3A_397 : memref<1x8x128xi32, #tpu.memory_space<vmem>> -> memref<8x128xi32, #tpu.memory_space<vmem>>
        %dma_wait3A_399 = arith.constant 0 : i32
        %dma_wait3A_400 = tpu.memref_slice %dma_wait3A_398[%dma_wait3A_390, %dma_wait3A_399] : memref<8x128xi32, #tpu.memory_space<vmem>> -> memref<1x128xi32, #tpu.memory_space<vmem>>
        %dma_wait3A_401 = tpu.memref_squeeze %dma_wait3A_400 : memref<1x128xi32, #tpu.memory_space<vmem>> -> memref<128xi32, #tpu.memory_space<vmem>>
        %dma_wait3A_402 = arith.constant 0 : i32
        %dma_wait3A_403 = arith.constant 0 : i32
        %dma_wait3A_404 = tpu.memref_slice %arg8[%dma_wait3A_402, %dma_wait3A_403] : memref<10240x128xf32, #tpu.memory_space<vmem_shared>> -> memref<10240x128xf32, #tpu.memory_space<vmem_shared>>
        tpu.wait_indirect_dma semaphore(%arg19 : memref<!tpu.dma_semaphore, #tpu.memory_space<semaphore_mem>>) src(%dma_wait3A_394 : memref<128x128xf32, #tpu.memory_space<vmem>>) dst(%dma_wait3A_404 : memref<10240x128xf32, #tpu.memory_space<vmem_shared>>)
        %dma_start3A_405 = arith.constant 3 : i32
        %dma_start3A_406 = arith.constant 1 : i32
        %dma_start3A_407 = arith.constant 0 : i32
        %dma_start3A_408 = arith.constant 0 : i32
        %dma_start3A_409 = tpu.memref_slice %arg13[%dma_start3A_406, %dma_start3A_407, %dma_start3A_408] : memref<2x128x128xf32, #tpu.memory_space<vmem>> -> memref<1x128x128xf32, #tpu.memory_space<vmem>>
        %dma_start3A_410 = tpu.memref_squeeze %dma_start3A_409 : memref<1x128x128xf32, #tpu.memory_space<vmem>> -> memref<128x128xf32, #tpu.memory_space<vmem>>
        %dma_start3A_411 = arith.constant 0 : i32
        %dma_start3A_412 = arith.constant 0 : i32
        %dma_start3A_413 = tpu.memref_slice %arg10[%select_n3A_170, %dma_start3A_411, %dma_start3A_412] : memref<2x8x128xi32, #tpu.memory_space<vmem>> -> memref<1x8x128xi32, #tpu.memory_space<vmem>>
        %dma_start3A_414 = tpu.memref_squeeze %dma_start3A_413 : memref<1x8x128xi32, #tpu.memory_space<vmem>> -> memref<8x128xi32, #tpu.memory_space<vmem>>
        %dma_start3A_415 = arith.constant 0 : i32
        %dma_start3A_416 = tpu.memref_slice %dma_start3A_414[%dma_start3A_405, %dma_start3A_415] : memref<8x128xi32, #tpu.memory_space<vmem>> -> memref<1x128xi32, #tpu.memory_space<vmem>>
        %dma_start3A_417 = tpu.memref_squeeze %dma_start3A_416 : memref<1x128xi32, #tpu.memory_space<vmem>> -> memref<128xi32, #tpu.memory_space<vmem>>
        %dma_start3A_418 = arith.constant 0 : i32
        %dma_start3A_419 = arith.constant 0 : i32
        %dma_start3A_420 = tpu.memref_slice %arg2[%dma_start3A_418, %dma_start3A_419] : memref<10000x128xf32, #tpu.memory_space<hbm>> -> memref<10000x128xf32, #tpu.memory_space<hbm>>
        tpu.enqueue_indirect_dma source(%dma_start3A_420 : memref<10000x128xf32, #tpu.memory_space<hbm>>) target(%dma_start3A_410 : memref<128x128xf32, #tpu.memory_space<vmem>>) offsets(%dma_start3A_417 : memref<128xi32, #tpu.memory_space<vmem>>) semaphore(%arg18 : memref<!tpu.dma_semaphore, #tpu.memory_space<semaphore_mem>>)
        %dma_wait3A_421 = arith.constant 2 : i32
        %dma_wait3A_422 = arith.constant 0 : i32
        %dma_wait3A_423 = arith.constant 0 : i32
        %dma_wait3A_424 = arith.constant 0 : i32
        %dma_wait3A_425 = tpu.memref_slice %arg13[%dma_wait3A_422, %dma_wait3A_423, %dma_wait3A_424] : memref<2x128x128xf32, #tpu.memory_space<vmem>> -> memref<1x128x128xf32, #tpu.memory_space<vmem>>
        %dma_wait3A_426 = tpu.memref_squeeze %dma_wait3A_425 : memref<1x128x128xf32, #tpu.memory_space<vmem>> -> memref<128x128xf32, #tpu.memory_space<vmem>>
        %dma_wait3A_427 = arith.constant 0 : i32
        %dma_wait3A_428 = arith.constant 0 : i32
        %dma_wait3A_429 = tpu.memref_slice %arg10[%select_n3A_170, %dma_wait3A_427, %dma_wait3A_428] : memref<2x8x128xi32, #tpu.memory_space<vmem>> -> memref<1x8x128xi32, #tpu.memory_space<vmem>>
        %dma_wait3A_430 = tpu.memref_squeeze %dma_wait3A_429 : memref<1x8x128xi32, #tpu.memory_space<vmem>> -> memref<8x128xi32, #tpu.memory_space<vmem>>
        %dma_wait3A_431 = arith.constant 0 : i32
        %dma_wait3A_432 = tpu.memref_slice %dma_wait3A_430[%dma_wait3A_421, %dma_wait3A_431] : memref<8x128xi32, #tpu.memory_space<vmem>> -> memref<1x128xi32, #tpu.memory_space<vmem>>
        %dma_wait3A_433 = tpu.memref_squeeze %dma_wait3A_432 : memref<1x128xi32, #tpu.memory_space<vmem>> -> memref<128xi32, #tpu.memory_space<vmem>>
        %dma_wait3A_434 = arith.constant 0 : i32
        %dma_wait3A_435 = arith.constant 0 : i32
        %dma_wait3A_436 = tpu.memref_slice %arg2[%dma_wait3A_434, %dma_wait3A_435] : memref<10000x128xf32, #tpu.memory_space<hbm>> -> memref<10000x128xf32, #tpu.memory_space<hbm>>
        tpu.wait_indirect_dma semaphore(%arg17 : memref<!tpu.dma_semaphore, #tpu.memory_space<semaphore_mem>>) src(%dma_wait3A_436 : memref<10000x128xf32, #tpu.memory_space<hbm>>) dst(%dma_wait3A_426 : memref<128x128xf32, #tpu.memory_space<vmem>>)
        %dma_start3A_437 = arith.constant 0 : i32
        %dma_start3A_438 = arith.constant 2 : i32
        %dma_start3A_439 = arith.constant 0 : i32
        %dma_start3A_440 = arith.constant 0 : i32
        %dma_start3A_441 = tpu.memref_slice %arg13[%dma_start3A_437, %dma_start3A_439, %dma_start3A_440] : memref<2x128x128xf32, #tpu.memory_space<vmem>> -> memref<1x128x128xf32, #tpu.memory_space<vmem>>
        %dma_start3A_442 = tpu.memref_squeeze %dma_start3A_441 : memref<1x128x128xf32, #tpu.memory_space<vmem>> -> memref<128x128xf32, #tpu.memory_space<vmem>>
        %dma_start3A_443 = arith.constant 0 : i32
        %dma_start3A_444 = arith.constant 0 : i32
        %dma_start3A_445 = tpu.memref_slice %arg11[%select_n3A_170, %dma_start3A_443, %dma_start3A_444] : memref<2x8x128xi32, #tpu.memory_space<vmem>> -> memref<1x8x128xi32, #tpu.memory_space<vmem>>
        %dma_start3A_446 = tpu.memref_squeeze %dma_start3A_445 : memref<1x8x128xi32, #tpu.memory_space<vmem>> -> memref<8x128xi32, #tpu.memory_space<vmem>>
        %dma_start3A_447 = arith.constant 0 : i32
        %dma_start3A_448 = tpu.memref_slice %dma_start3A_446[%dma_start3A_438, %dma_start3A_447] : memref<8x128xi32, #tpu.memory_space<vmem>> -> memref<1x128xi32, #tpu.memory_space<vmem>>
        %dma_start3A_449 = tpu.memref_squeeze %dma_start3A_448 : memref<1x128xi32, #tpu.memory_space<vmem>> -> memref<128xi32, #tpu.memory_space<vmem>>
        %dma_start3A_450 = arith.constant 0 : i32
        %dma_start3A_451 = arith.constant 0 : i32
        %dma_start3A_452 = tpu.memref_slice %arg8[%dma_start3A_450, %dma_start3A_451] : memref<10240x128xf32, #tpu.memory_space<vmem_shared>> -> memref<10240x128xf32, #tpu.memory_space<vmem_shared>>
        tpu.enqueue_indirect_dma source(%dma_start3A_442 : memref<128x128xf32, #tpu.memory_space<vmem>>) target(%dma_start3A_452 : memref<10240x128xf32, #tpu.memory_space<vmem_shared>>) offsets(%dma_start3A_449 : memref<128xi32, #tpu.memory_space<vmem>>) semaphore(%arg19 : memref<!tpu.dma_semaphore, #tpu.memory_space<semaphore_mem>>) {add = true}
        %dma_wait3A_453 = arith.constant 1 : i32
        %dma_wait3A_454 = arith.constant 0 : i32
        %dma_wait3A_455 = arith.constant 0 : i32
        %dma_wait3A_456 = tpu.memref_slice %arg11[%select_n3A_170, %dma_wait3A_454, %dma_wait3A_455] : memref<2x8x128xi32, #tpu.memory_space<vmem>> -> memref<1x8x128xi32, #tpu.memory_space<vmem>>
        %dma_wait3A_457 = tpu.memref_squeeze %dma_wait3A_456 : memref<1x8x128xi32, #tpu.memory_space<vmem>> -> memref<8x128xi32, #tpu.memory_space<vmem>>
        %dma_wait3A_458 = arith.constant 0 : i32
        %dma_wait3A_459 = tpu.memref_slice %dma_wait3A_457[%dma_wait3A_453, %dma_wait3A_458] : memref<8x128xi32, #tpu.memory_space<vmem>> -> memref<1x128xi32, #tpu.memory_space<vmem>>
        %dma_wait3A_460 = tpu.memref_squeeze %dma_wait3A_459 : memref<1x128xi32, #tpu.memory_space<vmem>> -> memref<128xi32, #tpu.memory_space<vmem>>
        %dma_wait3A_461 = arith.constant 0 : i32
        %dma_wait3A_462 = tpu.memref_slice %arg9[%dma_wait3A_461] : memref<10240xf32, #tpu.memory_space<vmem_shared>> -> memref<10240xf32, #tpu.memory_space<vmem_shared>>
        tpu.wait_indirect_dma semaphore(%arg21 : memref<!tpu.dma_semaphore, #tpu.memory_space<semaphore_mem>>) src(%arg16 : memref<128xf32, #tpu.memory_space<vmem>>) dst(%dma_wait3A_462 : memref<10240xf32, #tpu.memory_space<vmem_shared>>)
        %dma_start3A_463 = arith.constant 2 : i32
        %dma_start3A_464 = arith.constant 0 : i32
        %dma_start3A_465 = arith.constant 0 : i32
        %dma_start3A_466 = tpu.memref_slice %arg11[%select_n3A_170, %dma_start3A_464, %dma_start3A_465] : memref<2x8x128xi32, #tpu.memory_space<vmem>> -> memref<1x8x128xi32, #tpu.memory_space<vmem>>
        %dma_start3A_467 = tpu.memref_squeeze %dma_start3A_466 : memref<1x8x128xi32, #tpu.memory_space<vmem>> -> memref<8x128xi32, #tpu.memory_space<vmem>>
        %dma_start3A_468 = arith.constant 0 : i32
        %dma_start3A_469 = tpu.memref_slice %dma_start3A_467[%dma_start3A_463, %dma_start3A_468] : memref<8x128xi32, #tpu.memory_space<vmem>> -> memref<1x128xi32, #tpu.memory_space<vmem>>
        %dma_start3A_470 = tpu.memref_squeeze %dma_start3A_469 : memref<1x128xi32, #tpu.memory_space<vmem>> -> memref<128xi32, #tpu.memory_space<vmem>>
        %dma_start3A_471 = arith.constant 0 : i32
        %dma_start3A_472 = tpu.memref_slice %arg9[%dma_start3A_471] : memref<10240xf32, #tpu.memory_space<vmem_shared>> -> memref<10240xf32, #tpu.memory_space<vmem_shared>>
        tpu.enqueue_indirect_dma source(%arg16 : memref<128xf32, #tpu.memory_space<vmem>>) target(%dma_start3A_472 : memref<10240xf32, #tpu.memory_space<vmem_shared>>) offsets(%dma_start3A_470 : memref<128xi32, #tpu.memory_space<vmem>>) semaphore(%arg21 : memref<!tpu.dma_semaphore, #tpu.memory_space<semaphore_mem>>) {add = true}
        %dma_wait3A_473 = arith.constant 0 : i32
        %dma_wait3A_474 = arith.constant 2 : i32
        %dma_wait3A_475 = arith.constant 0 : i32
        %dma_wait3A_476 = arith.constant 0 : i32
        %dma_wait3A_477 = tpu.memref_slice %arg13[%dma_wait3A_473, %dma_wait3A_475, %dma_wait3A_476] : memref<2x128x128xf32, #tpu.memory_space<vmem>> -> memref<1x128x128xf32, #tpu.memory_space<vmem>>
        %dma_wait3A_478 = tpu.memref_squeeze %dma_wait3A_477 : memref<1x128x128xf32, #tpu.memory_space<vmem>> -> memref<128x128xf32, #tpu.memory_space<vmem>>
        %dma_wait3A_479 = arith.constant 0 : i32
        %dma_wait3A_480 = arith.constant 0 : i32
        %dma_wait3A_481 = tpu.memref_slice %arg11[%select_n3A_170, %dma_wait3A_479, %dma_wait3A_480] : memref<2x8x128xi32, #tpu.memory_space<vmem>> -> memref<1x8x128xi32, #tpu.memory_space<vmem>>
        %dma_wait3A_482 = tpu.memref_squeeze %dma_wait3A_481 : memref<1x8x128xi32, #tpu.memory_space<vmem>> -> memref<8x128xi32, #tpu.memory_space<vmem>>
        %dma_wait3A_483 = arith.constant 0 : i32
        %dma_wait3A_484 = tpu.memref_slice %dma_wait3A_482[%dma_wait3A_474, %dma_wait3A_483] : memref<8x128xi32, #tpu.memory_space<vmem>> -> memref<1x128xi32, #tpu.memory_space<vmem>>
        %dma_wait3A_485 = tpu.memref_squeeze %dma_wait3A_484 : memref<1x128xi32, #tpu.memory_space<vmem>> -> memref<128xi32, #tpu.memory_space<vmem>>
        %dma_wait3A_486 = arith.constant 0 : i32
        %dma_wait3A_487 = arith.constant 0 : i32
        %dma_wait3A_488 = tpu.memref_slice %arg8[%dma_wait3A_486, %dma_wait3A_487] : memref<10240x128xf32, #tpu.memory_space<vmem_shared>> -> memref<10240x128xf32, #tpu.memory_space<vmem_shared>>
        tpu.wait_indirect_dma semaphore(%arg19 : memref<!tpu.dma_semaphore, #tpu.memory_space<semaphore_mem>>) src(%dma_wait3A_478 : memref<128x128xf32, #tpu.memory_space<vmem>>) dst(%dma_wait3A_488 : memref<10240x128xf32, #tpu.memory_space<vmem_shared>>)
        %dma_start3A_489 = arith.constant 4 : i32
        %dma_start3A_490 = arith.constant 0 : i32
        %dma_start3A_491 = arith.constant 0 : i32
        %dma_start3A_492 = arith.constant 0 : i32
        %dma_start3A_493 = tpu.memref_slice %arg13[%dma_start3A_490, %dma_start3A_491, %dma_start3A_492] : memref<2x128x128xf32, #tpu.memory_space<vmem>> -> memref<1x128x128xf32, #tpu.memory_space<vmem>>
        %dma_start3A_494 = tpu.memref_squeeze %dma_start3A_493 : memref<1x128x128xf32, #tpu.memory_space<vmem>> -> memref<128x128xf32, #tpu.memory_space<vmem>>
        %dma_start3A_495 = arith.constant 0 : i32
        %dma_start3A_496 = arith.constant 0 : i32
        %dma_start3A_497 = tpu.memref_slice %arg10[%select_n3A_170, %dma_start3A_495, %dma_start3A_496] : memref<2x8x128xi32, #tpu.memory_space<vmem>> -> memref<1x8x128xi32, #tpu.memory_space<vmem>>
        %dma_start3A_498 = tpu.memref_squeeze %dma_start3A_497 : memref<1x8x128xi32, #tpu.memory_space<vmem>> -> memref<8x128xi32, #tpu.memory_space<vmem>>
        %dma_start3A_499 = arith.constant 0 : i32
        %dma_start3A_500 = tpu.memref_slice %dma_start3A_498[%dma_start3A_489, %dma_start3A_499] : memref<8x128xi32, #tpu.memory_space<vmem>> -> memref<1x128xi32, #tpu.memory_space<vmem>>
        %dma_start3A_501 = tpu.memref_squeeze %dma_start3A_500 : memref<1x128xi32, #tpu.memory_space<vmem>> -> memref<128xi32, #tpu.memory_space<vmem>>
        %dma_start3A_502 = arith.constant 0 : i32
        %dma_start3A_503 = arith.constant 0 : i32
        %dma_start3A_504 = tpu.memref_slice %arg2[%dma_start3A_502, %dma_start3A_503] : memref<10000x128xf32, #tpu.memory_space<hbm>> -> memref<10000x128xf32, #tpu.memory_space<hbm>>
        tpu.enqueue_indirect_dma source(%dma_start3A_504 : memref<10000x128xf32, #tpu.memory_space<hbm>>) target(%dma_start3A_494 : memref<128x128xf32, #tpu.memory_space<vmem>>) offsets(%dma_start3A_501 : memref<128xi32, #tpu.memory_space<vmem>>) semaphore(%arg17 : memref<!tpu.dma_semaphore, #tpu.memory_space<semaphore_mem>>)
        %dma_wait3A_505 = arith.constant 3 : i32
        %dma_wait3A_506 = arith.constant 1 : i32
        %dma_wait3A_507 = arith.constant 0 : i32
        %dma_wait3A_508 = arith.constant 0 : i32
        %dma_wait3A_509 = tpu.memref_slice %arg13[%dma_wait3A_506, %dma_wait3A_507, %dma_wait3A_508] : memref<2x128x128xf32, #tpu.memory_space<vmem>> -> memref<1x128x128xf32, #tpu.memory_space<vmem>>
        %dma_wait3A_510 = tpu.memref_squeeze %dma_wait3A_509 : memref<1x128x128xf32, #tpu.memory_space<vmem>> -> memref<128x128xf32, #tpu.memory_space<vmem>>
        %dma_wait3A_511 = arith.constant 0 : i32
        %dma_wait3A_512 = arith.constant 0 : i32
        %dma_wait3A_513 = tpu.memref_slice %arg10[%select_n3A_170, %dma_wait3A_511, %dma_wait3A_512] : memref<2x8x128xi32, #tpu.memory_space<vmem>> -> memref<1x8x128xi32, #tpu.memory_space<vmem>>
        %dma_wait3A_514 = tpu.memref_squeeze %dma_wait3A_513 : memref<1x8x128xi32, #tpu.memory_space<vmem>> -> memref<8x128xi32, #tpu.memory_space<vmem>>
        %dma_wait3A_515 = arith.constant 0 : i32
        %dma_wait3A_516 = tpu.memref_slice %dma_wait3A_514[%dma_wait3A_505, %dma_wait3A_515] : memref<8x128xi32, #tpu.memory_space<vmem>> -> memref<1x128xi32, #tpu.memory_space<vmem>>
        %dma_wait3A_517 = tpu.memref_squeeze %dma_wait3A_516 : memref<1x128xi32, #tpu.memory_space<vmem>> -> memref<128xi32, #tpu.memory_space<vmem>>
        %dma_wait3A_518 = arith.constant 0 : i32
        %dma_wait3A_519 = arith.constant 0 : i32
        %dma_wait3A_520 = tpu.memref_slice %arg2[%dma_wait3A_518, %dma_wait3A_519] : memref<10000x128xf32, #tpu.memory_space<hbm>> -> memref<10000x128xf32, #tpu.memory_space<hbm>>
        tpu.wait_indirect_dma semaphore(%arg18 : memref<!tpu.dma_semaphore, #tpu.memory_space<semaphore_mem>>) src(%dma_wait3A_520 : memref<10000x128xf32, #tpu.memory_space<hbm>>) dst(%dma_wait3A_510 : memref<128x128xf32, #tpu.memory_space<vmem>>)
        %dma_start3A_521 = arith.constant 1 : i32
        %dma_start3A_522 = arith.constant 3 : i32
        %dma_start3A_523 = arith.constant 0 : i32
        %dma_start3A_524 = arith.constant 0 : i32
        %dma_start3A_525 = tpu.memref_slice %arg13[%dma_start3A_521, %dma_start3A_523, %dma_start3A_524] : memref<2x128x128xf32, #tpu.memory_space<vmem>> -> memref<1x128x128xf32, #tpu.memory_space<vmem>>
        %dma_start3A_526 = tpu.memref_squeeze %dma_start3A_525 : memref<1x128x128xf32, #tpu.memory_space<vmem>> -> memref<128x128xf32, #tpu.memory_space<vmem>>
        %dma_start3A_527 = arith.constant 0 : i32
        %dma_start3A_528 = arith.constant 0 : i32
        %dma_start3A_529 = tpu.memref_slice %arg11[%select_n3A_170, %dma_start3A_527, %dma_start3A_528] : memref<2x8x128xi32, #tpu.memory_space<vmem>> -> memref<1x8x128xi32, #tpu.memory_space<vmem>>
        %dma_start3A_530 = tpu.memref_squeeze %dma_start3A_529 : memref<1x8x128xi32, #tpu.memory_space<vmem>> -> memref<8x128xi32, #tpu.memory_space<vmem>>
        %dma_start3A_531 = arith.constant 0 : i32
        %dma_start3A_532 = tpu.memref_slice %dma_start3A_530[%dma_start3A_522, %dma_start3A_531] : memref<8x128xi32, #tpu.memory_space<vmem>> -> memref<1x128xi32, #tpu.memory_space<vmem>>
        %dma_start3A_533 = tpu.memref_squeeze %dma_start3A_532 : memref<1x128xi32, #tpu.memory_space<vmem>> -> memref<128xi32, #tpu.memory_space<vmem>>
        %dma_start3A_534 = arith.constant 0 : i32
        %dma_start3A_535 = arith.constant 0 : i32
        %dma_start3A_536 = tpu.memref_slice %arg8[%dma_start3A_534, %dma_start3A_535] : memref<10240x128xf32, #tpu.memory_space<vmem_shared>> -> memref<10240x128xf32, #tpu.memory_space<vmem_shared>>
        tpu.enqueue_indirect_dma source(%dma_start3A_526 : memref<128x128xf32, #tpu.memory_space<vmem>>) target(%dma_start3A_536 : memref<10240x128xf32, #tpu.memory_space<vmem_shared>>) offsets(%dma_start3A_533 : memref<128xi32, #tpu.memory_space<vmem>>) semaphore(%arg19 : memref<!tpu.dma_semaphore, #tpu.memory_space<semaphore_mem>>) {add = true}
        %dma_wait3A_537 = arith.constant 2 : i32
        %dma_wait3A_538 = arith.constant 0 : i32
        %dma_wait3A_539 = arith.constant 0 : i32
        %dma_wait3A_540 = tpu.memref_slice %arg11[%select_n3A_170, %dma_wait3A_538, %dma_wait3A_539] : memref<2x8x128xi32, #tpu.memory_space<vmem>> -> memref<1x8x128xi32, #tpu.memory_space<vmem>>
        %dma_wait3A_541 = tpu.memref_squeeze %dma_wait3A_540 : memref<1x8x128xi32, #tpu.memory_space<vmem>> -> memref<8x128xi32, #tpu.memory_space<vmem>>
        %dma_wait3A_542 = arith.constant 0 : i32
        %dma_wait3A_543 = tpu.memref_slice %dma_wait3A_541[%dma_wait3A_537, %dma_wait3A_542] : memref<8x128xi32, #tpu.memory_space<vmem>> -> memref<1x128xi32, #tpu.memory_space<vmem>>
        %dma_wait3A_544 = tpu.memref_squeeze %dma_wait3A_543 : memref<1x128xi32, #tpu.memory_space<vmem>> -> memref<128xi32, #tpu.memory_space<vmem>>
        %dma_wait3A_545 = arith.constant 0 : i32
        %dma_wait3A_546 = tpu.memref_slice %arg9[%dma_wait3A_545] : memref<10240xf32, #tpu.memory_space<vmem_shared>> -> memref<10240xf32, #tpu.memory_space<vmem_shared>>
        tpu.wait_indirect_dma semaphore(%arg21 : memref<!tpu.dma_semaphore, #tpu.memory_space<semaphore_mem>>) src(%arg16 : memref<128xf32, #tpu.memory_space<vmem>>) dst(%dma_wait3A_546 : memref<10240xf32, #tpu.memory_space<vmem_shared>>)
        %dma_start3A_547 = arith.constant 3 : i32
        %dma_start3A_548 = arith.constant 0 : i32
        %dma_start3A_549 = arith.constant 0 : i32
        %dma_start3A_550 = tpu.memref_slice %arg11[%select_n3A_170, %dma_start3A_548, %dma_start3A_549] : memref<2x8x128xi32, #tpu.memory_space<vmem>> -> memref<1x8x128xi32, #tpu.memory_space<vmem>>
        %dma_start3A_551 = tpu.memref_squeeze %dma_start3A_550 : memref<1x8x128xi32, #tpu.memory_space<vmem>> -> memref<8x128xi32, #tpu.memory_space<vmem>>
        %dma_start3A_552 = arith.constant 0 : i32
        %dma_start3A_553 = tpu.memref_slice %dma_start3A_551[%dma_start3A_547, %dma_start3A_552] : memref<8x128xi32, #tpu.memory_space<vmem>> -> memref<1x128xi32, #tpu.memory_space<vmem>>
        %dma_start3A_554 = tpu.memref_squeeze %dma_start3A_553 : memref<1x128xi32, #tpu.memory_space<vmem>> -> memref<128xi32, #tpu.memory_space<vmem>>
        %dma_start3A_555 = arith.constant 0 : i32
        %dma_start3A_556 = tpu.memref_slice %arg9[%dma_start3A_555] : memref<10240xf32, #tpu.memory_space<vmem_shared>> -> memref<10240xf32, #tpu.memory_space<vmem_shared>>
        tpu.enqueue_indirect_dma source(%arg16 : memref<128xf32, #tpu.memory_space<vmem>>) target(%dma_start3A_556 : memref<10240xf32, #tpu.memory_space<vmem_shared>>) offsets(%dma_start3A_554 : memref<128xi32, #tpu.memory_space<vmem>>) semaphore(%arg21 : memref<!tpu.dma_semaphore, #tpu.memory_space<semaphore_mem>>) {add = true}
        %dma_wait3A_557 = arith.constant 1 : i32
        %dma_wait3A_558 = arith.constant 3 : i32
        %dma_wait3A_559 = arith.constant 0 : i32
        %dma_wait3A_560 = arith.constant 0 : i32
        %dma_wait3A_561 = tpu.memref_slice %arg13[%dma_wait3A_557, %dma_wait3A_559, %dma_wait3A_560] : memref<2x128x128xf32, #tpu.memory_space<vmem>> -> memref<1x128x128xf32, #tpu.memory_space<vmem>>
        %dma_wait3A_562 = tpu.memref_squeeze %dma_wait3A_561 : memref<1x128x128xf32, #tpu.memory_space<vmem>> -> memref<128x128xf32, #tpu.memory_space<vmem>>
        %dma_wait3A_563 = arith.constant 0 : i32
        %dma_wait3A_564 = arith.constant 0 : i32
        %dma_wait3A_565 = tpu.memref_slice %arg11[%select_n3A_170, %dma_wait3A_563, %dma_wait3A_564] : memref<2x8x128xi32, #tpu.memory_space<vmem>> -> memref<1x8x128xi32, #tpu.memory_space<vmem>>
        %dma_wait3A_566 = tpu.memref_squeeze %dma_wait3A_565 : memref<1x8x128xi32, #tpu.memory_space<vmem>> -> memref<8x128xi32, #tpu.memory_space<vmem>>
        %dma_wait3A_567 = arith.constant 0 : i32
        %dma_wait3A_568 = tpu.memref_slice %dma_wait3A_566[%dma_wait3A_558, %dma_wait3A_567] : memref<8x128xi32, #tpu.memory_space<vmem>> -> memref<1x128xi32, #tpu.memory_space<vmem>>
        %dma_wait3A_569 = tpu.memref_squeeze %dma_wait3A_568 : memref<1x128xi32, #tpu.memory_space<vmem>> -> memref<128xi32, #tpu.memory_space<vmem>>
        %dma_wait3A_570 = arith.constant 0 : i32
        %dma_wait3A_571 = arith.constant 0 : i32
        %dma_wait3A_572 = tpu.memref_slice %arg8[%dma_wait3A_570, %dma_wait3A_571] : memref<10240x128xf32, #tpu.memory_space<vmem_shared>> -> memref<10240x128xf32, #tpu.memory_space<vmem_shared>>
        tpu.wait_indirect_dma semaphore(%arg19 : memref<!tpu.dma_semaphore, #tpu.memory_space<semaphore_mem>>) src(%dma_wait3A_562 : memref<128x128xf32, #tpu.memory_space<vmem>>) dst(%dma_wait3A_572 : memref<10240x128xf32, #tpu.memory_space<vmem_shared>>)
        %dma_start3A_573 = arith.constant 5 : i32
        %dma_start3A_574 = arith.constant 1 : i32
        %dma_start3A_575 = arith.constant 0 : i32
        %dma_start3A_576 = arith.constant 0 : i32
        %dma_start3A_577 = tpu.memref_slice %arg13[%dma_start3A_574, %dma_start3A_575, %dma_start3A_576] : memref<2x128x128xf32, #tpu.memory_space<vmem>> -> memref<1x128x128xf32, #tpu.memory_space<vmem>>
        %dma_start3A_578 = tpu.memref_squeeze %dma_start3A_577 : memref<1x128x128xf32, #tpu.memory_space<vmem>> -> memref<128x128xf32, #tpu.memory_space<vmem>>
        %dma_start3A_579 = arith.constant 0 : i32
        %dma_start3A_580 = arith.constant 0 : i32
        %dma_start3A_581 = tpu.memref_slice %arg10[%select_n3A_170, %dma_start3A_579, %dma_start3A_580] : memref<2x8x128xi32, #tpu.memory_space<vmem>> -> memref<1x8x128xi32, #tpu.memory_space<vmem>>
        %dma_start3A_582 = tpu.memref_squeeze %dma_start3A_581 : memref<1x8x128xi32, #tpu.memory_space<vmem>> -> memref<8x128xi32, #tpu.memory_space<vmem>>
        %dma_start3A_583 = arith.constant 0 : i32
        %dma_start3A_584 = tpu.memref_slice %dma_start3A_582[%dma_start3A_573, %dma_start3A_583] : memref<8x128xi32, #tpu.memory_space<vmem>> -> memref<1x128xi32, #tpu.memory_space<vmem>>
        %dma_start3A_585 = tpu.memref_squeeze %dma_start3A_584 : memref<1x128xi32, #tpu.memory_space<vmem>> -> memref<128xi32, #tpu.memory_space<vmem>>
        %dma_start3A_586 = arith.constant 0 : i32
        %dma_start3A_587 = arith.constant 0 : i32
        %dma_start3A_588 = tpu.memref_slice %arg2[%dma_start3A_586, %dma_start3A_587] : memref<10000x128xf32, #tpu.memory_space<hbm>> -> memref<10000x128xf32, #tpu.memory_space<hbm>>
        tpu.enqueue_indirect_dma source(%dma_start3A_588 : memref<10000x128xf32, #tpu.memory_space<hbm>>) target(%dma_start3A_578 : memref<128x128xf32, #tpu.memory_space<vmem>>) offsets(%dma_start3A_585 : memref<128xi32, #tpu.memory_space<vmem>>) semaphore(%arg18 : memref<!tpu.dma_semaphore, #tpu.memory_space<semaphore_mem>>)
        %dma_wait3A_589 = arith.constant 4 : i32
        %dma_wait3A_590 = arith.constant 0 : i32
        %dma_wait3A_591 = arith.constant 0 : i32
        %dma_wait3A_592 = arith.constant 0 : i32
        %dma_wait3A_593 = tpu.memref_slice %arg13[%dma_wait3A_590, %dma_wait3A_591, %dma_wait3A_592] : memref<2x128x128xf32, #tpu.memory_space<vmem>> -> memref<1x128x128xf32, #tpu.memory_space<vmem>>
        %dma_wait3A_594 = tpu.memref_squeeze %dma_wait3A_593 : memref<1x128x128xf32, #tpu.memory_space<vmem>> -> memref<128x128xf32, #tpu.memory_space<vmem>>
        %dma_wait3A_595 = arith.constant 0 : i32
        %dma_wait3A_596 = arith.constant 0 : i32
        %dma_wait3A_597 = tpu.memref_slice %arg10[%select_n3A_170, %dma_wait3A_595, %dma_wait3A_596] : memref<2x8x128xi32, #tpu.memory_space<vmem>> -> memref<1x8x128xi32, #tpu.memory_space<vmem>>
        %dma_wait3A_598 = tpu.memref_squeeze %dma_wait3A_597 : memref<1x8x128xi32, #tpu.memory_space<vmem>> -> memref<8x128xi32, #tpu.memory_space<vmem>>
        %dma_wait3A_599 = arith.constant 0 : i32
        %dma_wait3A_600 = tpu.memref_slice %dma_wait3A_598[%dma_wait3A_589, %dma_wait3A_599] : memref<8x128xi32, #tpu.memory_space<vmem>> -> memref<1x128xi32, #tpu.memory_space<vmem>>
        %dma_wait3A_601 = tpu.memref_squeeze %dma_wait3A_600 : memref<1x128xi32, #tpu.memory_space<vmem>> -> memref<128xi32, #tpu.memory_space<vmem>>
        %dma_wait3A_602 = arith.constant 0 : i32
        %dma_wait3A_603 = arith.constant 0 : i32
        %dma_wait3A_604 = tpu.memref_slice %arg2[%dma_wait3A_602, %dma_wait3A_603] : memref<10000x128xf32, #tpu.memory_space<hbm>> -> memref<10000x128xf32, #tpu.memory_space<hbm>>
        tpu.wait_indirect_dma semaphore(%arg17 : memref<!tpu.dma_semaphore, #tpu.memory_space<semaphore_mem>>) src(%dma_wait3A_604 : memref<10000x128xf32, #tpu.memory_space<hbm>>) dst(%dma_wait3A_594 : memref<128x128xf32, #tpu.memory_space<vmem>>)
        %dma_start3A_605 = arith.constant 0 : i32
        %dma_start3A_606 = arith.constant 4 : i32
        %dma_start3A_607 = arith.constant 0 : i32
        %dma_start3A_608 = arith.constant 0 : i32
        %dma_start3A_609 = tpu.memref_slice %arg13[%dma_start3A_605, %dma_start3A_607, %dma_start3A_608] : memref<2x128x128xf32, #tpu.memory_space<vmem>> -> memref<1x128x128xf32, #tpu.memory_space<vmem>>
        %dma_start3A_610 = tpu.memref_squeeze %dma_start3A_609 : memref<1x128x128xf32, #tpu.memory_space<vmem>> -> memref<128x128xf32, #tpu.memory_space<vmem>>
        %dma_start3A_611 = arith.constant 0 : i32
        %dma_start3A_612 = arith.constant 0 : i32
        %dma_start3A_613 = tpu.memref_slice %arg11[%select_n3A_170, %dma_start3A_611, %dma_start3A_612] : memref<2x8x128xi32, #tpu.memory_space<vmem>> -> memref<1x8x128xi32, #tpu.memory_space<vmem>>
        %dma_start3A_614 = tpu.memref_squeeze %dma_start3A_613 : memref<1x8x128xi32, #tpu.memory_space<vmem>> -> memref<8x128xi32, #tpu.memory_space<vmem>>
        %dma_start3A_615 = arith.constant 0 : i32
        %dma_start3A_616 = tpu.memref_slice %dma_start3A_614[%dma_start3A_606, %dma_start3A_615] : memref<8x128xi32, #tpu.memory_space<vmem>> -> memref<1x128xi32, #tpu.memory_space<vmem>>
        %dma_start3A_617 = tpu.memref_squeeze %dma_start3A_616 : memref<1x128xi32, #tpu.memory_space<vmem>> -> memref<128xi32, #tpu.memory_space<vmem>>
        %dma_start3A_618 = arith.constant 0 : i32
        %dma_start3A_619 = arith.constant 0 : i32
        %dma_start3A_620 = tpu.memref_slice %arg8[%dma_start3A_618, %dma_start3A_619] : memref<10240x128xf32, #tpu.memory_space<vmem_shared>> -> memref<10240x128xf32, #tpu.memory_space<vmem_shared>>
        tpu.enqueue_indirect_dma source(%dma_start3A_610 : memref<128x128xf32, #tpu.memory_space<vmem>>) target(%dma_start3A_620 : memref<10240x128xf32, #tpu.memory_space<vmem_shared>>) offsets(%dma_start3A_617 : memref<128xi32, #tpu.memory_space<vmem>>) semaphore(%arg19 : memref<!tpu.dma_semaphore, #tpu.memory_space<semaphore_mem>>) {add = true}
        %dma_wait3A_621 = arith.constant 3 : i32
        %dma_wait3A_622 = arith.constant 0 : i32
        %dma_wait3A_623 = arith.constant 0 : i32
        %dma_wait3A_624 = tpu.memref_slice %arg11[%select_n3A_170, %dma_wait3A_622, %dma_wait3A_623] : memref<2x8x128xi32, #tpu.memory_space<vmem>> -> memref<1x8x128xi32, #tpu.memory_space<vmem>>
        %dma_wait3A_625 = tpu.memref_squeeze %dma_wait3A_624 : memref<1x8x128xi32, #tpu.memory_space<vmem>> -> memref<8x128xi32, #tpu.memory_space<vmem>>
        %dma_wait3A_626 = arith.constant 0 : i32
        %dma_wait3A_627 = tpu.memref_slice %dma_wait3A_625[%dma_wait3A_621, %dma_wait3A_626] : memref<8x128xi32, #tpu.memory_space<vmem>> -> memref<1x128xi32, #tpu.memory_space<vmem>>
        %dma_wait3A_628 = tpu.memref_squeeze %dma_wait3A_627 : memref<1x128xi32, #tpu.memory_space<vmem>> -> memref<128xi32, #tpu.memory_space<vmem>>
        %dma_wait3A_629 = arith.constant 0 : i32
        %dma_wait3A_630 = tpu.memref_slice %arg9[%dma_wait3A_629] : memref<10240xf32, #tpu.memory_space<vmem_shared>> -> memref<10240xf32, #tpu.memory_space<vmem_shared>>
        tpu.wait_indirect_dma semaphore(%arg21 : memref<!tpu.dma_semaphore, #tpu.memory_space<semaphore_mem>>) src(%arg16 : memref<128xf32, #tpu.memory_space<vmem>>) dst(%dma_wait3A_630 : memref<10240xf32, #tpu.memory_space<vmem_shared>>)
        %dma_start3A_631 = arith.constant 4 : i32
        %dma_start3A_632 = arith.constant 0 : i32
        %dma_start3A_633 = arith.constant 0 : i32
        %dma_start3A_634 = tpu.memref_slice %arg11[%select_n3A_170, %dma_start3A_632, %dma_start3A_633] : memref<2x8x128xi32, #tpu.memory_space<vmem>> -> memref<1x8x128xi32, #tpu.memory_space<vmem>>
        %dma_start3A_635 = tpu.memref_squeeze %dma_start3A_634 : memref<1x8x128xi32, #tpu.memory_space<vmem>> -> memref<8x128xi32, #tpu.memory_space<vmem>>
        %dma_start3A_636 = arith.constant 0 : i32
        %dma_start3A_637 = tpu.memref_slice %dma_start3A_635[%dma_start3A_631, %dma_start3A_636] : memref<8x128xi32, #tpu.memory_space<vmem>> -> memref<1x128xi32, #tpu.memory_space<vmem>>
        %dma_start3A_638 = tpu.memref_squeeze %dma_start3A_637 : memref<1x128xi32, #tpu.memory_space<vmem>> -> memref<128xi32, #tpu.memory_space<vmem>>
        %dma_start3A_639 = arith.constant 0 : i32
        %dma_start3A_640 = tpu.memref_slice %arg9[%dma_start3A_639] : memref<10240xf32, #tpu.memory_space<vmem_shared>> -> memref<10240xf32, #tpu.memory_space<vmem_shared>>
        tpu.enqueue_indirect_dma source(%arg16 : memref<128xf32, #tpu.memory_space<vmem>>) target(%dma_start3A_640 : memref<10240xf32, #tpu.memory_space<vmem_shared>>) offsets(%dma_start3A_638 : memref<128xi32, #tpu.memory_space<vmem>>) semaphore(%arg21 : memref<!tpu.dma_semaphore, #tpu.memory_space<semaphore_mem>>) {add = true}
        %dma_wait3A_641 = arith.constant 0 : i32
        %dma_wait3A_642 = arith.constant 4 : i32
        %dma_wait3A_643 = arith.constant 0 : i32
        %dma_wait3A_644 = arith.constant 0 : i32
        %dma_wait3A_645 = tpu.memref_slice %arg13[%dma_wait3A_641, %dma_wait3A_643, %dma_wait3A_644] : memref<2x128x128xf32, #tpu.memory_space<vmem>> -> memref<1x128x128xf32, #tpu.memory_space<vmem>>
        %dma_wait3A_646 = tpu.memref_squeeze %dma_wait3A_645 : memref<1x128x128xf32, #tpu.memory_space<vmem>> -> memref<128x128xf32, #tpu.memory_space<vmem>>
        %dma_wait3A_647 = arith.constant 0 : i32
        %dma_wait3A_648 = arith.constant 0 : i32
        %dma_wait3A_649 = tpu.memref_slice %arg11[%select_n3A_170, %dma_wait3A_647, %dma_wait3A_648] : memref<2x8x128xi32, #tpu.memory_space<vmem>> -> memref<1x8x128xi32, #tpu.memory_space<vmem>>
        %dma_wait3A_650 = tpu.memref_squeeze %dma_wait3A_649 : memref<1x8x128xi32, #tpu.memory_space<vmem>> -> memref<8x128xi32, #tpu.memory_space<vmem>>
        %dma_wait3A_651 = arith.constant 0 : i32
        %dma_wait3A_652 = tpu.memref_slice %dma_wait3A_650[%dma_wait3A_642, %dma_wait3A_651] : memref<8x128xi32, #tpu.memory_space<vmem>> -> memref<1x128xi32, #tpu.memory_space<vmem>>
        %dma_wait3A_653 = tpu.memref_squeeze %dma_wait3A_652 : memref<1x128xi32, #tpu.memory_space<vmem>> -> memref<128xi32, #tpu.memory_space<vmem>>
        %dma_wait3A_654 = arith.constant 0 : i32
        %dma_wait3A_655 = arith.constant 0 : i32
        %dma_wait3A_656 = tpu.memref_slice %arg8[%dma_wait3A_654, %dma_wait3A_655] : memref<10240x128xf32, #tpu.memory_space<vmem_shared>> -> memref<10240x128xf32, #tpu.memory_space<vmem_shared>>
        tpu.wait_indirect_dma semaphore(%arg19 : memref<!tpu.dma_semaphore, #tpu.memory_space<semaphore_mem>>) src(%dma_wait3A_646 : memref<128x128xf32, #tpu.memory_space<vmem>>) dst(%dma_wait3A_656 : memref<10240x128xf32, #tpu.memory_space<vmem_shared>>)
        %dma_start3A_657 = arith.constant 6 : i32
        %dma_start3A_658 = arith.constant 0 : i32
        %dma_start3A_659 = arith.constant 0 : i32
        %dma_start3A_660 = arith.constant 0 : i32
        %dma_start3A_661 = tpu.memref_slice %arg13[%dma_start3A_658, %dma_start3A_659, %dma_start3A_660] : memref<2x128x128xf32, #tpu.memory_space<vmem>> -> memref<1x128x128xf32, #tpu.memory_space<vmem>>
        %dma_start3A_662 = tpu.memref_squeeze %dma_start3A_661 : memref<1x128x128xf32, #tpu.memory_space<vmem>> -> memref<128x128xf32, #tpu.memory_space<vmem>>
        %dma_start3A_663 = arith.constant 0 : i32
        %dma_start3A_664 = arith.constant 0 : i32
        %dma_start3A_665 = tpu.memref_slice %arg10[%select_n3A_170, %dma_start3A_663, %dma_start3A_664] : memref<2x8x128xi32, #tpu.memory_space<vmem>> -> memref<1x8x128xi32, #tpu.memory_space<vmem>>
        %dma_start3A_666 = tpu.memref_squeeze %dma_start3A_665 : memref<1x8x128xi32, #tpu.memory_space<vmem>> -> memref<8x128xi32, #tpu.memory_space<vmem>>
        %dma_start3A_667 = arith.constant 0 : i32
        %dma_start3A_668 = tpu.memref_slice %dma_start3A_666[%dma_start3A_657, %dma_start3A_667] : memref<8x128xi32, #tpu.memory_space<vmem>> -> memref<1x128xi32, #tpu.memory_space<vmem>>
        %dma_start3A_669 = tpu.memref_squeeze %dma_start3A_668 : memref<1x128xi32, #tpu.memory_space<vmem>> -> memref<128xi32, #tpu.memory_space<vmem>>
        %dma_start3A_670 = arith.constant 0 : i32
        %dma_start3A_671 = arith.constant 0 : i32
        %dma_start3A_672 = tpu.memref_slice %arg2[%dma_start3A_670, %dma_start3A_671] : memref<10000x128xf32, #tpu.memory_space<hbm>> -> memref<10000x128xf32, #tpu.memory_space<hbm>>
        tpu.enqueue_indirect_dma source(%dma_start3A_672 : memref<10000x128xf32, #tpu.memory_space<hbm>>) target(%dma_start3A_662 : memref<128x128xf32, #tpu.memory_space<vmem>>) offsets(%dma_start3A_669 : memref<128xi32, #tpu.memory_space<vmem>>) semaphore(%arg17 : memref<!tpu.dma_semaphore, #tpu.memory_space<semaphore_mem>>)
        %dma_wait3A_673 = arith.constant 5 : i32
        %dma_wait3A_674 = arith.constant 1 : i32
        %dma_wait3A_675 = arith.constant 0 : i32
        %dma_wait3A_676 = arith.constant 0 : i32
        %dma_wait3A_677 = tpu.memref_slice %arg13[%dma_wait3A_674, %dma_wait3A_675, %dma_wait3A_676] : memref<2x128x128xf32, #tpu.memory_space<vmem>> -> memref<1x128x128xf32, #tpu.memory_space<vmem>>
        %dma_wait3A_678 = tpu.memref_squeeze %dma_wait3A_677 : memref<1x128x128xf32, #tpu.memory_space<vmem>> -> memref<128x128xf32, #tpu.memory_space<vmem>>
        %dma_wait3A_679 = arith.constant 0 : i32
        %dma_wait3A_680 = arith.constant 0 : i32
        %dma_wait3A_681 = tpu.memref_slice %arg10[%select_n3A_170, %dma_wait3A_679, %dma_wait3A_680] : memref<2x8x128xi32, #tpu.memory_space<vmem>> -> memref<1x8x128xi32, #tpu.memory_space<vmem>>
        %dma_wait3A_682 = tpu.memref_squeeze %dma_wait3A_681 : memref<1x8x128xi32, #tpu.memory_space<vmem>> -> memref<8x128xi32, #tpu.memory_space<vmem>>
        %dma_wait3A_683 = arith.constant 0 : i32
        %dma_wait3A_684 = tpu.memref_slice %dma_wait3A_682[%dma_wait3A_673, %dma_wait3A_683] : memref<8x128xi32, #tpu.memory_space<vmem>> -> memref<1x128xi32, #tpu.memory_space<vmem>>
        %dma_wait3A_685 = tpu.memref_squeeze %dma_wait3A_684 : memref<1x128xi32, #tpu.memory_space<vmem>> -> memref<128xi32, #tpu.memory_space<vmem>>
        %dma_wait3A_686 = arith.constant 0 : i32
        %dma_wait3A_687 = arith.constant 0 : i32
        %dma_wait3A_688 = tpu.memref_slice %arg2[%dma_wait3A_686, %dma_wait3A_687] : memref<10000x128xf32, #tpu.memory_space<hbm>> -> memref<10000x128xf32, #tpu.memory_space<hbm>>
        tpu.wait_indirect_dma semaphore(%arg18 : memref<!tpu.dma_semaphore, #tpu.memory_space<semaphore_mem>>) src(%dma_wait3A_688 : memref<10000x128xf32, #tpu.memory_space<hbm>>) dst(%dma_wait3A_678 : memref<128x128xf32, #tpu.memory_space<vmem>>)
        %dma_start3A_689 = arith.constant 1 : i32
        %dma_start3A_690 = arith.constant 5 : i32
        %dma_start3A_691 = arith.constant 0 : i32
        %dma_start3A_692 = arith.constant 0 : i32
        %dma_start3A_693 = tpu.memref_slice %arg13[%dma_start3A_689, %dma_start3A_691, %dma_start3A_692] : memref<2x128x128xf32, #tpu.memory_space<vmem>> -> memref<1x128x128xf32, #tpu.memory_space<vmem>>
        %dma_start3A_694 = tpu.memref_squeeze %dma_start3A_693 : memref<1x128x128xf32, #tpu.memory_space<vmem>> -> memref<128x128xf32, #tpu.memory_space<vmem>>
        %dma_start3A_695 = arith.constant 0 : i32
        %dma_start3A_696 = arith.constant 0 : i32
        %dma_start3A_697 = tpu.memref_slice %arg11[%select_n3A_170, %dma_start3A_695, %dma_start3A_696] : memref<2x8x128xi32, #tpu.memory_space<vmem>> -> memref<1x8x128xi32, #tpu.memory_space<vmem>>
        %dma_start3A_698 = tpu.memref_squeeze %dma_start3A_697 : memref<1x8x128xi32, #tpu.memory_space<vmem>> -> memref<8x128xi32, #tpu.memory_space<vmem>>
        %dma_start3A_699 = arith.constant 0 : i32
        %dma_start3A_700 = tpu.memref_slice %dma_start3A_698[%dma_start3A_690, %dma_start3A_699] : memref<8x128xi32, #tpu.memory_space<vmem>> -> memref<1x128xi32, #tpu.memory_space<vmem>>
        %dma_start3A_701 = tpu.memref_squeeze %dma_start3A_700 : memref<1x128xi32, #tpu.memory_space<vmem>> -> memref<128xi32, #tpu.memory_space<vmem>>
        %dma_start3A_702 = arith.constant 0 : i32
        %dma_start3A_703 = arith.constant 0 : i32
        %dma_start3A_704 = tpu.memref_slice %arg8[%dma_start3A_702, %dma_start3A_703] : memref<10240x128xf32, #tpu.memory_space<vmem_shared>> -> memref<10240x128xf32, #tpu.memory_space<vmem_shared>>
        tpu.enqueue_indirect_dma source(%dma_start3A_694 : memref<128x128xf32, #tpu.memory_space<vmem>>) target(%dma_start3A_704 : memref<10240x128xf32, #tpu.memory_space<vmem_shared>>) offsets(%dma_start3A_701 : memref<128xi32, #tpu.memory_space<vmem>>) semaphore(%arg19 : memref<!tpu.dma_semaphore, #tpu.memory_space<semaphore_mem>>) {add = true}
        %dma_wait3A_705 = arith.constant 4 : i32
        %dma_wait3A_706 = arith.constant 0 : i32
        %dma_wait3A_707 = arith.constant 0 : i32
        %dma_wait3A_708 = tpu.memref_slice %arg11[%select_n3A_170, %dma_wait3A_706, %dma_wait3A_707] : memref<2x8x128xi32, #tpu.memory_space<vmem>> -> memref<1x8x128xi32, #tpu.memory_space<vmem>>
        %dma_wait3A_709 = tpu.memref_squeeze %dma_wait3A_708 : memref<1x8x128xi32, #tpu.memory_space<vmem>> -> memref<8x128xi32, #tpu.memory_space<vmem>>
        %dma_wait3A_710 = arith.constant 0 : i32
        %dma_wait3A_711 = tpu.memref_slice %dma_wait3A_709[%dma_wait3A_705, %dma_wait3A_710] : memref<8x128xi32, #tpu.memory_space<vmem>> -> memref<1x128xi32, #tpu.memory_space<vmem>>
        %dma_wait3A_712 = tpu.memref_squeeze %dma_wait3A_711 : memref<1x128xi32, #tpu.memory_space<vmem>> -> memref<128xi32, #tpu.memory_space<vmem>>
        %dma_wait3A_713 = arith.constant 0 : i32
        %dma_wait3A_714 = tpu.memref_slice %arg9[%dma_wait3A_713] : memref<10240xf32, #tpu.memory_space<vmem_shared>> -> memref<10240xf32, #tpu.memory_space<vmem_shared>>
        tpu.wait_indirect_dma semaphore(%arg21 : memref<!tpu.dma_semaphore, #tpu.memory_space<semaphore_mem>>) src(%arg16 : memref<128xf32, #tpu.memory_space<vmem>>) dst(%dma_wait3A_714 : memref<10240xf32, #tpu.memory_space<vmem_shared>>)
        %dma_start3A_715 = arith.constant 5 : i32
        %dma_start3A_716 = arith.constant 0 : i32
        %dma_start3A_717 = arith.constant 0 : i32
        %dma_start3A_718 = tpu.memref_slice %arg11[%select_n3A_170, %dma_start3A_716, %dma_start3A_717] : memref<2x8x128xi32, #tpu.memory_space<vmem>> -> memref<1x8x128xi32, #tpu.memory_space<vmem>>
        %dma_start3A_719 = tpu.memref_squeeze %dma_start3A_718 : memref<1x8x128xi32, #tpu.memory_space<vmem>> -> memref<8x128xi32, #tpu.memory_space<vmem>>
        %dma_start3A_720 = arith.constant 0 : i32
        %dma_start3A_721 = tpu.memref_slice %dma_start3A_719[%dma_start3A_715, %dma_start3A_720] : memref<8x128xi32, #tpu.memory_space<vmem>> -> memref<1x128xi32, #tpu.memory_space<vmem>>
        %dma_start3A_722 = tpu.memref_squeeze %dma_start3A_721 : memref<1x128xi32, #tpu.memory_space<vmem>> -> memref<128xi32, #tpu.memory_space<vmem>>
        %dma_start3A_723 = arith.constant 0 : i32
        %dma_start3A_724 = tpu.memref_slice %arg9[%dma_start3A_723] : memref<10240xf32, #tpu.memory_space<vmem_shared>> -> memref<10240xf32, #tpu.memory_space<vmem_shared>>
        tpu.enqueue_indirect_dma source(%arg16 : memref<128xf32, #tpu.memory_space<vmem>>) target(%dma_start3A_724 : memref<10240xf32, #tpu.memory_space<vmem_shared>>) offsets(%dma_start3A_722 : memref<128xi32, #tpu.memory_space<vmem>>) semaphore(%arg21 : memref<!tpu.dma_semaphore, #tpu.memory_space<semaphore_mem>>) {add = true}
        %dma_wait3A_725 = arith.constant 1 : i32
        %dma_wait3A_726 = arith.constant 5 : i32
        %dma_wait3A_727 = arith.constant 0 : i32
        %dma_wait3A_728 = arith.constant 0 : i32
        %dma_wait3A_729 = tpu.memref_slice %arg13[%dma_wait3A_725, %dma_wait3A_727, %dma_wait3A_728] : memref<2x128x128xf32, #tpu.memory_space<vmem>> -> memref<1x128x128xf32, #tpu.memory_space<vmem>>
        %dma_wait3A_730 = tpu.memref_squeeze %dma_wait3A_729 : memref<1x128x128xf32, #tpu.memory_space<vmem>> -> memref<128x128xf32, #tpu.memory_space<vmem>>
        %dma_wait3A_731 = arith.constant 0 : i32
        %dma_wait3A_732 = arith.constant 0 : i32
        %dma_wait3A_733 = tpu.memref_slice %arg11[%select_n3A_170, %dma_wait3A_731, %dma_wait3A_732] : memref<2x8x128xi32, #tpu.memory_space<vmem>> -> memref<1x8x128xi32, #tpu.memory_space<vmem>>
        %dma_wait3A_734 = tpu.memref_squeeze %dma_wait3A_733 : memref<1x8x128xi32, #tpu.memory_space<vmem>> -> memref<8x128xi32, #tpu.memory_space<vmem>>
        %dma_wait3A_735 = arith.constant 0 : i32
        %dma_wait3A_736 = tpu.memref_slice %dma_wait3A_734[%dma_wait3A_726, %dma_wait3A_735] : memref<8x128xi32, #tpu.memory_space<vmem>> -> memref<1x128xi32, #tpu.memory_space<vmem>>
        %dma_wait3A_737 = tpu.memref_squeeze %dma_wait3A_736 : memref<1x128xi32, #tpu.memory_space<vmem>> -> memref<128xi32, #tpu.memory_space<vmem>>
        %dma_wait3A_738 = arith.constant 0 : i32
        %dma_wait3A_739 = arith.constant 0 : i32
        %dma_wait3A_740 = tpu.memref_slice %arg8[%dma_wait3A_738, %dma_wait3A_739] : memref<10240x128xf32, #tpu.memory_space<vmem_shared>> -> memref<10240x128xf32, #tpu.memory_space<vmem_shared>>
        tpu.wait_indirect_dma semaphore(%arg19 : memref<!tpu.dma_semaphore, #tpu.memory_space<semaphore_mem>>) src(%dma_wait3A_730 : memref<128x128xf32, #tpu.memory_space<vmem>>) dst(%dma_wait3A_740 : memref<10240x128xf32, #tpu.memory_space<vmem_shared>>)
        %dma_start3A_741 = arith.constant 7 : i32
        %dma_start3A_742 = arith.constant 1 : i32
        %dma_start3A_743 = arith.constant 0 : i32
        %dma_start3A_744 = arith.constant 0 : i32
        %dma_start3A_745 = tpu.memref_slice %arg13[%dma_start3A_742, %dma_start3A_743, %dma_start3A_744] : memref<2x128x128xf32, #tpu.memory_space<vmem>> -> memref<1x128x128xf32, #tpu.memory_space<vmem>>
        %dma_start3A_746 = tpu.memref_squeeze %dma_start3A_745 : memref<1x128x128xf32, #tpu.memory_space<vmem>> -> memref<128x128xf32, #tpu.memory_space<vmem>>
        %dma_start3A_747 = arith.constant 0 : i32
        %dma_start3A_748 = arith.constant 0 : i32
        %dma_start3A_749 = tpu.memref_slice %arg10[%select_n3A_170, %dma_start3A_747, %dma_start3A_748] : memref<2x8x128xi32, #tpu.memory_space<vmem>> -> memref<1x8x128xi32, #tpu.memory_space<vmem>>
        %dma_start3A_750 = tpu.memref_squeeze %dma_start3A_749 : memref<1x8x128xi32, #tpu.memory_space<vmem>> -> memref<8x128xi32, #tpu.memory_space<vmem>>
        %dma_start3A_751 = arith.constant 0 : i32
        %dma_start3A_752 = tpu.memref_slice %dma_start3A_750[%dma_start3A_741, %dma_start3A_751] : memref<8x128xi32, #tpu.memory_space<vmem>> -> memref<1x128xi32, #tpu.memory_space<vmem>>
        %dma_start3A_753 = tpu.memref_squeeze %dma_start3A_752 : memref<1x128xi32, #tpu.memory_space<vmem>> -> memref<128xi32, #tpu.memory_space<vmem>>
        %dma_start3A_754 = arith.constant 0 : i32
        %dma_start3A_755 = arith.constant 0 : i32
        %dma_start3A_756 = tpu.memref_slice %arg2[%dma_start3A_754, %dma_start3A_755] : memref<10000x128xf32, #tpu.memory_space<hbm>> -> memref<10000x128xf32, #tpu.memory_space<hbm>>
        tpu.enqueue_indirect_dma source(%dma_start3A_756 : memref<10000x128xf32, #tpu.memory_space<hbm>>) target(%dma_start3A_746 : memref<128x128xf32, #tpu.memory_space<vmem>>) offsets(%dma_start3A_753 : memref<128xi32, #tpu.memory_space<vmem>>) semaphore(%arg18 : memref<!tpu.dma_semaphore, #tpu.memory_space<semaphore_mem>>)
        %dma_wait3A_757 = arith.constant 6 : i32
        %dma_wait3A_758 = arith.constant 0 : i32
        %dma_wait3A_759 = arith.constant 0 : i32
        %dma_wait3A_760 = arith.constant 0 : i32
        %dma_wait3A_761 = tpu.memref_slice %arg13[%dma_wait3A_758, %dma_wait3A_759, %dma_wait3A_760] : memref<2x128x128xf32, #tpu.memory_space<vmem>> -> memref<1x128x128xf32, #tpu.memory_space<vmem>>
        %dma_wait3A_762 = tpu.memref_squeeze %dma_wait3A_761 : memref<1x128x128xf32, #tpu.memory_space<vmem>> -> memref<128x128xf32, #tpu.memory_space<vmem>>
        %dma_wait3A_763 = arith.constant 0 : i32
        %dma_wait3A_764 = arith.constant 0 : i32
        %dma_wait3A_765 = tpu.memref_slice %arg10[%select_n3A_170, %dma_wait3A_763, %dma_wait3A_764] : memref<2x8x128xi32, #tpu.memory_space<vmem>> -> memref<1x8x128xi32, #tpu.memory_space<vmem>>
        %dma_wait3A_766 = tpu.memref_squeeze %dma_wait3A_765 : memref<1x8x128xi32, #tpu.memory_space<vmem>> -> memref<8x128xi32, #tpu.memory_space<vmem>>
        %dma_wait3A_767 = arith.constant 0 : i32
        %dma_wait3A_768 = tpu.memref_slice %dma_wait3A_766[%dma_wait3A_757, %dma_wait3A_767] : memref<8x128xi32, #tpu.memory_space<vmem>> -> memref<1x128xi32, #tpu.memory_space<vmem>>
        %dma_wait3A_769 = tpu.memref_squeeze %dma_wait3A_768 : memref<1x128xi32, #tpu.memory_space<vmem>> -> memref<128xi32, #tpu.memory_space<vmem>>
        %dma_wait3A_770 = arith.constant 0 : i32
        %dma_wait3A_771 = arith.constant 0 : i32
        %dma_wait3A_772 = tpu.memref_slice %arg2[%dma_wait3A_770, %dma_wait3A_771] : memref<10000x128xf32, #tpu.memory_space<hbm>> -> memref<10000x128xf32, #tpu.memory_space<hbm>>
        tpu.wait_indirect_dma semaphore(%arg17 : memref<!tpu.dma_semaphore, #tpu.memory_space<semaphore_mem>>) src(%dma_wait3A_772 : memref<10000x128xf32, #tpu.memory_space<hbm>>) dst(%dma_wait3A_762 : memref<128x128xf32, #tpu.memory_space<vmem>>)
        %dma_start3A_773 = arith.constant 0 : i32
        %dma_start3A_774 = arith.constant 6 : i32
        %dma_start3A_775 = arith.constant 0 : i32
        %dma_start3A_776 = arith.constant 0 : i32
        %dma_start3A_777 = tpu.memref_slice %arg13[%dma_start3A_773, %dma_start3A_775, %dma_start3A_776] : memref<2x128x128xf32, #tpu.memory_space<vmem>> -> memref<1x128x128xf32, #tpu.memory_space<vmem>>
        %dma_start3A_778 = tpu.memref_squeeze %dma_start3A_777 : memref<1x128x128xf32, #tpu.memory_space<vmem>> -> memref<128x128xf32, #tpu.memory_space<vmem>>
        %dma_start3A_779 = arith.constant 0 : i32
        %dma_start3A_780 = arith.constant 0 : i32
        %dma_start3A_781 = tpu.memref_slice %arg11[%select_n3A_170, %dma_start3A_779, %dma_start3A_780] : memref<2x8x128xi32, #tpu.memory_space<vmem>> -> memref<1x8x128xi32, #tpu.memory_space<vmem>>
        %dma_start3A_782 = tpu.memref_squeeze %dma_start3A_781 : memref<1x8x128xi32, #tpu.memory_space<vmem>> -> memref<8x128xi32, #tpu.memory_space<vmem>>
        %dma_start3A_783 = arith.constant 0 : i32
        %dma_start3A_784 = tpu.memref_slice %dma_start3A_782[%dma_start3A_774, %dma_start3A_783] : memref<8x128xi32, #tpu.memory_space<vmem>> -> memref<1x128xi32, #tpu.memory_space<vmem>>
        %dma_start3A_785 = tpu.memref_squeeze %dma_start3A_784 : memref<1x128xi32, #tpu.memory_space<vmem>> -> memref<128xi32, #tpu.memory_space<vmem>>
        %dma_start3A_786 = arith.constant 0 : i32
        %dma_start3A_787 = arith.constant 0 : i32
        %dma_start3A_788 = tpu.memref_slice %arg8[%dma_start3A_786, %dma_start3A_787] : memref<10240x128xf32, #tpu.memory_space<vmem_shared>> -> memref<10240x128xf32, #tpu.memory_space<vmem_shared>>
        tpu.enqueue_indirect_dma source(%dma_start3A_778 : memref<128x128xf32, #tpu.memory_space<vmem>>) target(%dma_start3A_788 : memref<10240x128xf32, #tpu.memory_space<vmem_shared>>) offsets(%dma_start3A_785 : memref<128xi32, #tpu.memory_space<vmem>>) semaphore(%arg19 : memref<!tpu.dma_semaphore, #tpu.memory_space<semaphore_mem>>) {add = true}
        %dma_wait3A_789 = arith.constant 5 : i32
        %dma_wait3A_790 = arith.constant 0 : i32
        %dma_wait3A_791 = arith.constant 0 : i32
        %dma_wait3A_792 = tpu.memref_slice %arg11[%select_n3A_170, %dma_wait3A_790, %dma_wait3A_791] : memref<2x8x128xi32, #tpu.memory_space<vmem>> -> memref<1x8x128xi32, #tpu.memory_space<vmem>>
        %dma_wait3A_793 = tpu.memref_squeeze %dma_wait3A_792 : memref<1x8x128xi32, #tpu.memory_space<vmem>> -> memref<8x128xi32, #tpu.memory_space<vmem>>
        %dma_wait3A_794 = arith.constant 0 : i32
        %dma_wait3A_795 = tpu.memref_slice %dma_wait3A_793[%dma_wait3A_789, %dma_wait3A_794] : memref<8x128xi32, #tpu.memory_space<vmem>> -> memref<1x128xi32, #tpu.memory_space<vmem>>
        %dma_wait3A_796 = tpu.memref_squeeze %dma_wait3A_795 : memref<1x128xi32, #tpu.memory_space<vmem>> -> memref<128xi32, #tpu.memory_space<vmem>>
        %dma_wait3A_797 = arith.constant 0 : i32
        %dma_wait3A_798 = tpu.memref_slice %arg9[%dma_wait3A_797] : memref<10240xf32, #tpu.memory_space<vmem_shared>> -> memref<10240xf32, #tpu.memory_space<vmem_shared>>
        tpu.wait_indirect_dma semaphore(%arg21 : memref<!tpu.dma_semaphore, #tpu.memory_space<semaphore_mem>>) src(%arg16 : memref<128xf32, #tpu.memory_space<vmem>>) dst(%dma_wait3A_798 : memref<10240xf32, #tpu.memory_space<vmem_shared>>)
        %dma_start3A_799 = arith.constant 6 : i32
        %dma_start3A_800 = arith.constant 0 : i32
        %dma_start3A_801 = arith.constant 0 : i32
        %dma_start3A_802 = tpu.memref_slice %arg11[%select_n3A_170, %dma_start3A_800, %dma_start3A_801] : memref<2x8x128xi32, #tpu.memory_space<vmem>> -> memref<1x8x128xi32, #tpu.memory_space<vmem>>
        %dma_start3A_803 = tpu.memref_squeeze %dma_start3A_802 : memref<1x8x128xi32, #tpu.memory_space<vmem>> -> memref<8x128xi32, #tpu.memory_space<vmem>>
        %dma_start3A_804 = arith.constant 0 : i32
        %dma_start3A_805 = tpu.memref_slice %dma_start3A_803[%dma_start3A_799, %dma_start3A_804] : memref<8x128xi32, #tpu.memory_space<vmem>> -> memref<1x128xi32, #tpu.memory_space<vmem>>
        %dma_start3A_806 = tpu.memref_squeeze %dma_start3A_805 : memref<1x128xi32, #tpu.memory_space<vmem>> -> memref<128xi32, #tpu.memory_space<vmem>>
        %dma_start3A_807 = arith.constant 0 : i32
        %dma_start3A_808 = tpu.memref_slice %arg9[%dma_start3A_807] : memref<10240xf32, #tpu.memory_space<vmem_shared>> -> memref<10240xf32, #tpu.memory_space<vmem_shared>>
        tpu.enqueue_indirect_dma source(%arg16 : memref<128xf32, #tpu.memory_space<vmem>>) target(%dma_start3A_808 : memref<10240xf32, #tpu.memory_space<vmem_shared>>) offsets(%dma_start3A_806 : memref<128xi32, #tpu.memory_space<vmem>>) semaphore(%arg21 : memref<!tpu.dma_semaphore, #tpu.memory_space<semaphore_mem>>) {add = true}
        %dma_wait3A_809 = arith.constant 7 : i32
        %dma_wait3A_810 = arith.constant 1 : i32
        %dma_wait3A_811 = arith.constant 0 : i32
        %dma_wait3A_812 = arith.constant 0 : i32
        %dma_wait3A_813 = tpu.memref_slice %arg13[%dma_wait3A_810, %dma_wait3A_811, %dma_wait3A_812] : memref<2x128x128xf32, #tpu.memory_space<vmem>> -> memref<1x128x128xf32, #tpu.memory_space<vmem>>
        %dma_wait3A_814 = tpu.memref_squeeze %dma_wait3A_813 : memref<1x128x128xf32, #tpu.memory_space<vmem>> -> memref<128x128xf32, #tpu.memory_space<vmem>>
        %dma_wait3A_815 = arith.constant 0 : i32
        %dma_wait3A_816 = arith.constant 0 : i32
        %dma_wait3A_817 = tpu.memref_slice %arg10[%select_n3A_170, %dma_wait3A_815, %dma_wait3A_816] : memref<2x8x128xi32, #tpu.memory_space<vmem>> -> memref<1x8x128xi32, #tpu.memory_space<vmem>>
        %dma_wait3A_818 = tpu.memref_squeeze %dma_wait3A_817 : memref<1x8x128xi32, #tpu.memory_space<vmem>> -> memref<8x128xi32, #tpu.memory_space<vmem>>
        %dma_wait3A_819 = arith.constant 0 : i32
        %dma_wait3A_820 = tpu.memref_slice %dma_wait3A_818[%dma_wait3A_809, %dma_wait3A_819] : memref<8x128xi32, #tpu.memory_space<vmem>> -> memref<1x128xi32, #tpu.memory_space<vmem>>
        %dma_wait3A_821 = tpu.memref_squeeze %dma_wait3A_820 : memref<1x128xi32, #tpu.memory_space<vmem>> -> memref<128xi32, #tpu.memory_space<vmem>>
        %dma_wait3A_822 = arith.constant 0 : i32
        %dma_wait3A_823 = arith.constant 0 : i32
        %dma_wait3A_824 = tpu.memref_slice %arg2[%dma_wait3A_822, %dma_wait3A_823] : memref<10000x128xf32, #tpu.memory_space<hbm>> -> memref<10000x128xf32, #tpu.memory_space<hbm>>
        tpu.wait_indirect_dma semaphore(%arg18 : memref<!tpu.dma_semaphore, #tpu.memory_space<semaphore_mem>>) src(%dma_wait3A_824 : memref<10000x128xf32, #tpu.memory_space<hbm>>) dst(%dma_wait3A_814 : memref<128x128xf32, #tpu.memory_space<vmem>>)
        %dma_wait3A_825 = arith.constant 0 : i32
        %dma_wait3A_826 = arith.constant 6 : i32
        %dma_wait3A_827 = arith.constant 0 : i32
        %dma_wait3A_828 = arith.constant 0 : i32
        %dma_wait3A_829 = tpu.memref_slice %arg13[%dma_wait3A_825, %dma_wait3A_827, %dma_wait3A_828] : memref<2x128x128xf32, #tpu.memory_space<vmem>> -> memref<1x128x128xf32, #tpu.memory_space<vmem>>
        %dma_wait3A_830 = tpu.memref_squeeze %dma_wait3A_829 : memref<1x128x128xf32, #tpu.memory_space<vmem>> -> memref<128x128xf32, #tpu.memory_space<vmem>>
        %dma_wait3A_831 = arith.constant 0 : i32
        %dma_wait3A_832 = arith.constant 0 : i32
        %dma_wait3A_833 = tpu.memref_slice %arg11[%select_n3A_170, %dma_wait3A_831, %dma_wait3A_832] : memref<2x8x128xi32, #tpu.memory_space<vmem>> -> memref<1x8x128xi32, #tpu.memory_space<vmem>>
        %dma_wait3A_834 = tpu.memref_squeeze %dma_wait3A_833 : memref<1x8x128xi32, #tpu.memory_space<vmem>> -> memref<8x128xi32, #tpu.memory_space<vmem>>
        %dma_wait3A_835 = arith.constant 0 : i32
        %dma_wait3A_836 = tpu.memref_slice %dma_wait3A_834[%dma_wait3A_826, %dma_wait3A_835] : memref<8x128xi32, #tpu.memory_space<vmem>> -> memref<1x128xi32, #tpu.memory_space<vmem>>
        %dma_wait3A_837 = tpu.memref_squeeze %dma_wait3A_836 : memref<1x128xi32, #tpu.memory_space<vmem>> -> memref<128xi32, #tpu.memory_space<vmem>>
        %dma_wait3A_838 = arith.constant 0 : i32
        %dma_wait3A_839 = arith.constant 0 : i32
        %dma_wait3A_840 = tpu.memref_slice %arg8[%dma_wait3A_838, %dma_wait3A_839] : memref<10240x128xf32, #tpu.memory_space<vmem_shared>> -> memref<10240x128xf32, #tpu.memory_space<vmem_shared>>
        tpu.wait_indirect_dma semaphore(%arg19 : memref<!tpu.dma_semaphore, #tpu.memory_space<semaphore_mem>>) src(%dma_wait3A_830 : memref<128x128xf32, #tpu.memory_space<vmem>>) dst(%dma_wait3A_840 : memref<10240x128xf32, #tpu.memory_space<vmem_shared>>)
        %dma_start3A_841 = arith.constant 1 : i32
        %dma_start3A_842 = arith.constant 7 : i32
        %dma_start3A_843 = arith.constant 0 : i32
        %dma_start3A_844 = arith.constant 0 : i32
        %dma_start3A_845 = tpu.memref_slice %arg13[%dma_start3A_841, %dma_start3A_843, %dma_start3A_844] : memref<2x128x128xf32, #tpu.memory_space<vmem>> -> memref<1x128x128xf32, #tpu.memory_space<vmem>>
        %dma_start3A_846 = tpu.memref_squeeze %dma_start3A_845 : memref<1x128x128xf32, #tpu.memory_space<vmem>> -> memref<128x128xf32, #tpu.memory_space<vmem>>
        %dma_start3A_847 = arith.constant 0 : i32
        %dma_start3A_848 = arith.constant 0 : i32
        %dma_start3A_849 = tpu.memref_slice %arg11[%select_n3A_170, %dma_start3A_847, %dma_start3A_848] : memref<2x8x128xi32, #tpu.memory_space<vmem>> -> memref<1x8x128xi32, #tpu.memory_space<vmem>>
        %dma_start3A_850 = tpu.memref_squeeze %dma_start3A_849 : memref<1x8x128xi32, #tpu.memory_space<vmem>> -> memref<8x128xi32, #tpu.memory_space<vmem>>
        %dma_start3A_851 = arith.constant 0 : i32
        %dma_start3A_852 = tpu.memref_slice %dma_start3A_850[%dma_start3A_842, %dma_start3A_851] : memref<8x128xi32, #tpu.memory_space<vmem>> -> memref<1x128xi32, #tpu.memory_space<vmem>>
        %dma_start3A_853 = tpu.memref_squeeze %dma_start3A_852 : memref<1x128xi32, #tpu.memory_space<vmem>> -> memref<128xi32, #tpu.memory_space<vmem>>
        %dma_start3A_854 = arith.constant 0 : i32
        %dma_start3A_855 = arith.constant 0 : i32
        %dma_start3A_856 = tpu.memref_slice %arg8[%dma_start3A_854, %dma_start3A_855] : memref<10240x128xf32, #tpu.memory_space<vmem_shared>> -> memref<10240x128xf32, #tpu.memory_space<vmem_shared>>
        tpu.enqueue_indirect_dma source(%dma_start3A_846 : memref<128x128xf32, #tpu.memory_space<vmem>>) target(%dma_start3A_856 : memref<10240x128xf32, #tpu.memory_space<vmem_shared>>) offsets(%dma_start3A_853 : memref<128xi32, #tpu.memory_space<vmem>>) semaphore(%arg19 : memref<!tpu.dma_semaphore, #tpu.memory_space<semaphore_mem>>) {add = true}
        %dma_wait3A_857 = arith.constant 6 : i32
        %dma_wait3A_858 = arith.constant 0 : i32
        %dma_wait3A_859 = arith.constant 0 : i32
        %dma_wait3A_860 = tpu.memref_slice %arg11[%select_n3A_170, %dma_wait3A_858, %dma_wait3A_859] : memref<2x8x128xi32, #tpu.memory_space<vmem>> -> memref<1x8x128xi32, #tpu.memory_space<vmem>>
        %dma_wait3A_861 = tpu.memref_squeeze %dma_wait3A_860 : memref<1x8x128xi32, #tpu.memory_space<vmem>> -> memref<8x128xi32, #tpu.memory_space<vmem>>
        %dma_wait3A_862 = arith.constant 0 : i32
        %dma_wait3A_863 = tpu.memref_slice %dma_wait3A_861[%dma_wait3A_857, %dma_wait3A_862] : memref<8x128xi32, #tpu.memory_space<vmem>> -> memref<1x128xi32, #tpu.memory_space<vmem>>
        %dma_wait3A_864 = tpu.memref_squeeze %dma_wait3A_863 : memref<1x128xi32, #tpu.memory_space<vmem>> -> memref<128xi32, #tpu.memory_space<vmem>>
        %dma_wait3A_865 = arith.constant 0 : i32
        %dma_wait3A_866 = tpu.memref_slice %arg9[%dma_wait3A_865] : memref<10240xf32, #tpu.memory_space<vmem_shared>> -> memref<10240xf32, #tpu.memory_space<vmem_shared>>
        tpu.wait_indirect_dma semaphore(%arg21 : memref<!tpu.dma_semaphore, #tpu.memory_space<semaphore_mem>>) src(%arg16 : memref<128xf32, #tpu.memory_space<vmem>>) dst(%dma_wait3A_866 : memref<10240xf32, #tpu.memory_space<vmem_shared>>)
        %dma_start3A_867 = arith.constant 7 : i32
        %dma_start3A_868 = arith.constant 0 : i32
        %dma_start3A_869 = arith.constant 0 : i32
        %dma_start3A_870 = tpu.memref_slice %arg11[%select_n3A_170, %dma_start3A_868, %dma_start3A_869] : memref<2x8x128xi32, #tpu.memory_space<vmem>> -> memref<1x8x128xi32, #tpu.memory_space<vmem>>
        %dma_start3A_871 = tpu.memref_squeeze %dma_start3A_870 : memref<1x8x128xi32, #tpu.memory_space<vmem>> -> memref<8x128xi32, #tpu.memory_space<vmem>>
        %dma_start3A_872 = arith.constant 0 : i32
        %dma_start3A_873 = tpu.memref_slice %dma_start3A_871[%dma_start3A_867, %dma_start3A_872] : memref<8x128xi32, #tpu.memory_space<vmem>> -> memref<1x128xi32, #tpu.memory_space<vmem>>
        %dma_start3A_874 = tpu.memref_squeeze %dma_start3A_873 : memref<1x128xi32, #tpu.memory_space<vmem>> -> memref<128xi32, #tpu.memory_space<vmem>>
        %dma_start3A_875 = arith.constant 0 : i32
        %dma_start3A_876 = tpu.memref_slice %arg9[%dma_start3A_875] : memref<10240xf32, #tpu.memory_space<vmem_shared>> -> memref<10240xf32, #tpu.memory_space<vmem_shared>>
        tpu.enqueue_indirect_dma source(%arg16 : memref<128xf32, #tpu.memory_space<vmem>>) target(%dma_start3A_876 : memref<10240xf32, #tpu.memory_space<vmem_shared>>) offsets(%dma_start3A_874 : memref<128xi32, #tpu.memory_space<vmem>>) semaphore(%arg21 : memref<!tpu.dma_semaphore, #tpu.memory_space<semaphore_mem>>) {add = true}
        %dma_wait3A_877 = arith.constant 1 : i32
        %dma_wait3A_878 = arith.constant 7 : i32
        %dma_wait3A_879 = arith.constant 0 : i32
        %dma_wait3A_880 = arith.constant 0 : i32
        %dma_wait3A_881 = tpu.memref_slice %arg13[%dma_wait3A_877, %dma_wait3A_879, %dma_wait3A_880] : memref<2x128x128xf32, #tpu.memory_space<vmem>> -> memref<1x128x128xf32, #tpu.memory_space<vmem>>
        %dma_wait3A_882 = tpu.memref_squeeze %dma_wait3A_881 : memref<1x128x128xf32, #tpu.memory_space<vmem>> -> memref<128x128xf32, #tpu.memory_space<vmem>>
        %dma_wait3A_883 = arith.constant 0 : i32
        %dma_wait3A_884 = arith.constant 0 : i32
        %dma_wait3A_885 = tpu.memref_slice %arg11[%select_n3A_170, %dma_wait3A_883, %dma_wait3A_884] : memref<2x8x128xi32, #tpu.memory_space<vmem>> -> memref<1x8x128xi32, #tpu.memory_space<vmem>>
        %dma_wait3A_886 = tpu.memref_squeeze %dma_wait3A_885 : memref<1x8x128xi32, #tpu.memory_space<vmem>> -> memref<8x128xi32, #tpu.memory_space<vmem>>
        %dma_wait3A_887 = arith.constant 0 : i32
        %dma_wait3A_888 = tpu.memref_slice %dma_wait3A_886[%dma_wait3A_878, %dma_wait3A_887] : memref<8x128xi32, #tpu.memory_space<vmem>> -> memref<1x128xi32, #tpu.memory_space<vmem>>
        %dma_wait3A_889 = tpu.memref_squeeze %dma_wait3A_888 : memref<1x128xi32, #tpu.memory_space<vmem>> -> memref<128xi32, #tpu.memory_space<vmem>>
        %dma_wait3A_890 = arith.constant 0 : i32
        %dma_wait3A_891 = arith.constant 0 : i32
        %dma_wait3A_892 = tpu.memref_slice %arg8[%dma_wait3A_890, %dma_wait3A_891] : memref<10240x128xf32, #tpu.memory_space<vmem_shared>> -> memref<10240x128xf32, #tpu.memory_space<vmem_shared>>
        tpu.wait_indirect_dma semaphore(%arg19 : memref<!tpu.dma_semaphore, #tpu.memory_space<semaphore_mem>>) src(%dma_wait3A_882 : memref<128x128xf32, #tpu.memory_space<vmem>>) dst(%dma_wait3A_892 : memref<10240x128xf32, #tpu.memory_space<vmem_shared>>)
        %dma_wait3A_893 = arith.constant 7 : i32
        %dma_wait3A_894 = arith.constant 0 : i32
        %dma_wait3A_895 = arith.constant 0 : i32
        %dma_wait3A_896 = tpu.memref_slice %arg11[%select_n3A_170, %dma_wait3A_894, %dma_wait3A_895] : memref<2x8x128xi32, #tpu.memory_space<vmem>> -> memref<1x8x128xi32, #tpu.memory_space<vmem>>
        %dma_wait3A_897 = tpu.memref_squeeze %dma_wait3A_896 : memref<1x8x128xi32, #tpu.memory_space<vmem>> -> memref<8x128xi32, #tpu.memory_space<vmem>>
        %dma_wait3A_898 = arith.constant 0 : i32
        %dma_wait3A_899 = tpu.memref_slice %dma_wait3A_897[%dma_wait3A_893, %dma_wait3A_898] : memref<8x128xi32, #tpu.memory_space<vmem>> -> memref<1x128xi32, #tpu.memory_space<vmem>>
        %dma_wait3A_900 = tpu.memref_squeeze %dma_wait3A_899 : memref<1x128xi32, #tpu.memory_space<vmem>> -> memref<128xi32, #tpu.memory_space<vmem>>
        %dma_wait3A_901 = arith.constant 0 : i32
        %dma_wait3A_902 = tpu.memref_slice %arg9[%dma_wait3A_901] : memref<10240xf32, #tpu.memory_space<vmem_shared>> -> memref<10240xf32, #tpu.memory_space<vmem_shared>>
        tpu.wait_indirect_dma semaphore(%arg21 : memref<!tpu.dma_semaphore, #tpu.memory_space<semaphore_mem>>) src(%arg16 : memref<128xf32, #tpu.memory_space<vmem>>) dst(%dma_wait3A_902 : memref<10240xf32, #tpu.memory_space<vmem_shared>>)
        %dma_wait3A_903 = arith.constant 0 : i32
        %dma_wait3A_904 = arith.constant 0 : i32
        %dma_wait3A_905 = tpu.memref_slice %arg10[%sub3A_171, %dma_wait3A_903, %dma_wait3A_904] : memref<2x8x128xi32, #tpu.memory_space<vmem>> -> memref<1x8x128xi32, #tpu.memory_space<vmem>>
        %dma_wait3A_906 = tpu.memref_squeeze %dma_wait3A_905 : memref<1x8x128xi32, #tpu.memory_space<vmem>> -> memref<8x128xi32, #tpu.memory_space<vmem>>
        %dma_wait3A_907 = arith.constant 0 : i32
        %dma_wait3A_908 = tpu.memref_slice %arg3[%arg1, %mul3A_191, %dma_wait3A_907] : memref<16x160x128xi32, #tpu.memory_space<hbm>> -> memref<1x8x128xi32, #tpu.memory_space<hbm>>
        %dma_wait3A_909 = tpu.memref_squeeze %dma_wait3A_908 : memref<1x8x128xi32, #tpu.memory_space<hbm>> -> memref<8x128xi32, #tpu.memory_space<hbm>>
        %dma_wait3A_910 = arith.constant 0 : i32
        %dma_wait3A_911 = arith.constant 0 : i32
        %dma_wait3A_912 = tpu.memref_slice %arg10[%sub3A_171, %dma_wait3A_910, %dma_wait3A_911] : memref<2x8x128xi32, #tpu.memory_space<vmem>> -> memref<1x8x128xi32, #tpu.memory_space<vmem>>
        %dma_wait3A_913 = tpu.memref_squeeze %dma_wait3A_912 : memref<1x8x128xi32, #tpu.memory_space<vmem>> -> memref<8x128xi32, #tpu.memory_space<vmem>>
        %dma_wait3A_914 = arith.constant 0 : i32
        %dma_wait3A_915 = tpu.memref_slice %arg3[%arg1, %mul3A_191, %dma_wait3A_914] : memref<16x160x128xi32, #tpu.memory_space<hbm>> -> memref<1x8x128xi32, #tpu.memory_space<hbm>>
        %dma_wait3A_916 = tpu.memref_squeeze %dma_wait3A_915 : memref<1x8x128xi32, #tpu.memory_space<hbm>> -> memref<8x128xi32, #tpu.memory_space<hbm>>
        tpu.wait_dma2 semaphore(%arg22 : memref<!tpu.dma_semaphore, #tpu.memory_space<semaphore_mem>>) src(%dma_wait3A_916 : memref<8x128xi32, #tpu.memory_space<hbm>>) dst(%dma_wait3A_913 : memref<8x128xi32, #tpu.memory_space<vmem>>)
        %dma_wait3A_917 = arith.constant 0 : i32
        %dma_wait3A_918 = arith.constant 0 : i32
        %dma_wait3A_919 = tpu.memref_slice %arg11[%sub3A_171, %dma_wait3A_917, %dma_wait3A_918] : memref<2x8x128xi32, #tpu.memory_space<vmem>> -> memref<1x8x128xi32, #tpu.memory_space<vmem>>
        %dma_wait3A_920 = tpu.memref_squeeze %dma_wait3A_919 : memref<1x8x128xi32, #tpu.memory_space<vmem>> -> memref<8x128xi32, #tpu.memory_space<vmem>>
        %dma_wait3A_921 = arith.constant 0 : i32
        %dma_wait3A_922 = tpu.memref_slice %arg4[%arg1, %mul3A_206, %dma_wait3A_921] : memref<16x160x128xi32, #tpu.memory_space<hbm>> -> memref<1x8x128xi32, #tpu.memory_space<hbm>>
        %dma_wait3A_923 = tpu.memref_squeeze %dma_wait3A_922 : memref<1x8x128xi32, #tpu.memory_space<hbm>> -> memref<8x128xi32, #tpu.memory_space<hbm>>
        %dma_wait3A_924 = arith.constant 0 : i32
        %dma_wait3A_925 = arith.constant 0 : i32
        %dma_wait3A_926 = tpu.memref_slice %arg11[%sub3A_171, %dma_wait3A_924, %dma_wait3A_925] : memref<2x8x128xi32, #tpu.memory_space<vmem>> -> memref<1x8x128xi32, #tpu.memory_space<vmem>>
        %dma_wait3A_927 = tpu.memref_squeeze %dma_wait3A_926 : memref<1x8x128xi32, #tpu.memory_space<vmem>> -> memref<8x128xi32, #tpu.memory_space<vmem>>
        %dma_wait3A_928 = arith.constant 0 : i32
        %dma_wait3A_929 = tpu.memref_slice %arg4[%arg1, %mul3A_206, %dma_wait3A_928] : memref<16x160x128xi32, #tpu.memory_space<hbm>> -> memref<1x8x128xi32, #tpu.memory_space<hbm>>
        %dma_wait3A_930 = tpu.memref_squeeze %dma_wait3A_929 : memref<1x8x128xi32, #tpu.memory_space<hbm>> -> memref<8x128xi32, #tpu.memory_space<hbm>>
        tpu.wait_dma2 semaphore(%arg23 : memref<!tpu.dma_semaphore, #tpu.memory_space<semaphore_mem>>) src(%dma_wait3A_930 : memref<8x128xi32, #tpu.memory_space<hbm>>) dst(%dma_wait3A_927 : memref<8x128xi32, #tpu.memory_space<vmem>>)
      } else {
      }
      %eq3A_226 = arith.constant 1 : i32
      %eq3A_227 = arith.cmpi eq, %arg0, %eq3A_226 : i32
      %convert_element_type3A_228 = arith.extui %eq3A_227 : i1 to i32
      %cond3A_229 = arith.constant 0 : i32
      %cond3A_230 = arith.cmpi ne, %convert_element_type3A_228, %cond3A_229 : i32
      scf.if %cond3A_230 {
        %dma_start3A_232 = arith.constant 0 : i32
        %dma_start3A_233 = arith.constant 0 : i32
        %dma_start3A_234 = arith.constant 0 : i32
        %dma_start3A_235 = arith.constant 0 : i32
        %dma_start3A_236 = tpu.memref_slice %arg13[%dma_start3A_233, %dma_start3A_234, %dma_start3A_235] : memref<2x128x128xf32, #tpu.memory_space<vmem>> -> memref<1x128x128xf32, #tpu.memory_space<vmem>>
        %dma_start3A_237 = tpu.memref_squeeze %dma_start3A_236 : memref<1x128x128xf32, #tpu.memory_space<vmem>> -> memref<128x128xf32, #tpu.memory_space<vmem>>
        %dma_start3A_238 = arith.constant 0 : i32
        %dma_start3A_239 = arith.constant 0 : i32
        %dma_start3A_240 = tpu.memref_slice %arg12[%select_n3A_170, %dma_start3A_238, %dma_start3A_239] : memref<2x8x128xi32, #tpu.memory_space<vmem>> -> memref<1x8x128xi32, #tpu.memory_space<vmem>>
        %dma_start3A_241 = tpu.memref_squeeze %dma_start3A_240 : memref<1x8x128xi32, #tpu.memory_space<vmem>> -> memref<8x128xi32, #tpu.memory_space<vmem>>
        %dma_start3A_242 = arith.constant 0 : i32
        %dma_start3A_243 = tpu.memref_slice %dma_start3A_241[%dma_start3A_232, %dma_start3A_242] : memref<8x128xi32, #tpu.memory_space<vmem>> -> memref<1x128xi32, #tpu.memory_space<vmem>>
        %dma_start3A_244 = tpu.memref_squeeze %dma_start3A_243 : memref<1x128xi32, #tpu.memory_space<vmem>> -> memref<128xi32, #tpu.memory_space<vmem>>
        %dma_start3A_245 = arith.constant 0 : i32
        %dma_start3A_246 = arith.constant 0 : i32
        %dma_start3A_247 = tpu.memref_slice %arg2[%dma_start3A_245, %dma_start3A_246] : memref<10000x128xf32, #tpu.memory_space<hbm>> -> memref<10000x128xf32, #tpu.memory_space<hbm>>
        tpu.enqueue_indirect_dma source(%dma_start3A_247 : memref<10000x128xf32, #tpu.memory_space<hbm>>) target(%dma_start3A_237 : memref<128x128xf32, #tpu.memory_space<vmem>>) offsets(%dma_start3A_244 : memref<128xi32, #tpu.memory_space<vmem>>) semaphore(%arg17 : memref<!tpu.dma_semaphore, #tpu.memory_space<semaphore_mem>>)
        %dma_start3A_248 = arith.constant 1 : i32
        %dma_start3A_249 = arith.constant 1 : i32
        %dma_start3A_250 = arith.constant 0 : i32
        %dma_start3A_251 = arith.constant 0 : i32
        %dma_start3A_252 = tpu.memref_slice %arg13[%dma_start3A_249, %dma_start3A_250, %dma_start3A_251] : memref<2x128x128xf32, #tpu.memory_space<vmem>> -> memref<1x128x128xf32, #tpu.memory_space<vmem>>
        %dma_start3A_253 = tpu.memref_squeeze %dma_start3A_252 : memref<1x128x128xf32, #tpu.memory_space<vmem>> -> memref<128x128xf32, #tpu.memory_space<vmem>>
        %dma_start3A_254 = arith.constant 0 : i32
        %dma_start3A_255 = arith.constant 0 : i32
        %dma_start3A_256 = tpu.memref_slice %arg12[%select_n3A_170, %dma_start3A_254, %dma_start3A_255] : memref<2x8x128xi32, #tpu.memory_space<vmem>> -> memref<1x8x128xi32, #tpu.memory_space<vmem>>
        %dma_start3A_257 = tpu.memref_squeeze %dma_start3A_256 : memref<1x8x128xi32, #tpu.memory_space<vmem>> -> memref<8x128xi32, #tpu.memory_space<vmem>>
        %dma_start3A_258 = arith.constant 0 : i32
        %dma_start3A_259 = tpu.memref_slice %dma_start3A_257[%dma_start3A_248, %dma_start3A_258] : memref<8x128xi32, #tpu.memory_space<vmem>> -> memref<1x128xi32, #tpu.memory_space<vmem>>
        %dma_start3A_260 = tpu.memref_squeeze %dma_start3A_259 : memref<1x128xi32, #tpu.memory_space<vmem>> -> memref<128xi32, #tpu.memory_space<vmem>>
        %dma_start3A_261 = arith.constant 0 : i32
        %dma_start3A_262 = arith.constant 0 : i32
        %dma_start3A_263 = tpu.memref_slice %arg2[%dma_start3A_261, %dma_start3A_262] : memref<10000x128xf32, #tpu.memory_space<hbm>> -> memref<10000x128xf32, #tpu.memory_space<hbm>>
        tpu.enqueue_indirect_dma source(%dma_start3A_263 : memref<10000x128xf32, #tpu.memory_space<hbm>>) target(%dma_start3A_253 : memref<128x128xf32, #tpu.memory_space<vmem>>) offsets(%dma_start3A_260 : memref<128xi32, #tpu.memory_space<vmem>>) semaphore(%arg18 : memref<!tpu.dma_semaphore, #tpu.memory_space<semaphore_mem>>)
        %dma_wait3A = arith.constant 0 : i32
        %dma_wait3A_264 = arith.constant 0 : i32
        %dma_wait3A_265 = tpu.memref_slice %arg10[%sub3A_171, %dma_wait3A, %dma_wait3A_264] : memref<2x8x128xi32, #tpu.memory_space<vmem>> -> memref<1x8x128xi32, #tpu.memory_space<vmem>>
        %dma_wait3A_266 = tpu.memref_squeeze %dma_wait3A_265 : memref<1x8x128xi32, #tpu.memory_space<vmem>> -> memref<8x128xi32, #tpu.memory_space<vmem>>
        %dma_wait3A_267 = arith.constant 0 : i32
        %dma_wait3A_268 = tpu.memref_slice %arg3[%arg1, %mul3A_191, %dma_wait3A_267] : memref<16x160x128xi32, #tpu.memory_space<hbm>> -> memref<1x8x128xi32, #tpu.memory_space<hbm>>
        %dma_wait3A_269 = tpu.memref_squeeze %dma_wait3A_268 : memref<1x8x128xi32, #tpu.memory_space<hbm>> -> memref<8x128xi32, #tpu.memory_space<hbm>>
        %dma_wait3A_270 = arith.constant 0 : i32
        %dma_wait3A_271 = arith.constant 0 : i32
        %dma_wait3A_272 = tpu.memref_slice %arg10[%sub3A_171, %dma_wait3A_270, %dma_wait3A_271] : memref<2x8x128xi32, #tpu.memory_space<vmem>> -> memref<1x8x128xi32, #tpu.memory_space<vmem>>
        %dma_wait3A_273 = tpu.memref_squeeze %dma_wait3A_272 : memref<1x8x128xi32, #tpu.memory_space<vmem>> -> memref<8x128xi32, #tpu.memory_space<vmem>>
        %dma_wait3A_274 = arith.constant 0 : i32
        %dma_wait3A_275 = tpu.memref_slice %arg3[%arg1, %mul3A_191, %dma_wait3A_274] : memref<16x160x128xi32, #tpu.memory_space<hbm>> -> memref<1x8x128xi32, #tpu.memory_space<hbm>>
        %dma_wait3A_276 = tpu.memref_squeeze %dma_wait3A_275 : memref<1x8x128xi32, #tpu.memory_space<hbm>> -> memref<8x128xi32, #tpu.memory_space<hbm>>
        tpu.wait_dma2 semaphore(%arg22 : memref<!tpu.dma_semaphore, #tpu.memory_space<semaphore_mem>>) src(%dma_wait3A_276 : memref<8x128xi32, #tpu.memory_space<hbm>>) dst(%dma_wait3A_273 : memref<8x128xi32, #tpu.memory_space<vmem>>)
        %dma_start3A_277 = arith.constant 0 : i32
        %dma_start3A_278 = arith.constant 0 : i32
        %dma_start3A_279 = arith.constant 0 : i32
        %dma_start3A_280 = tpu.memref_slice %arg12[%sub3A_171, %dma_start3A_278, %dma_start3A_279] : memref<2x8x128xi32, #tpu.memory_space<vmem>> -> memref<1x1x128xi32, #tpu.memory_space<vmem>>
        %dma_start3A_281 = tpu.memref_squeeze %dma_start3A_280 : memref<1x1x128xi32, #tpu.memory_space<vmem>> -> memref<128xi32, #tpu.memory_space<vmem>>
        %dma_start3A_282 = arith.constant 0 : i32
        %dma_start3A_283 = tpu.memref_slice %arg10[%sub3A_171, %dma_start3A_277, %dma_start3A_282] : memref<2x8x128xi32, #tpu.memory_space<vmem>> -> memref<1x1x128xi32, #tpu.memory_space<vmem>>
        %dma_start3A_284 = tpu.memref_squeeze %dma_start3A_283 : memref<1x1x128xi32, #tpu.memory_space<vmem>> -> memref<128xi32, #tpu.memory_space<vmem>>
        %dma_start3A_285 = arith.constant 0 : i32
        %dma_start3A_286 = tpu.memref_slice %arg5[%dma_start3A_285] : memref<10000xi32, #tpu.memory_space<hbm>> -> memref<10000xi32, #tpu.memory_space<hbm>>
        tpu.enqueue_indirect_dma source(%dma_start3A_286 : memref<10000xi32, #tpu.memory_space<hbm>>) target(%dma_start3A_281 : memref<128xi32, #tpu.memory_space<vmem>>) offsets(%dma_start3A_284 : memref<128xi32, #tpu.memory_space<vmem>>) semaphore(%arg20 : memref<!tpu.dma_semaphore, #tpu.memory_space<semaphore_mem>>)
        %dma_start3A_287 = arith.constant 1 : i32
        %dma_start3A_288 = arith.constant 1 : i32
        %dma_start3A_289 = arith.constant 0 : i32
        %dma_start3A_290 = tpu.memref_slice %arg12[%sub3A_171, %dma_start3A_288, %dma_start3A_289] : memref<2x8x128xi32, #tpu.memory_space<vmem>> -> memref<1x1x128xi32, #tpu.memory_space<vmem>>
        %dma_start3A_291 = tpu.memref_squeeze %dma_start3A_290 : memref<1x1x128xi32, #tpu.memory_space<vmem>> -> memref<128xi32, #tpu.memory_space<vmem>>
        %dma_start3A_292 = arith.constant 0 : i32
        %dma_start3A_293 = tpu.memref_slice %arg10[%sub3A_171, %dma_start3A_287, %dma_start3A_292] : memref<2x8x128xi32, #tpu.memory_space<vmem>> -> memref<1x1x128xi32, #tpu.memory_space<vmem>>
        %dma_start3A_294 = tpu.memref_squeeze %dma_start3A_293 : memref<1x1x128xi32, #tpu.memory_space<vmem>> -> memref<128xi32, #tpu.memory_space<vmem>>
        %dma_start3A_295 = arith.constant 0 : i32
        %dma_start3A_296 = tpu.memref_slice %arg5[%dma_start3A_295] : memref<10000xi32, #tpu.memory_space<hbm>> -> memref<10000xi32, #tpu.memory_space<hbm>>
        tpu.enqueue_indirect_dma source(%dma_start3A_296 : memref<10000xi32, #tpu.memory_space<hbm>>) target(%dma_start3A_291 : memref<128xi32, #tpu.memory_space<vmem>>) offsets(%dma_start3A_294 : memref<128xi32, #tpu.memory_space<vmem>>) semaphore(%arg20 : memref<!tpu.dma_semaphore, #tpu.memory_space<semaphore_mem>>)
        %dma_start3A_297 = arith.constant 2 : i32
        %dma_start3A_298 = arith.constant 2 : i32
        %dma_start3A_299 = arith.constant 0 : i32
        %dma_start3A_300 = tpu.memref_slice %arg12[%sub3A_171, %dma_start3A_298, %dma_start3A_299] : memref<2x8x128xi32, #tpu.memory_space<vmem>> -> memref<1x1x128xi32, #tpu.memory_space<vmem>>
        %dma_start3A_301 = tpu.memref_squeeze %dma_start3A_300 : memref<1x1x128xi32, #tpu.memory_space<vmem>> -> memref<128xi32, #tpu.memory_space<vmem>>
        %dma_start3A_302 = arith.constant 0 : i32
        %dma_start3A_303 = tpu.memref_slice %arg10[%sub3A_171, %dma_start3A_297, %dma_start3A_302] : memref<2x8x128xi32, #tpu.memory_space<vmem>> -> memref<1x1x128xi32, #tpu.memory_space<vmem>>
        %dma_start3A_304 = tpu.memref_squeeze %dma_start3A_303 : memref<1x1x128xi32, #tpu.memory_space<vmem>> -> memref<128xi32, #tpu.memory_space<vmem>>
        %dma_start3A_305 = arith.constant 0 : i32
        %dma_start3A_306 = tpu.memref_slice %arg5[%dma_start3A_305] : memref<10000xi32, #tpu.memory_space<hbm>> -> memref<10000xi32, #tpu.memory_space<hbm>>
        tpu.enqueue_indirect_dma source(%dma_start3A_306 : memref<10000xi32, #tpu.memory_space<hbm>>) target(%dma_start3A_301 : memref<128xi32, #tpu.memory_space<vmem>>) offsets(%dma_start3A_304 : memref<128xi32, #tpu.memory_space<vmem>>) semaphore(%arg20 : memref<!tpu.dma_semaphore, #tpu.memory_space<semaphore_mem>>)
        %dma_start3A_307 = arith.constant 3 : i32
        %dma_start3A_308 = arith.constant 3 : i32
        %dma_start3A_309 = arith.constant 0 : i32
        %dma_start3A_310 = tpu.memref_slice %arg12[%sub3A_171, %dma_start3A_308, %dma_start3A_309] : memref<2x8x128xi32, #tpu.memory_space<vmem>> -> memref<1x1x128xi32, #tpu.memory_space<vmem>>
        %dma_start3A_311 = tpu.memref_squeeze %dma_start3A_310 : memref<1x1x128xi32, #tpu.memory_space<vmem>> -> memref<128xi32, #tpu.memory_space<vmem>>
        %dma_start3A_312 = arith.constant 0 : i32
        %dma_start3A_313 = tpu.memref_slice %arg10[%sub3A_171, %dma_start3A_307, %dma_start3A_312] : memref<2x8x128xi32, #tpu.memory_space<vmem>> -> memref<1x1x128xi32, #tpu.memory_space<vmem>>
        %dma_start3A_314 = tpu.memref_squeeze %dma_start3A_313 : memref<1x1x128xi32, #tpu.memory_space<vmem>> -> memref<128xi32, #tpu.memory_space<vmem>>
        %dma_start3A_315 = arith.constant 0 : i32
        %dma_start3A_316 = tpu.memref_slice %arg5[%dma_start3A_315] : memref<10000xi32, #tpu.memory_space<hbm>> -> memref<10000xi32, #tpu.memory_space<hbm>>
        tpu.enqueue_indirect_dma source(%dma_start3A_316 : memref<10000xi32, #tpu.memory_space<hbm>>) target(%dma_start3A_311 : memref<128xi32, #tpu.memory_space<vmem>>) offsets(%dma_start3A_314 : memref<128xi32, #tpu.memory_space<vmem>>) semaphore(%arg20 : memref<!tpu.dma_semaphore, #tpu.memory_space<semaphore_mem>>)
        %dma_start3A_317 = arith.constant 4 : i32
        %dma_start3A_318 = arith.constant 4 : i32
        %dma_start3A_319 = arith.constant 0 : i32
        %dma_start3A_320 = tpu.memref_slice %arg12[%sub3A_171, %dma_start3A_318, %dma_start3A_319] : memref<2x8x128xi32, #tpu.memory_space<vmem>> -> memref<1x1x128xi32, #tpu.memory_space<vmem>>
        %dma_start3A_321 = tpu.memref_squeeze %dma_start3A_320 : memref<1x1x128xi32, #tpu.memory_space<vmem>> -> memref<128xi32, #tpu.memory_space<vmem>>
        %dma_start3A_322 = arith.constant 0 : i32
        %dma_start3A_323 = tpu.memref_slice %arg10[%sub3A_171, %dma_start3A_317, %dma_start3A_322] : memref<2x8x128xi32, #tpu.memory_space<vmem>> -> memref<1x1x128xi32, #tpu.memory_space<vmem>>
        %dma_start3A_324 = tpu.memref_squeeze %dma_start3A_323 : memref<1x1x128xi32, #tpu.memory_space<vmem>> -> memref<128xi32, #tpu.memory_space<vmem>>
        %dma_start3A_325 = arith.constant 0 : i32
        %dma_start3A_326 = tpu.memref_slice %arg5[%dma_start3A_325] : memref<10000xi32, #tpu.memory_space<hbm>> -> memref<10000xi32, #tpu.memory_space<hbm>>
        tpu.enqueue_indirect_dma source(%dma_start3A_326 : memref<10000xi32, #tpu.memory_space<hbm>>) target(%dma_start3A_321 : memref<128xi32, #tpu.memory_space<vmem>>) offsets(%dma_start3A_324 : memref<128xi32, #tpu.memory_space<vmem>>) semaphore(%arg20 : memref<!tpu.dma_semaphore, #tpu.memory_space<semaphore_mem>>)
        %dma_start3A_327 = arith.constant 5 : i32
        %dma_start3A_328 = arith.constant 5 : i32
        %dma_start3A_329 = arith.constant 0 : i32
        %dma_start3A_330 = tpu.memref_slice %arg12[%sub3A_171, %dma_start3A_328, %dma_start3A_329] : memref<2x8x128xi32, #tpu.memory_space<vmem>> -> memref<1x1x128xi32, #tpu.memory_space<vmem>>
        %dma_start3A_331 = tpu.memref_squeeze %dma_start3A_330 : memref<1x1x128xi32, #tpu.memory_space<vmem>> -> memref<128xi32, #tpu.memory_space<vmem>>
        %dma_start3A_332 = arith.constant 0 : i32
        %dma_start3A_333 = tpu.memref_slice %arg10[%sub3A_171, %dma_start3A_327, %dma_start3A_332] : memref<2x8x128xi32, #tpu.memory_space<vmem>> -> memref<1x1x128xi32, #tpu.memory_space<vmem>>
        %dma_start3A_334 = tpu.memref_squeeze %dma_start3A_333 : memref<1x1x128xi32, #tpu.memory_space<vmem>> -> memref<128xi32, #tpu.memory_space<vmem>>
        %dma_start3A_335 = arith.constant 0 : i32
        %dma_start3A_336 = tpu.memref_slice %arg5[%dma_start3A_335] : memref<10000xi32, #tpu.memory_space<hbm>> -> memref<10000xi32, #tpu.memory_space<hbm>>
        tpu.enqueue_indirect_dma source(%dma_start3A_336 : memref<10000xi32, #tpu.memory_space<hbm>>) target(%dma_start3A_331 : memref<128xi32, #tpu.memory_space<vmem>>) offsets(%dma_start3A_334 : memref<128xi32, #tpu.memory_space<vmem>>) semaphore(%arg20 : memref<!tpu.dma_semaphore, #tpu.memory_space<semaphore_mem>>)
        %dma_start3A_337 = arith.constant 6 : i32
        %dma_start3A_338 = arith.constant 6 : i32
        %dma_start3A_339 = arith.constant 0 : i32
        %dma_start3A_340 = tpu.memref_slice %arg12[%sub3A_171, %dma_start3A_338, %dma_start3A_339] : memref<2x8x128xi32, #tpu.memory_space<vmem>> -> memref<1x1x128xi32, #tpu.memory_space<vmem>>
        %dma_start3A_341 = tpu.memref_squeeze %dma_start3A_340 : memref<1x1x128xi32, #tpu.memory_space<vmem>> -> memref<128xi32, #tpu.memory_space<vmem>>
        %dma_start3A_342 = arith.constant 0 : i32
        %dma_start3A_343 = tpu.memref_slice %arg10[%sub3A_171, %dma_start3A_337, %dma_start3A_342] : memref<2x8x128xi32, #tpu.memory_space<vmem>> -> memref<1x1x128xi32, #tpu.memory_space<vmem>>
        %dma_start3A_344 = tpu.memref_squeeze %dma_start3A_343 : memref<1x1x128xi32, #tpu.memory_space<vmem>> -> memref<128xi32, #tpu.memory_space<vmem>>
        %dma_start3A_345 = arith.constant 0 : i32
        %dma_start3A_346 = tpu.memref_slice %arg5[%dma_start3A_345] : memref<10000xi32, #tpu.memory_space<hbm>> -> memref<10000xi32, #tpu.memory_space<hbm>>
        tpu.enqueue_indirect_dma source(%dma_start3A_346 : memref<10000xi32, #tpu.memory_space<hbm>>) target(%dma_start3A_341 : memref<128xi32, #tpu.memory_space<vmem>>) offsets(%dma_start3A_344 : memref<128xi32, #tpu.memory_space<vmem>>) semaphore(%arg20 : memref<!tpu.dma_semaphore, #tpu.memory_space<semaphore_mem>>)
        %dma_start3A_347 = arith.constant 7 : i32
        %dma_start3A_348 = arith.constant 7 : i32
        %dma_start3A_349 = arith.constant 0 : i32
        %dma_start3A_350 = tpu.memref_slice %arg12[%sub3A_171, %dma_start3A_348, %dma_start3A_349] : memref<2x8x128xi32, #tpu.memory_space<vmem>> -> memref<1x1x128xi32, #tpu.memory_space<vmem>>
        %dma_start3A_351 = tpu.memref_squeeze %dma_start3A_350 : memref<1x1x128xi32, #tpu.memory_space<vmem>> -> memref<128xi32, #tpu.memory_space<vmem>>
        %dma_start3A_352 = arith.constant 0 : i32
        %dma_start3A_353 = tpu.memref_slice %arg10[%sub3A_171, %dma_start3A_347, %dma_start3A_352] : memref<2x8x128xi32, #tpu.memory_space<vmem>> -> memref<1x1x128xi32, #tpu.memory_space<vmem>>
        %dma_start3A_354 = tpu.memref_squeeze %dma_start3A_353 : memref<1x1x128xi32, #tpu.memory_space<vmem>> -> memref<128xi32, #tpu.memory_space<vmem>>
        %dma_start3A_355 = arith.constant 0 : i32
        %dma_start3A_356 = tpu.memref_slice %arg5[%dma_start3A_355] : memref<10000xi32, #tpu.memory_space<hbm>> -> memref<10000xi32, #tpu.memory_space<hbm>>
        tpu.enqueue_indirect_dma source(%dma_start3A_356 : memref<10000xi32, #tpu.memory_space<hbm>>) target(%dma_start3A_351 : memref<128xi32, #tpu.memory_space<vmem>>) offsets(%dma_start3A_354 : memref<128xi32, #tpu.memory_space<vmem>>) semaphore(%arg20 : memref<!tpu.dma_semaphore, #tpu.memory_space<semaphore_mem>>)
        %dma_wait3A_357 = arith.constant 0 : i32
        %dma_wait3A_358 = arith.constant 0 : i32
        %dma_wait3A_359 = arith.constant 0 : i32
        %dma_wait3A_360 = arith.constant 0 : i32
        %dma_wait3A_361 = tpu.memref_slice %arg13[%dma_wait3A_358, %dma_wait3A_359, %dma_wait3A_360] : memref<2x128x128xf32, #tpu.memory_space<vmem>> -> memref<1x128x128xf32, #tpu.memory_space<vmem>>
        %dma_wait3A_362 = tpu.memref_squeeze %dma_wait3A_361 : memref<1x128x128xf32, #tpu.memory_space<vmem>> -> memref<128x128xf32, #tpu.memory_space<vmem>>
        %dma_wait3A_363 = arith.constant 0 : i32
        %dma_wait3A_364 = arith.constant 0 : i32
        %dma_wait3A_365 = tpu.memref_slice %arg12[%select_n3A_170, %dma_wait3A_363, %dma_wait3A_364] : memref<2x8x128xi32, #tpu.memory_space<vmem>> -> memref<1x8x128xi32, #tpu.memory_space<vmem>>
        %dma_wait3A_366 = tpu.memref_squeeze %dma_wait3A_365 : memref<1x8x128xi32, #tpu.memory_space<vmem>> -> memref<8x128xi32, #tpu.memory_space<vmem>>
        %dma_wait3A_367 = arith.constant 0 : i32
        %dma_wait3A_368 = tpu.memref_slice %dma_wait3A_366[%dma_wait3A_357, %dma_wait3A_367] : memref<8x128xi32, #tpu.memory_space<vmem>> -> memref<1x128xi32, #tpu.memory_space<vmem>>
        %dma_wait3A_369 = tpu.memref_squeeze %dma_wait3A_368 : memref<1x128xi32, #tpu.memory_space<vmem>> -> memref<128xi32, #tpu.memory_space<vmem>>
        %dma_wait3A_370 = arith.constant 0 : i32
        %dma_wait3A_371 = arith.constant 0 : i32
        %dma_wait3A_372 = tpu.memref_slice %arg2[%dma_wait3A_370, %dma_wait3A_371] : memref<10000x128xf32, #tpu.memory_space<hbm>> -> memref<10000x128xf32, #tpu.memory_space<hbm>>
        tpu.wait_indirect_dma semaphore(%arg17 : memref<!tpu.dma_semaphore, #tpu.memory_space<semaphore_mem>>) src(%dma_wait3A_372 : memref<10000x128xf32, #tpu.memory_space<hbm>>) dst(%dma_wait3A_362 : memref<128x128xf32, #tpu.memory_space<vmem>>)
        %dma_start3A_373 = arith.constant 0 : i32
        %dma_start3A_374 = arith.constant 0 : i32
        %dma_start3A_375 = arith.constant 0 : i32
        %dma_start3A_376 = arith.constant 0 : i32
        %dma_start3A_377 = tpu.memref_slice %arg13[%dma_start3A_373, %dma_start3A_375, %dma_start3A_376] : memref<2x128x128xf32, #tpu.memory_space<vmem>> -> memref<1x128x128xf32, #tpu.memory_space<vmem>>
        %dma_start3A_378 = tpu.memref_squeeze %dma_start3A_377 : memref<1x128x128xf32, #tpu.memory_space<vmem>> -> memref<128x128xf32, #tpu.memory_space<vmem>>
        %dma_start3A_379 = arith.constant 0 : i32
        %dma_start3A_380 = arith.constant 0 : i32
        %dma_start3A_381 = tpu.memref_slice %arg11[%select_n3A_170, %dma_start3A_379, %dma_start3A_380] : memref<2x8x128xi32, #tpu.memory_space<vmem>> -> memref<1x8x128xi32, #tpu.memory_space<vmem>>
        %dma_start3A_382 = tpu.memref_squeeze %dma_start3A_381 : memref<1x8x128xi32, #tpu.memory_space<vmem>> -> memref<8x128xi32, #tpu.memory_space<vmem>>
        %dma_start3A_383 = arith.constant 0 : i32
        %dma_start3A_384 = tpu.memref_slice %dma_start3A_382[%dma_start3A_374, %dma_start3A_383] : memref<8x128xi32, #tpu.memory_space<vmem>> -> memref<1x128xi32, #tpu.memory_space<vmem>>
        %dma_start3A_385 = tpu.memref_squeeze %dma_start3A_384 : memref<1x128xi32, #tpu.memory_space<vmem>> -> memref<128xi32, #tpu.memory_space<vmem>>
        %dma_start3A_386 = arith.constant 0 : i32
        %dma_start3A_387 = arith.constant 0 : i32
        %dma_start3A_388 = tpu.memref_slice %arg8[%dma_start3A_386, %dma_start3A_387] : memref<10240x128xf32, #tpu.memory_space<vmem_shared>> -> memref<10240x128xf32, #tpu.memory_space<vmem_shared>>
        tpu.enqueue_indirect_dma source(%dma_start3A_378 : memref<128x128xf32, #tpu.memory_space<vmem>>) target(%dma_start3A_388 : memref<10240x128xf32, #tpu.memory_space<vmem_shared>>) offsets(%dma_start3A_385 : memref<128xi32, #tpu.memory_space<vmem>>) semaphore(%arg19 : memref<!tpu.dma_semaphore, #tpu.memory_space<semaphore_mem>>) {add = true}
        %dma_wait3A_389 = arith.constant 0 : i32
        %dma_wait3A_390 = arith.constant 0 : i32
        %dma_wait3A_391 = arith.constant 0 : i32
        %dma_wait3A_392 = arith.constant 0 : i32
        %dma_wait3A_393 = tpu.memref_slice %arg13[%dma_wait3A_389, %dma_wait3A_391, %dma_wait3A_392] : memref<2x128x128xf32, #tpu.memory_space<vmem>> -> memref<1x128x128xf32, #tpu.memory_space<vmem>>
        %dma_wait3A_394 = tpu.memref_squeeze %dma_wait3A_393 : memref<1x128x128xf32, #tpu.memory_space<vmem>> -> memref<128x128xf32, #tpu.memory_space<vmem>>
        %dma_wait3A_395 = arith.constant 0 : i32
        %dma_wait3A_396 = arith.constant 0 : i32
        %dma_wait3A_397 = tpu.memref_slice %arg11[%select_n3A_170, %dma_wait3A_395, %dma_wait3A_396] : memref<2x8x128xi32, #tpu.memory_space<vmem>> -> memref<1x8x128xi32, #tpu.memory_space<vmem>>
        %dma_wait3A_398 = tpu.memref_squeeze %dma_wait3A_397 : memref<1x8x128xi32, #tpu.memory_space<vmem>> -> memref<8x128xi32, #tpu.memory_space<vmem>>
        %dma_wait3A_399 = arith.constant 0 : i32
        %dma_wait3A_400 = tpu.memref_slice %dma_wait3A_398[%dma_wait3A_390, %dma_wait3A_399] : memref<8x128xi32, #tpu.memory_space<vmem>> -> memref<1x128xi32, #tpu.memory_space<vmem>>
        %dma_wait3A_401 = tpu.memref_squeeze %dma_wait3A_400 : memref<1x128xi32, #tpu.memory_space<vmem>> -> memref<128xi32, #tpu.memory_space<vmem>>
        %dma_wait3A_402 = arith.constant 0 : i32
        %dma_wait3A_403 = arith.constant 0 : i32
        %dma_wait3A_404 = tpu.memref_slice %arg8[%dma_wait3A_402, %dma_wait3A_403] : memref<10240x128xf32, #tpu.memory_space<vmem_shared>> -> memref<10240x128xf32, #tpu.memory_space<vmem_shared>>
        tpu.wait_indirect_dma semaphore(%arg19 : memref<!tpu.dma_semaphore, #tpu.memory_space<semaphore_mem>>) src(%dma_wait3A_394 : memref<128x128xf32, #tpu.memory_space<vmem>>) dst(%dma_wait3A_404 : memref<10240x128xf32, #tpu.memory_space<vmem_shared>>)
        %dma_start3A_405 = arith.constant 2 : i32
        %dma_start3A_406 = arith.constant 0 : i32
        %dma_start3A_407 = arith.constant 0 : i32
        %dma_start3A_408 = arith.constant 0 : i32
        %dma_start3A_409 = tpu.memref_slice %arg13[%dma_start3A_406, %dma_start3A_407, %dma_start3A_408] : memref<2x128x128xf32, #tpu.memory_space<vmem>> -> memref<1x128x128xf32, #tpu.memory_space<vmem>>
        %dma_start3A_410 = tpu.memref_squeeze %dma_start3A_409 : memref<1x128x128xf32, #tpu.memory_space<vmem>> -> memref<128x128xf32, #tpu.memory_space<vmem>>
        %dma_start3A_411 = arith.constant 0 : i32
        %dma_start3A_412 = arith.constant 0 : i32
        %dma_start3A_413 = tpu.memref_slice %arg12[%select_n3A_170, %dma_start3A_411, %dma_start3A_412] : memref<2x8x128xi32, #tpu.memory_space<vmem>> -> memref<1x8x128xi32, #tpu.memory_space<vmem>>
        %dma_start3A_414 = tpu.memref_squeeze %dma_start3A_413 : memref<1x8x128xi32, #tpu.memory_space<vmem>> -> memref<8x128xi32, #tpu.memory_space<vmem>>
        %dma_start3A_415 = arith.constant 0 : i32
        %dma_start3A_416 = tpu.memref_slice %dma_start3A_414[%dma_start3A_405, %dma_start3A_415] : memref<8x128xi32, #tpu.memory_space<vmem>> -> memref<1x128xi32, #tpu.memory_space<vmem>>
        %dma_start3A_417 = tpu.memref_squeeze %dma_start3A_416 : memref<1x128xi32, #tpu.memory_space<vmem>> -> memref<128xi32, #tpu.memory_space<vmem>>
        %dma_start3A_418 = arith.constant 0 : i32
        %dma_start3A_419 = arith.constant 0 : i32
        %dma_start3A_420 = tpu.memref_slice %arg2[%dma_start3A_418, %dma_start3A_419] : memref<10000x128xf32, #tpu.memory_space<hbm>> -> memref<10000x128xf32, #tpu.memory_space<hbm>>
        tpu.enqueue_indirect_dma source(%dma_start3A_420 : memref<10000x128xf32, #tpu.memory_space<hbm>>) target(%dma_start3A_410 : memref<128x128xf32, #tpu.memory_space<vmem>>) offsets(%dma_start3A_417 : memref<128xi32, #tpu.memory_space<vmem>>) semaphore(%arg17 : memref<!tpu.dma_semaphore, #tpu.memory_space<semaphore_mem>>)
        %dma_wait3A_421 = arith.constant 1 : i32
        %dma_wait3A_422 = arith.constant 1 : i32
        %dma_wait3A_423 = arith.constant 0 : i32
        %dma_wait3A_424 = arith.constant 0 : i32
        %dma_wait3A_425 = tpu.memref_slice %arg13[%dma_wait3A_422, %dma_wait3A_423, %dma_wait3A_424] : memref<2x128x128xf32, #tpu.memory_space<vmem>> -> memref<1x128x128xf32, #tpu.memory_space<vmem>>
        %dma_wait3A_426 = tpu.memref_squeeze %dma_wait3A_425 : memref<1x128x128xf32, #tpu.memory_space<vmem>> -> memref<128x128xf32, #tpu.memory_space<vmem>>
        %dma_wait3A_427 = arith.constant 0 : i32
        %dma_wait3A_428 = arith.constant 0 : i32
        %dma_wait3A_429 = tpu.memref_slice %arg12[%select_n3A_170, %dma_wait3A_427, %dma_wait3A_428] : memref<2x8x128xi32, #tpu.memory_space<vmem>> -> memref<1x8x128xi32, #tpu.memory_space<vmem>>
        %dma_wait3A_430 = tpu.memref_squeeze %dma_wait3A_429 : memref<1x8x128xi32, #tpu.memory_space<vmem>> -> memref<8x128xi32, #tpu.memory_space<vmem>>
        %dma_wait3A_431 = arith.constant 0 : i32
        %dma_wait3A_432 = tpu.memref_slice %dma_wait3A_430[%dma_wait3A_421, %dma_wait3A_431] : memref<8x128xi32, #tpu.memory_space<vmem>> -> memref<1x128xi32, #tpu.memory_space<vmem>>
        %dma_wait3A_433 = tpu.memref_squeeze %dma_wait3A_432 : memref<1x128xi32, #tpu.memory_space<vmem>> -> memref<128xi32, #tpu.memory_space<vmem>>
        %dma_wait3A_434 = arith.constant 0 : i32
        %dma_wait3A_435 = arith.constant 0 : i32
        %dma_wait3A_436 = tpu.memref_slice %arg2[%dma_wait3A_434, %dma_wait3A_435] : memref<10000x128xf32, #tpu.memory_space<hbm>> -> memref<10000x128xf32, #tpu.memory_space<hbm>>
        tpu.wait_indirect_dma semaphore(%arg18 : memref<!tpu.dma_semaphore, #tpu.memory_space<semaphore_mem>>) src(%dma_wait3A_436 : memref<10000x128xf32, #tpu.memory_space<hbm>>) dst(%dma_wait3A_426 : memref<128x128xf32, #tpu.memory_space<vmem>>)
        %dma_start3A_437 = arith.constant 1 : i32
        %dma_start3A_438 = arith.constant 1 : i32
        %dma_start3A_439 = arith.constant 0 : i32
        %dma_start3A_440 = arith.constant 0 : i32
        %dma_start3A_441 = tpu.memref_slice %arg13[%dma_start3A_437, %dma_start3A_439, %dma_start3A_440] : memref<2x128x128xf32, #tpu.memory_space<vmem>> -> memref<1x128x128xf32, #tpu.memory_space<vmem>>
        %dma_start3A_442 = tpu.memref_squeeze %dma_start3A_441 : memref<1x128x128xf32, #tpu.memory_space<vmem>> -> memref<128x128xf32, #tpu.memory_space<vmem>>
        %dma_start3A_443 = arith.constant 0 : i32
        %dma_start3A_444 = arith.constant 0 : i32
        %dma_start3A_445 = tpu.memref_slice %arg11[%select_n3A_170, %dma_start3A_443, %dma_start3A_444] : memref<2x8x128xi32, #tpu.memory_space<vmem>> -> memref<1x8x128xi32, #tpu.memory_space<vmem>>
        %dma_start3A_446 = tpu.memref_squeeze %dma_start3A_445 : memref<1x8x128xi32, #tpu.memory_space<vmem>> -> memref<8x128xi32, #tpu.memory_space<vmem>>
        %dma_start3A_447 = arith.constant 0 : i32
        %dma_start3A_448 = tpu.memref_slice %dma_start3A_446[%dma_start3A_438, %dma_start3A_447] : memref<8x128xi32, #tpu.memory_space<vmem>> -> memref<1x128xi32, #tpu.memory_space<vmem>>
        %dma_start3A_449 = tpu.memref_squeeze %dma_start3A_448 : memref<1x128xi32, #tpu.memory_space<vmem>> -> memref<128xi32, #tpu.memory_space<vmem>>
        %dma_start3A_450 = arith.constant 0 : i32
        %dma_start3A_451 = arith.constant 0 : i32
        %dma_start3A_452 = tpu.memref_slice %arg8[%dma_start3A_450, %dma_start3A_451] : memref<10240x128xf32, #tpu.memory_space<vmem_shared>> -> memref<10240x128xf32, #tpu.memory_space<vmem_shared>>
        tpu.enqueue_indirect_dma source(%dma_start3A_442 : memref<128x128xf32, #tpu.memory_space<vmem>>) target(%dma_start3A_452 : memref<10240x128xf32, #tpu.memory_space<vmem_shared>>) offsets(%dma_start3A_449 : memref<128xi32, #tpu.memory_space<vmem>>) semaphore(%arg19 : memref<!tpu.dma_semaphore, #tpu.memory_space<semaphore_mem>>) {add = true}
        %dma_wait3A_453 = arith.constant 1 : i32
        %dma_wait3A_454 = arith.constant 1 : i32
        %dma_wait3A_455 = arith.constant 0 : i32
        %dma_wait3A_456 = arith.constant 0 : i32
        %dma_wait3A_457 = tpu.memref_slice %arg13[%dma_wait3A_453, %dma_wait3A_455, %dma_wait3A_456] : memref<2x128x128xf32, #tpu.memory_space<vmem>> -> memref<1x128x128xf32, #tpu.memory_space<vmem>>
        %dma_wait3A_458 = tpu.memref_squeeze %dma_wait3A_457 : memref<1x128x128xf32, #tpu.memory_space<vmem>> -> memref<128x128xf32, #tpu.memory_space<vmem>>
        %dma_wait3A_459 = arith.constant 0 : i32
        %dma_wait3A_460 = arith.constant 0 : i32
        %dma_wait3A_461 = tpu.memref_slice %arg11[%select_n3A_170, %dma_wait3A_459, %dma_wait3A_460] : memref<2x8x128xi32, #tpu.memory_space<vmem>> -> memref<1x8x128xi32, #tpu.memory_space<vmem>>
        %dma_wait3A_462 = tpu.memref_squeeze %dma_wait3A_461 : memref<1x8x128xi32, #tpu.memory_space<vmem>> -> memref<8x128xi32, #tpu.memory_space<vmem>>
        %dma_wait3A_463 = arith.constant 0 : i32
        %dma_wait3A_464 = tpu.memref_slice %dma_wait3A_462[%dma_wait3A_454, %dma_wait3A_463] : memref<8x128xi32, #tpu.memory_space<vmem>> -> memref<1x128xi32, #tpu.memory_space<vmem>>
        %dma_wait3A_465 = tpu.memref_squeeze %dma_wait3A_464 : memref<1x128xi32, #tpu.memory_space<vmem>> -> memref<128xi32, #tpu.memory_space<vmem>>
        %dma_wait3A_466 = arith.constant 0 : i32
        %dma_wait3A_467 = arith.constant 0 : i32
        %dma_wait3A_468 = tpu.memref_slice %arg8[%dma_wait3A_466, %dma_wait3A_467] : memref<10240x128xf32, #tpu.memory_space<vmem_shared>> -> memref<10240x128xf32, #tpu.memory_space<vmem_shared>>
        tpu.wait_indirect_dma semaphore(%arg19 : memref<!tpu.dma_semaphore, #tpu.memory_space<semaphore_mem>>) src(%dma_wait3A_458 : memref<128x128xf32, #tpu.memory_space<vmem>>) dst(%dma_wait3A_468 : memref<10240x128xf32, #tpu.memory_space<vmem_shared>>)
        %dma_start3A_469 = arith.constant 3 : i32
        %dma_start3A_470 = arith.constant 1 : i32
        %dma_start3A_471 = arith.constant 0 : i32
        %dma_start3A_472 = arith.constant 0 : i32
        %dma_start3A_473 = tpu.memref_slice %arg13[%dma_start3A_470, %dma_start3A_471, %dma_start3A_472] : memref<2x128x128xf32, #tpu.memory_space<vmem>> -> memref<1x128x128xf32, #tpu.memory_space<vmem>>
        %dma_start3A_474 = tpu.memref_squeeze %dma_start3A_473 : memref<1x128x128xf32, #tpu.memory_space<vmem>> -> memref<128x128xf32, #tpu.memory_space<vmem>>
        %dma_start3A_475 = arith.constant 0 : i32
        %dma_start3A_476 = arith.constant 0 : i32
        %dma_start3A_477 = tpu.memref_slice %arg12[%select_n3A_170, %dma_start3A_475, %dma_start3A_476] : memref<2x8x128xi32, #tpu.memory_space<vmem>> -> memref<1x8x128xi32, #tpu.memory_space<vmem>>
        %dma_start3A_478 = tpu.memref_squeeze %dma_start3A_477 : memref<1x8x128xi32, #tpu.memory_space<vmem>> -> memref<8x128xi32, #tpu.memory_space<vmem>>
        %dma_start3A_479 = arith.constant 0 : i32
        %dma_start3A_480 = tpu.memref_slice %dma_start3A_478[%dma_start3A_469, %dma_start3A_479] : memref<8x128xi32, #tpu.memory_space<vmem>> -> memref<1x128xi32, #tpu.memory_space<vmem>>
        %dma_start3A_481 = tpu.memref_squeeze %dma_start3A_480 : memref<1x128xi32, #tpu.memory_space<vmem>> -> memref<128xi32, #tpu.memory_space<vmem>>
        %dma_start3A_482 = arith.constant 0 : i32
        %dma_start3A_483 = arith.constant 0 : i32
        %dma_start3A_484 = tpu.memref_slice %arg2[%dma_start3A_482, %dma_start3A_483] : memref<10000x128xf32, #tpu.memory_space<hbm>> -> memref<10000x128xf32, #tpu.memory_space<hbm>>
        tpu.enqueue_indirect_dma source(%dma_start3A_484 : memref<10000x128xf32, #tpu.memory_space<hbm>>) target(%dma_start3A_474 : memref<128x128xf32, #tpu.memory_space<vmem>>) offsets(%dma_start3A_481 : memref<128xi32, #tpu.memory_space<vmem>>) semaphore(%arg18 : memref<!tpu.dma_semaphore, #tpu.memory_space<semaphore_mem>>)
        %dma_wait3A_485 = arith.constant 2 : i32
        %dma_wait3A_486 = arith.constant 0 : i32
        %dma_wait3A_487 = arith.constant 0 : i32
        %dma_wait3A_488 = arith.constant 0 : i32
        %dma_wait3A_489 = tpu.memref_slice %arg13[%dma_wait3A_486, %dma_wait3A_487, %dma_wait3A_488] : memref<2x128x128xf32, #tpu.memory_space<vmem>> -> memref<1x128x128xf32, #tpu.memory_space<vmem>>
        %dma_wait3A_490 = tpu.memref_squeeze %dma_wait3A_489 : memref<1x128x128xf32, #tpu.memory_space<vmem>> -> memref<128x128xf32, #tpu.memory_space<vmem>>
        %dma_wait3A_491 = arith.constant 0 : i32
        %dma_wait3A_492 = arith.constant 0 : i32
        %dma_wait3A_493 = tpu.memref_slice %arg12[%select_n3A_170, %dma_wait3A_491, %dma_wait3A_492] : memref<2x8x128xi32, #tpu.memory_space<vmem>> -> memref<1x8x128xi32, #tpu.memory_space<vmem>>
        %dma_wait3A_494 = tpu.memref_squeeze %dma_wait3A_493 : memref<1x8x128xi32, #tpu.memory_space<vmem>> -> memref<8x128xi32, #tpu.memory_space<vmem>>
        %dma_wait3A_495 = arith.constant 0 : i32
        %dma_wait3A_496 = tpu.memref_slice %dma_wait3A_494[%dma_wait3A_485, %dma_wait3A_495] : memref<8x128xi32, #tpu.memory_space<vmem>> -> memref<1x128xi32, #tpu.memory_space<vmem>>
        %dma_wait3A_497 = tpu.memref_squeeze %dma_wait3A_496 : memref<1x128xi32, #tpu.memory_space<vmem>> -> memref<128xi32, #tpu.memory_space<vmem>>
        %dma_wait3A_498 = arith.constant 0 : i32
        %dma_wait3A_499 = arith.constant 0 : i32
        %dma_wait3A_500 = tpu.memref_slice %arg2[%dma_wait3A_498, %dma_wait3A_499] : memref<10000x128xf32, #tpu.memory_space<hbm>> -> memref<10000x128xf32, #tpu.memory_space<hbm>>
        tpu.wait_indirect_dma semaphore(%arg17 : memref<!tpu.dma_semaphore, #tpu.memory_space<semaphore_mem>>) src(%dma_wait3A_500 : memref<10000x128xf32, #tpu.memory_space<hbm>>) dst(%dma_wait3A_490 : memref<128x128xf32, #tpu.memory_space<vmem>>)
        %dma_start3A_501 = arith.constant 0 : i32
        %dma_start3A_502 = arith.constant 2 : i32
        %dma_start3A_503 = arith.constant 0 : i32
        %dma_start3A_504 = arith.constant 0 : i32
        %dma_start3A_505 = tpu.memref_slice %arg13[%dma_start3A_501, %dma_start3A_503, %dma_start3A_504] : memref<2x128x128xf32, #tpu.memory_space<vmem>> -> memref<1x128x128xf32, #tpu.memory_space<vmem>>
        %dma_start3A_506 = tpu.memref_squeeze %dma_start3A_505 : memref<1x128x128xf32, #tpu.memory_space<vmem>> -> memref<128x128xf32, #tpu.memory_space<vmem>>
        %dma_start3A_507 = arith.constant 0 : i32
        %dma_start3A_508 = arith.constant 0 : i32
        %dma_start3A_509 = tpu.memref_slice %arg11[%select_n3A_170, %dma_start3A_507, %dma_start3A_508] : memref<2x8x128xi32, #tpu.memory_space<vmem>> -> memref<1x8x128xi32, #tpu.memory_space<vmem>>
        %dma_start3A_510 = tpu.memref_squeeze %dma_start3A_509 : memref<1x8x128xi32, #tpu.memory_space<vmem>> -> memref<8x128xi32, #tpu.memory_space<vmem>>
        %dma_start3A_511 = arith.constant 0 : i32
        %dma_start3A_512 = tpu.memref_slice %dma_start3A_510[%dma_start3A_502, %dma_start3A_511] : memref<8x128xi32, #tpu.memory_space<vmem>> -> memref<1x128xi32, #tpu.memory_space<vmem>>
        %dma_start3A_513 = tpu.memref_squeeze %dma_start3A_512 : memref<1x128xi32, #tpu.memory_space<vmem>> -> memref<128xi32, #tpu.memory_space<vmem>>
        %dma_start3A_514 = arith.constant 0 : i32
        %dma_start3A_515 = arith.constant 0 : i32
        %dma_start3A_516 = tpu.memref_slice %arg8[%dma_start3A_514, %dma_start3A_515] : memref<10240x128xf32, #tpu.memory_space<vmem_shared>> -> memref<10240x128xf32, #tpu.memory_space<vmem_shared>>
        tpu.enqueue_indirect_dma source(%dma_start3A_506 : memref<128x128xf32, #tpu.memory_space<vmem>>) target(%dma_start3A_516 : memref<10240x128xf32, #tpu.memory_space<vmem_shared>>) offsets(%dma_start3A_513 : memref<128xi32, #tpu.memory_space<vmem>>) semaphore(%arg19 : memref<!tpu.dma_semaphore, #tpu.memory_space<semaphore_mem>>) {add = true}
        %dma_wait3A_517 = arith.constant 0 : i32
        %dma_wait3A_518 = arith.constant 2 : i32
        %dma_wait3A_519 = arith.constant 0 : i32
        %dma_wait3A_520 = arith.constant 0 : i32
        %dma_wait3A_521 = tpu.memref_slice %arg13[%dma_wait3A_517, %dma_wait3A_519, %dma_wait3A_520] : memref<2x128x128xf32, #tpu.memory_space<vmem>> -> memref<1x128x128xf32, #tpu.memory_space<vmem>>
        %dma_wait3A_522 = tpu.memref_squeeze %dma_wait3A_521 : memref<1x128x128xf32, #tpu.memory_space<vmem>> -> memref<128x128xf32, #tpu.memory_space<vmem>>
        %dma_wait3A_523 = arith.constant 0 : i32
        %dma_wait3A_524 = arith.constant 0 : i32
        %dma_wait3A_525 = tpu.memref_slice %arg11[%select_n3A_170, %dma_wait3A_523, %dma_wait3A_524] : memref<2x8x128xi32, #tpu.memory_space<vmem>> -> memref<1x8x128xi32, #tpu.memory_space<vmem>>
        %dma_wait3A_526 = tpu.memref_squeeze %dma_wait3A_525 : memref<1x8x128xi32, #tpu.memory_space<vmem>> -> memref<8x128xi32, #tpu.memory_space<vmem>>
        %dma_wait3A_527 = arith.constant 0 : i32
        %dma_wait3A_528 = tpu.memref_slice %dma_wait3A_526[%dma_wait3A_518, %dma_wait3A_527] : memref<8x128xi32, #tpu.memory_space<vmem>> -> memref<1x128xi32, #tpu.memory_space<vmem>>
        %dma_wait3A_529 = tpu.memref_squeeze %dma_wait3A_528 : memref<1x128xi32, #tpu.memory_space<vmem>> -> memref<128xi32, #tpu.memory_space<vmem>>
        %dma_wait3A_530 = arith.constant 0 : i32
        %dma_wait3A_531 = arith.constant 0 : i32
        %dma_wait3A_532 = tpu.memref_slice %arg8[%dma_wait3A_530, %dma_wait3A_531] : memref<10240x128xf32, #tpu.memory_space<vmem_shared>> -> memref<10240x128xf32, #tpu.memory_space<vmem_shared>>
        tpu.wait_indirect_dma semaphore(%arg19 : memref<!tpu.dma_semaphore, #tpu.memory_space<semaphore_mem>>) src(%dma_wait3A_522 : memref<128x128xf32, #tpu.memory_space<vmem>>) dst(%dma_wait3A_532 : memref<10240x128xf32, #tpu.memory_space<vmem_shared>>)
        %dma_start3A_533 = arith.constant 4 : i32
        %dma_start3A_534 = arith.constant 0 : i32
        %dma_start3A_535 = arith.constant 0 : i32
        %dma_start3A_536 = arith.constant 0 : i32
        %dma_start3A_537 = tpu.memref_slice %arg13[%dma_start3A_534, %dma_start3A_535, %dma_start3A_536] : memref<2x128x128xf32, #tpu.memory_space<vmem>> -> memref<1x128x128xf32, #tpu.memory_space<vmem>>
        %dma_start3A_538 = tpu.memref_squeeze %dma_start3A_537 : memref<1x128x128xf32, #tpu.memory_space<vmem>> -> memref<128x128xf32, #tpu.memory_space<vmem>>
        %dma_start3A_539 = arith.constant 0 : i32
        %dma_start3A_540 = arith.constant 0 : i32
        %dma_start3A_541 = tpu.memref_slice %arg12[%select_n3A_170, %dma_start3A_539, %dma_start3A_540] : memref<2x8x128xi32, #tpu.memory_space<vmem>> -> memref<1x8x128xi32, #tpu.memory_space<vmem>>
        %dma_start3A_542 = tpu.memref_squeeze %dma_start3A_541 : memref<1x8x128xi32, #tpu.memory_space<vmem>> -> memref<8x128xi32, #tpu.memory_space<vmem>>
        %dma_start3A_543 = arith.constant 0 : i32
        %dma_start3A_544 = tpu.memref_slice %dma_start3A_542[%dma_start3A_533, %dma_start3A_543] : memref<8x128xi32, #tpu.memory_space<vmem>> -> memref<1x128xi32, #tpu.memory_space<vmem>>
        %dma_start3A_545 = tpu.memref_squeeze %dma_start3A_544 : memref<1x128xi32, #tpu.memory_space<vmem>> -> memref<128xi32, #tpu.memory_space<vmem>>
        %dma_start3A_546 = arith.constant 0 : i32
        %dma_start3A_547 = arith.constant 0 : i32
        %dma_start3A_548 = tpu.memref_slice %arg2[%dma_start3A_546, %dma_start3A_547] : memref<10000x128xf32, #tpu.memory_space<hbm>> -> memref<10000x128xf32, #tpu.memory_space<hbm>>
        tpu.enqueue_indirect_dma source(%dma_start3A_548 : memref<10000x128xf32, #tpu.memory_space<hbm>>) target(%dma_start3A_538 : memref<128x128xf32, #tpu.memory_space<vmem>>) offsets(%dma_start3A_545 : memref<128xi32, #tpu.memory_space<vmem>>) semaphore(%arg17 : memref<!tpu.dma_semaphore, #tpu.memory_space<semaphore_mem>>)
        %dma_wait3A_549 = arith.constant 3 : i32
        %dma_wait3A_550 = arith.constant 1 : i32
        %dma_wait3A_551 = arith.constant 0 : i32
        %dma_wait3A_552 = arith.constant 0 : i32
        %dma_wait3A_553 = tpu.memref_slice %arg13[%dma_wait3A_550, %dma_wait3A_551, %dma_wait3A_552] : memref<2x128x128xf32, #tpu.memory_space<vmem>> -> memref<1x128x128xf32, #tpu.memory_space<vmem>>
        %dma_wait3A_554 = tpu.memref_squeeze %dma_wait3A_553 : memref<1x128x128xf32, #tpu.memory_space<vmem>> -> memref<128x128xf32, #tpu.memory_space<vmem>>
        %dma_wait3A_555 = arith.constant 0 : i32
        %dma_wait3A_556 = arith.constant 0 : i32
        %dma_wait3A_557 = tpu.memref_slice %arg12[%select_n3A_170, %dma_wait3A_555, %dma_wait3A_556] : memref<2x8x128xi32, #tpu.memory_space<vmem>> -> memref<1x8x128xi32, #tpu.memory_space<vmem>>
        %dma_wait3A_558 = tpu.memref_squeeze %dma_wait3A_557 : memref<1x8x128xi32, #tpu.memory_space<vmem>> -> memref<8x128xi32, #tpu.memory_space<vmem>>
        %dma_wait3A_559 = arith.constant 0 : i32
        %dma_wait3A_560 = tpu.memref_slice %dma_wait3A_558[%dma_wait3A_549, %dma_wait3A_559] : memref<8x128xi32, #tpu.memory_space<vmem>> -> memref<1x128xi32, #tpu.memory_space<vmem>>
        %dma_wait3A_561 = tpu.memref_squeeze %dma_wait3A_560 : memref<1x128xi32, #tpu.memory_space<vmem>> -> memref<128xi32, #tpu.memory_space<vmem>>
        %dma_wait3A_562 = arith.constant 0 : i32
        %dma_wait3A_563 = arith.constant 0 : i32
        %dma_wait3A_564 = tpu.memref_slice %arg2[%dma_wait3A_562, %dma_wait3A_563] : memref<10000x128xf32, #tpu.memory_space<hbm>> -> memref<10000x128xf32, #tpu.memory_space<hbm>>
        tpu.wait_indirect_dma semaphore(%arg18 : memref<!tpu.dma_semaphore, #tpu.memory_space<semaphore_mem>>) src(%dma_wait3A_564 : memref<10000x128xf32, #tpu.memory_space<hbm>>) dst(%dma_wait3A_554 : memref<128x128xf32, #tpu.memory_space<vmem>>)
        %dma_start3A_565 = arith.constant 1 : i32
        %dma_start3A_566 = arith.constant 3 : i32
        %dma_start3A_567 = arith.constant 0 : i32
        %dma_start3A_568 = arith.constant 0 : i32
        %dma_start3A_569 = tpu.memref_slice %arg13[%dma_start3A_565, %dma_start3A_567, %dma_start3A_568] : memref<2x128x128xf32, #tpu.memory_space<vmem>> -> memref<1x128x128xf32, #tpu.memory_space<vmem>>
        %dma_start3A_570 = tpu.memref_squeeze %dma_start3A_569 : memref<1x128x128xf32, #tpu.memory_space<vmem>> -> memref<128x128xf32, #tpu.memory_space<vmem>>
        %dma_start3A_571 = arith.constant 0 : i32
        %dma_start3A_572 = arith.constant 0 : i32
        %dma_start3A_573 = tpu.memref_slice %arg11[%select_n3A_170, %dma_start3A_571, %dma_start3A_572] : memref<2x8x128xi32, #tpu.memory_space<vmem>> -> memref<1x8x128xi32, #tpu.memory_space<vmem>>
        %dma_start3A_574 = tpu.memref_squeeze %dma_start3A_573 : memref<1x8x128xi32, #tpu.memory_space<vmem>> -> memref<8x128xi32, #tpu.memory_space<vmem>>
        %dma_start3A_575 = arith.constant 0 : i32
        %dma_start3A_576 = tpu.memref_slice %dma_start3A_574[%dma_start3A_566, %dma_start3A_575] : memref<8x128xi32, #tpu.memory_space<vmem>> -> memref<1x128xi32, #tpu.memory_space<vmem>>
        %dma_start3A_577 = tpu.memref_squeeze %dma_start3A_576 : memref<1x128xi32, #tpu.memory_space<vmem>> -> memref<128xi32, #tpu.memory_space<vmem>>
        %dma_start3A_578 = arith.constant 0 : i32
        %dma_start3A_579 = arith.constant 0 : i32
        %dma_start3A_580 = tpu.memref_slice %arg8[%dma_start3A_578, %dma_start3A_579] : memref<10240x128xf32, #tpu.memory_space<vmem_shared>> -> memref<10240x128xf32, #tpu.memory_space<vmem_shared>>
        tpu.enqueue_indirect_dma source(%dma_start3A_570 : memref<128x128xf32, #tpu.memory_space<vmem>>) target(%dma_start3A_580 : memref<10240x128xf32, #tpu.memory_space<vmem_shared>>) offsets(%dma_start3A_577 : memref<128xi32, #tpu.memory_space<vmem>>) semaphore(%arg19 : memref<!tpu.dma_semaphore, #tpu.memory_space<semaphore_mem>>) {add = true}
        %dma_wait3A_581 = arith.constant 1 : i32
        %dma_wait3A_582 = arith.constant 3 : i32
        %dma_wait3A_583 = arith.constant 0 : i32
        %dma_wait3A_584 = arith.constant 0 : i32
        %dma_wait3A_585 = tpu.memref_slice %arg13[%dma_wait3A_581, %dma_wait3A_583, %dma_wait3A_584] : memref<2x128x128xf32, #tpu.memory_space<vmem>> -> memref<1x128x128xf32, #tpu.memory_space<vmem>>
        %dma_wait3A_586 = tpu.memref_squeeze %dma_wait3A_585 : memref<1x128x128xf32, #tpu.memory_space<vmem>> -> memref<128x128xf32, #tpu.memory_space<vmem>>
        %dma_wait3A_587 = arith.constant 0 : i32
        %dma_wait3A_588 = arith.constant 0 : i32
        %dma_wait3A_589 = tpu.memref_slice %arg11[%select_n3A_170, %dma_wait3A_587, %dma_wait3A_588] : memref<2x8x128xi32, #tpu.memory_space<vmem>> -> memref<1x8x128xi32, #tpu.memory_space<vmem>>
        %dma_wait3A_590 = tpu.memref_squeeze %dma_wait3A_589 : memref<1x8x128xi32, #tpu.memory_space<vmem>> -> memref<8x128xi32, #tpu.memory_space<vmem>>
        %dma_wait3A_591 = arith.constant 0 : i32
        %dma_wait3A_592 = tpu.memref_slice %dma_wait3A_590[%dma_wait3A_582, %dma_wait3A_591] : memref<8x128xi32, #tpu.memory_space<vmem>> -> memref<1x128xi32, #tpu.memory_space<vmem>>
        %dma_wait3A_593 = tpu.memref_squeeze %dma_wait3A_592 : memref<1x128xi32, #tpu.memory_space<vmem>> -> memref<128xi32, #tpu.memory_space<vmem>>
        %dma_wait3A_594 = arith.constant 0 : i32
        %dma_wait3A_595 = arith.constant 0 : i32
        %dma_wait3A_596 = tpu.memref_slice %arg8[%dma_wait3A_594, %dma_wait3A_595] : memref<10240x128xf32, #tpu.memory_space<vmem_shared>> -> memref<10240x128xf32, #tpu.memory_space<vmem_shared>>
        tpu.wait_indirect_dma semaphore(%arg19 : memref<!tpu.dma_semaphore, #tpu.memory_space<semaphore_mem>>) src(%dma_wait3A_586 : memref<128x128xf32, #tpu.memory_space<vmem>>) dst(%dma_wait3A_596 : memref<10240x128xf32, #tpu.memory_space<vmem_shared>>)
        %dma_start3A_597 = arith.constant 5 : i32
        %dma_start3A_598 = arith.constant 1 : i32
        %dma_start3A_599 = arith.constant 0 : i32
        %dma_start3A_600 = arith.constant 0 : i32
        %dma_start3A_601 = tpu.memref_slice %arg13[%dma_start3A_598, %dma_start3A_599, %dma_start3A_600] : memref<2x128x128xf32, #tpu.memory_space<vmem>> -> memref<1x128x128xf32, #tpu.memory_space<vmem>>
        %dma_start3A_602 = tpu.memref_squeeze %dma_start3A_601 : memref<1x128x128xf32, #tpu.memory_space<vmem>> -> memref<128x128xf32, #tpu.memory_space<vmem>>
        %dma_start3A_603 = arith.constant 0 : i32
        %dma_start3A_604 = arith.constant 0 : i32
        %dma_start3A_605 = tpu.memref_slice %arg12[%select_n3A_170, %dma_start3A_603, %dma_start3A_604] : memref<2x8x128xi32, #tpu.memory_space<vmem>> -> memref<1x8x128xi32, #tpu.memory_space<vmem>>
        %dma_start3A_606 = tpu.memref_squeeze %dma_start3A_605 : memref<1x8x128xi32, #tpu.memory_space<vmem>> -> memref<8x128xi32, #tpu.memory_space<vmem>>
        %dma_start3A_607 = arith.constant 0 : i32
        %dma_start3A_608 = tpu.memref_slice %dma_start3A_606[%dma_start3A_597, %dma_start3A_607] : memref<8x128xi32, #tpu.memory_space<vmem>> -> memref<1x128xi32, #tpu.memory_space<vmem>>
        %dma_start3A_609 = tpu.memref_squeeze %dma_start3A_608 : memref<1x128xi32, #tpu.memory_space<vmem>> -> memref<128xi32, #tpu.memory_space<vmem>>
        %dma_start3A_610 = arith.constant 0 : i32
        %dma_start3A_611 = arith.constant 0 : i32
        %dma_start3A_612 = tpu.memref_slice %arg2[%dma_start3A_610, %dma_start3A_611] : memref<10000x128xf32, #tpu.memory_space<hbm>> -> memref<10000x128xf32, #tpu.memory_space<hbm>>
        tpu.enqueue_indirect_dma source(%dma_start3A_612 : memref<10000x128xf32, #tpu.memory_space<hbm>>) target(%dma_start3A_602 : memref<128x128xf32, #tpu.memory_space<vmem>>) offsets(%dma_start3A_609 : memref<128xi32, #tpu.memory_space<vmem>>) semaphore(%arg18 : memref<!tpu.dma_semaphore, #tpu.memory_space<semaphore_mem>>)
        %dma_wait3A_613 = arith.constant 4 : i32
        %dma_wait3A_614 = arith.constant 0 : i32
        %dma_wait3A_615 = arith.constant 0 : i32
        %dma_wait3A_616 = arith.constant 0 : i32
        %dma_wait3A_617 = tpu.memref_slice %arg13[%dma_wait3A_614, %dma_wait3A_615, %dma_wait3A_616] : memref<2x128x128xf32, #tpu.memory_space<vmem>> -> memref<1x128x128xf32, #tpu.memory_space<vmem>>
        %dma_wait3A_618 = tpu.memref_squeeze %dma_wait3A_617 : memref<1x128x128xf32, #tpu.memory_space<vmem>> -> memref<128x128xf32, #tpu.memory_space<vmem>>
        %dma_wait3A_619 = arith.constant 0 : i32
        %dma_wait3A_620 = arith.constant 0 : i32
        %dma_wait3A_621 = tpu.memref_slice %arg12[%select_n3A_170, %dma_wait3A_619, %dma_wait3A_620] : memref<2x8x128xi32, #tpu.memory_space<vmem>> -> memref<1x8x128xi32, #tpu.memory_space<vmem>>
        %dma_wait3A_622 = tpu.memref_squeeze %dma_wait3A_621 : memref<1x8x128xi32, #tpu.memory_space<vmem>> -> memref<8x128xi32, #tpu.memory_space<vmem>>
        %dma_wait3A_623 = arith.constant 0 : i32
        %dma_wait3A_624 = tpu.memref_slice %dma_wait3A_622[%dma_wait3A_613, %dma_wait3A_623] : memref<8x128xi32, #tpu.memory_space<vmem>> -> memref<1x128xi32, #tpu.memory_space<vmem>>
        %dma_wait3A_625 = tpu.memref_squeeze %dma_wait3A_624 : memref<1x128xi32, #tpu.memory_space<vmem>> -> memref<128xi32, #tpu.memory_space<vmem>>
        %dma_wait3A_626 = arith.constant 0 : i32
        %dma_wait3A_627 = arith.constant 0 : i32
        %dma_wait3A_628 = tpu.memref_slice %arg2[%dma_wait3A_626, %dma_wait3A_627] : memref<10000x128xf32, #tpu.memory_space<hbm>> -> memref<10000x128xf32, #tpu.memory_space<hbm>>
        tpu.wait_indirect_dma semaphore(%arg17 : memref<!tpu.dma_semaphore, #tpu.memory_space<semaphore_mem>>) src(%dma_wait3A_628 : memref<10000x128xf32, #tpu.memory_space<hbm>>) dst(%dma_wait3A_618 : memref<128x128xf32, #tpu.memory_space<vmem>>)
        %dma_start3A_629 = arith.constant 0 : i32
        %dma_start3A_630 = arith.constant 4 : i32
        %dma_start3A_631 = arith.constant 0 : i32
        %dma_start3A_632 = arith.constant 0 : i32
        %dma_start3A_633 = tpu.memref_slice %arg13[%dma_start3A_629, %dma_start3A_631, %dma_start3A_632] : memref<2x128x128xf32, #tpu.memory_space<vmem>> -> memref<1x128x128xf32, #tpu.memory_space<vmem>>
        %dma_start3A_634 = tpu.memref_squeeze %dma_start3A_633 : memref<1x128x128xf32, #tpu.memory_space<vmem>> -> memref<128x128xf32, #tpu.memory_space<vmem>>
        %dma_start3A_635 = arith.constant 0 : i32
        %dma_start3A_636 = arith.constant 0 : i32
        %dma_start3A_637 = tpu.memref_slice %arg11[%select_n3A_170, %dma_start3A_635, %dma_start3A_636] : memref<2x8x128xi32, #tpu.memory_space<vmem>> -> memref<1x8x128xi32, #tpu.memory_space<vmem>>
        %dma_start3A_638 = tpu.memref_squeeze %dma_start3A_637 : memref<1x8x128xi32, #tpu.memory_space<vmem>> -> memref<8x128xi32, #tpu.memory_space<vmem>>
        %dma_start3A_639 = arith.constant 0 : i32
        %dma_start3A_640 = tpu.memref_slice %dma_start3A_638[%dma_start3A_630, %dma_start3A_639] : memref<8x128xi32, #tpu.memory_space<vmem>> -> memref<1x128xi32, #tpu.memory_space<vmem>>
        %dma_start3A_641 = tpu.memref_squeeze %dma_start3A_640 : memref<1x128xi32, #tpu.memory_space<vmem>> -> memref<128xi32, #tpu.memory_space<vmem>>
        %dma_start3A_642 = arith.constant 0 : i32
        %dma_start3A_643 = arith.constant 0 : i32
        %dma_start3A_644 = tpu.memref_slice %arg8[%dma_start3A_642, %dma_start3A_643] : memref<10240x128xf32, #tpu.memory_space<vmem_shared>> -> memref<10240x128xf32, #tpu.memory_space<vmem_shared>>
        tpu.enqueue_indirect_dma source(%dma_start3A_634 : memref<128x128xf32, #tpu.memory_space<vmem>>) target(%dma_start3A_644 : memref<10240x128xf32, #tpu.memory_space<vmem_shared>>) offsets(%dma_start3A_641 : memref<128xi32, #tpu.memory_space<vmem>>) semaphore(%arg19 : memref<!tpu.dma_semaphore, #tpu.memory_space<semaphore_mem>>) {add = true}
        %dma_wait3A_645 = arith.constant 0 : i32
        %dma_wait3A_646 = arith.constant 4 : i32
        %dma_wait3A_647 = arith.constant 0 : i32
        %dma_wait3A_648 = arith.constant 0 : i32
        %dma_wait3A_649 = tpu.memref_slice %arg13[%dma_wait3A_645, %dma_wait3A_647, %dma_wait3A_648] : memref<2x128x128xf32, #tpu.memory_space<vmem>> -> memref<1x128x128xf32, #tpu.memory_space<vmem>>
        %dma_wait3A_650 = tpu.memref_squeeze %dma_wait3A_649 : memref<1x128x128xf32, #tpu.memory_space<vmem>> -> memref<128x128xf32, #tpu.memory_space<vmem>>
        %dma_wait3A_651 = arith.constant 0 : i32
        %dma_wait3A_652 = arith.constant 0 : i32
        %dma_wait3A_653 = tpu.memref_slice %arg11[%select_n3A_170, %dma_wait3A_651, %dma_wait3A_652] : memref<2x8x128xi32, #tpu.memory_space<vmem>> -> memref<1x8x128xi32, #tpu.memory_space<vmem>>
        %dma_wait3A_654 = tpu.memref_squeeze %dma_wait3A_653 : memref<1x8x128xi32, #tpu.memory_space<vmem>> -> memref<8x128xi32, #tpu.memory_space<vmem>>
        %dma_wait3A_655 = arith.constant 0 : i32
        %dma_wait3A_656 = tpu.memref_slice %dma_wait3A_654[%dma_wait3A_646, %dma_wait3A_655] : memref<8x128xi32, #tpu.memory_space<vmem>> -> memref<1x128xi32, #tpu.memory_space<vmem>>
        %dma_wait3A_657 = tpu.memref_squeeze %dma_wait3A_656 : memref<1x128xi32, #tpu.memory_space<vmem>> -> memref<128xi32, #tpu.memory_space<vmem>>
        %dma_wait3A_658 = arith.constant 0 : i32
        %dma_wait3A_659 = arith.constant 0 : i32
        %dma_wait3A_660 = tpu.memref_slice %arg8[%dma_wait3A_658, %dma_wait3A_659] : memref<10240x128xf32, #tpu.memory_space<vmem_shared>> -> memref<10240x128xf32, #tpu.memory_space<vmem_shared>>
        tpu.wait_indirect_dma semaphore(%arg19 : memref<!tpu.dma_semaphore, #tpu.memory_space<semaphore_mem>>) src(%dma_wait3A_650 : memref<128x128xf32, #tpu.memory_space<vmem>>) dst(%dma_wait3A_660 : memref<10240x128xf32, #tpu.memory_space<vmem_shared>>)
        %dma_start3A_661 = arith.constant 6 : i32
        %dma_start3A_662 = arith.constant 0 : i32
        %dma_start3A_663 = arith.constant 0 : i32
        %dma_start3A_664 = arith.constant 0 : i32
        %dma_start3A_665 = tpu.memref_slice %arg13[%dma_start3A_662, %dma_start3A_663, %dma_start3A_664] : memref<2x128x128xf32, #tpu.memory_space<vmem>> -> memref<1x128x128xf32, #tpu.memory_space<vmem>>
        %dma_start3A_666 = tpu.memref_squeeze %dma_start3A_665 : memref<1x128x128xf32, #tpu.memory_space<vmem>> -> memref<128x128xf32, #tpu.memory_space<vmem>>
        %dma_start3A_667 = arith.constant 0 : i32
        %dma_start3A_668 = arith.constant 0 : i32
        %dma_start3A_669 = tpu.memref_slice %arg12[%select_n3A_170, %dma_start3A_667, %dma_start3A_668] : memref<2x8x128xi32, #tpu.memory_space<vmem>> -> memref<1x8x128xi32, #tpu.memory_space<vmem>>
        %dma_start3A_670 = tpu.memref_squeeze %dma_start3A_669 : memref<1x8x128xi32, #tpu.memory_space<vmem>> -> memref<8x128xi32, #tpu.memory_space<vmem>>
        %dma_start3A_671 = arith.constant 0 : i32
        %dma_start3A_672 = tpu.memref_slice %dma_start3A_670[%dma_start3A_661, %dma_start3A_671] : memref<8x128xi32, #tpu.memory_space<vmem>> -> memref<1x128xi32, #tpu.memory_space<vmem>>
        %dma_start3A_673 = tpu.memref_squeeze %dma_start3A_672 : memref<1x128xi32, #tpu.memory_space<vmem>> -> memref<128xi32, #tpu.memory_space<vmem>>
        %dma_start3A_674 = arith.constant 0 : i32
        %dma_start3A_675 = arith.constant 0 : i32
        %dma_start3A_676 = tpu.memref_slice %arg2[%dma_start3A_674, %dma_start3A_675] : memref<10000x128xf32, #tpu.memory_space<hbm>> -> memref<10000x128xf32, #tpu.memory_space<hbm>>
        tpu.enqueue_indirect_dma source(%dma_start3A_676 : memref<10000x128xf32, #tpu.memory_space<hbm>>) target(%dma_start3A_666 : memref<128x128xf32, #tpu.memory_space<vmem>>) offsets(%dma_start3A_673 : memref<128xi32, #tpu.memory_space<vmem>>) semaphore(%arg17 : memref<!tpu.dma_semaphore, #tpu.memory_space<semaphore_mem>>)
        %dma_wait3A_677 = arith.constant 5 : i32
        %dma_wait3A_678 = arith.constant 1 : i32
        %dma_wait3A_679 = arith.constant 0 : i32
        %dma_wait3A_680 = arith.constant 0 : i32
        %dma_wait3A_681 = tpu.memref_slice %arg13[%dma_wait3A_678, %dma_wait3A_679, %dma_wait3A_680] : memref<2x128x128xf32, #tpu.memory_space<vmem>> -> memref<1x128x128xf32, #tpu.memory_space<vmem>>
        %dma_wait3A_682 = tpu.memref_squeeze %dma_wait3A_681 : memref<1x128x128xf32, #tpu.memory_space<vmem>> -> memref<128x128xf32, #tpu.memory_space<vmem>>
        %dma_wait3A_683 = arith.constant 0 : i32
        %dma_wait3A_684 = arith.constant 0 : i32
        %dma_wait3A_685 = tpu.memref_slice %arg12[%select_n3A_170, %dma_wait3A_683, %dma_wait3A_684] : memref<2x8x128xi32, #tpu.memory_space<vmem>> -> memref<1x8x128xi32, #tpu.memory_space<vmem>>
        %dma_wait3A_686 = tpu.memref_squeeze %dma_wait3A_685 : memref<1x8x128xi32, #tpu.memory_space<vmem>> -> memref<8x128xi32, #tpu.memory_space<vmem>>
        %dma_wait3A_687 = arith.constant 0 : i32
        %dma_wait3A_688 = tpu.memref_slice %dma_wait3A_686[%dma_wait3A_677, %dma_wait3A_687] : memref<8x128xi32, #tpu.memory_space<vmem>> -> memref<1x128xi32, #tpu.memory_space<vmem>>
        %dma_wait3A_689 = tpu.memref_squeeze %dma_wait3A_688 : memref<1x128xi32, #tpu.memory_space<vmem>> -> memref<128xi32, #tpu.memory_space<vmem>>
        %dma_wait3A_690 = arith.constant 0 : i32
        %dma_wait3A_691 = arith.constant 0 : i32
        %dma_wait3A_692 = tpu.memref_slice %arg2[%dma_wait3A_690, %dma_wait3A_691] : memref<10000x128xf32, #tpu.memory_space<hbm>> -> memref<10000x128xf32, #tpu.memory_space<hbm>>
        tpu.wait_indirect_dma semaphore(%arg18 : memref<!tpu.dma_semaphore, #tpu.memory_space<semaphore_mem>>) src(%dma_wait3A_692 : memref<10000x128xf32, #tpu.memory_space<hbm>>) dst(%dma_wait3A_682 : memref<128x128xf32, #tpu.memory_space<vmem>>)
        %dma_start3A_693 = arith.constant 1 : i32
        %dma_start3A_694 = arith.constant 5 : i32
        %dma_start3A_695 = arith.constant 0 : i32
        %dma_start3A_696 = arith.constant 0 : i32
        %dma_start3A_697 = tpu.memref_slice %arg13[%dma_start3A_693, %dma_start3A_695, %dma_start3A_696] : memref<2x128x128xf32, #tpu.memory_space<vmem>> -> memref<1x128x128xf32, #tpu.memory_space<vmem>>
        %dma_start3A_698 = tpu.memref_squeeze %dma_start3A_697 : memref<1x128x128xf32, #tpu.memory_space<vmem>> -> memref<128x128xf32, #tpu.memory_space<vmem>>
        %dma_start3A_699 = arith.constant 0 : i32
        %dma_start3A_700 = arith.constant 0 : i32
        %dma_start3A_701 = tpu.memref_slice %arg11[%select_n3A_170, %dma_start3A_699, %dma_start3A_700] : memref<2x8x128xi32, #tpu.memory_space<vmem>> -> memref<1x8x128xi32, #tpu.memory_space<vmem>>
        %dma_start3A_702 = tpu.memref_squeeze %dma_start3A_701 : memref<1x8x128xi32, #tpu.memory_space<vmem>> -> memref<8x128xi32, #tpu.memory_space<vmem>>
        %dma_start3A_703 = arith.constant 0 : i32
        %dma_start3A_704 = tpu.memref_slice %dma_start3A_702[%dma_start3A_694, %dma_start3A_703] : memref<8x128xi32, #tpu.memory_space<vmem>> -> memref<1x128xi32, #tpu.memory_space<vmem>>
        %dma_start3A_705 = tpu.memref_squeeze %dma_start3A_704 : memref<1x128xi32, #tpu.memory_space<vmem>> -> memref<128xi32, #tpu.memory_space<vmem>>
        %dma_start3A_706 = arith.constant 0 : i32
        %dma_start3A_707 = arith.constant 0 : i32
        %dma_start3A_708 = tpu.memref_slice %arg8[%dma_start3A_706, %dma_start3A_707] : memref<10240x128xf32, #tpu.memory_space<vmem_shared>> -> memref<10240x128xf32, #tpu.memory_space<vmem_shared>>
        tpu.enqueue_indirect_dma source(%dma_start3A_698 : memref<128x128xf32, #tpu.memory_space<vmem>>) target(%dma_start3A_708 : memref<10240x128xf32, #tpu.memory_space<vmem_shared>>) offsets(%dma_start3A_705 : memref<128xi32, #tpu.memory_space<vmem>>) semaphore(%arg19 : memref<!tpu.dma_semaphore, #tpu.memory_space<semaphore_mem>>) {add = true}
        %dma_wait3A_709 = arith.constant 1 : i32
        %dma_wait3A_710 = arith.constant 5 : i32
        %dma_wait3A_711 = arith.constant 0 : i32
        %dma_wait3A_712 = arith.constant 0 : i32
        %dma_wait3A_713 = tpu.memref_slice %arg13[%dma_wait3A_709, %dma_wait3A_711, %dma_wait3A_712] : memref<2x128x128xf32, #tpu.memory_space<vmem>> -> memref<1x128x128xf32, #tpu.memory_space<vmem>>
        %dma_wait3A_714 = tpu.memref_squeeze %dma_wait3A_713 : memref<1x128x128xf32, #tpu.memory_space<vmem>> -> memref<128x128xf32, #tpu.memory_space<vmem>>
        %dma_wait3A_715 = arith.constant 0 : i32
        %dma_wait3A_716 = arith.constant 0 : i32
        %dma_wait3A_717 = tpu.memref_slice %arg11[%select_n3A_170, %dma_wait3A_715, %dma_wait3A_716] : memref<2x8x128xi32, #tpu.memory_space<vmem>> -> memref<1x8x128xi32, #tpu.memory_space<vmem>>
        %dma_wait3A_718 = tpu.memref_squeeze %dma_wait3A_717 : memref<1x8x128xi32, #tpu.memory_space<vmem>> -> memref<8x128xi32, #tpu.memory_space<vmem>>
        %dma_wait3A_719 = arith.constant 0 : i32
        %dma_wait3A_720 = tpu.memref_slice %dma_wait3A_718[%dma_wait3A_710, %dma_wait3A_719] : memref<8x128xi32, #tpu.memory_space<vmem>> -> memref<1x128xi32, #tpu.memory_space<vmem>>
        %dma_wait3A_721 = tpu.memref_squeeze %dma_wait3A_720 : memref<1x128xi32, #tpu.memory_space<vmem>> -> memref<128xi32, #tpu.memory_space<vmem>>
        %dma_wait3A_722 = arith.constant 0 : i32
        %dma_wait3A_723 = arith.constant 0 : i32
        %dma_wait3A_724 = tpu.memref_slice %arg8[%dma_wait3A_722, %dma_wait3A_723] : memref<10240x128xf32, #tpu.memory_space<vmem_shared>> -> memref<10240x128xf32, #tpu.memory_space<vmem_shared>>
        tpu.wait_indirect_dma semaphore(%arg19 : memref<!tpu.dma_semaphore, #tpu.memory_space<semaphore_mem>>) src(%dma_wait3A_714 : memref<128x128xf32, #tpu.memory_space<vmem>>) dst(%dma_wait3A_724 : memref<10240x128xf32, #tpu.memory_space<vmem_shared>>)
        %dma_start3A_725 = arith.constant 7 : i32
        %dma_start3A_726 = arith.constant 1 : i32
        %dma_start3A_727 = arith.constant 0 : i32
        %dma_start3A_728 = arith.constant 0 : i32
        %dma_start3A_729 = tpu.memref_slice %arg13[%dma_start3A_726, %dma_start3A_727, %dma_start3A_728] : memref<2x128x128xf32, #tpu.memory_space<vmem>> -> memref<1x128x128xf32, #tpu.memory_space<vmem>>
        %dma_start3A_730 = tpu.memref_squeeze %dma_start3A_729 : memref<1x128x128xf32, #tpu.memory_space<vmem>> -> memref<128x128xf32, #tpu.memory_space<vmem>>
        %dma_start3A_731 = arith.constant 0 : i32
        %dma_start3A_732 = arith.constant 0 : i32
        %dma_start3A_733 = tpu.memref_slice %arg12[%select_n3A_170, %dma_start3A_731, %dma_start3A_732] : memref<2x8x128xi32, #tpu.memory_space<vmem>> -> memref<1x8x128xi32, #tpu.memory_space<vmem>>
        %dma_start3A_734 = tpu.memref_squeeze %dma_start3A_733 : memref<1x8x128xi32, #tpu.memory_space<vmem>> -> memref<8x128xi32, #tpu.memory_space<vmem>>
        %dma_start3A_735 = arith.constant 0 : i32
        %dma_start3A_736 = tpu.memref_slice %dma_start3A_734[%dma_start3A_725, %dma_start3A_735] : memref<8x128xi32, #tpu.memory_space<vmem>> -> memref<1x128xi32, #tpu.memory_space<vmem>>
        %dma_start3A_737 = tpu.memref_squeeze %dma_start3A_736 : memref<1x128xi32, #tpu.memory_space<vmem>> -> memref<128xi32, #tpu.memory_space<vmem>>
        %dma_start3A_738 = arith.constant 0 : i32
        %dma_start3A_739 = arith.constant 0 : i32
        %dma_start3A_740 = tpu.memref_slice %arg2[%dma_start3A_738, %dma_start3A_739] : memref<10000x128xf32, #tpu.memory_space<hbm>> -> memref<10000x128xf32, #tpu.memory_space<hbm>>
        tpu.enqueue_indirect_dma source(%dma_start3A_740 : memref<10000x128xf32, #tpu.memory_space<hbm>>) target(%dma_start3A_730 : memref<128x128xf32, #tpu.memory_space<vmem>>) offsets(%dma_start3A_737 : memref<128xi32, #tpu.memory_space<vmem>>) semaphore(%arg18 : memref<!tpu.dma_semaphore, #tpu.memory_space<semaphore_mem>>)
        %dma_wait3A_741 = arith.constant 6 : i32
        %dma_wait3A_742 = arith.constant 0 : i32
        %dma_wait3A_743 = arith.constant 0 : i32
        %dma_wait3A_744 = arith.constant 0 : i32
        %dma_wait3A_745 = tpu.memref_slice %arg13[%dma_wait3A_742, %dma_wait3A_743, %dma_wait3A_744] : memref<2x128x128xf32, #tpu.memory_space<vmem>> -> memref<1x128x128xf32, #tpu.memory_space<vmem>>
        %dma_wait3A_746 = tpu.memref_squeeze %dma_wait3A_745 : memref<1x128x128xf32, #tpu.memory_space<vmem>> -> memref<128x128xf32, #tpu.memory_space<vmem>>
        %dma_wait3A_747 = arith.constant 0 : i32
        %dma_wait3A_748 = arith.constant 0 : i32
        %dma_wait3A_749 = tpu.memref_slice %arg12[%select_n3A_170, %dma_wait3A_747, %dma_wait3A_748] : memref<2x8x128xi32, #tpu.memory_space<vmem>> -> memref<1x8x128xi32, #tpu.memory_space<vmem>>
        %dma_wait3A_750 = tpu.memref_squeeze %dma_wait3A_749 : memref<1x8x128xi32, #tpu.memory_space<vmem>> -> memref<8x128xi32, #tpu.memory_space<vmem>>
        %dma_wait3A_751 = arith.constant 0 : i32
        %dma_wait3A_752 = tpu.memref_slice %dma_wait3A_750[%dma_wait3A_741, %dma_wait3A_751] : memref<8x128xi32, #tpu.memory_space<vmem>> -> memref<1x128xi32, #tpu.memory_space<vmem>>
        %dma_wait3A_753 = tpu.memref_squeeze %dma_wait3A_752 : memref<1x128xi32, #tpu.memory_space<vmem>> -> memref<128xi32, #tpu.memory_space<vmem>>
        %dma_wait3A_754 = arith.constant 0 : i32
        %dma_wait3A_755 = arith.constant 0 : i32
        %dma_wait3A_756 = tpu.memref_slice %arg2[%dma_wait3A_754, %dma_wait3A_755] : memref<10000x128xf32, #tpu.memory_space<hbm>> -> memref<10000x128xf32, #tpu.memory_space<hbm>>
        tpu.wait_indirect_dma semaphore(%arg17 : memref<!tpu.dma_semaphore, #tpu.memory_space<semaphore_mem>>) src(%dma_wait3A_756 : memref<10000x128xf32, #tpu.memory_space<hbm>>) dst(%dma_wait3A_746 : memref<128x128xf32, #tpu.memory_space<vmem>>)
        %dma_start3A_757 = arith.constant 0 : i32
        %dma_start3A_758 = arith.constant 6 : i32
        %dma_start3A_759 = arith.constant 0 : i32
        %dma_start3A_760 = arith.constant 0 : i32
        %dma_start3A_761 = tpu.memref_slice %arg13[%dma_start3A_757, %dma_start3A_759, %dma_start3A_760] : memref<2x128x128xf32, #tpu.memory_space<vmem>> -> memref<1x128x128xf32, #tpu.memory_space<vmem>>
        %dma_start3A_762 = tpu.memref_squeeze %dma_start3A_761 : memref<1x128x128xf32, #tpu.memory_space<vmem>> -> memref<128x128xf32, #tpu.memory_space<vmem>>
        %dma_start3A_763 = arith.constant 0 : i32
        %dma_start3A_764 = arith.constant 0 : i32
        %dma_start3A_765 = tpu.memref_slice %arg11[%select_n3A_170, %dma_start3A_763, %dma_start3A_764] : memref<2x8x128xi32, #tpu.memory_space<vmem>> -> memref<1x8x128xi32, #tpu.memory_space<vmem>>
        %dma_start3A_766 = tpu.memref_squeeze %dma_start3A_765 : memref<1x8x128xi32, #tpu.memory_space<vmem>> -> memref<8x128xi32, #tpu.memory_space<vmem>>
        %dma_start3A_767 = arith.constant 0 : i32
        %dma_start3A_768 = tpu.memref_slice %dma_start3A_766[%dma_start3A_758, %dma_start3A_767] : memref<8x128xi32, #tpu.memory_space<vmem>> -> memref<1x128xi32, #tpu.memory_space<vmem>>
        %dma_start3A_769 = tpu.memref_squeeze %dma_start3A_768 : memref<1x128xi32, #tpu.memory_space<vmem>> -> memref<128xi32, #tpu.memory_space<vmem>>
        %dma_start3A_770 = arith.constant 0 : i32
        %dma_start3A_771 = arith.constant 0 : i32
        %dma_start3A_772 = tpu.memref_slice %arg8[%dma_start3A_770, %dma_start3A_771] : memref<10240x128xf32, #tpu.memory_space<vmem_shared>> -> memref<10240x128xf32, #tpu.memory_space<vmem_shared>>
        tpu.enqueue_indirect_dma source(%dma_start3A_762 : memref<128x128xf32, #tpu.memory_space<vmem>>) target(%dma_start3A_772 : memref<10240x128xf32, #tpu.memory_space<vmem_shared>>) offsets(%dma_start3A_769 : memref<128xi32, #tpu.memory_space<vmem>>) semaphore(%arg19 : memref<!tpu.dma_semaphore, #tpu.memory_space<semaphore_mem>>) {add = true}
        %dma_wait3A_773 = arith.constant 7 : i32
        %dma_wait3A_774 = arith.constant 1 : i32
        %dma_wait3A_775 = arith.constant 0 : i32
        %dma_wait3A_776 = arith.constant 0 : i32
        %dma_wait3A_777 = tpu.memref_slice %arg13[%dma_wait3A_774, %dma_wait3A_775, %dma_wait3A_776] : memref<2x128x128xf32, #tpu.memory_space<vmem>> -> memref<1x128x128xf32, #tpu.memory_space<vmem>>
        %dma_wait3A_778 = tpu.memref_squeeze %dma_wait3A_777 : memref<1x128x128xf32, #tpu.memory_space<vmem>> -> memref<128x128xf32, #tpu.memory_space<vmem>>
        %dma_wait3A_779 = arith.constant 0 : i32
        %dma_wait3A_780 = arith.constant 0 : i32
        %dma_wait3A_781 = tpu.memref_slice %arg12[%select_n3A_170, %dma_wait3A_779, %dma_wait3A_780] : memref<2x8x128xi32, #tpu.memory_space<vmem>> -> memref<1x8x128xi32, #tpu.memory_space<vmem>>
        %dma_wait3A_782 = tpu.memref_squeeze %dma_wait3A_781 : memref<1x8x128xi32, #tpu.memory_space<vmem>> -> memref<8x128xi32, #tpu.memory_space<vmem>>
        %dma_wait3A_783 = arith.constant 0 : i32
        %dma_wait3A_784 = tpu.memref_slice %dma_wait3A_782[%dma_wait3A_773, %dma_wait3A_783] : memref<8x128xi32, #tpu.memory_space<vmem>> -> memref<1x128xi32, #tpu.memory_space<vmem>>
        %dma_wait3A_785 = tpu.memref_squeeze %dma_wait3A_784 : memref<1x128xi32, #tpu.memory_space<vmem>> -> memref<128xi32, #tpu.memory_space<vmem>>
        %dma_wait3A_786 = arith.constant 0 : i32
        %dma_wait3A_787 = arith.constant 0 : i32
        %dma_wait3A_788 = tpu.memref_slice %arg2[%dma_wait3A_786, %dma_wait3A_787] : memref<10000x128xf32, #tpu.memory_space<hbm>> -> memref<10000x128xf32, #tpu.memory_space<hbm>>
        tpu.wait_indirect_dma semaphore(%arg18 : memref<!tpu.dma_semaphore, #tpu.memory_space<semaphore_mem>>) src(%dma_wait3A_788 : memref<10000x128xf32, #tpu.memory_space<hbm>>) dst(%dma_wait3A_778 : memref<128x128xf32, #tpu.memory_space<vmem>>)
        %dma_wait3A_789 = arith.constant 0 : i32
        %dma_wait3A_790 = arith.constant 6 : i32
        %dma_wait3A_791 = arith.constant 0 : i32
        %dma_wait3A_792 = arith.constant 0 : i32
        %dma_wait3A_793 = tpu.memref_slice %arg13[%dma_wait3A_789, %dma_wait3A_791, %dma_wait3A_792] : memref<2x128x128xf32, #tpu.memory_space<vmem>> -> memref<1x128x128xf32, #tpu.memory_space<vmem>>
        %dma_wait3A_794 = tpu.memref_squeeze %dma_wait3A_793 : memref<1x128x128xf32, #tpu.memory_space<vmem>> -> memref<128x128xf32, #tpu.memory_space<vmem>>
        %dma_wait3A_795 = arith.constant 0 : i32
        %dma_wait3A_796 = arith.constant 0 : i32
        %dma_wait3A_797 = tpu.memref_slice %arg11[%select_n3A_170, %dma_wait3A_795, %dma_wait3A_796] : memref<2x8x128xi32, #tpu.memory_space<vmem>> -> memref<1x8x128xi32, #tpu.memory_space<vmem>>
        %dma_wait3A_798 = tpu.memref_squeeze %dma_wait3A_797 : memref<1x8x128xi32, #tpu.memory_space<vmem>> -> memref<8x128xi32, #tpu.memory_space<vmem>>
        %dma_wait3A_799 = arith.constant 0 : i32
        %dma_wait3A_800 = tpu.memref_slice %dma_wait3A_798[%dma_wait3A_790, %dma_wait3A_799] : memref<8x128xi32, #tpu.memory_space<vmem>> -> memref<1x128xi32, #tpu.memory_space<vmem>>
        %dma_wait3A_801 = tpu.memref_squeeze %dma_wait3A_800 : memref<1x128xi32, #tpu.memory_space<vmem>> -> memref<128xi32, #tpu.memory_space<vmem>>
        %dma_wait3A_802 = arith.constant 0 : i32
        %dma_wait3A_803 = arith.constant 0 : i32
        %dma_wait3A_804 = tpu.memref_slice %arg8[%dma_wait3A_802, %dma_wait3A_803] : memref<10240x128xf32, #tpu.memory_space<vmem_shared>> -> memref<10240x128xf32, #tpu.memory_space<vmem_shared>>
        tpu.wait_indirect_dma semaphore(%arg19 : memref<!tpu.dma_semaphore, #tpu.memory_space<semaphore_mem>>) src(%dma_wait3A_794 : memref<128x128xf32, #tpu.memory_space<vmem>>) dst(%dma_wait3A_804 : memref<10240x128xf32, #tpu.memory_space<vmem_shared>>)
        %dma_start3A_805 = arith.constant 1 : i32
        %dma_start3A_806 = arith.constant 7 : i32
        %dma_start3A_807 = arith.constant 0 : i32
        %dma_start3A_808 = arith.constant 0 : i32
        %dma_start3A_809 = tpu.memref_slice %arg13[%dma_start3A_805, %dma_start3A_807, %dma_start3A_808] : memref<2x128x128xf32, #tpu.memory_space<vmem>> -> memref<1x128x128xf32, #tpu.memory_space<vmem>>
        %dma_start3A_810 = tpu.memref_squeeze %dma_start3A_809 : memref<1x128x128xf32, #tpu.memory_space<vmem>> -> memref<128x128xf32, #tpu.memory_space<vmem>>
        %dma_start3A_811 = arith.constant 0 : i32
        %dma_start3A_812 = arith.constant 0 : i32
        %dma_start3A_813 = tpu.memref_slice %arg11[%select_n3A_170, %dma_start3A_811, %dma_start3A_812] : memref<2x8x128xi32, #tpu.memory_space<vmem>> -> memref<1x8x128xi32, #tpu.memory_space<vmem>>
        %dma_start3A_814 = tpu.memref_squeeze %dma_start3A_813 : memref<1x8x128xi32, #tpu.memory_space<vmem>> -> memref<8x128xi32, #tpu.memory_space<vmem>>
        %dma_start3A_815 = arith.constant 0 : i32
        %dma_start3A_816 = tpu.memref_slice %dma_start3A_814[%dma_start3A_806, %dma_start3A_815] : memref<8x128xi32, #tpu.memory_space<vmem>> -> memref<1x128xi32, #tpu.memory_space<vmem>>
        %dma_start3A_817 = tpu.memref_squeeze %dma_start3A_816 : memref<1x128xi32, #tpu.memory_space<vmem>> -> memref<128xi32, #tpu.memory_space<vmem>>
        %dma_start3A_818 = arith.constant 0 : i32
        %dma_start3A_819 = arith.constant 0 : i32
        %dma_start3A_820 = tpu.memref_slice %arg8[%dma_start3A_818, %dma_start3A_819] : memref<10240x128xf32, #tpu.memory_space<vmem_shared>> -> memref<10240x128xf32, #tpu.memory_space<vmem_shared>>
        tpu.enqueue_indirect_dma source(%dma_start3A_810 : memref<128x128xf32, #tpu.memory_space<vmem>>) target(%dma_start3A_820 : memref<10240x128xf32, #tpu.memory_space<vmem_shared>>) offsets(%dma_start3A_817 : memref<128xi32, #tpu.memory_space<vmem>>) semaphore(%arg19 : memref<!tpu.dma_semaphore, #tpu.memory_space<semaphore_mem>>) {add = true}
        %dma_wait3A_821 = arith.constant 1 : i32
        %dma_wait3A_822 = arith.constant 7 : i32
        %dma_wait3A_823 = arith.constant 0 : i32
        %dma_wait3A_824 = arith.constant 0 : i32
        %dma_wait3A_825 = tpu.memref_slice %arg13[%dma_wait3A_821, %dma_wait3A_823, %dma_wait3A_824] : memref<2x128x128xf32, #tpu.memory_space<vmem>> -> memref<1x128x128xf32, #tpu.memory_space<vmem>>
        %dma_wait3A_826 = tpu.memref_squeeze %dma_wait3A_825 : memref<1x128x128xf32, #tpu.memory_space<vmem>> -> memref<128x128xf32, #tpu.memory_space<vmem>>
        %dma_wait3A_827 = arith.constant 0 : i32
        %dma_wait3A_828 = arith.constant 0 : i32
        %dma_wait3A_829 = tpu.memref_slice %arg11[%select_n3A_170, %dma_wait3A_827, %dma_wait3A_828] : memref<2x8x128xi32, #tpu.memory_space<vmem>> -> memref<1x8x128xi32, #tpu.memory_space<vmem>>
        %dma_wait3A_830 = tpu.memref_squeeze %dma_wait3A_829 : memref<1x8x128xi32, #tpu.memory_space<vmem>> -> memref<8x128xi32, #tpu.memory_space<vmem>>
        %dma_wait3A_831 = arith.constant 0 : i32
        %dma_wait3A_832 = tpu.memref_slice %dma_wait3A_830[%dma_wait3A_822, %dma_wait3A_831] : memref<8x128xi32, #tpu.memory_space<vmem>> -> memref<1x128xi32, #tpu.memory_space<vmem>>
        %dma_wait3A_833 = tpu.memref_squeeze %dma_wait3A_832 : memref<1x128xi32, #tpu.memory_space<vmem>> -> memref<128xi32, #tpu.memory_space<vmem>>
        %dma_wait3A_834 = arith.constant 0 : i32
        %dma_wait3A_835 = arith.constant 0 : i32
        %dma_wait3A_836 = tpu.memref_slice %arg8[%dma_wait3A_834, %dma_wait3A_835] : memref<10240x128xf32, #tpu.memory_space<vmem_shared>> -> memref<10240x128xf32, #tpu.memory_space<vmem_shared>>
        tpu.wait_indirect_dma semaphore(%arg19 : memref<!tpu.dma_semaphore, #tpu.memory_space<semaphore_mem>>) src(%dma_wait3A_826 : memref<128x128xf32, #tpu.memory_space<vmem>>) dst(%dma_wait3A_836 : memref<10240x128xf32, #tpu.memory_space<vmem_shared>>)
        %dma_wait3A_837 = arith.constant 0 : i32
        %dma_wait3A_838 = arith.constant 0 : i32
        %dma_wait3A_839 = arith.constant 0 : i32
        %dma_wait3A_840 = tpu.memref_slice %arg12[%sub3A_171, %dma_wait3A_838, %dma_wait3A_839] : memref<2x8x128xi32, #tpu.memory_space<vmem>> -> memref<1x1x128xi32, #tpu.memory_space<vmem>>
        %dma_wait3A_841 = tpu.memref_squeeze %dma_wait3A_840 : memref<1x1x128xi32, #tpu.memory_space<vmem>> -> memref<128xi32, #tpu.memory_space<vmem>>
        %dma_wait3A_842 = arith.constant 0 : i32
        %dma_wait3A_843 = tpu.memref_slice %arg10[%sub3A_171, %dma_wait3A_837, %dma_wait3A_842] : memref<2x8x128xi32, #tpu.memory_space<vmem>> -> memref<1x1x128xi32, #tpu.memory_space<vmem>>
        %dma_wait3A_844 = tpu.memref_squeeze %dma_wait3A_843 : memref<1x1x128xi32, #tpu.memory_space<vmem>> -> memref<128xi32, #tpu.memory_space<vmem>>
        %dma_wait3A_845 = arith.constant 0 : i32
        %dma_wait3A_846 = tpu.memref_slice %arg5[%dma_wait3A_845] : memref<10000xi32, #tpu.memory_space<hbm>> -> memref<10000xi32, #tpu.memory_space<hbm>>
        tpu.wait_indirect_dma semaphore(%arg20 : memref<!tpu.dma_semaphore, #tpu.memory_space<semaphore_mem>>) src(%dma_wait3A_846 : memref<10000xi32, #tpu.memory_space<hbm>>) dst(%dma_wait3A_841 : memref<128xi32, #tpu.memory_space<vmem>>)
        %dma_wait3A_847 = arith.constant 1 : i32
        %dma_wait3A_848 = arith.constant 1 : i32
        %dma_wait3A_849 = arith.constant 0 : i32
        %dma_wait3A_850 = tpu.memref_slice %arg12[%sub3A_171, %dma_wait3A_848, %dma_wait3A_849] : memref<2x8x128xi32, #tpu.memory_space<vmem>> -> memref<1x1x128xi32, #tpu.memory_space<vmem>>
        %dma_wait3A_851 = tpu.memref_squeeze %dma_wait3A_850 : memref<1x1x128xi32, #tpu.memory_space<vmem>> -> memref<128xi32, #tpu.memory_space<vmem>>
        %dma_wait3A_852 = arith.constant 0 : i32
        %dma_wait3A_853 = tpu.memref_slice %arg10[%sub3A_171, %dma_wait3A_847, %dma_wait3A_852] : memref<2x8x128xi32, #tpu.memory_space<vmem>> -> memref<1x1x128xi32, #tpu.memory_space<vmem>>
        %dma_wait3A_854 = tpu.memref_squeeze %dma_wait3A_853 : memref<1x1x128xi32, #tpu.memory_space<vmem>> -> memref<128xi32, #tpu.memory_space<vmem>>
        %dma_wait3A_855 = arith.constant 0 : i32
        %dma_wait3A_856 = tpu.memref_slice %arg5[%dma_wait3A_855] : memref<10000xi32, #tpu.memory_space<hbm>> -> memref<10000xi32, #tpu.memory_space<hbm>>
        tpu.wait_indirect_dma semaphore(%arg20 : memref<!tpu.dma_semaphore, #tpu.memory_space<semaphore_mem>>) src(%dma_wait3A_856 : memref<10000xi32, #tpu.memory_space<hbm>>) dst(%dma_wait3A_851 : memref<128xi32, #tpu.memory_space<vmem>>)
        %dma_wait3A_857 = arith.constant 2 : i32
        %dma_wait3A_858 = arith.constant 2 : i32
        %dma_wait3A_859 = arith.constant 0 : i32
        %dma_wait3A_860 = tpu.memref_slice %arg12[%sub3A_171, %dma_wait3A_858, %dma_wait3A_859] : memref<2x8x128xi32, #tpu.memory_space<vmem>> -> memref<1x1x128xi32, #tpu.memory_space<vmem>>
        %dma_wait3A_861 = tpu.memref_squeeze %dma_wait3A_860 : memref<1x1x128xi32, #tpu.memory_space<vmem>> -> memref<128xi32, #tpu.memory_space<vmem>>
        %dma_wait3A_862 = arith.constant 0 : i32
        %dma_wait3A_863 = tpu.memref_slice %arg10[%sub3A_171, %dma_wait3A_857, %dma_wait3A_862] : memref<2x8x128xi32, #tpu.memory_space<vmem>> -> memref<1x1x128xi32, #tpu.memory_space<vmem>>
        %dma_wait3A_864 = tpu.memref_squeeze %dma_wait3A_863 : memref<1x1x128xi32, #tpu.memory_space<vmem>> -> memref<128xi32, #tpu.memory_space<vmem>>
        %dma_wait3A_865 = arith.constant 0 : i32
        %dma_wait3A_866 = tpu.memref_slice %arg5[%dma_wait3A_865] : memref<10000xi32, #tpu.memory_space<hbm>> -> memref<10000xi32, #tpu.memory_space<hbm>>
        tpu.wait_indirect_dma semaphore(%arg20 : memref<!tpu.dma_semaphore, #tpu.memory_space<semaphore_mem>>) src(%dma_wait3A_866 : memref<10000xi32, #tpu.memory_space<hbm>>) dst(%dma_wait3A_861 : memref<128xi32, #tpu.memory_space<vmem>>)
        %dma_wait3A_867 = arith.constant 3 : i32
        %dma_wait3A_868 = arith.constant 3 : i32
        %dma_wait3A_869 = arith.constant 0 : i32
        %dma_wait3A_870 = tpu.memref_slice %arg12[%sub3A_171, %dma_wait3A_868, %dma_wait3A_869] : memref<2x8x128xi32, #tpu.memory_space<vmem>> -> memref<1x1x128xi32, #tpu.memory_space<vmem>>
        %dma_wait3A_871 = tpu.memref_squeeze %dma_wait3A_870 : memref<1x1x128xi32, #tpu.memory_space<vmem>> -> memref<128xi32, #tpu.memory_space<vmem>>
        %dma_wait3A_872 = arith.constant 0 : i32
        %dma_wait3A_873 = tpu.memref_slice %arg10[%sub3A_171, %dma_wait3A_867, %dma_wait3A_872] : memref<2x8x128xi32, #tpu.memory_space<vmem>> -> memref<1x1x128xi32, #tpu.memory_space<vmem>>
        %dma_wait3A_874 = tpu.memref_squeeze %dma_wait3A_873 : memref<1x1x128xi32, #tpu.memory_space<vmem>> -> memref<128xi32, #tpu.memory_space<vmem>>
        %dma_wait3A_875 = arith.constant 0 : i32
        %dma_wait3A_876 = tpu.memref_slice %arg5[%dma_wait3A_875] : memref<10000xi32, #tpu.memory_space<hbm>> -> memref<10000xi32, #tpu.memory_space<hbm>>
        tpu.wait_indirect_dma semaphore(%arg20 : memref<!tpu.dma_semaphore, #tpu.memory_space<semaphore_mem>>) src(%dma_wait3A_876 : memref<10000xi32, #tpu.memory_space<hbm>>) dst(%dma_wait3A_871 : memref<128xi32, #tpu.memory_space<vmem>>)
        %dma_wait3A_877 = arith.constant 4 : i32
        %dma_wait3A_878 = arith.constant 4 : i32
        %dma_wait3A_879 = arith.constant 0 : i32
        %dma_wait3A_880 = tpu.memref_slice %arg12[%sub3A_171, %dma_wait3A_878, %dma_wait3A_879] : memref<2x8x128xi32, #tpu.memory_space<vmem>> -> memref<1x1x128xi32, #tpu.memory_space<vmem>>
        %dma_wait3A_881 = tpu.memref_squeeze %dma_wait3A_880 : memref<1x1x128xi32, #tpu.memory_space<vmem>> -> memref<128xi32, #tpu.memory_space<vmem>>
        %dma_wait3A_882 = arith.constant 0 : i32
        %dma_wait3A_883 = tpu.memref_slice %arg10[%sub3A_171, %dma_wait3A_877, %dma_wait3A_882] : memref<2x8x128xi32, #tpu.memory_space<vmem>> -> memref<1x1x128xi32, #tpu.memory_space<vmem>>
        %dma_wait3A_884 = tpu.memref_squeeze %dma_wait3A_883 : memref<1x1x128xi32, #tpu.memory_space<vmem>> -> memref<128xi32, #tpu.memory_space<vmem>>
        %dma_wait3A_885 = arith.constant 0 : i32
        %dma_wait3A_886 = tpu.memref_slice %arg5[%dma_wait3A_885] : memref<10000xi32, #tpu.memory_space<hbm>> -> memref<10000xi32, #tpu.memory_space<hbm>>
        tpu.wait_indirect_dma semaphore(%arg20 : memref<!tpu.dma_semaphore, #tpu.memory_space<semaphore_mem>>) src(%dma_wait3A_886 : memref<10000xi32, #tpu.memory_space<hbm>>) dst(%dma_wait3A_881 : memref<128xi32, #tpu.memory_space<vmem>>)
        %dma_wait3A_887 = arith.constant 5 : i32
        %dma_wait3A_888 = arith.constant 5 : i32
        %dma_wait3A_889 = arith.constant 0 : i32
        %dma_wait3A_890 = tpu.memref_slice %arg12[%sub3A_171, %dma_wait3A_888, %dma_wait3A_889] : memref<2x8x128xi32, #tpu.memory_space<vmem>> -> memref<1x1x128xi32, #tpu.memory_space<vmem>>
        %dma_wait3A_891 = tpu.memref_squeeze %dma_wait3A_890 : memref<1x1x128xi32, #tpu.memory_space<vmem>> -> memref<128xi32, #tpu.memory_space<vmem>>
        %dma_wait3A_892 = arith.constant 0 : i32
        %dma_wait3A_893 = tpu.memref_slice %arg10[%sub3A_171, %dma_wait3A_887, %dma_wait3A_892] : memref<2x8x128xi32, #tpu.memory_space<vmem>> -> memref<1x1x128xi32, #tpu.memory_space<vmem>>
        %dma_wait3A_894 = tpu.memref_squeeze %dma_wait3A_893 : memref<1x1x128xi32, #tpu.memory_space<vmem>> -> memref<128xi32, #tpu.memory_space<vmem>>
        %dma_wait3A_895 = arith.constant 0 : i32
        %dma_wait3A_896 = tpu.memref_slice %arg5[%dma_wait3A_895] : memref<10000xi32, #tpu.memory_space<hbm>> -> memref<10000xi32, #tpu.memory_space<hbm>>
        tpu.wait_indirect_dma semaphore(%arg20 : memref<!tpu.dma_semaphore, #tpu.memory_space<semaphore_mem>>) src(%dma_wait3A_896 : memref<10000xi32, #tpu.memory_space<hbm>>) dst(%dma_wait3A_891 : memref<128xi32, #tpu.memory_space<vmem>>)
        %dma_wait3A_897 = arith.constant 6 : i32
        %dma_wait3A_898 = arith.constant 6 : i32
        %dma_wait3A_899 = arith.constant 0 : i32
        %dma_wait3A_900 = tpu.memref_slice %arg12[%sub3A_171, %dma_wait3A_898, %dma_wait3A_899] : memref<2x8x128xi32, #tpu.memory_space<vmem>> -> memref<1x1x128xi32, #tpu.memory_space<vmem>>
        %dma_wait3A_901 = tpu.memref_squeeze %dma_wait3A_900 : memref<1x1x128xi32, #tpu.memory_space<vmem>> -> memref<128xi32, #tpu.memory_space<vmem>>
        %dma_wait3A_902 = arith.constant 0 : i32
        %dma_wait3A_903 = tpu.memref_slice %arg10[%sub3A_171, %dma_wait3A_897, %dma_wait3A_902] : memref<2x8x128xi32, #tpu.memory_space<vmem>> -> memref<1x1x128xi32, #tpu.memory_space<vmem>>
        %dma_wait3A_904 = tpu.memref_squeeze %dma_wait3A_903 : memref<1x1x128xi32, #tpu.memory_space<vmem>> -> memref<128xi32, #tpu.memory_space<vmem>>
        %dma_wait3A_905 = arith.constant 0 : i32
        %dma_wait3A_906 = tpu.memref_slice %arg5[%dma_wait3A_905] : memref<10000xi32, #tpu.memory_space<hbm>> -> memref<10000xi32, #tpu.memory_space<hbm>>
        tpu.wait_indirect_dma semaphore(%arg20 : memref<!tpu.dma_semaphore, #tpu.memory_space<semaphore_mem>>) src(%dma_wait3A_906 : memref<10000xi32, #tpu.memory_space<hbm>>) dst(%dma_wait3A_901 : memref<128xi32, #tpu.memory_space<vmem>>)
        %dma_wait3A_907 = arith.constant 7 : i32
        %dma_wait3A_908 = arith.constant 7 : i32
        %dma_wait3A_909 = arith.constant 0 : i32
        %dma_wait3A_910 = tpu.memref_slice %arg12[%sub3A_171, %dma_wait3A_908, %dma_wait3A_909] : memref<2x8x128xi32, #tpu.memory_space<vmem>> -> memref<1x1x128xi32, #tpu.memory_space<vmem>>
        %dma_wait3A_911 = tpu.memref_squeeze %dma_wait3A_910 : memref<1x1x128xi32, #tpu.memory_space<vmem>> -> memref<128xi32, #tpu.memory_space<vmem>>
        %dma_wait3A_912 = arith.constant 0 : i32
        %dma_wait3A_913 = tpu.memref_slice %arg10[%sub3A_171, %dma_wait3A_907, %dma_wait3A_912] : memref<2x8x128xi32, #tpu.memory_space<vmem>> -> memref<1x1x128xi32, #tpu.memory_space<vmem>>
        %dma_wait3A_914 = tpu.memref_squeeze %dma_wait3A_913 : memref<1x1x128xi32, #tpu.memory_space<vmem>> -> memref<128xi32, #tpu.memory_space<vmem>>
        %dma_wait3A_915 = arith.constant 0 : i32
        %dma_wait3A_916 = tpu.memref_slice %arg5[%dma_wait3A_915] : memref<10000xi32, #tpu.memory_space<hbm>> -> memref<10000xi32, #tpu.memory_space<hbm>>
        tpu.wait_indirect_dma semaphore(%arg20 : memref<!tpu.dma_semaphore, #tpu.memory_space<semaphore_mem>>) src(%dma_wait3A_916 : memref<10000xi32, #tpu.memory_space<hbm>>) dst(%dma_wait3A_911 : memref<128xi32, #tpu.memory_space<vmem>>)
        %dma_wait3A_917 = arith.constant 0 : i32
        %dma_wait3A_918 = arith.constant 0 : i32
        %dma_wait3A_919 = tpu.memref_slice %arg11[%sub3A_171, %dma_wait3A_917, %dma_wait3A_918] : memref<2x8x128xi32, #tpu.memory_space<vmem>> -> memref<1x8x128xi32, #tpu.memory_space<vmem>>
        %dma_wait3A_920 = tpu.memref_squeeze %dma_wait3A_919 : memref<1x8x128xi32, #tpu.memory_space<vmem>> -> memref<8x128xi32, #tpu.memory_space<vmem>>
        %dma_wait3A_921 = arith.constant 0 : i32
        %dma_wait3A_922 = tpu.memref_slice %arg4[%arg1, %mul3A_206, %dma_wait3A_921] : memref<16x160x128xi32, #tpu.memory_space<hbm>> -> memref<1x8x128xi32, #tpu.memory_space<hbm>>
        %dma_wait3A_923 = tpu.memref_squeeze %dma_wait3A_922 : memref<1x8x128xi32, #tpu.memory_space<hbm>> -> memref<8x128xi32, #tpu.memory_space<hbm>>
        %dma_wait3A_924 = arith.constant 0 : i32
        %dma_wait3A_925 = arith.constant 0 : i32
        %dma_wait3A_926 = tpu.memref_slice %arg11[%sub3A_171, %dma_wait3A_924, %dma_wait3A_925] : memref<2x8x128xi32, #tpu.memory_space<vmem>> -> memref<1x8x128xi32, #tpu.memory_space<vmem>>
        %dma_wait3A_927 = tpu.memref_squeeze %dma_wait3A_926 : memref<1x8x128xi32, #tpu.memory_space<vmem>> -> memref<8x128xi32, #tpu.memory_space<vmem>>
        %dma_wait3A_928 = arith.constant 0 : i32
        %dma_wait3A_929 = tpu.memref_slice %arg4[%arg1, %mul3A_206, %dma_wait3A_928] : memref<16x160x128xi32, #tpu.memory_space<hbm>> -> memref<1x8x128xi32, #tpu.memory_space<hbm>>
        %dma_wait3A_930 = tpu.memref_squeeze %dma_wait3A_929 : memref<1x8x128xi32, #tpu.memory_space<hbm>> -> memref<8x128xi32, #tpu.memory_space<hbm>>
        tpu.wait_dma2 semaphore(%arg23 : memref<!tpu.dma_semaphore, #tpu.memory_space<semaphore_mem>>) src(%dma_wait3A_930 : memref<8x128xi32, #tpu.memory_space<hbm>>) dst(%dma_wait3A_927 : memref<8x128xi32, #tpu.memory_space<vmem>>)
      } else {
      }
      %scan3A_231 = arith.constant 0 : i32
      scf.yield %scan3A_231 : i32
    }
    %scan3A_148 = arith.constant 20 : i32
    %barrier3A_149 = arith.constant 0 : index
    tpu.barrier barrier_id(%barrier3A_149)
    %mul3A_150 = arith.constant 640 : i32
    %mul3A_151 = arith.muli %arg1, %mul3A_150 : i32
    %mul3A_152 = arith.constant 640 : i32
    %mul3A_153 = arith.muli %arg1, %mul3A_152 : i32
    "tpu.region"() ({
      %run_scoped3A_159 = tpu.sem_alloc : memref<!tpu.dma_semaphore, #tpu.memory_space<semaphore_mem>>
      %dma_start3A = arith.constant 0 : i32
      %dma_start3A_160 = tpu.memref_slice %arg6[%arg0, %mul3A_153, %dma_start3A] : memref<2x10240x128xf32, #tpu.memory_space<hbm>> -> memref<1x640x128xf32, #tpu.memory_space<hbm>>
      %dma_start3A_161 = tpu.memref_squeeze %dma_start3A_160 : memref<1x640x128xf32, #tpu.memory_space<hbm>> -> memref<640x128xf32, #tpu.memory_space<hbm>>
      %dma_start3A_162 = arith.constant 0 : i32
      %dma_start3A_163 = tpu.memref_slice %arg8[%mul3A_151, %dma_start3A_162] : memref<10240x128xf32, #tpu.memory_space<vmem_shared>> -> memref<640x128xf32, #tpu.memory_space<vmem_shared>>
      tpu.enqueue_dma source(%dma_start3A_163 : memref<640x128xf32, #tpu.memory_space<vmem_shared>>) target(%dma_start3A_161 : memref<640x128xf32, #tpu.memory_space<hbm>>) target_semaphore(%run_scoped3A_159 : memref<!tpu.dma_semaphore, #tpu.memory_space<semaphore_mem>>)
      %dma_wait3A = arith.constant 0 : i32
      %dma_wait3A_164 = tpu.memref_slice %arg6[%arg0, %mul3A_153, %dma_wait3A] : memref<2x10240x128xf32, #tpu.memory_space<hbm>> -> memref<1x640x128xf32, #tpu.memory_space<hbm>>
      %dma_wait3A_165 = tpu.memref_squeeze %dma_wait3A_164 : memref<1x640x128xf32, #tpu.memory_space<hbm>> -> memref<640x128xf32, #tpu.memory_space<hbm>>
      %dma_wait3A_166 = arith.constant 0 : i32
      %dma_wait3A_167 = tpu.memref_slice %arg8[%mul3A_151, %dma_wait3A_166] : memref<10240x128xf32, #tpu.memory_space<vmem_shared>> -> memref<640x128xf32, #tpu.memory_space<vmem_shared>>
      tpu.wait_dma2 semaphore(%run_scoped3A_159 : memref<!tpu.dma_semaphore, #tpu.memory_space<semaphore_mem>>) src(%dma_wait3A_167 : memref<640x128xf32, #tpu.memory_space<vmem_shared>>) dst(%dma_wait3A_165 : memref<640x128xf32, #tpu.memory_space<hbm>>)
      tpu.yield
    }) : () -> ()
    %eq3A_154 = arith.constant 0 : i32
    %eq3A_155 = arith.cmpi eq, %arg0, %eq3A_154 : i32
    %convert_element_type3A_156 = arith.extui %eq3A_155 : i1 to i32
    %cond3A_157 = arith.constant 0 : i32
    %cond3A_158 = arith.cmpi ne, %convert_element_type3A_156, %cond3A_157 : i32
    scf.if %cond3A_158 {
      %mul3A_159 = arith.constant 640 : i32
      %mul3A_160 = arith.muli %arg1, %mul3A_159 : i32
      %mul3A_161 = arith.constant 640 : i32
      %mul3A_162 = arith.muli %arg1, %mul3A_161 : i32
      "tpu.region"() ({
        %run_scoped3A_163 = tpu.sem_alloc : memref<!tpu.dma_semaphore, #tpu.memory_space<semaphore_mem>>
        %dma_start3A = tpu.memref_slice %arg7[%mul3A_162] : memref<10240xf32, #tpu.memory_space<hbm>> -> memref<640xf32, #tpu.memory_space<hbm>>
        %dma_start3A_164 = tpu.memref_slice %arg9[%mul3A_160] : memref<10240xf32, #tpu.memory_space<vmem_shared>> -> memref<640xf32, #tpu.memory_space<vmem_shared>>
        tpu.enqueue_dma source(%dma_start3A_164 : memref<640xf32, #tpu.memory_space<vmem_shared>>) target(%dma_start3A : memref<640xf32, #tpu.memory_space<hbm>>) target_semaphore(%run_scoped3A_163 : memref<!tpu.dma_semaphore, #tpu.memory_space<semaphore_mem>>)
        %dma_wait3A = tpu.memref_slice %arg7[%mul3A_162] : memref<10240xf32, #tpu.memory_space<hbm>> -> memref<640xf32, #tpu.memory_space<hbm>>
        %dma_wait3A_165 = tpu.memref_slice %arg9[%mul3A_160] : memref<10240xf32, #tpu.memory_space<vmem_shared>> -> memref<640xf32, #tpu.memory_space<vmem_shared>>
        tpu.wait_dma2 semaphore(%run_scoped3A_163 : memref<!tpu.dma_semaphore, #tpu.memory_space<semaphore_mem>>) src(%dma_wait3A_165 : memref<640xf32, #tpu.memory_space<vmem_shared>>) dst(%dma_wait3A : memref<640xf32, #tpu.memory_space<hbm>>)
        tpu.yield
      }) : () -> ()
    } else {
    }
    return
  }
}

module attributes {stable_mosaic.version = 14 : i64} {
  func.func @_mm_body(%arg0: i32, %arg1: memref<1000x128xf32, #tpu.memory_space<vmem>>, %arg2: memref<128x128xf32, #tpu.memory_space<vmem>>, %arg3: memref<1000x128xf32, #tpu.memory_space<vmem>>) attributes {dimension_semantics = [#tpu.dimension_semantics<arbitrary>], iteration_bounds = array<i64: 10>, scalar_prefetch = 0 : i64, scratch_operands = 0 : i64, tpu.core_type = #tpu.core_type<tc>, window_params = [{transform_indices = @transform_0, window_bounds = array<i64: 1000, 128>}, {pipeline_mode = #tpu.pipeline_mode<synchronous>, transform_indices = @transform_1, window_bounds = array<i64: 128, 128>}, {transform_indices = @transform_2, window_bounds = array<i64: 1000, 128>}]} {
    %get3A = arith.constant 0 : index
    %get3A_0 = arith.constant 0 : index
    %get3A_1 = vector.load %arg1[%get3A, %get3A_0] : memref<1000x128xf32, #tpu.memory_space<vmem>>, vector<1000x128xf32>
    %get3A_2 = arith.constant 0 : index
    %get3A_3 = arith.constant 0 : index
    %get3A_4 = vector.load %arg2[%get3A_2, %get3A_3] : memref<128x128xf32, #tpu.memory_space<vmem>>, vector<128x128xf32>
    %dot_general3A = arith.constant dense<0.000000e+00> : vector<1000x128xf32>
    %dot_general3A_5 = tpu.matmul %get3A_1, %get3A_4, %dot_general3A {dimension_numbers = #tpu.dot_dimension_numbers<[1], [0], [0], [1], [0, 0, 1, 1], [], []>, transpose_lhs_hint = false} : vector<1000x128xf32>, vector<128x128xf32>, vector<1000x128xf32> -> vector<1000x128xf32>
    %swap3A = arith.constant 0 : index
    %swap3A_6 = arith.constant 0 : index
    %swap3A_7 = vector.load %arg3[%swap3A, %swap3A_6] : memref<1000x128xf32, #tpu.memory_space<vmem>>, vector<1000x128xf32>
    tpu.vector_store %arg3[%swap3A, %swap3A_6], %dot_general3A_5 {strides = array<i32>} : memref<1000x128xf32, #tpu.memory_space<vmem>>, vector<1000x128xf32>,
    return
  }
  func.func @transform_0(%arg0: i32) -> (i32, i32) {
    %c0_i32 = arith.constant 0 : i32
    %c0_i32_0 = arith.constant 0 : i32
    return %arg0, %c0_i32 : i32, i32
  }
  func.func @transform_1(%arg0: i32) -> (i32, i32) {
    %c0_i32 = arith.constant 0 : i32
    %c0_i32_0 = arith.constant 0 : i32
    %c0_i32_1 = arith.constant 0 : i32
    return %c0_i32, %c0_i32_0 : i32, i32
  }
  func.func @transform_2(%arg0: i32) -> (i32, i32) {
    %c0_i32 = arith.constant 0 : i32
    %c0_i32_0 = arith.constant 0 : i32
    return %arg0, %c0_i32 : i32, i32
  }
}

module attributes {stable_mosaic.version = 14 : i64} {
  func.func @_post_body(%arg0: i32, %arg1: i32, %arg2: memref<1x1000x128xf32, #tpu.memory_space<vmem>>, %arg3: memref<1x1000x128xf32, #tpu.memory_space<vmem>>, %arg4: memref<1000x1xf32, #tpu.memory_space<vmem>>, %arg5: memref<1x1xf32, #tpu.memory_space<vmem>>, %arg6: memref<1x10xi32, #tpu.memory_space<vmem>>, %arg7: memref<1000x128xf32, #tpu.memory_space<vmem>>, %arg8: memref<1000x128xf32, #tpu.memory_space<vmem>>, %arg9: memref<1x128xf32, #tpu.memory_space<vmem>>, %arg10: memref<10x128xf32, #tpu.memory_space<vmem>>, %arg11: memref<1000x10xf32, #tpu.memory_space<vmem>>, %arg12: memref<1000x10xf32, #tpu.memory_space<vmem>>, %arg13: memref<1x128xf32, #tpu.memory_space<vmem>>, %arg14: memref<10x128xf32, #tpu.memory_space<vmem>>, %arg15: memref<10x128xf32, #tpu.memory_space<vmem>>, %arg16: memref<1x10xf32, #tpu.memory_space<vmem>>) attributes {dimension_semantics = [#tpu.dimension_semantics<arbitrary>, #tpu.dimension_semantics<arbitrary>], iteration_bounds = array<i64: 3, 10>, scalar_prefetch = 0 : i64, scratch_operands = 4 : i64, tpu.core_type = #tpu.core_type<tc>, window_params = [{transform_indices = @transform_0, window_bounds = array<i64: 1, 1000, 128>}, {transform_indices = @transform_1, window_bounds = array<i64: 1, 1000, 128>}, {transform_indices = @transform_2, window_bounds = array<i64: 1000, 1>}, {pipeline_mode = #tpu.pipeline_mode<synchronous>, transform_indices = @transform_3, window_bounds = array<i64: 1, 1>}, {pipeline_mode = #tpu.pipeline_mode<synchronous>, transform_indices = @transform_4, window_bounds = array<i64: 1, 10>}, {transform_indices = @transform_5, window_bounds = array<i64: 1000, 128>}, {transform_indices = @transform_6, window_bounds = array<i64: 1000, 128>}, {pipeline_mode = #tpu.pipeline_mode<synchronous>, transform_indices = @transform_7, window_bounds = array<i64: 1, 128>}, {pipeline_mode = #tpu.pipeline_mode<synchronous>, transform_indices = @transform_8, window_bounds = array<i64: 10, 128>}, {transform_indices = @transform_9, window_bounds = array<i64: 1000, 10>}, {transform_indices = @transform_10, window_bounds = array<i64: 1000, 10>}]} {
    %get3A = arith.constant 0 : index
    %get3A_0 = arith.constant 0 : index
    %get3A_1 = vector.load %arg4[%get3A, %get3A_0] : memref<1000x1xf32, #tpu.memory_space<vmem>>, vector<1000x1xf32>
    %max3A = arith.constant 1.000000e+00 : f32
    %max3A_2 = vector.broadcast %max3A : f32 to vector<1000x1xf32>
    %max3A_3 = arith.maximumf %get3A_1, %max3A_2 : vector<1000x1xf32>
    %div3A = arith.constant 1.000000e+00 : f32
    %div3A_4 = vector.broadcast %div3A : f32 to vector<1000x1xf32>
    %div3A_5 = arith.divf %div3A_4, %max3A_3 : vector<1000x1xf32>
    %get3A_6 = arith.constant 0 : index
    %get3A_7 = arith.constant 0 : index
    %get3A_8 = vector.load %arg5[%get3A_6, %get3A_7] : memref<1x1xf32, #tpu.memory_space<vmem>>, vector<1x1xf32>
    %get3A_9 = vector.extract %get3A_8[0, 0] : f32 from vector<1x1xf32>
    %get3A_10 = arith.constant 0 : index
    %get3A_11 = arith.constant 0 : index
    %get3A_12 = arith.constant 0 : index
    %get3A_13 = vector.load %arg2[%get3A_10, %get3A_11, %get3A_12] : memref<1x1000x128xf32, #tpu.memory_space<vmem>>, vector<1x1000x128xf32>
    %get3A_14 = vector.shape_cast %get3A_13 : vector<1x1000x128xf32> to vector<1000x128xf32>
    %mul3A = vector.broadcast %div3A_5 : vector<1000x1xf32> to vector<1000x128xf32>
    %mul3A_15 = arith.mulf %get3A_14, %mul3A : vector<1000x128xf32>
    %gt3A = arith.constant 0.000000e+00 : f32
    %gt3A_16 = vector.broadcast %gt3A : f32 to vector<1000x128xf32>
    %gt3A_17 = arith.cmpf ogt, %mul3A_15, %gt3A_16 : vector<1000x128xf32>
    %mul3A_18 = vector.broadcast %get3A_9 : f32 to vector<1000x128xf32>
    %mul3A_19 = arith.mulf %mul3A_18, %mul3A_15 : vector<1000x128xf32>
    %select_n3A = arith.select %gt3A_17, %mul3A_15, %mul3A_19 : vector<1000x128xi1>, vector<1000x128xf32>
    %swap3A = arith.constant 0 : index
    %swap3A_20 = arith.constant 0 : index
    %swap3A_21 = vector.load %arg7[%swap3A, %swap3A_20] : memref<1000x128xf32, #tpu.memory_space<vmem>>, vector<1000x128xf32>
    tpu.vector_store %arg7[%swap3A, %swap3A_20], %select_n3A {strides = array<i32>} : memref<1000x128xf32, #tpu.memory_space<vmem>>, vector<1000x128xf32>,
    %get3A_22 = arith.constant 0 : index
    %get3A_23 = arith.constant 0 : index
    %get3A_24 = arith.constant 0 : index
    %get3A_25 = vector.load %arg3[%get3A_22, %get3A_23, %get3A_24] : memref<1x1000x128xf32, #tpu.memory_space<vmem>>, vector<1x1000x128xf32>
    %get3A_26 = vector.shape_cast %get3A_25 : vector<1x1000x128xf32> to vector<1000x128xf32>
    %mul3A_27 = vector.broadcast %div3A_5 : vector<1000x1xf32> to vector<1000x128xf32>
    %mul3A_28 = arith.mulf %get3A_26, %mul3A_27 : vector<1000x128xf32>
    %gt3A_29 = arith.constant 0.000000e+00 : f32
    %gt3A_30 = vector.broadcast %gt3A_29 : f32 to vector<1000x128xf32>
    %gt3A_31 = arith.cmpf ogt, %mul3A_28, %gt3A_30 : vector<1000x128xf32>
    %mul3A_32 = vector.broadcast %get3A_9 : f32 to vector<1000x128xf32>
    %mul3A_33 = arith.mulf %mul3A_32, %mul3A_28 : vector<1000x128xf32>
    %select_n3A_34 = arith.select %gt3A_31, %mul3A_28, %mul3A_33 : vector<1000x128xi1>, vector<1000x128xf32>
    %swap3A_35 = arith.constant 0 : index
    %swap3A_36 = arith.constant 0 : index
    %swap3A_37 = vector.load %arg8[%swap3A_35, %swap3A_36] : memref<1000x128xf32, #tpu.memory_space<vmem>>, vector<1000x128xf32>
    tpu.vector_store %arg8[%swap3A_35, %swap3A_36], %select_n3A_34 {strides = array<i32>} : memref<1000x128xf32, #tpu.memory_space<vmem>>, vector<1000x128xf32>,
    %eq3A = arith.constant 0 : i32
    %eq3A_38 = arith.cmpi eq, %arg0, %eq3A : i32
    %eq3A_39 = arith.constant 0 : i32
    %eq3A_40 = arith.cmpi eq, %arg1, %eq3A_39 : i32
    %and3A = arith.andi %eq3A_38, %eq3A_40 : i1
    %convert_element_type3A = arith.extui %and3A : i1 to i32
    %cond3A = arith.constant 0 : i32
    %cond3A_41 = arith.cmpi ne, %convert_element_type3A, %cond3A : i32
    scf.if %cond3A_41 {
      %broadcast_in_dim3A = arith.constant 0.000000e+00 : f32
      %broadcast_in_dim3A_57 = vector.broadcast %broadcast_in_dim3A : f32 to vector<1x128xf32>
      %swap3A_58 = arith.constant 0 : index
      %swap3A_59 = arith.constant 0 : index
      %swap3A_60 = vector.load %arg13[%swap3A_58, %swap3A_59] : memref<1x128xf32, #tpu.memory_space<vmem>>, vector<1x128xf32>
      tpu.vector_store %arg13[%swap3A_58, %swap3A_59], %broadcast_in_dim3A_57 {strides = array<i32>} : memref<1x128xf32, #tpu.memory_space<vmem>>, vector<1x128xf32>,
      %broadcast_in_dim3A_61 = arith.constant 0.000000e+00 : f32
      %broadcast_in_dim3A_62 = vector.broadcast %broadcast_in_dim3A_61 : f32 to vector<10x128xf32>
      %swap3A_63 = arith.constant 0 : index
      %swap3A_64 = arith.constant 0 : index
      %swap3A_65 = vector.load %arg14[%swap3A_63, %swap3A_64] : memref<10x128xf32, #tpu.memory_space<vmem>>, vector<10x128xf32>
      tpu.vector_store %arg14[%swap3A_63, %swap3A_64], %broadcast_in_dim3A_62 {strides = array<i32>} : memref<10x128xf32, #tpu.memory_space<vmem>>, vector<10x128xf32>,
      %broadcast_in_dim3A_66 = arith.constant 0.000000e+00 : f32
      %broadcast_in_dim3A_67 = vector.broadcast %broadcast_in_dim3A_66 : f32 to vector<10x128xf32>
      %swap3A_68 = arith.constant 0 : index
      %swap3A_69 = arith.constant 0 : index
      %swap3A_70 = vector.load %arg15[%swap3A_68, %swap3A_69] : memref<10x128xf32, #tpu.memory_space<vmem>>, vector<10x128xf32>
      tpu.vector_store %arg15[%swap3A_68, %swap3A_69], %broadcast_in_dim3A_67 {strides = array<i32>} : memref<10x128xf32, #tpu.memory_space<vmem>>, vector<10x128xf32>,
      %broadcast_in_dim3A_71 = arith.constant 0.000000e+00 : f32
      %broadcast_in_dim3A_72 = vector.broadcast %broadcast_in_dim3A_71 : f32 to vector<1x10xf32>
      %swap3A_73 = arith.constant 0 : index
      %swap3A_74 = arith.constant 0 : index
      %swap3A_75 = vector.load %arg16[%swap3A_73, %swap3A_74] : memref<1x10xf32, #tpu.memory_space<vmem>>, vector<1x10xf32>
      tpu.vector_store %arg16[%swap3A_73, %swap3A_74], %broadcast_in_dim3A_72 {strides = array<i32>} : memref<1x10xf32, #tpu.memory_space<vmem>>, vector<1x10xf32>,
    } else {
    }
    %eq3A_42 = arith.constant 0 : i32
    %eq3A_43 = arith.cmpi eq, %arg0, %eq3A_42 : i32
    %convert_element_type3A_44 = arith.extui %eq3A_43 : i1 to i32
    %cond3A_45 = arith.constant 0 : i32
    %cond3A_46 = arith.cmpi ne, %convert_element_type3A_44, %cond3A_45 : i32
    scf.if %cond3A_46 {
      %get3A_57 = arith.constant 0 : index
      %get3A_58 = arith.constant 0 : index
      %get3A_59 = vector.load %arg13[%get3A_57, %get3A_58] : memref<1x128xf32, #tpu.memory_space<vmem>>, vector<1x128xf32>
      %reduce_sum3A = arith.constant dense<0.000000e+00> : vector<128xf32>
      %reduce_sum3A_60 = vector.multi_reduction <add>, %select_n3A, %reduce_sum3A [0] : vector<1000x128xf32> to vector<128xf32>
      %broadcast_in_dim3A = vector.shape_cast %reduce_sum3A_60 : vector<128xf32> to vector<1x128xf32>
      %add3A = arith.addf %get3A_59, %broadcast_in_dim3A : vector<1x128xf32>
      %swap3A_61 = arith.constant 0 : index
      %swap3A_62 = arith.constant 0 : index
      %swap3A_63 = vector.load %arg13[%swap3A_61, %swap3A_62] : memref<1x128xf32, #tpu.memory_space<vmem>>, vector<1x128xf32>
      tpu.vector_store %arg13[%swap3A_61, %swap3A_62], %add3A {strides = array<i32>} : memref<1x128xf32, #tpu.memory_space<vmem>>, vector<1x128xf32>,
      %mul3A_64 = arith.constant 1000 : i32
      %mul3A_65 = arith.muli %arg1, %mul3A_64 : i32
      %iota3A = tpu.iota {dimensions = array<i32: 0>} : vector<1000x1xi32>
      %add3A_66 = vector.broadcast %mul3A_65 : i32 to vector<1000x1xi32>
      %add3A_67 = arith.addi %add3A_66, %iota3A : vector<1000x1xi32>
      %get3A_68 = arith.constant 0 : index
      %get3A_69 = arith.constant 0 : index
      %get3A_70 = vector.load %arg6[%get3A_68, %get3A_69] : memref<1x10xi32, #tpu.memory_space<vmem>>, vector<1x10xi32>
      %eq3A_71 = vector.broadcast %add3A_67 : vector<1000x1xi32> to vector<1000x10xi32>
      %eq3A_72 = vector.broadcast %get3A_70 : vector<1x10xi32> to vector<1000x10xi32>
      %eq3A_73 = arith.cmpi eq, %eq3A_71, %eq3A_72 : vector<1000x10xi32>
      %convert_element_type3A_74 = arith.extui %eq3A_73 : vector<1000x10xi1> to vector<1000x10xi32>
      %convert_element_type3A_75 = arith.sitofp %convert_element_type3A_74 : vector<1000x10xi32> to vector<1000x10xf32>
      %get3A_76 = arith.constant 0 : index
      %get3A_77 = arith.constant 0 : index
      %get3A_78 = vector.load %arg14[%get3A_76, %get3A_77] : memref<10x128xf32, #tpu.memory_space<vmem>>, vector<10x128xf32>
      %dot_general3A = arith.constant dense<0.000000e+00> : vector<10x128xf32>
      %dot_general3A_79 = tpu.matmul %convert_element_type3A_75, %select_n3A, %dot_general3A {dimension_numbers = #tpu.dot_dimension_numbers<[0], [0], [1], [1], [0, 1, 1, 1], [], []>, transpose_lhs_hint = false} : vector<1000x10xf32>, vector<1000x128xf32>, vector<10x128xf32> -> vector<10x128xf32>
      %add3A_80 = arith.addf %get3A_78, %dot_general3A_79 : vector<10x128xf32>
      %swap3A_81 = arith.constant 0 : index
      %swap3A_82 = arith.constant 0 : index
      %swap3A_83 = vector.load %arg14[%swap3A_81, %swap3A_82] : memref<10x128xf32, #tpu.memory_space<vmem>>, vector<10x128xf32>
      tpu.vector_store %arg14[%swap3A_81, %swap3A_82], %add3A_80 {strides = array<i32>} : memref<10x128xf32, #tpu.memory_space<vmem>>, vector<10x128xf32>,
    } else {
    }
    %eq3A_47 = arith.constant 1 : i32
    %eq3A_48 = arith.cmpi eq, %arg0, %eq3A_47 : i32
    %convert_element_type3A_49 = arith.extui %eq3A_48 : i1 to i32
    %cond3A_50 = arith.constant 0 : i32
    %cond3A_51 = arith.cmpi ne, %convert_element_type3A_49, %cond3A_50 : i32
    scf.if %cond3A_51 {
      %mul3A_57 = arith.mulf %select_n3A, %select_n3A : vector<1000x128xf32>
      %reduce_sum3A = arith.constant dense<0.000000e+00> : vector<1000xf32>
      %reduce_sum3A_58 = vector.multi_reduction <add>, %mul3A_57, %reduce_sum3A [1] : vector<1000x128xf32> to vector<1000xf32>
      %broadcast_in_dim3A = vector.shape_cast %reduce_sum3A_58 : vector<1000xf32> to vector<1000x1xf32>
      %sqrt3A = math.sqrt %broadcast_in_dim3A : vector<1000x1xf32>
      %add3A = arith.constant 9.99999993E-9 : f32
      %add3A_59 = vector.broadcast %add3A : f32 to vector<1000x1xf32>
      %add3A_60 = arith.addf %sqrt3A, %add3A_59 : vector<1000x1xf32>
      %div3A_61 = vector.broadcast %add3A_60 : vector<1000x1xf32> to vector<1000x128xf32>
      %div3A_62 = arith.divf %select_n3A, %div3A_61 : vector<1000x128xf32>
      %get3A_63 = arith.constant 0 : index
      %get3A_64 = arith.constant 0 : index
      %get3A_65 = vector.load %arg14[%get3A_63, %get3A_64] : memref<10x128xf32, #tpu.memory_space<vmem>>, vector<10x128xf32>
      %mul3A_66 = arith.mulf %get3A_65, %get3A_65 : vector<10x128xf32>
      %reduce_sum3A_67 = arith.constant dense<0.000000e+00> : vector<10xf32>
      %reduce_sum3A_68 = vector.multi_reduction <add>, %mul3A_66, %reduce_sum3A_67 [1] : vector<10x128xf32> to vector<10xf32>
      %broadcast_in_dim3A_69 = vector.shape_cast %reduce_sum3A_68 : vector<10xf32> to vector<10x1xf32>
      %sqrt3A_70 = math.sqrt %broadcast_in_dim3A_69 : vector<10x1xf32>
      %add3A_71 = arith.constant 9.99999993E-9 : f32
      %add3A_72 = vector.broadcast %add3A_71 : f32 to vector<10x1xf32>
      %add3A_73 = arith.addf %sqrt3A_70, %add3A_72 : vector<10x1xf32>
      %div3A_74 = vector.broadcast %add3A_73 : vector<10x1xf32> to vector<10x128xf32>
      %div3A_75 = arith.divf %get3A_65, %div3A_74 : vector<10x128xf32>
      %dot_general3A = arith.constant dense<0.000000e+00> : vector<1000x10xf32>
      %dot_general3A_76 = tpu.matmul %div3A_62, %div3A_75, %dot_general3A {dimension_numbers = #tpu.dot_dimension_numbers<[1], [1], [0], [0], [0, 0, 1, 0], [], []>, transpose_lhs_hint = false} : vector<1000x128xf32>, vector<10x128xf32>, vector<1000x10xf32> -> vector<1000x10xf32>
      %mul3A_77 = arith.constant 3.000000e+01 : f32
      %mul3A_78 = vector.broadcast %mul3A_77 : f32 to vector<1000x10xf32>
      %mul3A_79 = arith.mulf %mul3A_78, %dot_general3A_76 : vector<1000x10xf32>
      %reduce_max3A = arith.constant dense<0xFF800000> : vector<1000xf32>
      %reduce_max3A_80 = vector.multi_reduction <maximumf>, %mul3A_79, %reduce_max3A [1] : vector<1000x10xf32> to vector<1000xf32>
      %broadcast_in_dim3A_81 = vector.shape_cast %reduce_max3A_80 : vector<1000xf32> to vector<1000x1xf32>
      %sub3A = vector.broadcast %broadcast_in_dim3A_81 : vector<1000x1xf32> to vector<1000x10xf32>
      %sub3A_82 = arith.subf %mul3A_79, %sub3A : vector<1000x10xf32>
      %exp3A = math.exp %sub3A_82 : vector<1000x10xf32>
      %reduce_sum3A_83 = arith.constant dense<0.000000e+00> : vector<1000xf32>
      %reduce_sum3A_84 = vector.multi_reduction <add>, %exp3A, %reduce_sum3A_83 [1] : vector<1000x10xf32> to vector<1000xf32>
      %broadcast_in_dim3A_85 = vector.shape_cast %reduce_sum3A_84 : vector<1000xf32> to vector<1000x1xf32>
      %div3A_86 = vector.broadcast %broadcast_in_dim3A_85 : vector<1000x1xf32> to vector<1000x10xf32>
      %div3A_87 = arith.divf %exp3A, %div3A_86 : vector<1000x10xf32>
      %get3A_88 = arith.constant 0 : index
      %get3A_89 = arith.constant 0 : index
      %get3A_90 = vector.load %arg16[%get3A_88, %get3A_89] : memref<1x10xf32, #tpu.memory_space<vmem>>, vector<1x10xf32>
      %reduce_sum3A_91 = arith.constant dense<0.000000e+00> : vector<10xf32>
      %reduce_sum3A_92 = vector.multi_reduction <add>, %div3A_87, %reduce_sum3A_91 [0] : vector<1000x10xf32> to vector<10xf32>
      %broadcast_in_dim3A_93 = vector.shape_cast %reduce_sum3A_92 : vector<10xf32> to vector<1x10xf32>
      %add3A_94 = arith.addf %get3A_90, %broadcast_in_dim3A_93 : vector<1x10xf32>
      %swap3A_95 = arith.constant 0 : index
      %swap3A_96 = arith.constant 0 : index
      %swap3A_97 = vector.load %arg16[%swap3A_95, %swap3A_96] : memref<1x10xf32, #tpu.memory_space<vmem>>, vector<1x10xf32>
      tpu.vector_store %arg16[%swap3A_95, %swap3A_96], %add3A_94 {strides = array<i32>} : memref<1x10xf32, #tpu.memory_space<vmem>>, vector<1x10xf32>,
      %get3A_98 = arith.constant 0 : index
      %get3A_99 = arith.constant 0 : index
      %get3A_100 = vector.load %arg15[%get3A_98, %get3A_99] : memref<10x128xf32, #tpu.memory_space<vmem>>, vector<10x128xf32>
      %dot_general3A_101 = arith.constant dense<0.000000e+00> : vector<10x128xf32>
      %dot_general3A_102 = tpu.matmul %div3A_87, %select_n3A, %dot_general3A_101 {dimension_numbers = #tpu.dot_dimension_numbers<[0], [0], [1], [1], [0, 1, 1, 1], [], []>, transpose_lhs_hint = false} : vector<1000x10xf32>, vector<1000x128xf32>, vector<10x128xf32> -> vector<10x128xf32>
      %add3A_103 = arith.addf %get3A_100, %dot_general3A_102 : vector<10x128xf32>
      %swap3A_104 = arith.constant 0 : index
      %swap3A_105 = arith.constant 0 : index
      %swap3A_106 = vector.load %arg15[%swap3A_104, %swap3A_105] : memref<10x128xf32, #tpu.memory_space<vmem>>, vector<10x128xf32>
      tpu.vector_store %arg15[%swap3A_104, %swap3A_105], %add3A_103 {strides = array<i32>} : memref<10x128xf32, #tpu.memory_space<vmem>>, vector<10x128xf32>,
    } else {
    }
    %eq3A_52 = arith.constant 2 : i32
    %eq3A_53 = arith.cmpi eq, %arg0, %eq3A_52 : i32
    %convert_element_type3A_54 = arith.extui %eq3A_53 : i1 to i32
    %cond3A_55 = arith.constant 0 : i32
    %cond3A_56 = arith.cmpi ne, %convert_element_type3A_54, %cond3A_55 : i32
    scf.if %cond3A_56 {
      %iota3A = tpu.iota {dimensions = array<i32: 0>} : vector<10x10xi32>
      %iota3A_57 = tpu.iota {dimensions = array<i32: 1>} : vector<10x10xi32>
      %eq3A_58 = arith.cmpi eq, %iota3A, %iota3A_57 : vector<10x10xi32>
      %convert_element_type3A_59 = arith.extui %eq3A_58 : vector<10x10xi1> to vector<10x10xi32>
      %convert_element_type3A_60 = arith.sitofp %convert_element_type3A_59 : vector<10x10xi32> to vector<10x10xf32>
      %get3A_61 = arith.constant 0 : index
      %get3A_62 = arith.constant 0 : index
      %get3A_63 = vector.load %arg16[%get3A_61, %get3A_62] : memref<1x10xf32, #tpu.memory_space<vmem>>, vector<1x10xf32>
      %mul3A_64 = vector.broadcast %get3A_63 : vector<1x10xf32> to vector<10x10xf32>
      %mul3A_65 = arith.mulf %convert_element_type3A_60, %mul3A_64 : vector<10x10xf32>
      %reduce_sum3A = arith.constant dense<0.000000e+00> : vector<10xf32>
      %reduce_sum3A_66 = vector.multi_reduction <add>, %mul3A_65, %reduce_sum3A [1] : vector<10x10xf32> to vector<10xf32>
      %broadcast_in_dim3A = vector.shape_cast %reduce_sum3A_66 : vector<10xf32> to vector<10x1xf32>
      %get3A_67 = arith.constant 0 : index
      %get3A_68 = arith.constant 0 : index
      %get3A_69 = vector.load %arg15[%get3A_67, %get3A_68] : memref<10x128xf32, #tpu.memory_space<vmem>>, vector<10x128xf32>
      %add3A = arith.constant 9.99999993E-9 : f32
      %add3A_70 = vector.broadcast %add3A : f32 to vector<10x1xf32>
      %add3A_71 = arith.addf %broadcast_in_dim3A, %add3A_70 : vector<10x1xf32>
      %div3A_72 = vector.broadcast %add3A_71 : vector<10x1xf32> to vector<10x128xf32>
      %div3A_73 = arith.divf %get3A_69, %div3A_72 : vector<10x128xf32>
      %swap3A_74 = arith.constant 0 : index
      %swap3A_75 = arith.constant 0 : index
      %swap3A_76 = vector.load %arg10[%swap3A_74, %swap3A_75] : memref<10x128xf32, #tpu.memory_space<vmem>>, vector<10x128xf32>
      tpu.vector_store %arg10[%swap3A_74, %swap3A_75], %div3A_73 {strides = array<i32>} : memref<10x128xf32, #tpu.memory_space<vmem>>, vector<10x128xf32>,
      %mul3A_77 = arith.mulf %div3A_73, %div3A_73 : vector<10x128xf32>
      %reduce_sum3A_78 = arith.constant dense<0.000000e+00> : vector<10xf32>
      %reduce_sum3A_79 = vector.multi_reduction <add>, %mul3A_77, %reduce_sum3A_78 [1] : vector<10x128xf32> to vector<10xf32>
      %broadcast_in_dim3A_80 = vector.shape_cast %reduce_sum3A_79 : vector<10xf32> to vector<10x1xf32>
      %sqrt3A = math.sqrt %broadcast_in_dim3A_80 : vector<10x1xf32>
      %add3A_81 = arith.constant 9.99999993E-9 : f32
      %add3A_82 = vector.broadcast %add3A_81 : f32 to vector<10x1xf32>
      %add3A_83 = arith.addf %sqrt3A, %add3A_82 : vector<10x1xf32>
      %div3A_84 = vector.broadcast %add3A_83 : vector<10x1xf32> to vector<10x128xf32>
      %div3A_85 = arith.divf %div3A_73, %div3A_84 : vector<10x128xf32>
      %mul3A_86 = arith.mulf %select_n3A, %select_n3A : vector<1000x128xf32>
      %reduce_sum3A_87 = arith.constant dense<0.000000e+00> : vector<1000xf32>
      %reduce_sum3A_88 = vector.multi_reduction <add>, %mul3A_86, %reduce_sum3A_87 [1] : vector<1000x128xf32> to vector<1000xf32>
      %broadcast_in_dim3A_89 = vector.shape_cast %reduce_sum3A_88 : vector<1000xf32> to vector<1000x1xf32>
      %sqrt3A_90 = math.sqrt %broadcast_in_dim3A_89 : vector<1000x1xf32>
      %add3A_91 = arith.constant 9.99999993E-9 : f32
      %add3A_92 = vector.broadcast %add3A_91 : f32 to vector<1000x1xf32>
      %add3A_93 = arith.addf %sqrt3A_90, %add3A_92 : vector<1000x1xf32>
      %div3A_94 = vector.broadcast %add3A_93 : vector<1000x1xf32> to vector<1000x128xf32>
      %div3A_95 = arith.divf %select_n3A, %div3A_94 : vector<1000x128xf32>
      %dot_general3A = arith.constant dense<0.000000e+00> : vector<1000x10xf32>
      %dot_general3A_96 = tpu.matmul %div3A_95, %div3A_85, %dot_general3A {dimension_numbers = #tpu.dot_dimension_numbers<[1], [1], [0], [0], [0, 0, 1, 0], [], []>, transpose_lhs_hint = false} : vector<1000x128xf32>, vector<10x128xf32>, vector<1000x10xf32> -> vector<1000x10xf32>
      %swap3A_97 = arith.constant 0 : index
      %swap3A_98 = arith.constant 0 : index
      %swap3A_99 = vector.load %arg11[%swap3A_97, %swap3A_98] : memref<1000x10xf32, #tpu.memory_space<vmem>>, vector<1000x10xf32>
      tpu.vector_store %arg11[%swap3A_97, %swap3A_98], %dot_general3A_96 {strides = array<i32>} : memref<1000x10xf32, #tpu.memory_space<vmem>>, vector<1000x10xf32>,
      %mul3A_100 = arith.constant 3.000000e+01 : f32
      %mul3A_101 = vector.broadcast %mul3A_100 : f32 to vector<1000x10xf32>
      %mul3A_102 = arith.mulf %mul3A_101, %dot_general3A_96 : vector<1000x10xf32>
      %reduce_max3A = arith.constant dense<0xFF800000> : vector<1000xf32>
      %reduce_max3A_103 = vector.multi_reduction <maximumf>, %mul3A_102, %reduce_max3A [1] : vector<1000x10xf32> to vector<1000xf32>
      %broadcast_in_dim3A_104 = vector.shape_cast %reduce_max3A_103 : vector<1000xf32> to vector<1000x1xf32>
      %sub3A = vector.broadcast %broadcast_in_dim3A_104 : vector<1000x1xf32> to vector<1000x10xf32>
      %sub3A_105 = arith.subf %mul3A_102, %sub3A : vector<1000x10xf32>
      %exp3A = math.exp %sub3A_105 : vector<1000x10xf32>
      %reduce_sum3A_106 = arith.constant dense<0.000000e+00> : vector<1000xf32>
      %reduce_sum3A_107 = vector.multi_reduction <add>, %exp3A, %reduce_sum3A_106 [1] : vector<1000x10xf32> to vector<1000xf32>
      %broadcast_in_dim3A_108 = vector.shape_cast %reduce_sum3A_107 : vector<1000xf32> to vector<1000x1xf32>
      %div3A_109 = vector.broadcast %broadcast_in_dim3A_108 : vector<1000x1xf32> to vector<1000x10xf32>
      %div3A_110 = arith.divf %exp3A, %div3A_109 : vector<1000x10xf32>
      %swap3A_111 = arith.constant 0 : index
      %swap3A_112 = arith.constant 0 : index
      %swap3A_113 = vector.load %arg12[%swap3A_111, %swap3A_112] : memref<1000x10xf32, #tpu.memory_space<vmem>>, vector<1000x10xf32>
      tpu.vector_store %arg12[%swap3A_111, %swap3A_112], %div3A_110 {strides = array<i32>} : memref<1000x10xf32, #tpu.memory_space<vmem>>, vector<1000x10xf32>,
      %get3A_114 = arith.constant 0 : index
      %get3A_115 = arith.constant 0 : index
      %get3A_116 = vector.load %arg13[%get3A_114, %get3A_115] : memref<1x128xf32, #tpu.memory_space<vmem>>, vector<1x128xf32>
      %mul3A_117 = arith.constant 9.99999974E-5 : f32
      %mul3A_118 = vector.broadcast %mul3A_117 : f32 to vector<1x128xf32>
      %mul3A_119 = arith.mulf %get3A_116, %mul3A_118 : vector<1x128xf32>
      %neg3A = arith.constant 0.000000e+00 : f32
      %neg3A_120 = vector.broadcast %neg3A : f32 to vector<1x128xf32>
      %neg3A_121 = arith.subf %neg3A_120, %mul3A_119 : vector<1x128xf32>
      %exp3A_122 = math.exp %neg3A_121 : vector<1x128xf32>
      %add3A_123 = arith.constant 1.000000e+00 : f32
      %add3A_124 = vector.broadcast %add3A_123 : f32 to vector<1x128xf32>
      %add3A_125 = arith.addf %add3A_124, %exp3A_122 : vector<1x128xf32>
      %div3A_126 = arith.constant 1.000000e+00 : f32
      %div3A_127 = vector.broadcast %div3A_126 : f32 to vector<1x128xf32>
      %div3A_128 = arith.divf %div3A_127, %add3A_125 : vector<1x128xf32>
      %swap3A_129 = arith.constant 0 : index
      %swap3A_130 = arith.constant 0 : index
      %swap3A_131 = vector.load %arg9[%swap3A_129, %swap3A_130] : memref<1x128xf32, #tpu.memory_space<vmem>>, vector<1x128xf32>
      tpu.vector_store %arg9[%swap3A_129, %swap3A_130], %div3A_128 {strides = array<i32>} : memref<1x128xf32, #tpu.memory_space<vmem>>, vector<1x128xf32>,
    } else {
    }
    return
  }
  func.func @transform_0(%arg0: i32, %arg1: i32) -> (i32, i32, i32) {
    %c0_i32 = arith.constant 0 : i32
    %c0_i32_0 = arith.constant 0 : i32
    %c0_i32_1 = arith.constant 0 : i32
    return %c0_i32, %arg1, %c0_i32_0 : i32, i32, i32
  }
  func.func @transform_1(%arg0: i32, %arg1: i32) -> (i32, i32, i32) {
    %c1_i32 = arith.constant 1 : i32
    %c0_i32 = arith.constant 0 : i32
    %c0_i32_0 = arith.constant 0 : i32
    return %c1_i32, %arg1, %c0_i32 : i32, i32, i32
  }
  func.func @transform_2(%arg0: i32, %arg1: i32) -> (i32, i32) {
    %c0_i32 = arith.constant 0 : i32
    %c0_i32_0 = arith.constant 0 : i32
    return %arg1, %c0_i32 : i32, i32
  }
  func.func @transform_3(%arg0: i32, %arg1: i32) -> (i32, i32) {
    %c0_i32 = arith.constant 0 : i32
    %c0_i32_0 = arith.constant 0 : i32
    %c0_i32_1 = arith.constant 0 : i32
    return %c0_i32, %c0_i32_0 : i32, i32
  }
  func.func @transform_4(%arg0: i32, %arg1: i32) -> (i32, i32) {
    %c0_i32 = arith.constant 0 : i32
    %c0_i32_0 = arith.constant 0 : i32
    %c0_i32_1 = arith.constant 0 : i32
    return %c0_i32, %c0_i32_0 : i32, i32
  }
  func.func @transform_5(%arg0: i32, %arg1: i32) -> (i32, i32) {
    %c0_i32 = arith.constant 0 : i32
    %c0_i32_0 = arith.constant 0 : i32
    return %arg1, %c0_i32 : i32, i32
  }
  func.func @transform_6(%arg0: i32, %arg1: i32) -> (i32, i32) {
    %c0_i32 = arith.constant 0 : i32
    %c0_i32_0 = arith.constant 0 : i32
    return %arg1, %c0_i32 : i32, i32
  }
  func.func @transform_7(%arg0: i32, %arg1: i32) -> (i32, i32) {
    %c0_i32 = arith.constant 0 : i32
    %c0_i32_0 = arith.constant 0 : i32
    %c0_i32_1 = arith.constant 0 : i32
    return %c0_i32, %c0_i32_0 : i32, i32
  }
  func.func @transform_8(%arg0: i32, %arg1: i32) -> (i32, i32) {
    %c0_i32 = arith.constant 0 : i32
    %c0_i32_0 = arith.constant 0 : i32
    %c0_i32_1 = arith.constant 0 : i32
    return %c0_i32, %c0_i32_0 : i32, i32
  }
  func.func @transform_9(%arg0: i32, %arg1: i32) -> (i32, i32) {
    %c0_i32 = arith.constant 0 : i32
    %c0_i32_0 = arith.constant 0 : i32
    return %arg1, %c0_i32 : i32, i32
  }
  func.func @transform_10(%arg0: i32, %arg1: i32) -> (i32, i32) {
    %c0_i32 = arith.constant 0 : i32
    %c0_i32_0 = arith.constant 0 : i32
    return %arg1, %c0_i32 : i32, i32
  }
}

</mosaic_0001>

<sc_bundles>
// kernel: kernel.5.cloned.1.call-start
scs
__scs_entry_jumppad:
0x0: {  	(pc) =	sbr.rel $0x88, $3  }
0x1: {  	(tag) =	ssettag $0x0;
	lr =	simm.s32 $0x1  }
0x2: {  	[smem:$0x3F9B] =	sst lr;
	_ =	strace $0xD0000000  }
0x3: {  	_ = 	snop  }
0x4: {  	_ = 	snop  }
0x5: {  	_ = 	snop  }
0x6: {  	_ = 	snop  }
0x7: {  	_ = 	snop  }
__scs_overlays_trampoline_lowered:
0x8: {  	[smem:$0x3FAA] =	sst s0  }
0x9: {  	[smem:$0x3FAB] =	sst s1  }
0xa: {  	[smem:$0x3FAC] =	sst s2  }
0xb: {  	[smem:$0x3FAD] =	sst s3  }
0xc: {  	[smem:$0x3FAE] =	sst s4  }
0xd: {  	[smem:$0x3FAF] =	sst s5  }
0xe: {  	[smem:$0x3FB0] =	sst s6  }
0xf: {  	[smem:$0x3FB1] =	sst s7  }
0x10: {  	[smem:$0x3FB2] =	sst s8  }
0x11: {  	[smem:$0x3FB3] =	sst s9;
	s0 =	simm.s32 @!p0 $0x0  }
0x12: {  	s1 =	sld [smem:$0x3F99];
	s0 =	simm.s32 @p0 $0x1  }
0x13: {  	[smem:$0x3FB4] =	sst s0;
	s0 =	simm.s32 @!p1 $0x0  }
0x14: {  	s2 =	sld [smem:$0x3F98];
	s0 =	simm.s32 @p1 $0x1  }
0x15: {  	[smem:$0x3FB5] =	sst s0;
	s0 =	simm.s32 @!p2 $0x0  }
0x16: {  	s3 =	sld [smem:$0x3FDB];
	s0 =	simm.s32 @p2 $0x1  }
0x17: {  	s4 =	simm.s32 $0x1BF5;
	[smem:$0x3FB7] =	sst s0  }
0x18: {  	s0 =	sld [smem:$0x3F9A];
	_ =	swait.ge [sflag:s4], $0x0  }
0x19: {  	s7 =	sld [smem:$0x3F9B]  }
0x1a: {  	s8 =	sadd.s32 $0xFFFFE003, lr  }
0x1b: {  	s9 =	sadd.s32 $0xFFFFFEF7, lr;
	s5 =	simm.s32 $0xFFFFFFFF;
	p2 =	slt.u32 s8, $0xFFFFF086  }
0x1c: {  	p1 =	slt.u32 s9, $0xF7A;
	s5 =	simm.s32 @!p2 $0x0  }
0x1d: {  	s5 =	simm.s32 @p1 $0x1;
	p0 =	seq.s32 s7, s2  }
0x1e: {  	s7 =	smul.u32 @!p0 $0xF7A, s2;
	p2 =	seq.s32 @!p0 s5, $0x0  }
0x1f: {  	s9 =	smul.u32 $0xF7A, s1;
	s8 =	simm.s32 @!p0 $0x1BF5;
	p2 =	por !p2, p0  }
0x20: {  	[sflag:s8] =	ssyncset.s32 @!p0 $0xFFFFF086;
	s6 =	sadd.s32 @!p0 s3, s7;
	s7 =	simm.s32 @!p0 $0x108  }
0x21: {  	s3 =	sadd.s32 s3, s9;
	s6 =	sadd.s32 @!p0 $0x88, s6;
	s7 =	simm.s32 @p2 $0x1082  }
0x22: {  	[simem:s7], [sflag:s8] =	dma.local @!p0 [hbm:s6], $0xF7A  }
0x23: {  	s9 =	sor.u32 $0xD0000000, s2;
	s6 =	simm.s32 $0x108;
	_ =	swait.ge @!p0 [sflag:s8], $0x0  }
0x24: {  	s3 =	sadd.s32 $0x88, s3;
	s6 =	simm.s32 @!p1 $0x1082;
	[sflag:s4] =	ssyncset.s32 $0xFFFFF086  }
0x25: {  	[simem:s6], [sflag:s4] =	dma.local [hbm:s3], $0xF7A  }
0x26: {  	[smem:$0x3F9B] =	sst s1;
	(tag) =	ssettag s2;
	_ =	strace s9  }
0x27: {  	s1 =	sld [smem:$0x3FAB]  }
0x28: {  	s2 =	sld [smem:$0x3FAC]  }
0x29: {  	s4 =	sld [smem:$0x3FAE]  }
0x2a: {  	p0 =	seq.s32 s5, $0x0;
	s5 =	sld [smem:$0x3FAF]  }
0x2b: {  	s6 =	sld [smem:$0x3FB0]  }
0x2c: {  	s7 =	sld [smem:$0x3FB1]  }
0x2d: {  	s3 =	simm.s32 $0x108;
	s8 =	sld [smem:$0x3FB2]  }
0x2e: {  	s3 =	simm.s32 @!p0 $0x1082;
	s9 =	sld [smem:$0x3FB3]  }
0x2f: {  	lr =	sadd.s32 s0, s3;
	s0 =	sld [smem:$0x3FAA]  }
0x30: {  	s3 =	sld [smem:$0x3FAD]  }
0x31: {  	[smem:$0x3FB6] =	sst s10  }
0x32: {  	s10 =	sld [smem:$0x3FB4];
	_ =	sdelay $0x3  }
0x33: {  	p0 =	seq.s32 s10, $0x1;
	s10 =	sld [smem:$0x3FB6];
	_ =	sdelay $0x3  }
0x34: {  	[smem:$0x3FB6] =	sst s10  }
0x35: {  	s10 =	sld [smem:$0x3FB5];
	_ =	sdelay $0x3  }
0x36: {  	p1 =	seq.s32 s10, $0x1;
	s10 =	sld [smem:$0x3FB6];
	_ =	sdelay $0x3  }
0x37: {  	[smem:$0x3FB6] =	sst s10  }
0x38: {  	s10 =	sld [smem:$0x3FB7]  }
0x39: {  	_ = 	snop;
	(pc) =	sbr.ind lr, $3  }
0x3a: {  	_ = 	snop  }
0x3b: {  	_ = 	snop  }
0x3c: {  	p2 =	seq.s32 s10, $0x1;
	s10 =	sld [smem:$0x3FB6]  }
0x3d: {  	_ =	shalt  }
0x3e: {  	_ =	shalt  }
0x3f: {  	_ =	shalt  }
0x40: {  	_ =	shalt  }
0x41: {  	_ =	shalt  }
0x42: {  	_ =	shalt  }
0x43: {  	_ =	shalt  }
0x44: {  	_ =	shalt  }
0x45: {  	_ =	shalt  }
0x46: {  	_ =	shalt  }
0x47: {  	_ =	shalt  }
0x48: {  	_ =	shalt  }
0x49: {  	_ =	shalt  }
0x4a: {  	_ =	shalt  }
0x4b: {  	_ =	shalt  }
0x4c: {  	_ =	shalt  }
0x4d: {  	_ =	shalt  }
0x4e: {  	_ =	shalt  }
0x4f: {  	_ =	shalt  }
0x50: {  	_ =	shalt  }
0x51: {  	_ =	shalt  }
0x52: {  	_ =	shalt  }
0x53: {  	_ =	shalt  }
0x54: {  	_ =	shalt  }
0x55: {  	_ =	shalt  }
0x56: {  	_ =	shalt  }
0x57: {  	_ =	shalt  }
0x58: {  	_ =	shalt  }
0x59: {  	_ =	shalt  }
0x5a: {  	_ =	shalt  }
0x5b: {  	_ =	shalt  }
0x5c: {  	_ =	shalt  }
0x5d: {  	_ =	shalt  }
0x5e: {  	_ =	shalt  }
0x5f: {  	_ =	shalt  }
0x60: {  	_ =	shalt  }
0x61: {  	_ =	shalt  }
0x62: {  	_ =	shalt  }
0x63: {  	_ =	shalt  }
0x64: {  	_ =	shalt  }
0x65: {  	_ =	shalt  }
0x66: {  	_ =	shalt  }
0x67: {  	_ =	shalt  }
0x68: {  	_ =	shalt  }
0x69: {  	_ =	shalt  }
0x6a: {  	_ =	shalt  }
0x6b: {  	_ =	shalt  }
0x6c: {  	_ =	shalt  }
0x6d: {  	_ =	shalt  }
0x6e: {  	_ =	shalt  }
0x6f: {  	_ =	shalt  }
0x70: {  	_ =	shalt  }
0x71: {  	_ =	shalt  }
0x72: {  	_ =	shalt  }
0x73: {  	_ =	shalt  }
0x74: {  	_ =	shalt  }
0x75: {  	_ =	shalt  }
0x76: {  	_ =	shalt  }
0x77: {  	_ =	shalt  }
0x78: {  	_ =	shalt  }
0x79: {  	_ =	shalt  }
0x7a: {  	_ =	shalt  }
0x7b: {  	_ =	shalt  }
0x7c: {  	_ =	shalt  }
0x7d: {  	_ =	shalt  }
0x7e: {  	_ =	shalt  }
0x7f: {  	_ =	shalt  }
0x80: {  	_ =	shalt  }
0x81: {  	_ =	shalt  }
0x82: {  	_ =	shalt  }
0x83: {  	_ =	shalt  }
0x84: {  	_ =	shalt  }
0x85: {  	_ =	shalt  }
0x86: {  	_ =	shalt  }
0x87: {  	_ =	shalt  }
.Lfunc_end0:
.L_simem_size_0:
called_computation_lowered:
.L_overlay_start_0:
0x88: {  	s2 =	sld [smem:$0x3FD9]  }
0x89: {  	s3 =	sld [smem:$0x3FFE];
	_ =	sdelay $0x1  }
0x8a: {  	s1 =	srdreg.scid  }
0x8b: {  	s0 =	sand.u32 $0x1, s1  }
0x8c: {  	s14 =	sshll.u32 s0, $0xA;
	s2 =	sadd.s32 s3, s2  }
0x8d: {  	s2 =	sadd.s32 s2, s14  }
0x8e: {  	[smem:$0x3FC2] =	sst s2  }
0x8f: {  	_ = 	snop  }
0x90: {  	s2 =	sld [smem:$0x3FD0];
	_ =	sdelay $0x2  }
0x91: {  	s4 =	simm.s32 $0xA;
	s5 =	simm.s32 $0x10;
	s15 =	sld [smem:$0x3FC6]  }
0x92: {  	[smem:s5], [sflag:s4] =	dma.local [hbm:s2], $0x1  }
0x93: {  	_ =	swait.eq [sflag:s4], $0x1  }
0x94: {  	s16 =	sld [smem:$0x10];
	[sflag:s4] =	ssyncset.done $0x0  }
0x95: {  	s17 =	sld [smem:$0x11];
	[sflag:s4] =	ssyncadd.s32 $0xFFFFFFFF  }
0x96: {  	s18 =	sld [smem:$0x15];
	(tm) =	ssettm $0x1  }
0x97: {  	s6 =	sld [smem:$0x3FFB];
	_ =	sdelay $0x3  }
0x98: {  	_ =	strace s6  }
0x99: {  	s6 =	sld [smem:$0x3FFC];
	_ =	sdelay $0x3  }
0x9a: {  	_ =	strace s6  }
0x9b: {  	s6 =	sld [smem:$0x3FFD];
	_ =	sdelay $0x3  }
0x9c: {  	_ =	strace s6  }
0x9d: {  	_ =	strace $0x8FFFFFFF  }
0x9e: {  	s19 =	sld [smem:$0x3FDB];
	_ =	sdelay $0x1  }
0x9f: {  	s7 =	simm.s32 $_scs_section_size  }
0xa0: {  	s8 =	simm.s32 $_size__tile_overlayer_lowered;
	s9 =	simm.s32 $_tile_overlayer_lowered  }
0xa1: {  	s22 =	simm.s32 $0x1BFF;
	s21 =	sshll.u32 s9, $0x1;
	s6 =	sadd.s32 s7, s19  }
0xa2: {  	s10 =	simm.s32 $0x0;
	s20 =	sshll.u32 s8, $0x1;
	s8 =	sadd.s32 s21, s6  }
0xa3: {  	[timem:s10], [sflag:s22] =	dma.local [hbm:s8], s20  }
0xa4: {  	_ =	swait.ge [sflag:s22], s20  }
0xa5: {  	s7 =	ssub.s32 $0x0, s20;
	[sflag:s22] =	ssyncset.done $0x0  }
0xa6: {  	[sflag:s22] =	ssyncadd.s32 s7;
	_ =	sdelay $0x1  }
0xa7: {  	s23 =	simm.s32 $0x1B8B  }
0xa8: {  	_ =	swait.ge [sflag:s23], $0x1  }
0xa9: {  	[sflag:s23] =	ssyncset.done $0x0  }
0xaa: {  	s25 =	simm.s32 $0x1B8E;
	s24 =	sld [smem:$0x3FFE];
	[sflag:s23] =	ssyncadd.s32 $0xFFFFFFFF  }
0xab: {  	s26 =	simm.s32 $execute0_lowered;
	[smem:$0x3FD2] =	sst s25  }
0xac: {  	s8 =	sshll.u32 s26, $0x1;
	_ =	strace $0x80000046;
	[dreg:$0x1] =	wrdreg $0xFFFFFFFF  }
0xad: {  	s28 =	simm.s32 $_size_execute0_lowered;
	s6 =	sadd.s32 s6, s8;
	[dreg:$0x0] =	wrdreg $0x0  }
0xae: {  	s8 =	sshll.u32 s28, $0x1;
	[dreg:$0x2] =	wrdreg s6  }
0xaf: {  	[dreg:$0x3] =	wrdreg s8  }
0xb0: {  	[dreg:$0x4] =	wrdreg $0xC0  }
0xb1: {  	_ =	task [dreg:s10], $0x5FFFF  }
0xb2: {  	[dreg:$0x1] =	wrdreg $0xFFFFFFFF  }
0xb3: {  	[dreg:$0x0] =	wrdreg $0x60  }
0xb4: {  	[dreg:$0x2] =	wrdreg s17  }
0xb5: {  	[dreg:$0x3] =	wrdreg s16  }
0xb6: {  	[dreg:$0x4] =	wrdreg s24  }
0xb7: {  	[dreg:$0x5] =	wrdreg s15  }
0xb8: {  	[dreg:$0x6] =	wrdreg s18  }
0xb9: {  	[dreg:$0x7] =	wrdreg $0x0  }
0xba: {  	[dreg:$0x8] =	wrdreg $0x140000  }
0xbb: {  	[dreg:$0x9] =	wrdreg $0x9  }
0xbc: {  	_ =	task.clear_ibuf [dreg:s10], $0xAFFFF;
	_ =	strace $0x90000046  }
0xbd: {  	s29 =	simm.s32 $0x9;
	_ =	strace $0x80000048  }
0xbe: {  	_ =	swait.ge [sflag:s29], $0x1  }
0xbf: {  	[sflag:s29] =	ssyncadd.s32 $0xFFFFFFFF  }
0xc0: {  	_ =	strace $0x90000048  }
0xc1: {  	_ =	sfence  }
0xc2: {  	s30 =	sld [smem:$0x0];
	_ =	sdelay $0x2  }
0xc3: {  	s31 =	sshll.u32 s1, $0xD;
	s1 =	sshrl.u32 s1, $0x2  }
0xc4: {  	s3 =	sand.u32 $0x4000, s31;
	s1 =	sadd.s32 s1, s30  }
0xc5: {  	s0 =	sor.u32 s3, s0;
	s1 =	sshll.u32 s1, $0x11  }
0xc6: {  	s0 =	sor.u32 s1, s0  }
0xc7: {  	s0 =	sadd.s32 $0x8F2B, s0  }
0xc8: {  	[sflag:s0] =	ssyncadd.remote.s32 $0x1  }
0xc9: {  	_ =	sfence.sel $0xFFFF  }
0xca: {  	[dreg:$0x0] =	wrdreg $0xFFFFFFFF;
	(pc) =	sbr.abs _section_cstart, $3  }
0xcb: {  	[dreg:$0x1] =	wrdreg $0xFFFFFFFF  }
0xcc: {  	_ =	task.clear_ibuf [dreg:s10], $0x2FFFF;
	_ =	strace $0x9FFFFFFF  }
0xcd: {  	(tm) =	ssettm $0x7FFFFFFF  }
tec
execute0_lowered:
.L_overlay_start_1:
0x0: {  	(tag) =	ssettag $0x1  }
0x1: {  	s0 =	rddreg [dreg:$0x0]  }
0x2: {  	s1 =	rddreg [dreg:$0x1]  }
0x3: {  	s2 =	rddreg [dreg:$0x2]  }
0x4: {  	s3 =	rddreg [dreg:$0x3]  }
0x5: {  	s6 =	rddreg [dreg:$0x4]  }
0x6: {  	s4 =	rddreg [dreg:$0x5];
	s14 =	stileid.u32  }
0x7: {  	s7 =	srdreg.scid;
	s11 =	smul.u32 $0x14000, s14  }
0x8: {  	s5 =	rddreg [dreg:$0x6];
	s10 =	sand.u32 $0x1, s7;
	s12 =	smul.u32 $0x50000, s14  }
0x9: {  	s7 =	simm.s32 $0x0;
	s8 =	sadd.s32 $0xA00, s2;
	s19 =	smul.u32 $0x280, s14  }
0xa: {  	s17 =	smul.u32 $0x5000, s14;
	[smem:$0x7FF] =	sst s7;
	s18 =	ssub.s32 $0x2, s10  }
0xb: {  	s9 =	smul.u32 $0x140000, s10;
	_ =	strace $0x80000047;
	s13 =	sshrl.u32 s18, $0x1  }
0xc: {  	s12 =	sshrl.u32 s12, $0x2;
	s14 =	sshrl.u32 s19, $0x3;
	s15 =	sshrl.u32 s17, $0x3  }
0xd: {  	s9 =	sadd.s32 s11, s9;
	s11 =	ssub.s32 s18, s13;
	s6 =	sadd.s32 s6, s14  }
0xe: {  	s16 =	sadd.s32 s1, s15;
	s9 =	sshrl.u32 s9, $0x3;
	[dreg:$0x11] =	wrdreg s6  }
0xf: {  	[dreg:$0x12] =	wrdreg s16;
	s6 =	sadd.s32 s8, s15;
	s18 =	smax.u32 s11, $0x1  }
0x10: {  	s2 =	sadd.s32 s9, s2;
	s9 =	sadd.s32 s12, s4;
	[dreg:$0x13] =	wrdreg s6  }
0x11: {  	[dreg:$0x15] =	wrdreg s18;
	s20 =	sadd.s32 $0x1000, s9  }
0x12: {  	s21 =	sadd.s32 $0x2000, s9;
	[dreg:$0x8] =	wrdreg s20  }
0x13: {  	s22 =	sadd.s32 $0x3000, s9;
	[dreg:$0x9] =	wrdreg s21  }
0x14: {  	s23 =	sadd.s32 $0x4000, s9;
	[dreg:$0xa] =	wrdreg s22  }
0x15: {  	s24 =	sadd.s32 $0x5000, s9;
	[dreg:$0xb] =	wrdreg s23  }
0x16: {  	s25 =	sadd.s32 $0x6000, s9;
	[dreg:$0xc] =	wrdreg s24  }
0x17: {  	s26 =	sadd.s32 $0x7000, s9;
	[dreg:$0xd] =	wrdreg s25  }
0x18: {  	s30 =	sadd.s32 $0x8000, s9;
	[dreg:$0xe] =	wrdreg s26  }
0x19: {  	s28 =	simm.s32 $0x4;
	s31 =	sadd.s32 $0x9000, s9;
	[dreg:$0xf] =	wrdreg s30  }
0x1a: {  	s29 =	simm.s32 $0x0;
	s2 =	sadd.s32 $0xAA00, s2;
	[dreg:$0x10] =	wrdreg s31  }
0x1b: {  	s20 =	sadd.s32 s19, s5;
	[dreg:$0x14] =	wrdreg s2;
	s19 =	sadd.s32 $0xA000, s9  }
0x1c: {  	p0 =	seq.s32 s10, $0x0;
	s21 =	sadd.s32 $0xB000, s9;
	[dreg:$0x16] =	wrdreg s19  }
0x1d: {  	p1 =	sne.s32 s10, $0x0;
	s22 =	sadd.s32 $0xC000, s9;
	[dreg:$0x17] =	wrdreg s21  }
0x1e: {  	s13 =	simm.s32 $0x1DA80;
	s23 =	sadd.s32 $0xD000, s9;
	[dreg:$0x18] =	wrdreg s22  }
0x1f: {  	s14 =	simm.s32 $0x8;
	s24 =	sadd.s32 $0xE000, s9;
	[dreg:$0x19] =	wrdreg s23  }
0x20: {  	s15 =	simm.s32 $0x80;
	s25 =	sadd.s32 $0xF000, s9;
	[dreg:$0x1a] =	wrdreg s24  }
0x21: {  	s16 =	simm.s32 $0x15A80;
	s26 =	sadd.s32 $0x10000, s9;
	[dreg:$0x1b] =	wrdreg s25  }
.Ltmp0:
0x22: {  	s30 =	sadd.s32 $0x11000, s9;
	[dreg:$0x1c] =	wrdreg s26;
	(pc) =	sbr.rel .LBB2_1-.Ltmp0, $4  }
0x23: {  	s18 =	simm.s32 $0x19A80;
	s31 =	sadd.s32 $0x12000, s9;
	[dreg:$0x1d] =	wrdreg s30  }
0x24: {  	s12 =	sadd.s32 $0x13000, s9;
	[dreg:$0x1e] =	wrdreg s31;
	s19 =	simm.s32 $0x1  }
0x25: {  	s21 =	simm.s32 $0x1ED00;
	s22 =	simm.s32 $0x3;
	s23 =	simm.s32 $0x2  }
0x26: {  	v0 =	vimm.f32 $0.0e+00;
	v1 =	vimm.f32 $1.000000000e+00;
	s24 =	simm.s32 $0x5;
	s25 =	simm.s32 $0x6;
	s26 =	simm.s32 $0x7  }
.LBB2_8:
0x27: {  	s2 =	stileid.u32  }
0x28: {  	[bflag:$0x0] =	sbarrier.arrive $0xFFFF;
	s2 =	sshll.u32 s2, $0x6  }
0x29: {  	s6 =	sshrl.u32 s9, $0x3;
	s10 =	rddreg [dreg:$0x14];
	s2 =	sor.u32 $0x1C08, s2  }
0x2a: {  	[hbm:s10], [sflag:s2] =	dma.local [spmem:s6], $0x2800  }
0x2b: {  	_ =	swait.ge [sflag:s14], $0x2800  }
0x2c: {  	[sflag:s14] =	ssyncset.done $0x0  }
0x2d: {  	s6 =	sshrl.u32 @!p1 s20, $0x3;
	s10 =	rddreg [dreg:$0x11];
	[sflag:s14] =	ssyncadd.s32 $0xFFFFD800  }
0x2e: {  	[hbm:s10], [sflag:s2] =	dma.local @!p1 [spmem:s6], $0x50  }
0x2f: {  	s2 =	simm.s32 @!p1 $0x8  }
0x30: {  	_ =	swait.ge @!p1 [sflag:s2], $0x50  }
0x31: {  	s29 =	sadd.s32 $0x1, s29;
	s31 =	rddreg [dreg:$0x15]  }
0x32: {  	p2 =	sne.s32 s29, s31  }
.Ltmp1:
0x33: {  	_ = 	snop;
	(pc) =	sbr.rel @!p2 .LBB2_9-.Ltmp1, $3  }
0x34: {  	_ =	sdelay $0x1  }
0x35: {  	[sflag:s2] =	ssyncset.done @!p1 $0x0  }
0x36: {  	[sflag:s2] =	ssyncadd.s32 @!p1 $0xFFFFFFB0  }
.LBB2_1:
0x37: {  	s30 =	simm.s32 $0x0;
	s31 =	simm.s32 $0x200  }
.LBB2_2:
0x38: {  	p2 =	sne.s32 s31, $0x3E00;
	[tilespmem:s30+$0x1DAF0] =	vst v0  }
0x39: {  	[tilespmem:s30+$0x1DA80] =	vst v0  }
0x3a: {  	[tilespmem:s30+$0x1DA90] =	vst v0  }
.Ltmp2:
0x3b: {  	[tilespmem:s30+$0x1DAA0] =	vst v0;
	(pc) =	sbr.rel @p2 .LBB2_2-.Ltmp2, $4  }
0x3c: {  	[tilespmem:s30+$0x1DAB0] =	vst v0  }
0x3d: {  	[tilespmem:s30+$0x1DAC0] =	vst v0  }
0x3e: {  	[tilespmem:s30+$0x1DAD0] =	vst v0  }
0x3f: {  	[tilespmem:s30+$0x1DAE0] =	vst v0;
	s30 =	sshra.s32 s31, $0x2;
	s31 =	sadd.s32 $0x200, s31  }
0x40: {  	[tilespmem:s30+$0x1DAF0] =	vst v0  }
0x41: {  	[tilespmem:s30+$0x1DA80] =	vst v0  }
0x42: {  	[tilespmem:s30+$0x1DA90] =	vst v0  }
0x43: {  	[tilespmem:s30+$0x1DAA0] =	vst v0  }
0x44: {  	[tilespmem:s30+$0x1DAB0] =	vst v0  }
0x45: {  	[tilespmem:s30+$0x1DAC0] =	vst v0  }
0x46: {  	[tilespmem:s30+$0x1DAD0] =	vst v0  }
0x47: {  	[tilespmem:s30+$0x1DAE0] =	vst v0  }
0x48: {  	[tilespmem:$0x1EA80] =	vst v0  }
0x49: {  	[tilespmem:$0x1EA90] =	vst v0  }
0x4a: {  	[tilespmem:$0x1EAA0] =	vst v0  }
0x4b: {  	[tilespmem:$0x1EAB0] =	vst v0  }
0x4c: {  	[tilespmem:$0x1EAC0] =	vst v0  }
0x4d: {  	[tilespmem:$0x1EAD0] =	vst v0  }
0x4e: {  	[tilespmem:$0x1EAE0] =	vst v0  }
0x4f: {  	[tilespmem:$0x1EAF0] =	vst v0  }
0x50: {  	[tilespmem:$0x1EB00] =	vst v0  }
0x51: {  	[tilespmem:$0x1EB10] =	vst v0  }
0x52: {  	[tilespmem:$0x1EB20] =	vst v0  }
0x53: {  	[tilespmem:$0x1EB30] =	vst v0  }
0x54: {  	[tilespmem:$0x1EB40] =	vst v0  }
0x55: {  	[tilespmem:$0x1EB50] =	vst v0  }
0x56: {  	[tilespmem:$0x1EB60] =	vst v0  }
0x57: {  	[tilespmem:$0x1EB70] =	vst v0  }
0x58: {  	[tilespmem:$0x1EB80] =	vst v0  }
0x59: {  	[tilespmem:$0x1EB90] =	vst v0  }
0x5a: {  	[tilespmem:$0x1EBA0] =	vst v0  }
0x5b: {  	[tilespmem:$0x1EBB0] =	vst v0  }
0x5c: {  	[tilespmem:$0x1EBC0] =	vst v0  }
0x5d: {  	[tilespmem:$0x1EBD0] =	vst v0  }
0x5e: {  	[tilespmem:$0x1EBE0] =	vst v0  }
0x5f: {  	[tilespmem:$0x1EBF0] =	vst v0  }
0x60: {  	[tilespmem:$0x1EC00] =	vst v0  }
0x61: {  	[tilespmem:$0x1EC10] =	vst v0  }
0x62: {  	[tilespmem:$0x1EC20] =	vst v0  }
0x63: {  	[tilespmem:$0x1EC30] =	vst v0  }
0x64: {  	[tilespmem:$0x1EC40] =	vst v0  }
0x65: {  	[tilespmem:$0x1EC50] =	vst v0  }
0x66: {  	[tilespmem:$0x1EC60] =	vst v0  }
0x67: {  	[tilespmem:$0x1EC70] =	vst v0  }
0x68: {  	[tilespmem:$0x1EC80] =	vst v0  }
0x69: {  	[tilespmem:$0x1EC90] =	vst v0  }
0x6a: {  	[tilespmem:$0x1ECA0] =	vst v0  }
0x6b: {  	[tilespmem:$0x1ECB0] =	vst v0  }
0x6c: {  	[tilespmem:$0x1ECC0] =	vst v0  }
0x6d: {  	[tilespmem:$0x1ECD0] =	vst v0  }
0x6e: {  	[tilespmem:$0x1ECE0] =	vst v0  }
0x6f: {  	[tilespmem:$0x1ECF0] =	vst v0  }
0x70: {  	[tilespmem:$0x1ED00] =	vst v1  }
0x71: {  	[tilespmem:$0x1ED10] =	vst v1  }
0x72: {  	[tilespmem:$0x1ED20] =	vst v1  }
0x73: {  	[tilespmem:$0x1ED30] =	vst v1  }
0x74: {  	[tilespmem:$0x1ED40] =	vst v1  }
0x75: {  	[tilespmem:$0x1ED50] =	vst v1  }
0x76: {  	[tilespmem:$0x1ED60] =	vst v1  }
0x77: {  	[tilespmem:$0x1ED70] =	vst v1  }
0x78: {  	[spmem:s9] =	stream.linear.scatter [tilespmem:s13], [sflag:$0x8], $0x1000, $0x38;
	[tilespmem:$0x1ED80] =	vst v63  }
0x79: {  	_ =	swait.ge [sflag:s14], $0x1000  }
0x7a: {  	[sflag:s14] =	ssyncset.done $0x0  }
0x7b: {  	s2 =	rddreg [dreg:$0x8];
	[sflag:s14] =	ssyncadd.s32 $0xFFFFF000  }
0x7c: {  	[spmem:s2] =	stream.linear.scatter [tilespmem:s13], [sflag:$0x8], $0x1000, $0x38;
	[tilespmem:$0x1ED80] =	vst v63  }
0x7d: {  	_ =	swait.ge [sflag:s14], $0x1000  }
0x7e: {  	[sflag:s14] =	ssyncset.done $0x0  }
0x7f: {  	s31 =	rddreg [dreg:$0x9];
	[sflag:s14] =	ssyncadd.s32 $0xFFFFF000  }
0x80: {  	[spmem:s31] =	stream.linear.scatter [tilespmem:s13], [sflag:$0x8], $0x1000, $0x38;
	[tilespmem:$0x1ED80] =	vst v63  }
0x81: {  	_ =	swait.ge [sflag:s14], $0x1000  }
0x82: {  	[sflag:s14] =	ssyncset.done $0x0  }
0x83: {  	s6 =	rddreg [dreg:$0xa];
	[sflag:s14] =	ssyncadd.s32 $0xFFFFF000  }
0x84: {  	[spmem:s6] =	stream.linear.scatter [tilespmem:s13], [sflag:$0x8], $0x1000, $0x38;
	[tilespmem:$0x1ED80] =	vst v63  }
0x85: {  	_ =	swait.ge [sflag:s14], $0x1000  }
0x86: {  	[sflag:s14] =	ssyncset.done $0x0  }
0x87: {  	s10 =	rddreg [dreg:$0xb];
	[sflag:s14] =	ssyncadd.s32 $0xFFFFF000  }
0x88: {  	[spmem:s10] =	stream.linear.scatter [tilespmem:s13], [sflag:$0x8], $0x1000, $0x38;
	[tilespmem:$0x1ED80] =	vst v63  }
0x89: {  	_ =	swait.ge [sflag:s14], $0x1000  }
0x8a: {  	[sflag:s14] =	ssyncset.done $0x0  }
0x8b: {  	s11 =	rddreg [dreg:$0xc];
	[sflag:s14] =	ssyncadd.s32 $0xFFFFF000  }
0x8c: {  	[spmem:s11] =	stream.linear.scatter [tilespmem:s13], [sflag:$0x8], $0x1000, $0x38;
	[tilespmem:$0x1ED80] =	vst v63  }
0x8d: {  	_ =	swait.ge [sflag:s14], $0x1000  }
0x8e: {  	[sflag:s14] =	ssyncset.done $0x0  }
0x8f: {  	s31 =	rddreg [dreg:$0xd];
	[sflag:s14] =	ssyncadd.s32 $0xFFFFF000  }
0x90: {  	[spmem:s31] =	stream.linear.scatter [tilespmem:s13], [sflag:$0x8], $0x1000, $0x38;
	[tilespmem:$0x1ED80] =	vst v63  }
0x91: {  	_ =	swait.ge [sflag:s14], $0x1000  }
0x92: {  	[sflag:s14] =	ssyncset.done $0x0  }
0x93: {  	s6 =	rddreg [dreg:$0xe];
	[sflag:s14] =	ssyncadd.s32 $0xFFFFF000  }
0x94: {  	[spmem:s6] =	stream.linear.scatter [tilespmem:s13], [sflag:$0x8], $0x1000, $0x38;
	[tilespmem:$0x1ED80] =	vst v63  }
0x95: {  	_ =	swait.ge [sflag:s14], $0x1000  }
0x96: {  	[sflag:s14] =	ssyncset.done $0x0  }
0x97: {  	s10 =	rddreg [dreg:$0xf];
	[sflag:s14] =	ssyncadd.s32 $0xFFFFF000  }
0x98: {  	[spmem:s10] =	stream.linear.scatter [tilespmem:s13], [sflag:$0x8], $0x1000, $0x38;
	[tilespmem:$0x1ED80] =	vst v63  }
0x99: {  	_ =	swait.ge [sflag:s14], $0x1000  }
0x9a: {  	[sflag:s14] =	ssyncset.done $0x0  }
0x9b: {  	s11 =	rddreg [dreg:$0x10];
	[sflag:s14] =	ssyncadd.s32 $0xFFFFF000  }
0x9c: {  	[spmem:s11] =	stream.linear.scatter [tilespmem:s13], [sflag:$0x8], $0x1000, $0x38;
	[tilespmem:$0x1ED80] =	vst v63  }
0x9d: {  	_ =	swait.ge [sflag:s14], $0x1000  }
0x9e: {  	[sflag:s14] =	ssyncset.done $0x0  }
0x9f: {  	s31 =	rddreg [dreg:$0x16];
	[sflag:s14] =	ssyncadd.s32 $0xFFFFF000  }
0xa0: {  	[spmem:s31] =	stream.linear.scatter [tilespmem:s13], [sflag:$0x8], $0x1000, $0x38;
	[tilespmem:$0x1ED80] =	vst v63  }
0xa1: {  	_ =	swait.ge [sflag:s14], $0x1000  }
0xa2: {  	[sflag:s14] =	ssyncset.done $0x0  }
0xa3: {  	s6 =	rddreg [dreg:$0x17];
	[sflag:s14] =	ssyncadd.s32 $0xFFFFF000  }
0xa4: {  	[spmem:s6] =	stream.linear.scatter [tilespmem:s13], [sflag:$0x8], $0x1000, $0x38;
	[tilespmem:$0x1ED80] =	vst v63  }
0xa5: {  	_ =	swait.ge [sflag:s14], $0x1000  }
0xa6: {  	[sflag:s14] =	ssyncset.done $0x0  }
0xa7: {  	s10 =	rddreg [dreg:$0x18];
	[sflag:s14] =	ssyncadd.s32 $0xFFFFF000  }
0xa8: {  	[spmem:s10] =	stream.linear.scatter [tilespmem:s13], [sflag:$0x8], $0x1000, $0x38;
	[tilespmem:$0x1ED80] =	vst v63  }
0xa9: {  	_ =	swait.ge [sflag:s14], $0x1000  }
0xaa: {  	[sflag:s14] =	ssyncset.done $0x0  }
0xab: {  	s11 =	rddreg [dreg:$0x19];
	[sflag:s14] =	ssyncadd.s32 $0xFFFFF000  }
0xac: {  	[spmem:s11] =	stream.linear.scatter [tilespmem:s13], [sflag:$0x8], $0x1000, $0x38;
	[tilespmem:$0x1ED80] =	vst v63  }
0xad: {  	_ =	swait.ge [sflag:s14], $0x1000  }
0xae: {  	[sflag:s14] =	ssyncset.done $0x0  }
0xaf: {  	s31 =	rddreg [dreg:$0x1a];
	[sflag:s14] =	ssyncadd.s32 $0xFFFFF000  }
0xb0: {  	[spmem:s31] =	stream.linear.scatter [tilespmem:s13], [sflag:$0x8], $0x1000, $0x38;
	[tilespmem:$0x1ED80] =	vst v63  }
0xb1: {  	_ =	swait.ge [sflag:s14], $0x1000  }
0xb2: {  	[sflag:s14] =	ssyncset.done $0x0  }
0xb3: {  	s6 =	rddreg [dreg:$0x1b];
	[sflag:s14] =	ssyncadd.s32 $0xFFFFF000  }
0xb4: {  	[spmem:s6] =	stream.linear.scatter [tilespmem:s13], [sflag:$0x8], $0x1000, $0x38;
	[tilespmem:$0x1ED80] =	vst v63  }
0xb5: {  	_ =	swait.ge [sflag:s14], $0x1000  }
0xb6: {  	[sflag:s14] =	ssyncset.done $0x0  }
0xb7: {  	s10 =	rddreg [dreg:$0x1c];
	[sflag:s14] =	ssyncadd.s32 $0xFFFFF000  }
0xb8: {  	[spmem:s10] =	stream.linear.scatter [tilespmem:s13], [sflag:$0x8], $0x1000, $0x38;
	[tilespmem:$0x1ED80] =	vst v63  }
0xb9: {  	_ =	swait.ge [sflag:s14], $0x1000  }
0xba: {  	[sflag:s14] =	ssyncset.done $0x0  }
0xbb: {  	s11 =	rddreg [dreg:$0x1d];
	[sflag:s14] =	ssyncadd.s32 $0xFFFFF000  }
0xbc: {  	[spmem:s11] =	stream.linear.scatter [tilespmem:s13], [sflag:$0x8], $0x1000, $0x38;
	[tilespmem:$0x1ED80] =	vst v63  }
0xbd: {  	_ =	swait.ge [sflag:s14], $0x1000  }
0xbe: {  	[sflag:s14] =	ssyncset.done $0x0  }
0xbf: {  	s31 =	rddreg [dreg:$0x1e];
	[sflag:s14] =	ssyncadd.s32 $0xFFFFF000  }
0xc0: {  	[spmem:s31] =	stream.linear.scatter [tilespmem:s13], [sflag:$0x8], $0x1000, $0x38;
	[tilespmem:$0x1ED80] =	vst v63  }
0xc1: {  	_ =	swait.ge [sflag:s14], $0x1000  }
0xc2: {  	[sflag:s14] =	ssyncset.done $0x0  }
0xc3: {  	[sflag:s14] =	ssyncadd.s32 $0xFFFFF000  }
0xc4: {  	[spmem:s12] =	stream.linear.scatter [tilespmem:s13], [sflag:$0x8], $0x1000, $0x38;
	[tilespmem:$0x1ED80] =	vst v63  }
0xc5: {  	_ =	swait.ge [sflag:s14], $0x1000  }
0xc6: {  	[sflag:s14] =	ssyncset.done $0x0  }
0xc7: {  	s6 =	simm.s32 $0x1EA80;
	[sflag:s14] =	ssyncadd.s32 $0xFFFFF000  }
0xc8: {  	[spmem:s20] =	stream.linear.scatter [tilespmem:s6], [sflag:$0x8], $0x280, $0x38;
	[tilespmem:$0x1ED80] =	vst v63  }
0xc9: {  	_ =	swait.ge [sflag:s14], $0x280  }
0xca: {  	[sflag:s14] =	ssyncset.done $0x0  }
0xcb: {  	[sflag:s14] =	ssyncadd.s32 $0xFFFFFD80  }
0xcc: {  	[bflag:$0x0] =	sbarrier.arrive $0xFFFF  }
0xcd: {  	s6 =	simm.s32 $0x14280;
	s10 =	rddreg [dreg:$0x12]  }
0xce: {  	[tilespmem:s6], [sflag:$0x8] =	stream.linear.gather [hbm4b:s10+s7], $0x400, $0x38;
	[tilespmem:$0x1ED80] =	vst v63  }
0xcf: {  	_ =	swait.ge [sflag:s14], $0x400  }
0xd0: {  	[sflag:s14] =	ssyncset.done $0x0  }
0xd1: {  	s31 =	simm.s32 $0x14A80;
	s11 =	rddreg [dreg:$0x13];
	[sflag:s14] =	ssyncadd.s32 $0xFFFFFC00  }
0xd2: {  	[tilespmem:s31], [sflag:$0x8] =	stream.linear.gather [hbm4b:s11+s7], $0x400, $0x38;
	[tilespmem:$0x1ED80] =	vst v63  }
0xd3: {  	_ =	swait.ge [sflag:s14], $0x400  }
0xd4: {  	s30 =	simm.s32 @!p0 $0x15280;
	[sflag:s14] =	ssyncset.done $0x0  }
0xd5: {  	s2 =	simm.s32 @!p0 $0x80;
	s6 =	simm.s32 @!p0 $0x14280;
	[sflag:s14] =	ssyncadd.s32 $0xFFFFFC00  }
0xd6: {  	[tilespmem:s30], [sflag:$0x4] =	stream.indirect.gather @!p0 [hbm4b:s3+s2], $0x1, s6, s2, $0xb8;
	[tilespmem:$0x1ED80] =	vst v63  }
0xd7: {  	s6 =	simm.s32 @!p0 $0x14300;
	s30 =	simm.s32 @!p0 $0x15300  }
0xd8: {  	[tilespmem:s30], [sflag:$0x4] =	stream.indirect.gather @!p0 [hbm4b:s3+s2], $0x1, s6, s2, $0xb8;
	[tilespmem:$0x1ED80] =	vst v63  }
0xd9: {  	s6 =	simm.s32 @!p0 $0x14380;
	s30 =	simm.s32 @!p0 $0x15380  }
0xda: {  	[tilespmem:s30], [sflag:$0x4] =	stream.indirect.gather @!p0 [hbm4b:s3+s2], $0x1, s6, s2, $0xb8;
	[tilespmem:$0x1ED80] =	vst v63  }
0xdb: {  	s6 =	simm.s32 @!p0 $0x14400;
	s30 =	simm.s32 @!p0 $0x15400  }
0xdc: {  	[tilespmem:s30], [sflag:$0x4] =	stream.indirect.gather @!p0 [hbm4b:s3+s2], $0x1, s6, s2, $0xb8;
	[tilespmem:$0x1ED80] =	vst v63  }
0xdd: {  	s6 =	simm.s32 @!p0 $0x14480;
	s30 =	simm.s32 @!p0 $0x15480  }
0xde: {  	[tilespmem:s30], [sflag:$0x4] =	stream.indirect.gather @!p0 [hbm4b:s3+s2], $0x1, s6, s2, $0xb8;
	[tilespmem:$0x1ED80] =	vst v63  }
0xdf: {  	s6 =	simm.s32 @!p0 $0x14500;
	s30 =	simm.s32 @!p0 $0x15500  }
0xe0: {  	[tilespmem:s30], [sflag:$0x4] =	stream.indirect.gather @!p0 [hbm4b:s3+s2], $0x1, s6, s2, $0xb8;
	[tilespmem:$0x1ED80] =	vst v63  }
0xe1: {  	s6 =	simm.s32 @!p0 $0x14580;
	s30 =	simm.s32 @!p0 $0x15580  }
0xe2: {  	[tilespmem:s30], [sflag:$0x4] =	stream.indirect.gather @!p0 [hbm4b:s3+s2], $0x1, s6, s2, $0xb8;
	[tilespmem:$0x1ED80] =	vst v63  }
0xe3: {  	s6 =	simm.s32 @!p0 $0x14600;
	s30 =	simm.s32 @!p0 $0x15600  }
0xe4: {  	[tilespmem:s30], [sflag:$0x4] =	stream.indirect.gather @!p0 [hbm4b:s3+s2], $0x1, s6, s2, $0xb8;
	[tilespmem:$0x1ED80] =	vst v63  }
0xe5: {  	s2 =	simm.s32 @!p0 $0x4  }
0xe6: {  	_ =	swait.ge @!p0 [sflag:s2], $0x80  }
0xe7: {  	[sflag:s2] =	ssyncset.done @!p0 $0x0  }
0xe8: {  	[sflag:s2] =	ssyncadd.s32 @!p0 $0xFFFFFF80  }
0xe9: {  	_ =	swait.ge @!p0 [sflag:s2], $0x80  }
0xea: {  	[sflag:s2] =	ssyncset.done @!p0 $0x0  }
0xeb: {  	[sflag:s2] =	ssyncadd.s32 @!p0 $0xFFFFFF80  }
0xec: {  	_ =	swait.ge @!p0 [sflag:s2], $0x80  }
0xed: {  	[sflag:s2] =	ssyncset.done @!p0 $0x0  }
0xee: {  	[sflag:s2] =	ssyncadd.s32 @!p0 $0xFFFFFF80  }
0xef: {  	_ =	swait.ge @!p0 [sflag:s2], $0x80  }
0xf0: {  	[sflag:s2] =	ssyncset.done @!p0 $0x0  }
0xf1: {  	[sflag:s2] =	ssyncadd.s32 @!p0 $0xFFFFFF80  }
0xf2: {  	_ =	swait.ge @!p0 [sflag:s2], $0x80  }
0xf3: {  	[sflag:s2] =	ssyncset.done @!p0 $0x0  }
0xf4: {  	[sflag:s2] =	ssyncadd.s32 @!p0 $0xFFFFFF80  }
0xf5: {  	_ =	swait.ge @!p0 [sflag:s2], $0x80  }
0xf6: {  	[sflag:s2] =	ssyncset.done @!p0 $0x0  }
0xf7: {  	[sflag:s2] =	ssyncadd.s32 @!p0 $0xFFFFFF80  }
0xf8: {  	_ =	swait.ge @!p0 [sflag:s2], $0x80  }
.Ltmp3:
0xf9: {  	[sflag:s2] =	ssyncset.done @!p0 $0x0;
	(pc) =	sbr.rel .LBB2_4-.Ltmp3, $4  }
0xfa: {  	[sflag:s2] =	ssyncadd.s32 @!p0 $0xFFFFFF80  }
0xfb: {  	_ =	swait.ge @!p0 [sflag:s2], $0x80  }
0xfc: {  	[sflag:s2] =	ssyncset.done @!p0 $0x0  }
0xfd: {  	s30 =	simm.s32 $0x400;
	[sflag:s2] =	ssyncadd.s32 @!p0 $0xFFFFFF80  }
.LBB2_6:
0xfe: {  	s10 =	sadd.s32 $0x15280, s31  }
0xff: {  	[tilespmem:s16], [sflag:$0x1] =	stream.indirect.gather [hbm4b:s0+s15], $0x80, s10, s15, $0xb8;
	[tilespmem:$0x1ED80] =	vst v63  }
0x100: {  	s11 =	sadd.s32 $0x15300, s31  }
0x101: {  	[tilespmem:s18], [sflag:$0x2] =	stream.indirect.gather [hbm4b:s0+s15], $0x80, s11, s15, $0xb8;
	[tilespmem:$0x1ED80] =	vst v63  }
0x102: {  	_ =	swait.ge [sflag:s25], $0x400  }
0x103: {  	[sflag:s25] =	ssyncset.done $0x0  }
0x104: {  	s2 =	sadd.s32 $0x15280, s2;
	[sflag:s25] =	ssyncadd.s32 $0xFFFFFC00  }
0x105: {  	[tilespmem:s2], [sflag:$0x4] =	stream.indirect.gather [hbm4b:s3+s15], $0x1, s6, s15, $0xb8;
	[tilespmem:$0x1ED80] =	vst v63  }
0x106: {  	s10 =	ssub.s32 $0x15700, s31;
	s11 =	ssub.s32 $0x14700, s31  }
0x107: {  	[tilespmem:s10], [sflag:$0x4] =	stream.indirect.gather [hbm4b:s3+s15], $0x1, s11, s15, $0xb8;
	[tilespmem:$0x1ED80] =	vst v63  }
0x108: {  	s10 =	ssub.s32 $0x15780, s31;
	s11 =	ssub.s32 $0x14780, s31  }
0x109: {  	[tilespmem:s10], [sflag:$0x4] =	stream.indirect.gather [hbm4b:s3+s15], $0x1, s11, s15, $0xb8;
	[tilespmem:$0x1ED80] =	vst v63  }
0x10a: {  	s10 =	ssub.s32 $0x15800, s31;
	s11 =	ssub.s32 $0x14800, s31  }
0x10b: {  	[tilespmem:s10], [sflag:$0x4] =	stream.indirect.gather [hbm4b:s3+s15], $0x1, s11, s15, $0xb8;
	[tilespmem:$0x1ED80] =	vst v63  }
0x10c: {  	s10 =	ssub.s32 $0x15880, s31;
	s11 =	ssub.s32 $0x14880, s31  }
0x10d: {  	[tilespmem:s10], [sflag:$0x4] =	stream.indirect.gather [hbm4b:s3+s15], $0x1, s11, s15, $0xb8;
	[tilespmem:$0x1ED80] =	vst v63  }
0x10e: {  	s10 =	ssub.s32 $0x15900, s31;
	s11 =	ssub.s32 $0x14900, s31  }
0x10f: {  	[tilespmem:s10], [sflag:$0x4] =	stream.indirect.gather [hbm4b:s3+s15], $0x1, s11, s15, $0xb8;
	[tilespmem:$0x1ED80] =	vst v63  }
0x110: {  	s10 =	ssub.s32 $0x15980, s31;
	s11 =	ssub.s32 $0x14980, s31  }
0x111: {  	[tilespmem:s10], [sflag:$0x4] =	stream.indirect.gather [hbm4b:s3+s15], $0x1, s11, s15, $0xb8;
	[tilespmem:$0x1ED80] =	vst v63  }
0x112: {  	s6 =	ssub.s32 $0x15A00, s31;
	s10 =	ssub.s32 $0x14A00, s31  }
0x113: {  	[tilespmem:s6], [sflag:$0x4] =	stream.indirect.gather [hbm4b:s3+s15], $0x1, s10, s15, $0xb8;
	[tilespmem:$0x1ED80] =	vst v63  }
0x114: {  	_ =	swait.ge [sflag:s19], $0x4000  }
0x115: {  	[sflag:s19] =	ssyncset.done $0x0  }
0x116: {  	s11 =	sadd.s32 $0x14A80, s31;
	[sflag:s19] =	ssyncadd.s32 $0xFFFFC000  }
0x117: {  	[spmem:s4] =	stream.indirect.scatter.add.f32 [tilespmem:s16], [sflag:$0x3], $0x80, s11, s15, $0xb8;
	[tilespmem:$0x1ED80] =	vst v63  }
0x118: {  	_ =	swait.ge [sflag:s22], $0x4000  }
0x119: {  	[sflag:s22] =	ssyncset.done $0x0  }
0x11a: {  	s6 =	sadd.s32 $0x15380, s31;
	[sflag:s22] =	ssyncadd.s32 $0xFFFFC000  }
0x11b: {  	[tilespmem:s16], [sflag:$0x1] =	stream.indirect.gather [hbm4b:s0+s15], $0x80, s6, s15, $0xb8;
	[tilespmem:$0x1ED80] =	vst v63  }
0x11c: {  	_ =	swait.ge [sflag:s23], $0x4000  }
0x11d: {  	[sflag:s23] =	ssyncset.done $0x0  }
0x11e: {  	s10 =	sadd.s32 $0x14B00, s31;
	[sflag:s23] =	ssyncadd.s32 $0xFFFFC000  }
0x11f: {  	[spmem:s4] =	stream.indirect.scatter.add.f32 [tilespmem:s18], [sflag:$0x3], $0x80, s10, s15, $0xb8;
	[tilespmem:$0x1ED80] =	vst v63  }
0x120: {  	_ =	swait.ge [sflag:s22], $0x4000  }
0x121: {  	[sflag:s22] =	ssyncset.done $0x0  }
0x122: {  	s11 =	sadd.s32 $0x15400, s31;
	[sflag:s22] =	ssyncadd.s32 $0xFFFFC000  }
0x123: {  	[tilespmem:s18], [sflag:$0x2] =	stream.indirect.gather [hbm4b:s0+s15], $0x80, s11, s15, $0xb8;
	[tilespmem:$0x1ED80] =	vst v63  }
0x124: {  	_ =	swait.ge [sflag:s19], $0x4000  }
0x125: {  	[sflag:s19] =	ssyncset.done $0x0  }
0x126: {  	s6 =	sadd.s32 $0x14B80, s31;
	[sflag:s19] =	ssyncadd.s32 $0xFFFFC000  }
0x127: {  	[spmem:s4] =	stream.indirect.scatter.add.f32 [tilespmem:s16], [sflag:$0x3], $0x80, s6, s15, $0xb8;
	[tilespmem:$0x1ED80] =	vst v63  }
0x128: {  	_ =	swait.ge [sflag:s22], $0x4000  }
0x129: {  	[sflag:s22] =	ssyncset.done $0x0  }
0x12a: {  	s10 =	sadd.s32 $0x15480, s31;
	[sflag:s22] =	ssyncadd.s32 $0xFFFFC000  }
0x12b: {  	[tilespmem:s16], [sflag:$0x1] =	stream.indirect.gather [hbm4b:s0+s15], $0x80, s10, s15, $0xb8;
	[tilespmem:$0x1ED80] =	vst v63  }
0x12c: {  	_ =	swait.ge [sflag:s23], $0x4000  }
0x12d: {  	[sflag:s23] =	ssyncset.done $0x0  }
0x12e: {  	s11 =	sadd.s32 $0x14C00, s31;
	[sflag:s23] =	ssyncadd.s32 $0xFFFFC000  }
0x12f: {  	[spmem:s4] =	stream.indirect.scatter.add.f32 [tilespmem:s18], [sflag:$0x3], $0x80, s11, s15, $0xb8;
	[tilespmem:$0x1ED80] =	vst v63  }
0x130: {  	_ =	swait.ge [sflag:s22], $0x4000  }
0x131: {  	[sflag:s22] =	ssyncset.done $0x0  }
0x132: {  	s6 =	sadd.s32 $0x15500, s31;
	[sflag:s22] =	ssyncadd.s32 $0xFFFFC000  }
0x133: {  	[tilespmem:s18], [sflag:$0x2] =	stream.indirect.gather [hbm4b:s0+s15], $0x80, s6, s15, $0xb8;
	[tilespmem:$0x1ED80] =	vst v63  }
0x134: {  	_ =	swait.ge [sflag:s19], $0x4000  }
0x135: {  	[sflag:s19] =	ssyncset.done $0x0  }
0x136: {  	s10 =	sadd.s32 $0x14C80, s31;
	[sflag:s19] =	ssyncadd.s32 $0xFFFFC000  }
0x137: {  	[spmem:s4] =	stream.indirect.scatter.add.f32 [tilespmem:s16], [sflag:$0x3], $0x80, s10, s15, $0xb8;
	[tilespmem:$0x1ED80] =	vst v63  }
0x138: {  	_ =	swait.ge [sflag:s22], $0x4000  }
0x139: {  	[sflag:s22] =	ssyncset.done $0x0  }
0x13a: {  	s11 =	sadd.s32 $0x15580, s31;
	[sflag:s22] =	ssyncadd.s32 $0xFFFFC000  }
0x13b: {  	[tilespmem:s16], [sflag:$0x1] =	stream.indirect.gather [hbm4b:s0+s15], $0x80, s11, s15, $0xb8;
	[tilespmem:$0x1ED80] =	vst v63  }
0x13c: {  	_ =	swait.ge [sflag:s23], $0x4000  }
0x13d: {  	[sflag:s23] =	ssyncset.done $0x0  }
0x13e: {  	s6 =	sadd.s32 $0x14D00, s31;
	[sflag:s23] =	ssyncadd.s32 $0xFFFFC000  }
0x13f: {  	[spmem:s4] =	stream.indirect.scatter.add.f32 [tilespmem:s18], [sflag:$0x3], $0x80, s6, s15, $0xb8;
	[tilespmem:$0x1ED80] =	vst v63  }
0x140: {  	_ =	swait.ge [sflag:s22], $0x4000  }
0x141: {  	[sflag:s22] =	ssyncset.done $0x0  }
0x142: {  	s10 =	sadd.s32 $0x15600, s31;
	[sflag:s22] =	ssyncadd.s32 $0xFFFFC000  }
0x143: {  	[tilespmem:s18], [sflag:$0x2] =	stream.indirect.gather [hbm4b:s0+s15], $0x80, s10, s15, $0xb8;
	[tilespmem:$0x1ED80] =	vst v63  }
0x144: {  	_ =	swait.ge [sflag:s19], $0x4000  }
0x145: {  	[sflag:s19] =	ssyncset.done $0x0  }
0x146: {  	s11 =	sadd.s32 $0x14D80, s31;
	[sflag:s19] =	ssyncadd.s32 $0xFFFFC000  }
0x147: {  	[spmem:s4] =	stream.indirect.scatter.add.f32 [tilespmem:s16], [sflag:$0x3], $0x80, s11, s15, $0xb8;
	[tilespmem:$0x1ED80] =	vst v63  }
0x148: {  	_ =	swait.ge [sflag:s23], $0x4000  }
0x149: {  	[sflag:s23] =	ssyncset.done $0x0  }
0x14a: {  	[sflag:s23] =	ssyncadd.s32 $0xFFFFC000  }
0x14b: {  	_ =	swait.ge [sflag:s22], $0x4000  }
0x14c: {  	[sflag:s22] =	ssyncset.done $0x0  }
0x14d: {  	s31 =	sadd.s32 $0x14E00, s31;
	[sflag:s22] =	ssyncadd.s32 $0xFFFFC000  }
0x14e: {  	[spmem:s4] =	stream.indirect.scatter.add.f32 [tilespmem:s18], [sflag:$0x3], $0x80, s31, s15, $0xb8;
	[tilespmem:$0x1ED80] =	vst v63  }
0x14f: {  	_ =	swait.ge [sflag:s22], $0x4000  }
0x150: {  	[sflag:s22] =	ssyncset.done $0x0  }
0x151: {  	[sflag:s22] =	ssyncadd.s32 $0xFFFFC000  }
0x152: {  	_ =	swait.ge [sflag:s28], $0x80  }
0x153: {  	[sflag:s28] =	ssyncset.done $0x0  }
0x154: {  	[sflag:s28] =	ssyncadd.s32 $0xFFFFFF80  }
0x155: {  	_ =	swait.ge [sflag:s28], $0x80  }
0x156: {  	[sflag:s28] =	ssyncset.done $0x0  }
0x157: {  	[sflag:s28] =	ssyncadd.s32 $0xFFFFFF80  }
0x158: {  	_ =	swait.ge [sflag:s28], $0x80  }
0x159: {  	[sflag:s28] =	ssyncset.done $0x0  }
0x15a: {  	[sflag:s28] =	ssyncadd.s32 $0xFFFFFF80  }
0x15b: {  	_ =	swait.ge [sflag:s28], $0x80  }
0x15c: {  	[sflag:s28] =	ssyncset.done $0x0  }
0x15d: {  	[sflag:s28] =	ssyncadd.s32 $0xFFFFFF80  }
0x15e: {  	_ =	swait.ge [sflag:s28], $0x80  }
0x15f: {  	[sflag:s28] =	ssyncset.done $0x0  }
0x160: {  	[sflag:s28] =	ssyncadd.s32 $0xFFFFFF80  }
0x161: {  	_ =	swait.ge [sflag:s28], $0x80  }
0x162: {  	[sflag:s28] =	ssyncset.done $0x0  }
0x163: {  	[sflag:s28] =	ssyncadd.s32 $0xFFFFFF80  }
0x164: {  	_ =	swait.ge [sflag:s28], $0x80  }
0x165: {  	[sflag:s28] =	ssyncset.done $0x0  }
0x166: {  	[sflag:s28] =	ssyncadd.s32 $0xFFFFFF80  }
0x167: {  	_ =	swait.ge [sflag:s28], $0x80  }
0x168: {  	[sflag:s28] =	ssyncset.done $0x0  }
0x169: {  	[sflag:s28] =	ssyncadd.s32 $0xFFFFFF80  }
.LBB2_7:
0x16a: {  	s30 =	sadd.s32 $0x400, s30  }
0x16b: {  	p2 =	sne.s32 s30, $0x5400  }
.Ltmp4:
0x16c: {  	_ = 	snop;
	(pc) =	sbr.rel @!p2 .LBB2_8-.Ltmp4, $4  }
0x16d: {  	_ = 	snop  }
0x16e: {  	_ =	swait.ge [sflag:s26], $0x400  }
0x16f: {  	[sflag:s26] =	ssyncset.done $0x0  }
0x170: {  	[sflag:s26] =	ssyncadd.s32 $0xFFFFFC00  }
.LBB2_4:
0x171: {  	p2 =	seq.s32 s30, $0x5000;
	s2 =	smov.u32 s30  }
0x172: {  	s6 =	sadd.s32 $0xFFFFFC00, s30;
	s2 =	simm.s32 @p2 $0x0  }
0x173: {  	s31 =	sand.u32 $0x400, s6;
	s11 =	sadd.s32 s17, s2  }
.Ltmp5:
0x174: {  	s2 =	sxor.u32 $0x400, s31;
	s10 =	sshrl.u32 s11, $0x3;
	(pc) =	sbr.rel @p1 .LBB2_6-.Ltmp5, $4  }
0x175: {  	s6 =	sor.u32 $0x14280, s2;
	s11 =	sadd.s32 s1, s10  }
0x176: {  	[tilespmem:s6], [sflag:$0x6] =	stream.linear.gather [hbm4b:s11+s7], $0x400, $0x38;
	[tilespmem:$0x1ED80] =	vst v63  }
0x177: {  	s10 =	sadd.s32 s8, s10;
	s11 =	sor.u32 $0x14A80, s2  }
0x178: {  	[tilespmem:s11], [sflag:$0x7] =	stream.linear.gather [hbm4b:s10+s7], $0x400, $0x38;
	[tilespmem:$0x1ED80] =	vst v63  }
0x179: {  	s2 =	sadd.s32 $0x14280, s31  }
0x17a: {  	[tilespmem:s16], [sflag:$0x1] =	stream.indirect.gather [hbm4b:s0+s15], $0x80, s2, s15, $0xb8;
	[tilespmem:$0x1ED80] =	vst v63  }
0x17b: {  	s10 =	sadd.s32 $0x14300, s31  }
0x17c: {  	[tilespmem:s18], [sflag:$0x2] =	stream.indirect.gather [hbm4b:s0+s15], $0x80, s10, s15, $0xb8;
	[tilespmem:$0x1ED80] =	vst v63  }
0x17d: {  	_ =	swait.ge [sflag:s19], $0x4000  }
0x17e: {  	[sflag:s19] =	ssyncset.done $0x0  }
0x17f: {  	s11 =	sadd.s32 $0x14A80, s31;
	[sflag:s19] =	ssyncadd.s32 $0xFFFFC000  }
0x180: {  	[spmem:s4] =	stream.indirect.scatter.add.f32 [tilespmem:s16], [sflag:$0x3], $0x80, s11, s15, $0xb8;
	[tilespmem:$0x1ED80] =	vst v63  }
0x181: {  	_ = 	snop  }
0x182: {  	[spmem:s5] =	stream.indirect.scatter.add.f32 [tilespmem:s21], [sflag:$0x5], $0x1, s11, s15, $0xb8;
	[tilespmem:$0x1ED80] =	vst v63  }
0x183: {  	_ =	swait.ge [sflag:s22], $0x4000  }
0x184: {  	[sflag:s22] =	ssyncset.done $0x0  }
0x185: {  	s6 =	sadd.s32 $0x14380, s31;
	[sflag:s22] =	ssyncadd.s32 $0xFFFFC000  }
0x186: {  	[tilespmem:s16], [sflag:$0x1] =	stream.indirect.gather [hbm4b:s0+s15], $0x80, s6, s15, $0xb8;
	[tilespmem:$0x1ED80] =	vst v63  }
0x187: {  	_ =	swait.ge [sflag:s23], $0x4000  }
0x188: {  	[sflag:s23] =	ssyncset.done $0x0  }
0x189: {  	s10 =	sadd.s32 $0x14B00, s31;
	[sflag:s23] =	ssyncadd.s32 $0xFFFFC000  }
0x18a: {  	[spmem:s4] =	stream.indirect.scatter.add.f32 [tilespmem:s18], [sflag:$0x3], $0x80, s10, s15, $0xb8;
	[tilespmem:$0x1ED80] =	vst v63  }
0x18b: {  	_ =	swait.ge [sflag:s24], $0x80  }
0x18c: {  	[sflag:s24] =	ssyncset.done $0x0  }
0x18d: {  	[sflag:s24] =	ssyncadd.s32 $0xFFFFFF80  }
0x18e: {  	[spmem:s5] =	stream.indirect.scatter.add.f32 [tilespmem:s21], [sflag:$0x5], $0x1, s10, s15, $0xb8;
	[tilespmem:$0x1ED80] =	vst v63  }
0x18f: {  	_ =	swait.ge [sflag:s22], $0x4000  }
0x190: {  	[sflag:s22] =	ssyncset.done $0x0  }
0x191: {  	s11 =	sadd.s32 $0x14400, s31;
	[sflag:s22] =	ssyncadd.s32 $0xFFFFC000  }
0x192: {  	[tilespmem:s18], [sflag:$0x2] =	stream.indirect.gather [hbm4b:s0+s15], $0x80, s11, s15, $0xb8;
	[tilespmem:$0x1ED80] =	vst v63  }
0x193: {  	_ =	swait.ge [sflag:s19], $0x4000  }
0x194: {  	[sflag:s19] =	ssyncset.done $0x0  }
0x195: {  	s6 =	sadd.s32 $0x14B80, s31;
	[sflag:s19] =	ssyncadd.s32 $0xFFFFC000  }
0x196: {  	[spmem:s4] =	stream.indirect.scatter.add.f32 [tilespmem:s16], [sflag:$0x3], $0x80, s6, s15, $0xb8;
	[tilespmem:$0x1ED80] =	vst v63  }
0x197: {  	_ =	swait.ge [sflag:s24], $0x80  }
0x198: {  	[sflag:s24] =	ssyncset.done $0x0  }
0x199: {  	[sflag:s24] =	ssyncadd.s32 $0xFFFFFF80  }
0x19a: {  	[spmem:s5] =	stream.indirect.scatter.add.f32 [tilespmem:s21], [sflag:$0x5], $0x1, s6, s15, $0xb8;
	[tilespmem:$0x1ED80] =	vst v63  }
0x19b: {  	_ =	swait.ge [sflag:s22], $0x4000  }
0x19c: {  	[sflag:s22] =	ssyncset.done $0x0  }
0x19d: {  	s10 =	sadd.s32 $0x14480, s31;
	[sflag:s22] =	ssyncadd.s32 $0xFFFFC000  }
0x19e: {  	[tilespmem:s16], [sflag:$0x1] =	stream.indirect.gather [hbm4b:s0+s15], $0x80, s10, s15, $0xb8;
	[tilespmem:$0x1ED80] =	vst v63  }
0x19f: {  	_ =	swait.ge [sflag:s23], $0x4000  }
0x1a0: {  	[sflag:s23] =	ssyncset.done $0x0  }
0x1a1: {  	s11 =	sadd.s32 $0x14C00, s31;
	[sflag:s23] =	ssyncadd.s32 $0xFFFFC000  }
0x1a2: {  	[spmem:s4] =	stream.indirect.scatter.add.f32 [tilespmem:s18], [sflag:$0x3], $0x80, s11, s15, $0xb8;
	[tilespmem:$0x1ED80] =	vst v63  }
0x1a3: {  	_ =	swait.ge [sflag:s24], $0x80  }
0x1a4: {  	[sflag:s24] =	ssyncset.done $0x0  }
0x1a5: {  	[sflag:s24] =	ssyncadd.s32 $0xFFFFFF80  }
0x1a6: {  	[spmem:s5] =	stream.indirect.scatter.add.f32 [tilespmem:s21], [sflag:$0x5], $0x1, s11, s15, $0xb8;
	[tilespmem:$0x1ED80] =	vst v63  }
0x1a7: {  	_ =	swait.ge [sflag:s22], $0x4000  }
0x1a8: {  	[sflag:s22] =	ssyncset.done $0x0  }
0x1a9: {  	s6 =	sadd.s32 $0x14500, s31;
	[sflag:s22] =	ssyncadd.s32 $0xFFFFC000  }
0x1aa: {  	[tilespmem:s18], [sflag:$0x2] =	stream.indirect.gather [hbm4b:s0+s15], $0x80, s6, s15, $0xb8;
	[tilespmem:$0x1ED80] =	vst v63  }
0x1ab: {  	_ =	swait.ge [sflag:s19], $0x4000  }
0x1ac: {  	[sflag:s19] =	ssyncset.done $0x0  }
0x1ad: {  	s10 =	sadd.s32 $0x14C80, s31;
	[sflag:s19] =	ssyncadd.s32 $0xFFFFC000  }
0x1ae: {  	[spmem:s4] =	stream.indirect.scatter.add.f32 [tilespmem:s16], [sflag:$0x3], $0x80, s10, s15, $0xb8;
	[tilespmem:$0x1ED80] =	vst v63  }
0x1af: {  	_ =	swait.ge [sflag:s24], $0x80  }
0x1b0: {  	[sflag:s24] =	ssyncset.done $0x0  }
0x1b1: {  	[sflag:s24] =	ssyncadd.s32 $0xFFFFFF80  }
0x1b2: {  	[spmem:s5] =	stream.indirect.scatter.add.f32 [tilespmem:s21], [sflag:$0x5], $0x1, s10, s15, $0xb8;
	[tilespmem:$0x1ED80] =	vst v63  }
0x1b3: {  	_ =	swait.ge [sflag:s22], $0x4000  }
0x1b4: {  	[sflag:s22] =	ssyncset.done $0x0  }
0x1b5: {  	s11 =	sadd.s32 $0x14580, s31;
	[sflag:s22] =	ssyncadd.s32 $0xFFFFC000  }
0x1b6: {  	[tilespmem:s16], [sflag:$0x1] =	stream.indirect.gather [hbm4b:s0+s15], $0x80, s11, s15, $0xb8;
	[tilespmem:$0x1ED80] =	vst v63  }
0x1b7: {  	_ =	swait.ge [sflag:s23], $0x4000  }
0x1b8: {  	[sflag:s23] =	ssyncset.done $0x0  }
0x1b9: {  	s6 =	sadd.s32 $0x14D00, s31;
	[sflag:s23] =	ssyncadd.s32 $0xFFFFC000  }
0x1ba: {  	[spmem:s4] =	stream.indirect.scatter.add.f32 [tilespmem:s18], [sflag:$0x3], $0x80, s6, s15, $0xb8;
	[tilespmem:$0x1ED80] =	vst v63  }
0x1bb: {  	_ =	swait.ge [sflag:s24], $0x80  }
0x1bc: {  	[sflag:s24] =	ssyncset.done $0x0  }
0x1bd: {  	[sflag:s24] =	ssyncadd.s32 $0xFFFFFF80  }
0x1be: {  	[spmem:s5] =	stream.indirect.scatter.add.f32 [tilespmem:s21], [sflag:$0x5], $0x1, s6, s15, $0xb8;
	[tilespmem:$0x1ED80] =	vst v63  }
0x1bf: {  	_ =	swait.ge [sflag:s22], $0x4000  }
0x1c0: {  	[sflag:s22] =	ssyncset.done $0x0  }
0x1c1: {  	s10 =	sadd.s32 $0x14600, s31;
	[sflag:s22] =	ssyncadd.s32 $0xFFFFC000  }
0x1c2: {  	[tilespmem:s18], [sflag:$0x2] =	stream.indirect.gather [hbm4b:s0+s15], $0x80, s10, s15, $0xb8;
	[tilespmem:$0x1ED80] =	vst v63  }
0x1c3: {  	_ =	swait.ge [sflag:s19], $0x4000  }
0x1c4: {  	[sflag:s19] =	ssyncset.done $0x0  }
0x1c5: {  	s11 =	sadd.s32 $0x14D80, s31;
	[sflag:s19] =	ssyncadd.s32 $0xFFFFC000  }
0x1c6: {  	[spmem:s4] =	stream.indirect.scatter.add.f32 [tilespmem:s16], [sflag:$0x3], $0x80, s11, s15, $0xb8;
	[tilespmem:$0x1ED80] =	vst v63  }
0x1c7: {  	_ =	swait.ge [sflag:s24], $0x80  }
0x1c8: {  	[sflag:s24] =	ssyncset.done $0x0  }
0x1c9: {  	[sflag:s24] =	ssyncadd.s32 $0xFFFFFF80  }
0x1ca: {  	[spmem:s5] =	stream.indirect.scatter.add.f32 [tilespmem:s21], [sflag:$0x5], $0x1, s11, s15, $0xb8;
	[tilespmem:$0x1ED80] =	vst v63  }
0x1cb: {  	_ =	swait.ge [sflag:s23], $0x4000  }
0x1cc: {  	[sflag:s23] =	ssyncset.done $0x0  }
0x1cd: {  	[sflag:s23] =	ssyncadd.s32 $0xFFFFC000  }
0x1ce: {  	_ =	swait.ge [sflag:s22], $0x4000  }
0x1cf: {  	[sflag:s22] =	ssyncset.done $0x0  }
0x1d0: {  	s31 =	sadd.s32 $0x14E00, s31;
	[sflag:s22] =	ssyncadd.s32 $0xFFFFC000  }
0x1d1: {  	[spmem:s4] =	stream.indirect.scatter.add.f32 [tilespmem:s18], [sflag:$0x3], $0x80, s31, s15, $0xb8;
	[tilespmem:$0x1ED80] =	vst v63  }
0x1d2: {  	_ =	swait.ge [sflag:s24], $0x80  }
0x1d3: {  	[sflag:s24] =	ssyncset.done $0x0  }
0x1d4: {  	[sflag:s24] =	ssyncadd.s32 $0xFFFFFF80  }
0x1d5: {  	[spmem:s5] =	stream.indirect.scatter.add.f32 [tilespmem:s21], [sflag:$0x5], $0x1, s31, s15, $0xb8;
	[tilespmem:$0x1ED80] =	vst v63  }
0x1d6: {  	_ =	swait.ge [sflag:s22], $0x4000  }
0x1d7: {  	[sflag:s22] =	ssyncset.done $0x0  }
0x1d8: {  	[sflag:s22] =	ssyncadd.s32 $0xFFFFC000  }
0x1d9: {  	_ =	swait.ge [sflag:s24], $0x80  }
.Ltmp6:
0x1da: {  	[sflag:s24] =	ssyncset.done $0x0;
	(pc) =	sbr.rel .LBB2_7-.Ltmp6, $4  }
0x1db: {  	[sflag:s24] =	ssyncadd.s32 $0xFFFFFF80  }
0x1dc: {  	_ =	swait.ge [sflag:s25], $0x400  }
0x1dd: {  	[sflag:s25] =	ssyncset.done $0x0  }
0x1de: {  	[sflag:s25] =	ssyncadd.s32 $0xFFFFFC00  }
.LBB2_9:
0x1df: {  	_ =	sfence.sel $0x180000  }
0x1e0: {  	[bflag:$0x0] =	sbarrier.arrive $0xFFFF  }
0x1e1: {  	_ =	strace $0x90000047  }
0x1e2: {  	s0 =	stileid.u32;
	[bflag:$0x2] =	sbarrier.arrive $0xFFFF  }
0x1e3: {  	p0 =	sne.s32 s0, $0x0;
	s0 =	rddreg [dreg:$0x7]  }
0x1e4: {  	s0 =	sadd.s32 @!p0 $0x100000, s0  }
0x1e5: {  	[sflag:s0] =	ssyncadd.tile.s32 @!p0 $0x1;
	_ =	shalt  }
.Lfunc_end2:
_tile_overlayer_lowered:
.L_overlay_start_2:
0x1e6: {  	(tag) =	ssettag $0x2  }
0x1e7: {  	s0 =	rddreg [dreg:$0x0];
	s2 =	stileid.u32  }
0x1e8: {  	s1 =	rddreg [dreg:$0x1];
	p0 =	sne.s32 s2, $0x0  }
0x1e9: {  	s3 =	rddreg [dreg:$0x2];
	[bflag:$0x3] =	sbarrier.arrive $0xFFFF;
	s2 =	simm.s32 @!p0 $0x1C08  }
0x1ea: {  	[timem:s3], [sflag:s2] =	dma.local @!p0 [hbm:s0], s1  }
0x1eb: {  	s0 =	simm.s32 @!p0 $0x8  }
0x1ec: {  	_ =	swait.ge @!p0 [sflag:s0], s1  }
0x1ed: {  	s1 =	ssub.s32 @!p0 $0x0, s1;
	[sflag:s0] =	ssyncset.done @!p0 $0x0  }
0x1ee: {  	[sflag:s0] =	ssyncadd.s32 @!p0 s1  }
0x1ef: {  	[bflag:$0x3] =	sbarrier.arrive $0xFFFF  }
0x1f0: {  	_ =	shalt  }

</sc_bundles>
